<compile_context>
chip_gen: v7x
topology: tpu7x:2x2x1
jax: 0.10.2.dev20260603
libtpu: 0.0.44.dev20260713+nightly
codegen_flags: <defaults>
</compile_context>

<pallas_src>
import jax
import jax.numpy as jnp
from jax import lax
from jax.experimental import pallas as pl
from jax.experimental.pallas import tpu as pltpu
from jax.experimental.pallas import tpu_sc as plsc

_N = 10000
_E = 320000
_D = 128

_NC = 2
_NS = 16
_NW = _NC * _NS
_EPT = _E // _NW
_BLK = 80
_NB = _EPT // _BLK
_NPAD = 10240
_RPT = _NPAD // _NS
_EPS = 1e-5

_sc_mesh = plsc.VectorSubcoreMesh(core_axis_name="c", subcore_axis_name="s")


_NIDX = 8
_NROW = 4


def _sc_agg_body(h_hbm, src_hbm, dst_hbm, zrow_hbm,
                 agg_out, *sc):
    srcs = sc[0:8]
    dsts = sc[8:16]
    rows = sc[16:20]
    agg_sh = sc[20]
    ssem = sc[21:29]
    dsem = sc[29:37]
    gsem = sc[37:41]
    scsem = sc[41:45]
    c = lax.axis_index("c")
    s = lax.axis_index("s")
    wid = c * _NS + s
    ebase = wid * _EPT

    def launch_idx(j, ji):
        pltpu.async_copy(src_hbm.at[pl.ds(ebase + j * _BLK, _BLK)],
                         srcs[ji], ssem[ji])
        pltpu.async_copy(dst_hbm.at[pl.ds(ebase + j * _BLK, _BLK)],
                         dsts[ji], dsem[ji])

    def launch_gather(j, ji, ri):
        pltpu.make_async_copy(src_hbm.at[pl.ds(ebase + j * _BLK, _BLK)],
                              srcs[ji], ssem[ji]).wait()
        pltpu.make_async_copy(dst_hbm.at[pl.ds(ebase + j * _BLK, _BLK)],
                              dsts[ji], dsem[ji]).wait()

        @pl.when(j >= _NROW)
        def _():
            pltpu.make_async_copy(rows[ri], agg_sh.at[dsts[ji]],
                                  scsem[ri]).wait()

        pltpu.async_copy(h_hbm.at[srcs[ji]], rows[ri], gsem[ri])

    def do_scatter(j, ji, ri):
        pltpu.make_async_copy(h_hbm.at[srcs[ji]], rows[ri], gsem[ri]).wait()
        pltpu.async_copy(rows[ri], agg_sh.at[dsts[ji]], scsem[ri], add=True)

    pltpu.sync_copy(zrow_hbm, agg_sh.at[pl.ds(s * _RPT, _RPT)])
    launch_idx(0, 0)
    launch_idx(1, 1)
    launch_idx(2, 2)
    launch_gather(0, 0, 0)
    launch_gather(1, 1, 1)
    plsc.subcore_barrier()

    def do_block(j, ji, ri):
        @pl.when(j + 3 < _NB)
        def _():
            launch_idx(j + 3, (ji + 3) % _NIDX)

        @pl.when(j + 2 < _NB)
        def _():
            launch_gather(j + 2, (ji + 2) % _NIDX, (ri + 2) % _NROW)

        do_scatter(j, ji, ri)

    def step(i, carry):
        for k in range(_NIDX):
            do_block(_NIDX * i + k, k, k % _NROW)
        return carry

    lax.fori_loop(0, _NB // _NIDX, step, 0)
    for k in range(_NB % _NIDX):
        do_block((_NB // _NIDX) * _NIDX + k, k, k % _NROW)

    for k in range(_NROW):
        pltpu.make_async_copy(rows[k], agg_sh.at[dsts[k]], scsem[k]).wait()

    plsc.subcore_barrier()
    base = c * _NPAD + s * _RPT
    pltpu.sync_copy(agg_sh.at[pl.ds(s * _RPT, _RPT)],
                    agg_out.at[pl.ds(base, _RPT)])


_sc_agg = pl.kernel(
    _sc_agg_body,
    out_type=jax.ShapeDtypeStruct((_NC * _NPAD, _D), jnp.float32),
    mesh=_sc_mesh,
    scratch_types=(
        [pltpu.VMEM((_BLK,), jnp.int32) for _ in range(_NIDX)]
        + [pltpu.VMEM((_BLK,), jnp.int32) for _ in range(_NIDX)]
        + [pltpu.VMEM((_BLK, _D), jnp.float32) for _ in range(_NROW)]
        + [pltpu.VMEM_SHARED((_NPAD, _D), jnp.float32)]
        + [pltpu.SemaphoreType.DMA] * (2 * _NIDX + 2 * _NROW)
    ),
)


def _sc_deg_body(dst_hbm, zrow_hbm, one_hbm,
                 deg_out, dst0, dst1, one_v, deg_sh, sia, sib):
    c = lax.axis_index("c")
    s = lax.axis_index("s")
    wid = c * _NS + s
    ebase = wid * _EPT
    dsts = (dst0, dst1)
    si = (sia, sib)

    pltpu.sync_copy(zrow_hbm, deg_sh.at[pl.ds(s * _RPT, _RPT)])
    pltpu.sync_copy(one_hbm, one_v)
    pltpu.async_copy(dst_hbm.at[pl.ds(ebase, _BLK)], dst0, sia)
    plsc.subcore_barrier()

    def do_block(j, b):
        nb = 1 - b
        @pl.when(j + 1 < _NB)
        def _():
            pltpu.async_copy(
                dst_hbm.at[pl.ds(ebase + (j + 1) * _BLK, _BLK)],
                dsts[nb], si[nb])

        pltpu.make_async_copy(
            dst_hbm.at[pl.ds(ebase + j * _BLK, _BLK)], dsts[b], si[b]).wait()
        pltpu.sync_copy(one_v, deg_sh.at[dsts[b]], add=True)

    def step(i, carry):
        do_block(2 * i, 0)
        do_block(2 * i + 1, 1)
        return carry

    lax.fori_loop(0, _NB // 2, step, 0)
    if _NB % 2:
        do_block(_NB - 1, 0)

    plsc.subcore_barrier()
    base = c * _NPAD + s * _RPT
    pltpu.sync_copy(deg_sh.at[pl.ds(s * _RPT, _RPT)],
                    deg_out.at[pl.ds(base, _RPT)])


_sc_deg = pl.kernel(
    _sc_deg_body,
    out_type=jax.ShapeDtypeStruct((_NC * _NPAD, _D), jnp.float32),
    mesh=_sc_mesh,
    scratch_types=[
        pltpu.VMEM((_BLK,), jnp.int32),
        pltpu.VMEM((_BLK,), jnp.int32),
        pltpu.VMEM((_BLK, _D), jnp.float32),
        pltpu.VMEM_SHARED((_NPAD, _D), jnp.float32),
        pltpu.SemaphoreType.DMA,
        pltpu.SemaphoreType.DMA,
    ],
)


def _tc_layer0(p, degp, x, Wl, Wr, b, g, be):

    def body(p_ref, degp_ref, x_ref, wl_ref, wr_ref, b_ref, g_ref, be_ref,
             h_ref, dinv_ref):
        deg = degp_ref[0, :_N] + degp_ref[1, :_N]
        dinv = 1.0 / jnp.maximum(deg, 1.0)
        dinv_ref[...] = dinv
        agg = p_ref[0, :_N] + p_ref[1, :_N]
        mean = agg * dinv
        h = (jnp.dot(mean, wl_ref[...], preferred_element_type=jnp.float32)
             + jnp.dot(x_ref[...], wr_ref[...], preferred_element_type=jnp.float32)
             + b_ref[...])
        m = jnp.mean(h, axis=0, keepdims=True)
        hc = h - m
        v = jnp.mean(hc * hc, axis=0, keepdims=True)
        scale = g_ref[...] * lax.rsqrt(v + _EPS)
        h_ref[...] = jnp.maximum(hc * scale + be_ref[...], 0.0)

    return pl.pallas_call(
        body,
        out_shape=(jax.ShapeDtypeStruct((_N, _D), jnp.float32),
                   jax.ShapeDtypeStruct((_N, _D), jnp.float32)),
    )(p, degp, x, Wl, Wr, b, g, be)


def _tc_layer_mid(p, dinv, x, Wl, Wr, b, g, be):

    def body(p_ref, dinv_ref, x_ref, wl_ref, wr_ref, b_ref, g_ref, be_ref,
             h_ref):
        mean = (p_ref[0, :_N] + p_ref[1, :_N]) * dinv_ref[...]
        h = (jnp.dot(mean, wl_ref[...], preferred_element_type=jnp.float32)
             + jnp.dot(x_ref[...], wr_ref[...], preferred_element_type=jnp.float32)
             + b_ref[...])
        m = jnp.mean(h, axis=0, keepdims=True)
        hc = h - m
        v = jnp.mean(hc * hc, axis=0, keepdims=True)
        scale = g_ref[...] * lax.rsqrt(v + _EPS)
        h_ref[...] = jnp.maximum(hc * scale + be_ref[...], 0.0)

    return pl.pallas_call(
        body,
        out_shape=jax.ShapeDtypeStruct((_N, _D), jnp.float32),
    )(p, dinv, x, Wl, Wr, b, g, be)


def _tc_layer_last(p, dinv, x, Wl, Wr, b):

    def body(p_ref, dinv_ref, x_ref, wl_ref, wr_ref, b_ref, h_ref):
        mean = (p_ref[0, :_N] + p_ref[1, :_N]) * dinv_ref[...]
        h_ref[...] = (
            jnp.dot(mean, wl_ref[...], preferred_element_type=jnp.float32)
            + jnp.dot(x_ref[...], wr_ref[...], preferred_element_type=jnp.float32)
            + b_ref[...])

    return pl.pallas_call(
        body,
        out_shape=jax.ShapeDtypeStruct((_N, _D), jnp.float32),
    )(p, dinv, x, Wl, Wr, b)


def kernel(x, edge_index, Wl0, Wr0, b0, Wl1, Wr1, b1, Wl2, Wr2, b2,
           g0, be0, g1, be1):
    src = edge_index[0].astype(jnp.int32)
    dst = edge_index[1].astype(jnp.int32)
    zrow = jnp.zeros((_RPT, _D), jnp.float32)
    ones = jnp.ones((_BLK, _D), jnp.float32)

    b0r, b1r, b2r = b0.reshape(1, _D), b1.reshape(1, _D), b2.reshape(1, _D)
    g0r, g1r = g0.reshape(1, _D), g1.reshape(1, _D)
    be0r, be1r = be0.reshape(1, _D), be1.reshape(1, _D)

    degp = _sc_deg(dst, zrow, ones)
    p0 = _sc_agg(x, src, dst, zrow)
    h0, dinv = _tc_layer0(p0.reshape(_NC, _NPAD, _D),
                          degp.reshape(_NC, _NPAD, _D),
                          x, Wl0, Wr0, b0r, g0r, be0r)
    p1 = _sc_agg(h0, src, dst, zrow)
    h1 = _tc_layer_mid(p1.reshape(_NC, _NPAD, _D), dinv, h0,
                       Wl1, Wr1, b1r, g1r, be1r)
    p2 = _sc_agg(h1, src, dst, zrow)
    return _tc_layer_last(p2.reshape(_NC, _NPAD, _D), dinv, h1, Wl2, Wr2, b2r)

# --- scband reference (transcript-rebuilt; emitter-appended) ---
"""Pipeline reference for scband-sage-88287347737171 (READ-ONLY COPY).

The authoritative reference and input builder live on the scoring server;
editing this copy changes nothing except your own understanding.
"""

import jax, jax.numpy as jnp
import numpy as np

N = 10000
E = 320000
D = 128


def setup_inputs(seed: int = 0) -> dict:
    key = jax.random.key(seed)
    ks = jax.random.split(key, 20)
    inp = {}
    inp["x"] = jax.random.normal(ks[0], (N, D), dtype=jnp.float32)
    inp["edge_index"] = jax.random.randint(ks[1], (2, E), 0, N)
    scale = 1.0 / np.sqrt(D)
    for i in range(3):
        inp[f"Wl{i}"] = jax.random.normal(ks[2 + 3 * i], (D, D), dtype=jnp.float32) * scale
        inp[f"Wr{i}"] = jax.random.normal(ks[3 + 3 * i], (D, D), dtype=jnp.float32) * scale
        inp[f"b{i}"] = jnp.zeros((D,), dtype=jnp.float32)
    for i in range(2):
        inp[f"g{i}"] = jnp.ones((D,), dtype=jnp.float32)
        inp[f"be{i}"] = jnp.zeros((D,), dtype=jnp.float32)
    return inp


def _sage_conv(x, src, dst, Wl, Wr, b):
    # PyG SAGEConv (mean aggr): out = lin_l(mean_j x_j) + lin_r(x_i)
    agg = jax.ops.segment_sum(x[src], dst, num_segments=N)
    deg = jax.ops.segment_sum(jnp.ones((src.shape[0],), dtype=x.dtype), dst, num_segments=N)
    mean = agg / jnp.clip(deg, 1.0)[:, None]
    return mean @ Wl + x @ Wr + b


def _batchnorm(h, g, b, eps=1e-5):
    m = h.mean(axis=0)
    v = h.var(axis=0)
    return (h - m) / jnp.sqrt(v + eps) * g + b


def reference(x, edge_index, Wl0, Wr0, b0, Wl1, Wr1, b1, Wl2, Wr2, b2, g0, be0, g1, be1):
    src, dst = edge_index[0], edge_index[1]
    h = _sage_conv(x, src, dst, Wl0, Wr0, b0)
    h = _batchnorm(h, g0, be0)
    h = jax.nn.relu(h)
    # dropout p=0.0 / eval mode -> no-op
    h = _sage_conv(h, src, dst, Wl1, Wr1, b1)
    h = _batchnorm(h, g1, be1)
    h = jax.nn.relu(h)
    h = _sage_conv(h, src, dst, Wl2, Wr2, b2)
    return h

if __name__ == "__main__":
    import jax
    _d = setup_inputs()
    print(jax.jit(kernel)(*tuple(_d.values())))

</pallas_src>

<mosaic_0001>
#map = affine_map<(d0, d1) -> (0, 0)>
#map1 = affine_map<(d0, d1) -> (0)>
module attributes {stable_mosaic.version = 14 : i64} {
  func.func @_sc_agg_body(%arg0: i32, %arg1: i32, %arg2: memref<10000x128xf32, #tpu.memory_space<hbm>>, %arg3: memref<320000xi32, #tpu.memory_space<hbm>>, %arg4: memref<320000xi32, #tpu.memory_space<hbm>>, %arg5: memref<640x128xf32, #tpu.memory_space<hbm>>, %arg6: memref<20480x128xf32, #tpu.memory_space<hbm>>, %arg7: memref<80xi32, #tpu.memory_space<vmem>>, %arg8: memref<80xi32, #tpu.memory_space<vmem>>, %arg9: memref<80xi32, #tpu.memory_space<vmem>>, %arg10: memref<80xi32, #tpu.memory_space<vmem>>, %arg11: memref<80xi32, #tpu.memory_space<vmem>>, %arg12: memref<80xi32, #tpu.memory_space<vmem>>, %arg13: memref<80xi32, #tpu.memory_space<vmem>>, %arg14: memref<80xi32, #tpu.memory_space<vmem>>, %arg15: memref<80xi32, #tpu.memory_space<vmem>>, %arg16: memref<80xi32, #tpu.memory_space<vmem>>, %arg17: memref<80xi32, #tpu.memory_space<vmem>>, %arg18: memref<80xi32, #tpu.memory_space<vmem>>, %arg19: memref<80xi32, #tpu.memory_space<vmem>>, %arg20: memref<80xi32, #tpu.memory_space<vmem>>, %arg21: memref<80xi32, #tpu.memory_space<vmem>>, %arg22: memref<80xi32, #tpu.memory_space<vmem>>, %arg23: memref<80x128xf32, #tpu.memory_space<vmem>>, %arg24: memref<80x128xf32, #tpu.memory_space<vmem>>, %arg25: memref<80x128xf32, #tpu.memory_space<vmem>>, %arg26: memref<80x128xf32, #tpu.memory_space<vmem>>, %arg27: memref<10240x128xf32, #tpu.memory_space<vmem_shared>>, %arg28: memref<!tpu.dma_semaphore, #tpu.memory_space<semaphore_mem>>, %arg29: memref<!tpu.dma_semaphore, #tpu.memory_space<semaphore_mem>>, %arg30: memref<!tpu.dma_semaphore, #tpu.memory_space<semaphore_mem>>, %arg31: memref<!tpu.dma_semaphore, #tpu.memory_space<semaphore_mem>>, %arg32: memref<!tpu.dma_semaphore, #tpu.memory_space<semaphore_mem>>, %arg33: memref<!tpu.dma_semaphore, #tpu.memory_space<semaphore_mem>>, %arg34: memref<!tpu.dma_semaphore, #tpu.memory_space<semaphore_mem>>, %arg35: memref<!tpu.dma_semaphore, #tpu.memory_space<semaphore_mem>>, %arg36: memref<!tpu.dma_semaphore, #tpu.memory_space<semaphore_mem>>, %arg37: memref<!tpu.dma_semaphore, #tpu.memory_space<semaphore_mem>>, %arg38: memref<!tpu.dma_semaphore, #tpu.memory_space<semaphore_mem>>, %arg39: memref<!tpu.dma_semaphore, #tpu.memory_space<semaphore_mem>>, %arg40: memref<!tpu.dma_semaphore, #tpu.memory_space<semaphore_mem>>, %arg41: memref<!tpu.dma_semaphore, #tpu.memory_space<semaphore_mem>>, %arg42: memref<!tpu.dma_semaphore, #tpu.memory_space<semaphore_mem>>, %arg43: memref<!tpu.dma_semaphore, #tpu.memory_space<semaphore_mem>>, %arg44: memref<!tpu.dma_semaphore, #tpu.memory_space<semaphore_mem>>, %arg45: memref<!tpu.dma_semaphore, #tpu.memory_space<semaphore_mem>>, %arg46: memref<!tpu.dma_semaphore, #tpu.memory_space<semaphore_mem>>, %arg47: memref<!tpu.dma_semaphore, #tpu.memory_space<semaphore_mem>>, %arg48: memref<!tpu.dma_semaphore, #tpu.memory_space<semaphore_mem>>, %arg49: memref<!tpu.dma_semaphore, #tpu.memory_space<semaphore_mem>>, %arg50: memref<!tpu.dma_semaphore, #tpu.memory_space<semaphore_mem>>, %arg51: memref<!tpu.dma_semaphore, #tpu.memory_space<semaphore_mem>>) attributes {dimension_semantics = [#tpu.dimension_semantics<core_parallel>, #tpu.dimension_semantics<subcore_parallel>], iteration_bounds = array<i64: 2, 16>, scalar_prefetch = 0 : i64, scratch_operands = 45 : i64, tpu.core_type = #tpu.core_type<sc_vector_subcore>, window_params = [{transform_indices = #map}, {transform_indices = #map1}, {transform_indices = #map1}, {transform_indices = #map}, {transform_indices = #map}]} {
    %mul3A = arith.constant 16 : i32
    %mul3A_0 = arith.muli %arg0, %mul3A : i32
    %add3A = arith.addi %mul3A_0, %arg1 : i32
    %mul3A_1 = arith.constant 10000 : i32
    %mul3A_2 = arith.muli %add3A, %mul3A_1 : i32
    %mul3A_3 = arith.constant 640 : i32
    %mul3A_4 = arith.muli %arg1, %mul3A_3 : i32
    "tpu.region"() ({
      %run_scoped3A = tpu.sem_alloc : memref<!tpu.dma_semaphore, #tpu.memory_space<semaphore_mem>>
      %dma_start3A_162 = arith.constant 0 : i32
      %dma_start3A_163 = tpu.memref_slice %arg27[%mul3A_4, %dma_start3A_162] : memref<10240x128xf32, #tpu.memory_space<vmem_shared>> -> memref<640x128xf32, #tpu.memory_space<vmem_shared>>
      tpu.enqueue_dma source(%arg5 : memref<640x128xf32, #tpu.memory_space<hbm>>) target(%dma_start3A_163 : memref<640x128xf32, #tpu.memory_space<vmem_shared>>) target_semaphore(%run_scoped3A : memref<!tpu.dma_semaphore, #tpu.memory_space<semaphore_mem>>)
      %dma_wait3A_164 = arith.constant 0 : i32
      %dma_wait3A_165 = tpu.memref_slice %arg27[%mul3A_4, %dma_wait3A_164] : memref<10240x128xf32, #tpu.memory_space<vmem_shared>> -> memref<640x128xf32, #tpu.memory_space<vmem_shared>>
      tpu.wait_dma2 semaphore(%run_scoped3A : memref<!tpu.dma_semaphore, #tpu.memory_space<semaphore_mem>>) src(%arg5 : memref<640x128xf32, #tpu.memory_space<hbm>>) dst(%dma_wait3A_165 : memref<640x128xf32, #tpu.memory_space<vmem_shared>>)
      tpu.yield
    }) : () -> ()
    %add3A_5 = arith.constant 0 : i32
    %add3A_6 = arith.addi %mul3A_2, %add3A_5 : i32
    %dma_start3A = tpu.memref_slice %arg3[%add3A_6] : memref<320000xi32, #tpu.memory_space<hbm>> -> memref<80xi32, #tpu.memory_space<hbm>>
    %dma_start3A_7 = tpu.memref_slice %arg3[%add3A_6] : memref<320000xi32, #tpu.memory_space<hbm>> -> memref<80xi32, #tpu.memory_space<hbm>>
    tpu.enqueue_dma source(%dma_start3A_7 : memref<80xi32, #tpu.memory_space<hbm>>) target(%arg7 : memref<80xi32, #tpu.memory_space<vmem>>) target_semaphore(%arg28 : memref<!tpu.dma_semaphore, #tpu.memory_space<semaphore_mem>>)
    %add3A_8 = arith.constant 0 : i32
    %add3A_9 = arith.addi %mul3A_2, %add3A_8 : i32
    %dma_start3A_10 = tpu.memref_slice %arg4[%add3A_9] : memref<320000xi32, #tpu.memory_space<hbm>> -> memref<80xi32, #tpu.memory_space<hbm>>
    %dma_start3A_11 = tpu.memref_slice %arg4[%add3A_9] : memref<320000xi32, #tpu.memory_space<hbm>> -> memref<80xi32, #tpu.memory_space<hbm>>
    tpu.enqueue_dma source(%dma_start3A_11 : memref<80xi32, #tpu.memory_space<hbm>>) target(%arg15 : memref<80xi32, #tpu.memory_space<vmem>>) target_semaphore(%arg36 : memref<!tpu.dma_semaphore, #tpu.memory_space<semaphore_mem>>)
    %add3A_12 = arith.constant 80 : i32
    %add3A_13 = arith.addi %mul3A_2, %add3A_12 : i32
    %dma_start3A_14 = tpu.memref_slice %arg3[%add3A_13] : memref<320000xi32, #tpu.memory_space<hbm>> -> memref<80xi32, #tpu.memory_space<hbm>>
    %dma_start3A_15 = tpu.memref_slice %arg3[%add3A_13] : memref<320000xi32, #tpu.memory_space<hbm>> -> memref<80xi32, #tpu.memory_space<hbm>>
    tpu.enqueue_dma source(%dma_start3A_15 : memref<80xi32, #tpu.memory_space<hbm>>) target(%arg8 : memref<80xi32, #tpu.memory_space<vmem>>) target_semaphore(%arg29 : memref<!tpu.dma_semaphore, #tpu.memory_space<semaphore_mem>>)
    %add3A_16 = arith.constant 80 : i32
    %add3A_17 = arith.addi %mul3A_2, %add3A_16 : i32
    %dma_start3A_18 = tpu.memref_slice %arg4[%add3A_17] : memref<320000xi32, #tpu.memory_space<hbm>> -> memref<80xi32, #tpu.memory_space<hbm>>
    %dma_start3A_19 = tpu.memref_slice %arg4[%add3A_17] : memref<320000xi32, #tpu.memory_space<hbm>> -> memref<80xi32, #tpu.memory_space<hbm>>
    tpu.enqueue_dma source(%dma_start3A_19 : memref<80xi32, #tpu.memory_space<hbm>>) target(%arg16 : memref<80xi32, #tpu.memory_space<vmem>>) target_semaphore(%arg37 : memref<!tpu.dma_semaphore, #tpu.memory_space<semaphore_mem>>)
    %add3A_20 = arith.constant 160 : i32
    %add3A_21 = arith.addi %mul3A_2, %add3A_20 : i32
    %dma_start3A_22 = tpu.memref_slice %arg3[%add3A_21] : memref<320000xi32, #tpu.memory_space<hbm>> -> memref<80xi32, #tpu.memory_space<hbm>>
    %dma_start3A_23 = tpu.memref_slice %arg3[%add3A_21] : memref<320000xi32, #tpu.memory_space<hbm>> -> memref<80xi32, #tpu.memory_space<hbm>>
    tpu.enqueue_dma source(%dma_start3A_23 : memref<80xi32, #tpu.memory_space<hbm>>) target(%arg9 : memref<80xi32, #tpu.memory_space<vmem>>) target_semaphore(%arg30 : memref<!tpu.dma_semaphore, #tpu.memory_space<semaphore_mem>>)
    %add3A_24 = arith.constant 160 : i32
    %add3A_25 = arith.addi %mul3A_2, %add3A_24 : i32
    %dma_start3A_26 = tpu.memref_slice %arg4[%add3A_25] : memref<320000xi32, #tpu.memory_space<hbm>> -> memref<80xi32, #tpu.memory_space<hbm>>
    %dma_start3A_27 = tpu.memref_slice %arg4[%add3A_25] : memref<320000xi32, #tpu.memory_space<hbm>> -> memref<80xi32, #tpu.memory_space<hbm>>
    tpu.enqueue_dma source(%dma_start3A_27 : memref<80xi32, #tpu.memory_space<hbm>>) target(%arg17 : memref<80xi32, #tpu.memory_space<vmem>>) target_semaphore(%arg38 : memref<!tpu.dma_semaphore, #tpu.memory_space<semaphore_mem>>)
    %add3A_28 = arith.constant 0 : i32
    %add3A_29 = arith.addi %mul3A_2, %add3A_28 : i32
    %dma_wait3A = tpu.memref_slice %arg3[%add3A_29] : memref<320000xi32, #tpu.memory_space<hbm>> -> memref<80xi32, #tpu.memory_space<hbm>>
    %dma_wait3A_30 = tpu.memref_slice %arg3[%add3A_29] : memref<320000xi32, #tpu.memory_space<hbm>> -> memref<80xi32, #tpu.memory_space<hbm>>
    tpu.wait_dma2 semaphore(%arg28 : memref<!tpu.dma_semaphore, #tpu.memory_space<semaphore_mem>>) src(%dma_wait3A_30 : memref<80xi32, #tpu.memory_space<hbm>>) dst(%arg7 : memref<80xi32, #tpu.memory_space<vmem>>)
    %add3A_31 = arith.constant 0 : i32
    %add3A_32 = arith.addi %mul3A_2, %add3A_31 : i32
    %dma_wait3A_33 = tpu.memref_slice %arg4[%add3A_32] : memref<320000xi32, #tpu.memory_space<hbm>> -> memref<80xi32, #tpu.memory_space<hbm>>
    %dma_wait3A_34 = tpu.memref_slice %arg4[%add3A_32] : memref<320000xi32, #tpu.memory_space<hbm>> -> memref<80xi32, #tpu.memory_space<hbm>>
    tpu.wait_dma2 semaphore(%arg36 : memref<!tpu.dma_semaphore, #tpu.memory_space<semaphore_mem>>) src(%dma_wait3A_34 : memref<80xi32, #tpu.memory_space<hbm>>) dst(%arg15 : memref<80xi32, #tpu.memory_space<vmem>>)
    %dma_start3A_35 = arith.constant 0 : i32
    %dma_start3A_36 = arith.constant 0 : i32
    %dma_start3A_37 = tpu.memref_slice %arg2[%dma_start3A_35, %dma_start3A_36] : memref<10000x128xf32, #tpu.memory_space<hbm>> -> memref<10000x128xf32, #tpu.memory_space<hbm>>
    tpu.enqueue_indirect_dma source(%dma_start3A_37 : memref<10000x128xf32, #tpu.memory_space<hbm>>) target(%arg23 : memref<80x128xf32, #tpu.memory_space<vmem>>) offsets(%arg7 : memref<80xi32, #tpu.memory_space<vmem>>) semaphore(%arg44 : memref<!tpu.dma_semaphore, #tpu.memory_space<semaphore_mem>>)
    %add3A_38 = arith.constant 80 : i32
    %add3A_39 = arith.addi %mul3A_2, %add3A_38 : i32
    %dma_wait3A_40 = tpu.memref_slice %arg3[%add3A_39] : memref<320000xi32, #tpu.memory_space<hbm>> -> memref<80xi32, #tpu.memory_space<hbm>>
    %dma_wait3A_41 = tpu.memref_slice %arg3[%add3A_39] : memref<320000xi32, #tpu.memory_space<hbm>> -> memref<80xi32, #tpu.memory_space<hbm>>
    tpu.wait_dma2 semaphore(%arg29 : memref<!tpu.dma_semaphore, #tpu.memory_space<semaphore_mem>>) src(%dma_wait3A_41 : memref<80xi32, #tpu.memory_space<hbm>>) dst(%arg8 : memref<80xi32, #tpu.memory_space<vmem>>)
    %add3A_42 = arith.constant 80 : i32
    %add3A_43 = arith.addi %mul3A_2, %add3A_42 : i32
    %dma_wait3A_44 = tpu.memref_slice %arg4[%add3A_43] : memref<320000xi32, #tpu.memory_space<hbm>> -> memref<80xi32, #tpu.memory_space<hbm>>
    %dma_wait3A_45 = tpu.memref_slice %arg4[%add3A_43] : memref<320000xi32, #tpu.memory_space<hbm>> -> memref<80xi32, #tpu.memory_space<hbm>>
    tpu.wait_dma2 semaphore(%arg37 : memref<!tpu.dma_semaphore, #tpu.memory_space<semaphore_mem>>) src(%dma_wait3A_45 : memref<80xi32, #tpu.memory_space<hbm>>) dst(%arg16 : memref<80xi32, #tpu.memory_space<vmem>>)
    %dma_start3A_46 = arith.constant 0 : i32
    %dma_start3A_47 = arith.constant 0 : i32
    %dma_start3A_48 = tpu.memref_slice %arg2[%dma_start3A_46, %dma_start3A_47] : memref<10000x128xf32, #tpu.memory_space<hbm>> -> memref<10000x128xf32, #tpu.memory_space<hbm>>
    tpu.enqueue_indirect_dma source(%dma_start3A_48 : memref<10000x128xf32, #tpu.memory_space<hbm>>) target(%arg24 : memref<80x128xf32, #tpu.memory_space<vmem>>) offsets(%arg8 : memref<80xi32, #tpu.memory_space<vmem>>) semaphore(%arg45 : memref<!tpu.dma_semaphore, #tpu.memory_space<semaphore_mem>>)
    %barrier3A = arith.constant 0 : index
    tpu.barrier barrier_id(%barrier3A)
    %scan3A = arith.constant 0 : i32
    %scan3A_49 = arith.constant 0 : i32
    %scan3A_50 = arith.constant 15 : i32
    %scan3A_51 = arith.addi %scan3A_49, %scan3A_50 : i32
    %scan3A_52 = arith.constant 1 : i32
    scf.for %scan3A_162 = %scan3A_49 to %scan3A_51 step %scan3A_52  : i32 {
      %mul3A_163 = arith.constant 8 : i32
      %mul3A_164 = arith.muli %mul3A_163, %scan3A_162 : i32
      %add3A_165 = arith.constant 0 : i32
      %add3A_166 = arith.addi %mul3A_164, %add3A_165 : i32
      %add3A_167 = arith.constant 3 : i32
      %add3A_168 = arith.addi %add3A_166, %add3A_167 : i32
      %lt3A = arith.constant 125 : i32
      %lt3A_169 = arith.cmpi slt, %add3A_168, %lt3A : i32
      %convert_element_type3A = arith.extui %lt3A_169 : i1 to i32
      %cond3A = arith.constant 0 : i32
      %cond3A_170 = arith.cmpi ne, %convert_element_type3A, %cond3A : i32
      scf.if %cond3A_170 {
        %add3A_352 = arith.constant 3 : i32
        %add3A_353 = arith.addi %add3A_166, %add3A_352 : i32
        %mul3A_354 = arith.constant 80 : i32
        %mul3A_355 = arith.muli %add3A_353, %mul3A_354 : i32
        %add3A_356 = arith.addi %mul3A_2, %mul3A_355 : i32
        %dma_start3A_357 = tpu.memref_slice %arg3[%add3A_356] : memref<320000xi32, #tpu.memory_space<hbm>> -> memref<80xi32, #tpu.memory_space<hbm>>
        %dma_start3A_358 = tpu.memref_slice %arg3[%add3A_356] : memref<320000xi32, #tpu.memory_space<hbm>> -> memref<80xi32, #tpu.memory_space<hbm>>
        tpu.enqueue_dma source(%dma_start3A_358 : memref<80xi32, #tpu.memory_space<hbm>>) target(%arg10 : memref<80xi32, #tpu.memory_space<vmem>>) target_semaphore(%arg31 : memref<!tpu.dma_semaphore, #tpu.memory_space<semaphore_mem>>)
        %mul3A_359 = arith.constant 80 : i32
        %mul3A_360 = arith.muli %add3A_353, %mul3A_359 : i32
        %add3A_361 = arith.addi %mul3A_2, %mul3A_360 : i32
        %dma_start3A_362 = tpu.memref_slice %arg4[%add3A_361] : memref<320000xi32, #tpu.memory_space<hbm>> -> memref<80xi32, #tpu.memory_space<hbm>>
        %dma_start3A_363 = tpu.memref_slice %arg4[%add3A_361] : memref<320000xi32, #tpu.memory_space<hbm>> -> memref<80xi32, #tpu.memory_space<hbm>>
        tpu.enqueue_dma source(%dma_start3A_363 : memref<80xi32, #tpu.memory_space<hbm>>) target(%arg18 : memref<80xi32, #tpu.memory_space<vmem>>) target_semaphore(%arg39 : memref<!tpu.dma_semaphore, #tpu.memory_space<semaphore_mem>>)
      } else {
      }
      %add3A_171 = arith.constant 2 : i32
      %add3A_172 = arith.addi %add3A_166, %add3A_171 : i32
      %lt3A_173 = arith.constant 125 : i32
      %lt3A_174 = arith.cmpi slt, %add3A_172, %lt3A_173 : i32
      %convert_element_type3A_175 = arith.extui %lt3A_174 : i1 to i32
      %cond3A_176 = arith.constant 0 : i32
      %cond3A_177 = arith.cmpi ne, %convert_element_type3A_175, %cond3A_176 : i32
      scf.if %cond3A_177 {
        %add3A_352 = arith.constant 2 : i32
        %add3A_353 = arith.addi %add3A_166, %add3A_352 : i32
        %mul3A_354 = arith.constant 80 : i32
        %mul3A_355 = arith.muli %add3A_353, %mul3A_354 : i32
        %add3A_356 = arith.addi %mul3A_2, %mul3A_355 : i32
        %dma_wait3A_357 = tpu.memref_slice %arg3[%add3A_356] : memref<320000xi32, #tpu.memory_space<hbm>> -> memref<80xi32, #tpu.memory_space<hbm>>
        %dma_wait3A_358 = tpu.memref_slice %arg3[%add3A_356] : memref<320000xi32, #tpu.memory_space<hbm>> -> memref<80xi32, #tpu.memory_space<hbm>>
        tpu.wait_dma2 semaphore(%arg30 : memref<!tpu.dma_semaphore, #tpu.memory_space<semaphore_mem>>) src(%dma_wait3A_358 : memref<80xi32, #tpu.memory_space<hbm>>) dst(%arg9 : memref<80xi32, #tpu.memory_space<vmem>>)
        %mul3A_359 = arith.constant 80 : i32
        %mul3A_360 = arith.muli %add3A_353, %mul3A_359 : i32
        %add3A_361 = arith.addi %mul3A_2, %mul3A_360 : i32
        %dma_wait3A_362 = tpu.memref_slice %arg4[%add3A_361] : memref<320000xi32, #tpu.memory_space<hbm>> -> memref<80xi32, #tpu.memory_space<hbm>>
        %dma_wait3A_363 = tpu.memref_slice %arg4[%add3A_361] : memref<320000xi32, #tpu.memory_space<hbm>> -> memref<80xi32, #tpu.memory_space<hbm>>
        tpu.wait_dma2 semaphore(%arg38 : memref<!tpu.dma_semaphore, #tpu.memory_space<semaphore_mem>>) src(%dma_wait3A_363 : memref<80xi32, #tpu.memory_space<hbm>>) dst(%arg17 : memref<80xi32, #tpu.memory_space<vmem>>)
        %ge3A = arith.constant 4 : i32
        %ge3A_364 = arith.cmpi sge, %add3A_353, %ge3A : i32
        %convert_element_type3A_365 = arith.extui %ge3A_364 : i1 to i32
        %cond3A_366 = arith.constant 0 : i32
        %cond3A_367 = arith.cmpi ne, %convert_element_type3A_365, %cond3A_366 : i32
        scf.if %cond3A_367 {
          %dma_wait3A_371 = arith.constant 0 : i32
          %dma_wait3A_372 = arith.constant 0 : i32
          %dma_wait3A_373 = tpu.memref_slice %arg27[%dma_wait3A_371, %dma_wait3A_372] : memref<10240x128xf32, #tpu.memory_space<vmem_shared>> -> memref<10240x128xf32, #tpu.memory_space<vmem_shared>>
          tpu.wait_indirect_dma semaphore(%arg50 : memref<!tpu.dma_semaphore, #tpu.memory_space<semaphore_mem>>) src(%arg25 : memref<80x128xf32, #tpu.memory_space<vmem>>) dst(%dma_wait3A_373 : memref<10240x128xf32, #tpu.memory_space<vmem_shared>>)
        } else {
        }
        %dma_start3A_368 = arith.constant 0 : i32
        %dma_start3A_369 = arith.constant 0 : i32
        %dma_start3A_370 = tpu.memref_slice %arg2[%dma_start3A_368, %dma_start3A_369] : memref<10000x128xf32, #tpu.memory_space<hbm>> -> memref<10000x128xf32, #tpu.memory_space<hbm>>
        tpu.enqueue_indirect_dma source(%dma_start3A_370 : memref<10000x128xf32, #tpu.memory_space<hbm>>) target(%arg25 : memref<80x128xf32, #tpu.memory_space<vmem>>) offsets(%arg9 : memref<80xi32, #tpu.memory_space<vmem>>) semaphore(%arg46 : memref<!tpu.dma_semaphore, #tpu.memory_space<semaphore_mem>>)
      } else {
      }
      %dma_wait3A_178 = arith.constant 0 : i32
      %dma_wait3A_179 = arith.constant 0 : i32
      %dma_wait3A_180 = tpu.memref_slice %arg2[%dma_wait3A_178, %dma_wait3A_179] : memref<10000x128xf32, #tpu.memory_space<hbm>> -> memref<10000x128xf32, #tpu.memory_space<hbm>>
      tpu.wait_indirect_dma semaphore(%arg44 : memref<!tpu.dma_semaphore, #tpu.memory_space<semaphore_mem>>) src(%dma_wait3A_180 : memref<10000x128xf32, #tpu.memory_space<hbm>>) dst(%arg23 : memref<80x128xf32, #tpu.memory_space<vmem>>)
      %dma_start3A_181 = arith.constant 0 : i32
      %dma_start3A_182 = arith.constant 0 : i32
      %dma_start3A_183 = tpu.memref_slice %arg27[%dma_start3A_181, %dma_start3A_182] : memref<10240x128xf32, #tpu.memory_space<vmem_shared>> -> memref<10240x128xf32, #tpu.memory_space<vmem_shared>>
      tpu.enqueue_indirect_dma source(%arg23 : memref<80x128xf32, #tpu.memory_space<vmem>>) target(%dma_start3A_183 : memref<10240x128xf32, #tpu.memory_space<vmem_shared>>) offsets(%arg15 : memref<80xi32, #tpu.memory_space<vmem>>) semaphore(%arg48 : memref<!tpu.dma_semaphore, #tpu.memory_space<semaphore_mem>>) {add = true}
      %mul3A_184 = arith.constant 8 : i32
      %mul3A_185 = arith.muli %mul3A_184, %scan3A_162 : i32
      %add3A_186 = arith.constant 1 : i32
      %add3A_187 = arith.addi %mul3A_185, %add3A_186 : i32
      %add3A_188 = arith.constant 3 : i32
      %add3A_189 = arith.addi %add3A_187, %add3A_188 : i32
      %lt3A_190 = arith.constant 125 : i32
      %lt3A_191 = arith.cmpi slt, %add3A_189, %lt3A_190 : i32
      %convert_element_type3A_192 = arith.extui %lt3A_191 : i1 to i32
      %cond3A_193 = arith.constant 0 : i32
      %cond3A_194 = arith.cmpi ne, %convert_element_type3A_192, %cond3A_193 : i32
      scf.if %cond3A_194 {
        %add3A_352 = arith.constant 3 : i32
        %add3A_353 = arith.addi %add3A_187, %add3A_352 : i32
        %mul3A_354 = arith.constant 80 : i32
        %mul3A_355 = arith.muli %add3A_353, %mul3A_354 : i32
        %add3A_356 = arith.addi %mul3A_2, %mul3A_355 : i32
        %dma_start3A_357 = tpu.memref_slice %arg3[%add3A_356] : memref<320000xi32, #tpu.memory_space<hbm>> -> memref<80xi32, #tpu.memory_space<hbm>>
        %dma_start3A_358 = tpu.memref_slice %arg3[%add3A_356] : memref<320000xi32, #tpu.memory_space<hbm>> -> memref<80xi32, #tpu.memory_space<hbm>>
        tpu.enqueue_dma source(%dma_start3A_358 : memref<80xi32, #tpu.memory_space<hbm>>) target(%arg11 : memref<80xi32, #tpu.memory_space<vmem>>) target_semaphore(%arg32 : memref<!tpu.dma_semaphore, #tpu.memory_space<semaphore_mem>>)
        %mul3A_359 = arith.constant 80 : i32
        %mul3A_360 = arith.muli %add3A_353, %mul3A_359 : i32
        %add3A_361 = arith.addi %mul3A_2, %mul3A_360 : i32
        %dma_start3A_362 = tpu.memref_slice %arg4[%add3A_361] : memref<320000xi32, #tpu.memory_space<hbm>> -> memref<80xi32, #tpu.memory_space<hbm>>
        %dma_start3A_363 = tpu.memref_slice %arg4[%add3A_361] : memref<320000xi32, #tpu.memory_space<hbm>> -> memref<80xi32, #tpu.memory_space<hbm>>
        tpu.enqueue_dma source(%dma_start3A_363 : memref<80xi32, #tpu.memory_space<hbm>>) target(%arg19 : memref<80xi32, #tpu.memory_space<vmem>>) target_semaphore(%arg40 : memref<!tpu.dma_semaphore, #tpu.memory_space<semaphore_mem>>)
      } else {
      }
      %add3A_195 = arith.constant 2 : i32
      %add3A_196 = arith.addi %add3A_187, %add3A_195 : i32
      %lt3A_197 = arith.constant 125 : i32
      %lt3A_198 = arith.cmpi slt, %add3A_196, %lt3A_197 : i32
      %convert_element_type3A_199 = arith.extui %lt3A_198 : i1 to i32
      %cond3A_200 = arith.constant 0 : i32
      %cond3A_201 = arith.cmpi ne, %convert_element_type3A_199, %cond3A_200 : i32
      scf.if %cond3A_201 {
        %add3A_352 = arith.constant 2 : i32
        %add3A_353 = arith.addi %add3A_187, %add3A_352 : i32
        %mul3A_354 = arith.constant 80 : i32
        %mul3A_355 = arith.muli %add3A_353, %mul3A_354 : i32
        %add3A_356 = arith.addi %mul3A_2, %mul3A_355 : i32
        %dma_wait3A_357 = tpu.memref_slice %arg3[%add3A_356] : memref<320000xi32, #tpu.memory_space<hbm>> -> memref<80xi32, #tpu.memory_space<hbm>>
        %dma_wait3A_358 = tpu.memref_slice %arg3[%add3A_356] : memref<320000xi32, #tpu.memory_space<hbm>> -> memref<80xi32, #tpu.memory_space<hbm>>
        tpu.wait_dma2 semaphore(%arg31 : memref<!tpu.dma_semaphore, #tpu.memory_space<semaphore_mem>>) src(%dma_wait3A_358 : memref<80xi32, #tpu.memory_space<hbm>>) dst(%arg10 : memref<80xi32, #tpu.memory_space<vmem>>)
        %mul3A_359 = arith.constant 80 : i32
        %mul3A_360 = arith.muli %add3A_353, %mul3A_359 : i32
        %add3A_361 = arith.addi %mul3A_2, %mul3A_360 : i32
        %dma_wait3A_362 = tpu.memref_slice %arg4[%add3A_361] : memref<320000xi32, #tpu.memory_space<hbm>> -> memref<80xi32, #tpu.memory_space<hbm>>
        %dma_wait3A_363 = tpu.memref_slice %arg4[%add3A_361] : memref<320000xi32, #tpu.memory_space<hbm>> -> memref<80xi32, #tpu.memory_space<hbm>>
        tpu.wait_dma2 semaphore(%arg39 : memref<!tpu.dma_semaphore, #tpu.memory_space<semaphore_mem>>) src(%dma_wait3A_363 : memref<80xi32, #tpu.memory_space<hbm>>) dst(%arg18 : memref<80xi32, #tpu.memory_space<vmem>>)
        %ge3A = arith.constant 4 : i32
        %ge3A_364 = arith.cmpi sge, %add3A_353, %ge3A : i32
        %convert_element_type3A_365 = arith.extui %ge3A_364 : i1 to i32
        %cond3A_366 = arith.constant 0 : i32
        %cond3A_367 = arith.cmpi ne, %convert_element_type3A_365, %cond3A_366 : i32
        scf.if %cond3A_367 {
          %dma_wait3A_371 = arith.constant 0 : i32
          %dma_wait3A_372 = arith.constant 0 : i32
          %dma_wait3A_373 = tpu.memref_slice %arg27[%dma_wait3A_371, %dma_wait3A_372] : memref<10240x128xf32, #tpu.memory_space<vmem_shared>> -> memref<10240x128xf32, #tpu.memory_space<vmem_shared>>
          tpu.wait_indirect_dma semaphore(%arg51 : memref<!tpu.dma_semaphore, #tpu.memory_space<semaphore_mem>>) src(%arg26 : memref<80x128xf32, #tpu.memory_space<vmem>>) dst(%dma_wait3A_373 : memref<10240x128xf32, #tpu.memory_space<vmem_shared>>)
        } else {
        }
        %dma_start3A_368 = arith.constant 0 : i32
        %dma_start3A_369 = arith.constant 0 : i32
        %dma_start3A_370 = tpu.memref_slice %arg2[%dma_start3A_368, %dma_start3A_369] : memref<10000x128xf32, #tpu.memory_space<hbm>> -> memref<10000x128xf32, #tpu.memory_space<hbm>>
        tpu.enqueue_indirect_dma source(%dma_start3A_370 : memref<10000x128xf32, #tpu.memory_space<hbm>>) target(%arg26 : memref<80x128xf32, #tpu.memory_space<vmem>>) offsets(%arg10 : memref<80xi32, #tpu.memory_space<vmem>>) semaphore(%arg47 : memref<!tpu.dma_semaphore, #tpu.memory_space<semaphore_mem>>)
      } else {
      }
      %dma_wait3A_202 = arith.constant 0 : i32
      %dma_wait3A_203 = arith.constant 0 : i32
      %dma_wait3A_204 = tpu.memref_slice %arg2[%dma_wait3A_202, %dma_wait3A_203] : memref<10000x128xf32, #tpu.memory_space<hbm>> -> memref<10000x128xf32, #tpu.memory_space<hbm>>
      tpu.wait_indirect_dma semaphore(%arg45 : memref<!tpu.dma_semaphore, #tpu.memory_space<semaphore_mem>>) src(%dma_wait3A_204 : memref<10000x128xf32, #tpu.memory_space<hbm>>) dst(%arg24 : memref<80x128xf32, #tpu.memory_space<vmem>>)
      %dma_start3A_205 = arith.constant 0 : i32
      %dma_start3A_206 = arith.constant 0 : i32
      %dma_start3A_207 = tpu.memref_slice %arg27[%dma_start3A_205, %dma_start3A_206] : memref<10240x128xf32, #tpu.memory_space<vmem_shared>> -> memref<10240x128xf32, #tpu.memory_space<vmem_shared>>
      tpu.enqueue_indirect_dma source(%arg24 : memref<80x128xf32, #tpu.memory_space<vmem>>) target(%dma_start3A_207 : memref<10240x128xf32, #tpu.memory_space<vmem_shared>>) offsets(%arg16 : memref<80xi32, #tpu.memory_space<vmem>>) semaphore(%arg49 : memref<!tpu.dma_semaphore, #tpu.memory_space<semaphore_mem>>) {add = true}
      %mul3A_208 = arith.constant 8 : i32
      %mul3A_209 = arith.muli %mul3A_208, %scan3A_162 : i32
      %add3A_210 = arith.constant 2 : i32
      %add3A_211 = arith.addi %mul3A_209, %add3A_210 : i32
      %add3A_212 = arith.constant 3 : i32
      %add3A_213 = arith.addi %add3A_211, %add3A_212 : i32
      %lt3A_214 = arith.constant 125 : i32
      %lt3A_215 = arith.cmpi slt, %add3A_213, %lt3A_214 : i32
      %convert_element_type3A_216 = arith.extui %lt3A_215 : i1 to i32
      %cond3A_217 = arith.constant 0 : i32
      %cond3A_218 = arith.cmpi ne, %convert_element_type3A_216, %cond3A_217 : i32
      scf.if %cond3A_218 {
        %add3A_352 = arith.constant 3 : i32
        %add3A_353 = arith.addi %add3A_211, %add3A_352 : i32
        %mul3A_354 = arith.constant 80 : i32
        %mul3A_355 = arith.muli %add3A_353, %mul3A_354 : i32
        %add3A_356 = arith.addi %mul3A_2, %mul3A_355 : i32
        %dma_start3A_357 = tpu.memref_slice %arg3[%add3A_356] : memref<320000xi32, #tpu.memory_space<hbm>> -> memref<80xi32, #tpu.memory_space<hbm>>
        %dma_start3A_358 = tpu.memref_slice %arg3[%add3A_356] : memref<320000xi32, #tpu.memory_space<hbm>> -> memref<80xi32, #tpu.memory_space<hbm>>
        tpu.enqueue_dma source(%dma_start3A_358 : memref<80xi32, #tpu.memory_space<hbm>>) target(%arg12 : memref<80xi32, #tpu.memory_space<vmem>>) target_semaphore(%arg33 : memref<!tpu.dma_semaphore, #tpu.memory_space<semaphore_mem>>)
        %mul3A_359 = arith.constant 80 : i32
        %mul3A_360 = arith.muli %add3A_353, %mul3A_359 : i32
        %add3A_361 = arith.addi %mul3A_2, %mul3A_360 : i32
        %dma_start3A_362 = tpu.memref_slice %arg4[%add3A_361] : memref<320000xi32, #tpu.memory_space<hbm>> -> memref<80xi32, #tpu.memory_space<hbm>>
        %dma_start3A_363 = tpu.memref_slice %arg4[%add3A_361] : memref<320000xi32, #tpu.memory_space<hbm>> -> memref<80xi32, #tpu.memory_space<hbm>>
        tpu.enqueue_dma source(%dma_start3A_363 : memref<80xi32, #tpu.memory_space<hbm>>) target(%arg20 : memref<80xi32, #tpu.memory_space<vmem>>) target_semaphore(%arg41 : memref<!tpu.dma_semaphore, #tpu.memory_space<semaphore_mem>>)
      } else {
      }
      %add3A_219 = arith.constant 2 : i32
      %add3A_220 = arith.addi %add3A_211, %add3A_219 : i32
      %lt3A_221 = arith.constant 125 : i32
      %lt3A_222 = arith.cmpi slt, %add3A_220, %lt3A_221 : i32
      %convert_element_type3A_223 = arith.extui %lt3A_222 : i1 to i32
      %cond3A_224 = arith.constant 0 : i32
      %cond3A_225 = arith.cmpi ne, %convert_element_type3A_223, %cond3A_224 : i32
      scf.if %cond3A_225 {
        %add3A_352 = arith.constant 2 : i32
        %add3A_353 = arith.addi %add3A_211, %add3A_352 : i32
        %mul3A_354 = arith.constant 80 : i32
        %mul3A_355 = arith.muli %add3A_353, %mul3A_354 : i32
        %add3A_356 = arith.addi %mul3A_2, %mul3A_355 : i32
        %dma_wait3A_357 = tpu.memref_slice %arg3[%add3A_356] : memref<320000xi32, #tpu.memory_space<hbm>> -> memref<80xi32, #tpu.memory_space<hbm>>
        %dma_wait3A_358 = tpu.memref_slice %arg3[%add3A_356] : memref<320000xi32, #tpu.memory_space<hbm>> -> memref<80xi32, #tpu.memory_space<hbm>>
        tpu.wait_dma2 semaphore(%arg32 : memref<!tpu.dma_semaphore, #tpu.memory_space<semaphore_mem>>) src(%dma_wait3A_358 : memref<80xi32, #tpu.memory_space<hbm>>) dst(%arg11 : memref<80xi32, #tpu.memory_space<vmem>>)
        %mul3A_359 = arith.constant 80 : i32
        %mul3A_360 = arith.muli %add3A_353, %mul3A_359 : i32
        %add3A_361 = arith.addi %mul3A_2, %mul3A_360 : i32
        %dma_wait3A_362 = tpu.memref_slice %arg4[%add3A_361] : memref<320000xi32, #tpu.memory_space<hbm>> -> memref<80xi32, #tpu.memory_space<hbm>>
        %dma_wait3A_363 = tpu.memref_slice %arg4[%add3A_361] : memref<320000xi32, #tpu.memory_space<hbm>> -> memref<80xi32, #tpu.memory_space<hbm>>
        tpu.wait_dma2 semaphore(%arg40 : memref<!tpu.dma_semaphore, #tpu.memory_space<semaphore_mem>>) src(%dma_wait3A_363 : memref<80xi32, #tpu.memory_space<hbm>>) dst(%arg19 : memref<80xi32, #tpu.memory_space<vmem>>)
        %ge3A = arith.constant 4 : i32
        %ge3A_364 = arith.cmpi sge, %add3A_353, %ge3A : i32
        %convert_element_type3A_365 = arith.extui %ge3A_364 : i1 to i32
        %cond3A_366 = arith.constant 0 : i32
        %cond3A_367 = arith.cmpi ne, %convert_element_type3A_365, %cond3A_366 : i32
        scf.if %cond3A_367 {
          %dma_wait3A_371 = arith.constant 0 : i32
          %dma_wait3A_372 = arith.constant 0 : i32
          %dma_wait3A_373 = tpu.memref_slice %arg27[%dma_wait3A_371, %dma_wait3A_372] : memref<10240x128xf32, #tpu.memory_space<vmem_shared>> -> memref<10240x128xf32, #tpu.memory_space<vmem_shared>>
          tpu.wait_indirect_dma semaphore(%arg48 : memref<!tpu.dma_semaphore, #tpu.memory_space<semaphore_mem>>) src(%arg23 : memref<80x128xf32, #tpu.memory_space<vmem>>) dst(%dma_wait3A_373 : memref<10240x128xf32, #tpu.memory_space<vmem_shared>>)
        } else {
        }
        %dma_start3A_368 = arith.constant 0 : i32
        %dma_start3A_369 = arith.constant 0 : i32
        %dma_start3A_370 = tpu.memref_slice %arg2[%dma_start3A_368, %dma_start3A_369] : memref<10000x128xf32, #tpu.memory_space<hbm>> -> memref<10000x128xf32, #tpu.memory_space<hbm>>
        tpu.enqueue_indirect_dma source(%dma_start3A_370 : memref<10000x128xf32, #tpu.memory_space<hbm>>) target(%arg23 : memref<80x128xf32, #tpu.memory_space<vmem>>) offsets(%arg11 : memref<80xi32, #tpu.memory_space<vmem>>) semaphore(%arg44 : memref<!tpu.dma_semaphore, #tpu.memory_space<semaphore_mem>>)
      } else {
      }
      %dma_wait3A_226 = arith.constant 0 : i32
      %dma_wait3A_227 = arith.constant 0 : i32
      %dma_wait3A_228 = tpu.memref_slice %arg2[%dma_wait3A_226, %dma_wait3A_227] : memref<10000x128xf32, #tpu.memory_space<hbm>> -> memref<10000x128xf32, #tpu.memory_space<hbm>>
      tpu.wait_indirect_dma semaphore(%arg46 : memref<!tpu.dma_semaphore, #tpu.memory_space<semaphore_mem>>) src(%dma_wait3A_228 : memref<10000x128xf32, #tpu.memory_space<hbm>>) dst(%arg25 : memref<80x128xf32, #tpu.memory_space<vmem>>)
      %dma_start3A_229 = arith.constant 0 : i32
      %dma_start3A_230 = arith.constant 0 : i32
      %dma_start3A_231 = tpu.memref_slice %arg27[%dma_start3A_229, %dma_start3A_230] : memref<10240x128xf32, #tpu.memory_space<vmem_shared>> -> memref<10240x128xf32, #tpu.memory_space<vmem_shared>>
      tpu.enqueue_indirect_dma source(%arg25 : memref<80x128xf32, #tpu.memory_space<vmem>>) target(%dma_start3A_231 : memref<10240x128xf32, #tpu.memory_space<vmem_shared>>) offsets(%arg17 : memref<80xi32, #tpu.memory_space<vmem>>) semaphore(%arg50 : memref<!tpu.dma_semaphore, #tpu.memory_space<semaphore_mem>>) {add = true}
      %mul3A_232 = arith.constant 8 : i32
      %mul3A_233 = arith.muli %mul3A_232, %scan3A_162 : i32
      %add3A_234 = arith.constant 3 : i32
      %add3A_235 = arith.addi %mul3A_233, %add3A_234 : i32
      %add3A_236 = arith.constant 3 : i32
      %add3A_237 = arith.addi %add3A_235, %add3A_236 : i32
      %lt3A_238 = arith.constant 125 : i32
      %lt3A_239 = arith.cmpi slt, %add3A_237, %lt3A_238 : i32
      %convert_element_type3A_240 = arith.extui %lt3A_239 : i1 to i32
      %cond3A_241 = arith.constant 0 : i32
      %cond3A_242 = arith.cmpi ne, %convert_element_type3A_240, %cond3A_241 : i32
      scf.if %cond3A_242 {
        %add3A_352 = arith.constant 3 : i32
        %add3A_353 = arith.addi %add3A_235, %add3A_352 : i32
        %mul3A_354 = arith.constant 80 : i32
        %mul3A_355 = arith.muli %add3A_353, %mul3A_354 : i32
        %add3A_356 = arith.addi %mul3A_2, %mul3A_355 : i32
        %dma_start3A_357 = tpu.memref_slice %arg3[%add3A_356] : memref<320000xi32, #tpu.memory_space<hbm>> -> memref<80xi32, #tpu.memory_space<hbm>>
        %dma_start3A_358 = tpu.memref_slice %arg3[%add3A_356] : memref<320000xi32, #tpu.memory_space<hbm>> -> memref<80xi32, #tpu.memory_space<hbm>>
        tpu.enqueue_dma source(%dma_start3A_358 : memref<80xi32, #tpu.memory_space<hbm>>) target(%arg13 : memref<80xi32, #tpu.memory_space<vmem>>) target_semaphore(%arg34 : memref<!tpu.dma_semaphore, #tpu.memory_space<semaphore_mem>>)
        %mul3A_359 = arith.constant 80 : i32
        %mul3A_360 = arith.muli %add3A_353, %mul3A_359 : i32
        %add3A_361 = arith.addi %mul3A_2, %mul3A_360 : i32
        %dma_start3A_362 = tpu.memref_slice %arg4[%add3A_361] : memref<320000xi32, #tpu.memory_space<hbm>> -> memref<80xi32, #tpu.memory_space<hbm>>
        %dma_start3A_363 = tpu.memref_slice %arg4[%add3A_361] : memref<320000xi32, #tpu.memory_space<hbm>> -> memref<80xi32, #tpu.memory_space<hbm>>
        tpu.enqueue_dma source(%dma_start3A_363 : memref<80xi32, #tpu.memory_space<hbm>>) target(%arg21 : memref<80xi32, #tpu.memory_space<vmem>>) target_semaphore(%arg42 : memref<!tpu.dma_semaphore, #tpu.memory_space<semaphore_mem>>)
      } else {
      }
      %add3A_243 = arith.constant 2 : i32
      %add3A_244 = arith.addi %add3A_235, %add3A_243 : i32
      %lt3A_245 = arith.constant 125 : i32
      %lt3A_246 = arith.cmpi slt, %add3A_244, %lt3A_245 : i32
      %convert_element_type3A_247 = arith.extui %lt3A_246 : i1 to i32
      %cond3A_248 = arith.constant 0 : i32
      %cond3A_249 = arith.cmpi ne, %convert_element_type3A_247, %cond3A_248 : i32
      scf.if %cond3A_249 {
        %add3A_352 = arith.constant 2 : i32
        %add3A_353 = arith.addi %add3A_235, %add3A_352 : i32
        %mul3A_354 = arith.constant 80 : i32
        %mul3A_355 = arith.muli %add3A_353, %mul3A_354 : i32
        %add3A_356 = arith.addi %mul3A_2, %mul3A_355 : i32
        %dma_wait3A_357 = tpu.memref_slice %arg3[%add3A_356] : memref<320000xi32, #tpu.memory_space<hbm>> -> memref<80xi32, #tpu.memory_space<hbm>>
        %dma_wait3A_358 = tpu.memref_slice %arg3[%add3A_356] : memref<320000xi32, #tpu.memory_space<hbm>> -> memref<80xi32, #tpu.memory_space<hbm>>
        tpu.wait_dma2 semaphore(%arg33 : memref<!tpu.dma_semaphore, #tpu.memory_space<semaphore_mem>>) src(%dma_wait3A_358 : memref<80xi32, #tpu.memory_space<hbm>>) dst(%arg12 : memref<80xi32, #tpu.memory_space<vmem>>)
        %mul3A_359 = arith.constant 80 : i32
        %mul3A_360 = arith.muli %add3A_353, %mul3A_359 : i32
        %add3A_361 = arith.addi %mul3A_2, %mul3A_360 : i32
        %dma_wait3A_362 = tpu.memref_slice %arg4[%add3A_361] : memref<320000xi32, #tpu.memory_space<hbm>> -> memref<80xi32, #tpu.memory_space<hbm>>
        %dma_wait3A_363 = tpu.memref_slice %arg4[%add3A_361] : memref<320000xi32, #tpu.memory_space<hbm>> -> memref<80xi32, #tpu.memory_space<hbm>>
        tpu.wait_dma2 semaphore(%arg41 : memref<!tpu.dma_semaphore, #tpu.memory_space<semaphore_mem>>) src(%dma_wait3A_363 : memref<80xi32, #tpu.memory_space<hbm>>) dst(%arg20 : memref<80xi32, #tpu.memory_space<vmem>>)
        %ge3A = arith.constant 4 : i32
        %ge3A_364 = arith.cmpi sge, %add3A_353, %ge3A : i32
        %convert_element_type3A_365 = arith.extui %ge3A_364 : i1 to i32
        %cond3A_366 = arith.constant 0 : i32
        %cond3A_367 = arith.cmpi ne, %convert_element_type3A_365, %cond3A_366 : i32
        scf.if %cond3A_367 {
          %dma_wait3A_371 = arith.constant 0 : i32
          %dma_wait3A_372 = arith.constant 0 : i32
          %dma_wait3A_373 = tpu.memref_slice %arg27[%dma_wait3A_371, %dma_wait3A_372] : memref<10240x128xf32, #tpu.memory_space<vmem_shared>> -> memref<10240x128xf32, #tpu.memory_space<vmem_shared>>
          tpu.wait_indirect_dma semaphore(%arg49 : memref<!tpu.dma_semaphore, #tpu.memory_space<semaphore_mem>>) src(%arg24 : memref<80x128xf32, #tpu.memory_space<vmem>>) dst(%dma_wait3A_373 : memref<10240x128xf32, #tpu.memory_space<vmem_shared>>)
        } else {
        }
        %dma_start3A_368 = arith.constant 0 : i32
        %dma_start3A_369 = arith.constant 0 : i32
        %dma_start3A_370 = tpu.memref_slice %arg2[%dma_start3A_368, %dma_start3A_369] : memref<10000x128xf32, #tpu.memory_space<hbm>> -> memref<10000x128xf32, #tpu.memory_space<hbm>>
        tpu.enqueue_indirect_dma source(%dma_start3A_370 : memref<10000x128xf32, #tpu.memory_space<hbm>>) target(%arg24 : memref<80x128xf32, #tpu.memory_space<vmem>>) offsets(%arg12 : memref<80xi32, #tpu.memory_space<vmem>>) semaphore(%arg45 : memref<!tpu.dma_semaphore, #tpu.memory_space<semaphore_mem>>)
      } else {
      }
      %dma_wait3A_250 = arith.constant 0 : i32
      %dma_wait3A_251 = arith.constant 0 : i32
      %dma_wait3A_252 = tpu.memref_slice %arg2[%dma_wait3A_250, %dma_wait3A_251] : memref<10000x128xf32, #tpu.memory_space<hbm>> -> memref<10000x128xf32, #tpu.memory_space<hbm>>
      tpu.wait_indirect_dma semaphore(%arg47 : memref<!tpu.dma_semaphore, #tpu.memory_space<semaphore_mem>>) src(%dma_wait3A_252 : memref<10000x128xf32, #tpu.memory_space<hbm>>) dst(%arg26 : memref<80x128xf32, #tpu.memory_space<vmem>>)
      %dma_start3A_253 = arith.constant 0 : i32
      %dma_start3A_254 = arith.constant 0 : i32
      %dma_start3A_255 = tpu.memref_slice %arg27[%dma_start3A_253, %dma_start3A_254] : memref<10240x128xf32, #tpu.memory_space<vmem_shared>> -> memref<10240x128xf32, #tpu.memory_space<vmem_shared>>
      tpu.enqueue_indirect_dma source(%arg26 : memref<80x128xf32, #tpu.memory_space<vmem>>) target(%dma_start3A_255 : memref<10240x128xf32, #tpu.memory_space<vmem_shared>>) offsets(%arg18 : memref<80xi32, #tpu.memory_space<vmem>>) semaphore(%arg51 : memref<!tpu.dma_semaphore, #tpu.memory_space<semaphore_mem>>) {add = true}
      %mul3A_256 = arith.constant 8 : i32
      %mul3A_257 = arith.muli %mul3A_256, %scan3A_162 : i32
      %add3A_258 = arith.constant 4 : i32
      %add3A_259 = arith.addi %mul3A_257, %add3A_258 : i32
      %add3A_260 = arith.constant 3 : i32
      %add3A_261 = arith.addi %add3A_259, %add3A_260 : i32
      %lt3A_262 = arith.constant 125 : i32
      %lt3A_263 = arith.cmpi slt, %add3A_261, %lt3A_262 : i32
      %convert_element_type3A_264 = arith.extui %lt3A_263 : i1 to i32
      %cond3A_265 = arith.constant 0 : i32
      %cond3A_266 = arith.cmpi ne, %convert_element_type3A_264, %cond3A_265 : i32
      scf.if %cond3A_266 {
        %add3A_352 = arith.constant 3 : i32
        %add3A_353 = arith.addi %add3A_259, %add3A_352 : i32
        %mul3A_354 = arith.constant 80 : i32
        %mul3A_355 = arith.muli %add3A_353, %mul3A_354 : i32
        %add3A_356 = arith.addi %mul3A_2, %mul3A_355 : i32
        %dma_start3A_357 = tpu.memref_slice %arg3[%add3A_356] : memref<320000xi32, #tpu.memory_space<hbm>> -> memref<80xi32, #tpu.memory_space<hbm>>
        %dma_start3A_358 = tpu.memref_slice %arg3[%add3A_356] : memref<320000xi32, #tpu.memory_space<hbm>> -> memref<80xi32, #tpu.memory_space<hbm>>
        tpu.enqueue_dma source(%dma_start3A_358 : memref<80xi32, #tpu.memory_space<hbm>>) target(%arg14 : memref<80xi32, #tpu.memory_space<vmem>>) target_semaphore(%arg35 : memref<!tpu.dma_semaphore, #tpu.memory_space<semaphore_mem>>)
        %mul3A_359 = arith.constant 80 : i32
        %mul3A_360 = arith.muli %add3A_353, %mul3A_359 : i32
        %add3A_361 = arith.addi %mul3A_2, %mul3A_360 : i32
        %dma_start3A_362 = tpu.memref_slice %arg4[%add3A_361] : memref<320000xi32, #tpu.memory_space<hbm>> -> memref<80xi32, #tpu.memory_space<hbm>>
        %dma_start3A_363 = tpu.memref_slice %arg4[%add3A_361] : memref<320000xi32, #tpu.memory_space<hbm>> -> memref<80xi32, #tpu.memory_space<hbm>>
        tpu.enqueue_dma source(%dma_start3A_363 : memref<80xi32, #tpu.memory_space<hbm>>) target(%arg22 : memref<80xi32, #tpu.memory_space<vmem>>) target_semaphore(%arg43 : memref<!tpu.dma_semaphore, #tpu.memory_space<semaphore_mem>>)
      } else {
      }
      %add3A_267 = arith.constant 2 : i32
      %add3A_268 = arith.addi %add3A_259, %add3A_267 : i32
      %lt3A_269 = arith.constant 125 : i32
      %lt3A_270 = arith.cmpi slt, %add3A_268, %lt3A_269 : i32
      %convert_element_type3A_271 = arith.extui %lt3A_270 : i1 to i32
      %cond3A_272 = arith.constant 0 : i32
      %cond3A_273 = arith.cmpi ne, %convert_element_type3A_271, %cond3A_272 : i32
      scf.if %cond3A_273 {
        %add3A_352 = arith.constant 2 : i32
        %add3A_353 = arith.addi %add3A_259, %add3A_352 : i32
        %mul3A_354 = arith.constant 80 : i32
        %mul3A_355 = arith.muli %add3A_353, %mul3A_354 : i32
        %add3A_356 = arith.addi %mul3A_2, %mul3A_355 : i32
        %dma_wait3A_357 = tpu.memref_slice %arg3[%add3A_356] : memref<320000xi32, #tpu.memory_space<hbm>> -> memref<80xi32, #tpu.memory_space<hbm>>
        %dma_wait3A_358 = tpu.memref_slice %arg3[%add3A_356] : memref<320000xi32, #tpu.memory_space<hbm>> -> memref<80xi32, #tpu.memory_space<hbm>>
        tpu.wait_dma2 semaphore(%arg34 : memref<!tpu.dma_semaphore, #tpu.memory_space<semaphore_mem>>) src(%dma_wait3A_358 : memref<80xi32, #tpu.memory_space<hbm>>) dst(%arg13 : memref<80xi32, #tpu.memory_space<vmem>>)
        %mul3A_359 = arith.constant 80 : i32
        %mul3A_360 = arith.muli %add3A_353, %mul3A_359 : i32
        %add3A_361 = arith.addi %mul3A_2, %mul3A_360 : i32
        %dma_wait3A_362 = tpu.memref_slice %arg4[%add3A_361] : memref<320000xi32, #tpu.memory_space<hbm>> -> memref<80xi32, #tpu.memory_space<hbm>>
        %dma_wait3A_363 = tpu.memref_slice %arg4[%add3A_361] : memref<320000xi32, #tpu.memory_space<hbm>> -> memref<80xi32, #tpu.memory_space<hbm>>
        tpu.wait_dma2 semaphore(%arg42 : memref<!tpu.dma_semaphore, #tpu.memory_space<semaphore_mem>>) src(%dma_wait3A_363 : memref<80xi32, #tpu.memory_space<hbm>>) dst(%arg21 : memref<80xi32, #tpu.memory_space<vmem>>)
        %ge3A = arith.constant 4 : i32
        %ge3A_364 = arith.cmpi sge, %add3A_353, %ge3A : i32
        %convert_element_type3A_365 = arith.extui %ge3A_364 : i1 to i32
        %cond3A_366 = arith.constant 0 : i32
        %cond3A_367 = arith.cmpi ne, %convert_element_type3A_365, %cond3A_366 : i32
        scf.if %cond3A_367 {
          %dma_wait3A_371 = arith.constant 0 : i32
          %dma_wait3A_372 = arith.constant 0 : i32
          %dma_wait3A_373 = tpu.memref_slice %arg27[%dma_wait3A_371, %dma_wait3A_372] : memref<10240x128xf32, #tpu.memory_space<vmem_shared>> -> memref<10240x128xf32, #tpu.memory_space<vmem_shared>>
          tpu.wait_indirect_dma semaphore(%arg50 : memref<!tpu.dma_semaphore, #tpu.memory_space<semaphore_mem>>) src(%arg25 : memref<80x128xf32, #tpu.memory_space<vmem>>) dst(%dma_wait3A_373 : memref<10240x128xf32, #tpu.memory_space<vmem_shared>>)
        } else {
        }
        %dma_start3A_368 = arith.constant 0 : i32
        %dma_start3A_369 = arith.constant 0 : i32
        %dma_start3A_370 = tpu.memref_slice %arg2[%dma_start3A_368, %dma_start3A_369] : memref<10000x128xf32, #tpu.memory_space<hbm>> -> memref<10000x128xf32, #tpu.memory_space<hbm>>
        tpu.enqueue_indirect_dma source(%dma_start3A_370 : memref<10000x128xf32, #tpu.memory_space<hbm>>) target(%arg25 : memref<80x128xf32, #tpu.memory_space<vmem>>) offsets(%arg13 : memref<80xi32, #tpu.memory_space<vmem>>) semaphore(%arg46 : memref<!tpu.dma_semaphore, #tpu.memory_space<semaphore_mem>>)
      } else {
      }
      %dma_wait3A_274 = arith.constant 0 : i32
      %dma_wait3A_275 = arith.constant 0 : i32
      %dma_wait3A_276 = tpu.memref_slice %arg2[%dma_wait3A_274, %dma_wait3A_275] : memref<10000x128xf32, #tpu.memory_space<hbm>> -> memref<10000x128xf32, #tpu.memory_space<hbm>>
      tpu.wait_indirect_dma semaphore(%arg44 : memref<!tpu.dma_semaphore, #tpu.memory_space<semaphore_mem>>) src(%dma_wait3A_276 : memref<10000x128xf32, #tpu.memory_space<hbm>>) dst(%arg23 : memref<80x128xf32, #tpu.memory_space<vmem>>)
      %dma_start3A_277 = arith.constant 0 : i32
      %dma_start3A_278 = arith.constant 0 : i32
      %dma_start3A_279 = tpu.memref_slice %arg27[%dma_start3A_277, %dma_start3A_278] : memref<10240x128xf32, #tpu.memory_space<vmem_shared>> -> memref<10240x128xf32, #tpu.memory_space<vmem_shared>>
      tpu.enqueue_indirect_dma source(%arg23 : memref<80x128xf32, #tpu.memory_space<vmem>>) target(%dma_start3A_279 : memref<10240x128xf32, #tpu.memory_space<vmem_shared>>) offsets(%arg19 : memref<80xi32, #tpu.memory_space<vmem>>) semaphore(%arg48 : memref<!tpu.dma_semaphore, #tpu.memory_space<semaphore_mem>>) {add = true}
      %mul3A_280 = arith.constant 8 : i32
      %mul3A_281 = arith.muli %mul3A_280, %scan3A_162 : i32
      %add3A_282 = arith.constant 5 : i32
      %add3A_283 = arith.addi %mul3A_281, %add3A_282 : i32
      %add3A_284 = arith.constant 3 : i32
      %add3A_285 = arith.addi %add3A_283, %add3A_284 : i32
      %lt3A_286 = arith.constant 125 : i32
      %lt3A_287 = arith.cmpi slt, %add3A_285, %lt3A_286 : i32
      %convert_element_type3A_288 = arith.extui %lt3A_287 : i1 to i32
      %cond3A_289 = arith.constant 0 : i32
      %cond3A_290 = arith.cmpi ne, %convert_element_type3A_288, %cond3A_289 : i32
      scf.if %cond3A_290 {
        %add3A_352 = arith.constant 3 : i32
        %add3A_353 = arith.addi %add3A_283, %add3A_352 : i32
        %mul3A_354 = arith.constant 80 : i32
        %mul3A_355 = arith.muli %add3A_353, %mul3A_354 : i32
        %add3A_356 = arith.addi %mul3A_2, %mul3A_355 : i32
        %dma_start3A_357 = tpu.memref_slice %arg3[%add3A_356] : memref<320000xi32, #tpu.memory_space<hbm>> -> memref<80xi32, #tpu.memory_space<hbm>>
        %dma_start3A_358 = tpu.memref_slice %arg3[%add3A_356] : memref<320000xi32, #tpu.memory_space<hbm>> -> memref<80xi32, #tpu.memory_space<hbm>>
        tpu.enqueue_dma source(%dma_start3A_358 : memref<80xi32, #tpu.memory_space<hbm>>) target(%arg7 : memref<80xi32, #tpu.memory_space<vmem>>) target_semaphore(%arg28 : memref<!tpu.dma_semaphore, #tpu.memory_space<semaphore_mem>>)
        %mul3A_359 = arith.constant 80 : i32
        %mul3A_360 = arith.muli %add3A_353, %mul3A_359 : i32
        %add3A_361 = arith.addi %mul3A_2, %mul3A_360 : i32
        %dma_start3A_362 = tpu.memref_slice %arg4[%add3A_361] : memref<320000xi32, #tpu.memory_space<hbm>> -> memref<80xi32, #tpu.memory_space<hbm>>
        %dma_start3A_363 = tpu.memref_slice %arg4[%add3A_361] : memref<320000xi32, #tpu.memory_space<hbm>> -> memref<80xi32, #tpu.memory_space<hbm>>
        tpu.enqueue_dma source(%dma_start3A_363 : memref<80xi32, #tpu.memory_space<hbm>>) target(%arg15 : memref<80xi32, #tpu.memory_space<vmem>>) target_semaphore(%arg36 : memref<!tpu.dma_semaphore, #tpu.memory_space<semaphore_mem>>)
      } else {
      }
      %add3A_291 = arith.constant 2 : i32
      %add3A_292 = arith.addi %add3A_283, %add3A_291 : i32
      %lt3A_293 = arith.constant 125 : i32
      %lt3A_294 = arith.cmpi slt, %add3A_292, %lt3A_293 : i32
      %convert_element_type3A_295 = arith.extui %lt3A_294 : i1 to i32
      %cond3A_296 = arith.constant 0 : i32
      %cond3A_297 = arith.cmpi ne, %convert_element_type3A_295, %cond3A_296 : i32
      scf.if %cond3A_297 {
        %add3A_352 = arith.constant 2 : i32
        %add3A_353 = arith.addi %add3A_283, %add3A_352 : i32
        %mul3A_354 = arith.constant 80 : i32
        %mul3A_355 = arith.muli %add3A_353, %mul3A_354 : i32
        %add3A_356 = arith.addi %mul3A_2, %mul3A_355 : i32
        %dma_wait3A_357 = tpu.memref_slice %arg3[%add3A_356] : memref<320000xi32, #tpu.memory_space<hbm>> -> memref<80xi32, #tpu.memory_space<hbm>>
        %dma_wait3A_358 = tpu.memref_slice %arg3[%add3A_356] : memref<320000xi32, #tpu.memory_space<hbm>> -> memref<80xi32, #tpu.memory_space<hbm>>
        tpu.wait_dma2 semaphore(%arg35 : memref<!tpu.dma_semaphore, #tpu.memory_space<semaphore_mem>>) src(%dma_wait3A_358 : memref<80xi32, #tpu.memory_space<hbm>>) dst(%arg14 : memref<80xi32, #tpu.memory_space<vmem>>)
        %mul3A_359 = arith.constant 80 : i32
        %mul3A_360 = arith.muli %add3A_353, %mul3A_359 : i32
        %add3A_361 = arith.addi %mul3A_2, %mul3A_360 : i32
        %dma_wait3A_362 = tpu.memref_slice %arg4[%add3A_361] : memref<320000xi32, #tpu.memory_space<hbm>> -> memref<80xi32, #tpu.memory_space<hbm>>
        %dma_wait3A_363 = tpu.memref_slice %arg4[%add3A_361] : memref<320000xi32, #tpu.memory_space<hbm>> -> memref<80xi32, #tpu.memory_space<hbm>>
        tpu.wait_dma2 semaphore(%arg43 : memref<!tpu.dma_semaphore, #tpu.memory_space<semaphore_mem>>) src(%dma_wait3A_363 : memref<80xi32, #tpu.memory_space<hbm>>) dst(%arg22 : memref<80xi32, #tpu.memory_space<vmem>>)
        %ge3A = arith.constant 4 : i32
        %ge3A_364 = arith.cmpi sge, %add3A_353, %ge3A : i32
        %convert_element_type3A_365 = arith.extui %ge3A_364 : i1 to i32
        %cond3A_366 = arith.constant 0 : i32
        %cond3A_367 = arith.cmpi ne, %convert_element_type3A_365, %cond3A_366 : i32
        scf.if %cond3A_367 {
          %dma_wait3A_371 = arith.constant 0 : i32
          %dma_wait3A_372 = arith.constant 0 : i32
          %dma_wait3A_373 = tpu.memref_slice %arg27[%dma_wait3A_371, %dma_wait3A_372] : memref<10240x128xf32, #tpu.memory_space<vmem_shared>> -> memref<10240x128xf32, #tpu.memory_space<vmem_shared>>
          tpu.wait_indirect_dma semaphore(%arg51 : memref<!tpu.dma_semaphore, #tpu.memory_space<semaphore_mem>>) src(%arg26 : memref<80x128xf32, #tpu.memory_space<vmem>>) dst(%dma_wait3A_373 : memref<10240x128xf32, #tpu.memory_space<vmem_shared>>)
        } else {
        }
        %dma_start3A_368 = arith.constant 0 : i32
        %dma_start3A_369 = arith.constant 0 : i32
        %dma_start3A_370 = tpu.memref_slice %arg2[%dma_start3A_368, %dma_start3A_369] : memref<10000x128xf32, #tpu.memory_space<hbm>> -> memref<10000x128xf32, #tpu.memory_space<hbm>>
        tpu.enqueue_indirect_dma source(%dma_start3A_370 : memref<10000x128xf32, #tpu.memory_space<hbm>>) target(%arg26 : memref<80x128xf32, #tpu.memory_space<vmem>>) offsets(%arg14 : memref<80xi32, #tpu.memory_space<vmem>>) semaphore(%arg47 : memref<!tpu.dma_semaphore, #tpu.memory_space<semaphore_mem>>)
      } else {
      }
      %dma_wait3A_298 = arith.constant 0 : i32
      %dma_wait3A_299 = arith.constant 0 : i32
      %dma_wait3A_300 = tpu.memref_slice %arg2[%dma_wait3A_298, %dma_wait3A_299] : memref<10000x128xf32, #tpu.memory_space<hbm>> -> memref<10000x128xf32, #tpu.memory_space<hbm>>
      tpu.wait_indirect_dma semaphore(%arg45 : memref<!tpu.dma_semaphore, #tpu.memory_space<semaphore_mem>>) src(%dma_wait3A_300 : memref<10000x128xf32, #tpu.memory_space<hbm>>) dst(%arg24 : memref<80x128xf32, #tpu.memory_space<vmem>>)
      %dma_start3A_301 = arith.constant 0 : i32
      %dma_start3A_302 = arith.constant 0 : i32
      %dma_start3A_303 = tpu.memref_slice %arg27[%dma_start3A_301, %dma_start3A_302] : memref<10240x128xf32, #tpu.memory_space<vmem_shared>> -> memref<10240x128xf32, #tpu.memory_space<vmem_shared>>
      tpu.enqueue_indirect_dma source(%arg24 : memref<80x128xf32, #tpu.memory_space<vmem>>) target(%dma_start3A_303 : memref<10240x128xf32, #tpu.memory_space<vmem_shared>>) offsets(%arg20 : memref<80xi32, #tpu.memory_space<vmem>>) semaphore(%arg49 : memref<!tpu.dma_semaphore, #tpu.memory_space<semaphore_mem>>) {add = true}
      %mul3A_304 = arith.constant 8 : i32
      %mul3A_305 = arith.muli %mul3A_304, %scan3A_162 : i32
      %add3A_306 = arith.constant 6 : i32
      %add3A_307 = arith.addi %mul3A_305, %add3A_306 : i32
      %add3A_308 = arith.constant 3 : i32
      %add3A_309 = arith.addi %add3A_307, %add3A_308 : i32
      %lt3A_310 = arith.constant 125 : i32
      %lt3A_311 = arith.cmpi slt, %add3A_309, %lt3A_310 : i32
      %convert_element_type3A_312 = arith.extui %lt3A_311 : i1 to i32
      %cond3A_313 = arith.constant 0 : i32
      %cond3A_314 = arith.cmpi ne, %convert_element_type3A_312, %cond3A_313 : i32
      scf.if %cond3A_314 {
        %add3A_352 = arith.constant 3 : i32
        %add3A_353 = arith.addi %add3A_307, %add3A_352 : i32
        %mul3A_354 = arith.constant 80 : i32
        %mul3A_355 = arith.muli %add3A_353, %mul3A_354 : i32
        %add3A_356 = arith.addi %mul3A_2, %mul3A_355 : i32
        %dma_start3A_357 = tpu.memref_slice %arg3[%add3A_356] : memref<320000xi32, #tpu.memory_space<hbm>> -> memref<80xi32, #tpu.memory_space<hbm>>
        %dma_start3A_358 = tpu.memref_slice %arg3[%add3A_356] : memref<320000xi32, #tpu.memory_space<hbm>> -> memref<80xi32, #tpu.memory_space<hbm>>
        tpu.enqueue_dma source(%dma_start3A_358 : memref<80xi32, #tpu.memory_space<hbm>>) target(%arg8 : memref<80xi32, #tpu.memory_space<vmem>>) target_semaphore(%arg29 : memref<!tpu.dma_semaphore, #tpu.memory_space<semaphore_mem>>)
        %mul3A_359 = arith.constant 80 : i32
        %mul3A_360 = arith.muli %add3A_353, %mul3A_359 : i32
        %add3A_361 = arith.addi %mul3A_2, %mul3A_360 : i32
        %dma_start3A_362 = tpu.memref_slice %arg4[%add3A_361] : memref<320000xi32, #tpu.memory_space<hbm>> -> memref<80xi32, #tpu.memory_space<hbm>>
        %dma_start3A_363 = tpu.memref_slice %arg4[%add3A_361] : memref<320000xi32, #tpu.memory_space<hbm>> -> memref<80xi32, #tpu.memory_space<hbm>>
        tpu.enqueue_dma source(%dma_start3A_363 : memref<80xi32, #tpu.memory_space<hbm>>) target(%arg16 : memref<80xi32, #tpu.memory_space<vmem>>) target_semaphore(%arg37 : memref<!tpu.dma_semaphore, #tpu.memory_space<semaphore_mem>>)
      } else {
      }
      %add3A_315 = arith.constant 2 : i32
      %add3A_316 = arith.addi %add3A_307, %add3A_315 : i32
      %lt3A_317 = arith.constant 125 : i32
      %lt3A_318 = arith.cmpi slt, %add3A_316, %lt3A_317 : i32
      %convert_element_type3A_319 = arith.extui %lt3A_318 : i1 to i32
      %cond3A_320 = arith.constant 0 : i32
      %cond3A_321 = arith.cmpi ne, %convert_element_type3A_319, %cond3A_320 : i32
      scf.if %cond3A_321 {
        %add3A_352 = arith.constant 2 : i32
        %add3A_353 = arith.addi %add3A_307, %add3A_352 : i32
        %mul3A_354 = arith.constant 80 : i32
        %mul3A_355 = arith.muli %add3A_353, %mul3A_354 : i32
        %add3A_356 = arith.addi %mul3A_2, %mul3A_355 : i32
        %dma_wait3A_357 = tpu.memref_slice %arg3[%add3A_356] : memref<320000xi32, #tpu.memory_space<hbm>> -> memref<80xi32, #tpu.memory_space<hbm>>
        %dma_wait3A_358 = tpu.memref_slice %arg3[%add3A_356] : memref<320000xi32, #tpu.memory_space<hbm>> -> memref<80xi32, #tpu.memory_space<hbm>>
        tpu.wait_dma2 semaphore(%arg28 : memref<!tpu.dma_semaphore, #tpu.memory_space<semaphore_mem>>) src(%dma_wait3A_358 : memref<80xi32, #tpu.memory_space<hbm>>) dst(%arg7 : memref<80xi32, #tpu.memory_space<vmem>>)
        %mul3A_359 = arith.constant 80 : i32
        %mul3A_360 = arith.muli %add3A_353, %mul3A_359 : i32
        %add3A_361 = arith.addi %mul3A_2, %mul3A_360 : i32
        %dma_wait3A_362 = tpu.memref_slice %arg4[%add3A_361] : memref<320000xi32, #tpu.memory_space<hbm>> -> memref<80xi32, #tpu.memory_space<hbm>>
        %dma_wait3A_363 = tpu.memref_slice %arg4[%add3A_361] : memref<320000xi32, #tpu.memory_space<hbm>> -> memref<80xi32, #tpu.memory_space<hbm>>
        tpu.wait_dma2 semaphore(%arg36 : memref<!tpu.dma_semaphore, #tpu.memory_space<semaphore_mem>>) src(%dma_wait3A_363 : memref<80xi32, #tpu.memory_space<hbm>>) dst(%arg15 : memref<80xi32, #tpu.memory_space<vmem>>)
        %ge3A = arith.constant 4 : i32
        %ge3A_364 = arith.cmpi sge, %add3A_353, %ge3A : i32
        %convert_element_type3A_365 = arith.extui %ge3A_364 : i1 to i32
        %cond3A_366 = arith.constant 0 : i32
        %cond3A_367 = arith.cmpi ne, %convert_element_type3A_365, %cond3A_366 : i32
        scf.if %cond3A_367 {
          %dma_wait3A_371 = arith.constant 0 : i32
          %dma_wait3A_372 = arith.constant 0 : i32
          %dma_wait3A_373 = tpu.memref_slice %arg27[%dma_wait3A_371, %dma_wait3A_372] : memref<10240x128xf32, #tpu.memory_space<vmem_shared>> -> memref<10240x128xf32, #tpu.memory_space<vmem_shared>>
          tpu.wait_indirect_dma semaphore(%arg48 : memref<!tpu.dma_semaphore, #tpu.memory_space<semaphore_mem>>) src(%arg23 : memref<80x128xf32, #tpu.memory_space<vmem>>) dst(%dma_wait3A_373 : memref<10240x128xf32, #tpu.memory_space<vmem_shared>>)
        } else {
        }
        %dma_start3A_368 = arith.constant 0 : i32
        %dma_start3A_369 = arith.constant 0 : i32
        %dma_start3A_370 = tpu.memref_slice %arg2[%dma_start3A_368, %dma_start3A_369] : memref<10000x128xf32, #tpu.memory_space<hbm>> -> memref<10000x128xf32, #tpu.memory_space<hbm>>
        tpu.enqueue_indirect_dma source(%dma_start3A_370 : memref<10000x128xf32, #tpu.memory_space<hbm>>) target(%arg23 : memref<80x128xf32, #tpu.memory_space<vmem>>) offsets(%arg7 : memref<80xi32, #tpu.memory_space<vmem>>) semaphore(%arg44 : memref<!tpu.dma_semaphore, #tpu.memory_space<semaphore_mem>>)
      } else {
      }
      %dma_wait3A_322 = arith.constant 0 : i32
      %dma_wait3A_323 = arith.constant 0 : i32
      %dma_wait3A_324 = tpu.memref_slice %arg2[%dma_wait3A_322, %dma_wait3A_323] : memref<10000x128xf32, #tpu.memory_space<hbm>> -> memref<10000x128xf32, #tpu.memory_space<hbm>>
      tpu.wait_indirect_dma semaphore(%arg46 : memref<!tpu.dma_semaphore, #tpu.memory_space<semaphore_mem>>) src(%dma_wait3A_324 : memref<10000x128xf32, #tpu.memory_space<hbm>>) dst(%arg25 : memref<80x128xf32, #tpu.memory_space<vmem>>)
      %dma_start3A_325 = arith.constant 0 : i32
      %dma_start3A_326 = arith.constant 0 : i32
      %dma_start3A_327 = tpu.memref_slice %arg27[%dma_start3A_325, %dma_start3A_326] : memref<10240x128xf32, #tpu.memory_space<vmem_shared>> -> memref<10240x128xf32, #tpu.memory_space<vmem_shared>>
      tpu.enqueue_indirect_dma source(%arg25 : memref<80x128xf32, #tpu.memory_space<vmem>>) target(%dma_start3A_327 : memref<10240x128xf32, #tpu.memory_space<vmem_shared>>) offsets(%arg21 : memref<80xi32, #tpu.memory_space<vmem>>) semaphore(%arg50 : memref<!tpu.dma_semaphore, #tpu.memory_space<semaphore_mem>>) {add = true}
      %mul3A_328 = arith.constant 8 : i32
      %mul3A_329 = arith.muli %mul3A_328, %scan3A_162 : i32
      %add3A_330 = arith.constant 7 : i32
      %add3A_331 = arith.addi %mul3A_329, %add3A_330 : i32
      %add3A_332 = arith.constant 3 : i32
      %add3A_333 = arith.addi %add3A_331, %add3A_332 : i32
      %lt3A_334 = arith.constant 125 : i32
      %lt3A_335 = arith.cmpi slt, %add3A_333, %lt3A_334 : i32
      %convert_element_type3A_336 = arith.extui %lt3A_335 : i1 to i32
      %cond3A_337 = arith.constant 0 : i32
      %cond3A_338 = arith.cmpi ne, %convert_element_type3A_336, %cond3A_337 : i32
      scf.if %cond3A_338 {
        %add3A_352 = arith.constant 3 : i32
        %add3A_353 = arith.addi %add3A_331, %add3A_352 : i32
        %mul3A_354 = arith.constant 80 : i32
        %mul3A_355 = arith.muli %add3A_353, %mul3A_354 : i32
        %add3A_356 = arith.addi %mul3A_2, %mul3A_355 : i32
        %dma_start3A_357 = tpu.memref_slice %arg3[%add3A_356] : memref<320000xi32, #tpu.memory_space<hbm>> -> memref<80xi32, #tpu.memory_space<hbm>>
        %dma_start3A_358 = tpu.memref_slice %arg3[%add3A_356] : memref<320000xi32, #tpu.memory_space<hbm>> -> memref<80xi32, #tpu.memory_space<hbm>>
        tpu.enqueue_dma source(%dma_start3A_358 : memref<80xi32, #tpu.memory_space<hbm>>) target(%arg9 : memref<80xi32, #tpu.memory_space<vmem>>) target_semaphore(%arg30 : memref<!tpu.dma_semaphore, #tpu.memory_space<semaphore_mem>>)
        %mul3A_359 = arith.constant 80 : i32
        %mul3A_360 = arith.muli %add3A_353, %mul3A_359 : i32
        %add3A_361 = arith.addi %mul3A_2, %mul3A_360 : i32
        %dma_start3A_362 = tpu.memref_slice %arg4[%add3A_361] : memref<320000xi32, #tpu.memory_space<hbm>> -> memref<80xi32, #tpu.memory_space<hbm>>
        %dma_start3A_363 = tpu.memref_slice %arg4[%add3A_361] : memref<320000xi32, #tpu.memory_space<hbm>> -> memref<80xi32, #tpu.memory_space<hbm>>
        tpu.enqueue_dma source(%dma_start3A_363 : memref<80xi32, #tpu.memory_space<hbm>>) target(%arg17 : memref<80xi32, #tpu.memory_space<vmem>>) target_semaphore(%arg38 : memref<!tpu.dma_semaphore, #tpu.memory_space<semaphore_mem>>)
      } else {
      }
      %add3A_339 = arith.constant 2 : i32
      %add3A_340 = arith.addi %add3A_331, %add3A_339 : i32
      %lt3A_341 = arith.constant 125 : i32
      %lt3A_342 = arith.cmpi slt, %add3A_340, %lt3A_341 : i32
      %convert_element_type3A_343 = arith.extui %lt3A_342 : i1 to i32
      %cond3A_344 = arith.constant 0 : i32
      %cond3A_345 = arith.cmpi ne, %convert_element_type3A_343, %cond3A_344 : i32
      scf.if %cond3A_345 {
        %add3A_352 = arith.constant 2 : i32
        %add3A_353 = arith.addi %add3A_331, %add3A_352 : i32
        %mul3A_354 = arith.constant 80 : i32
        %mul3A_355 = arith.muli %add3A_353, %mul3A_354 : i32
        %add3A_356 = arith.addi %mul3A_2, %mul3A_355 : i32
        %dma_wait3A_357 = tpu.memref_slice %arg3[%add3A_356] : memref<320000xi32, #tpu.memory_space<hbm>> -> memref<80xi32, #tpu.memory_space<hbm>>
        %dma_wait3A_358 = tpu.memref_slice %arg3[%add3A_356] : memref<320000xi32, #tpu.memory_space<hbm>> -> memref<80xi32, #tpu.memory_space<hbm>>
        tpu.wait_dma2 semaphore(%arg29 : memref<!tpu.dma_semaphore, #tpu.memory_space<semaphore_mem>>) src(%dma_wait3A_358 : memref<80xi32, #tpu.memory_space<hbm>>) dst(%arg8 : memref<80xi32, #tpu.memory_space<vmem>>)
        %mul3A_359 = arith.constant 80 : i32
        %mul3A_360 = arith.muli %add3A_353, %mul3A_359 : i32
        %add3A_361 = arith.addi %mul3A_2, %mul3A_360 : i32
        %dma_wait3A_362 = tpu.memref_slice %arg4[%add3A_361] : memref<320000xi32, #tpu.memory_space<hbm>> -> memref<80xi32, #tpu.memory_space<hbm>>
        %dma_wait3A_363 = tpu.memref_slice %arg4[%add3A_361] : memref<320000xi32, #tpu.memory_space<hbm>> -> memref<80xi32, #tpu.memory_space<hbm>>
        tpu.wait_dma2 semaphore(%arg37 : memref<!tpu.dma_semaphore, #tpu.memory_space<semaphore_mem>>) src(%dma_wait3A_363 : memref<80xi32, #tpu.memory_space<hbm>>) dst(%arg16 : memref<80xi32, #tpu.memory_space<vmem>>)
        %ge3A = arith.constant 4 : i32
        %ge3A_364 = arith.cmpi sge, %add3A_353, %ge3A : i32
        %convert_element_type3A_365 = arith.extui %ge3A_364 : i1 to i32
        %cond3A_366 = arith.constant 0 : i32
        %cond3A_367 = arith.cmpi ne, %convert_element_type3A_365, %cond3A_366 : i32
        scf.if %cond3A_367 {
          %dma_wait3A_371 = arith.constant 0 : i32
          %dma_wait3A_372 = arith.constant 0 : i32
          %dma_wait3A_373 = tpu.memref_slice %arg27[%dma_wait3A_371, %dma_wait3A_372] : memref<10240x128xf32, #tpu.memory_space<vmem_shared>> -> memref<10240x128xf32, #tpu.memory_space<vmem_shared>>
          tpu.wait_indirect_dma semaphore(%arg49 : memref<!tpu.dma_semaphore, #tpu.memory_space<semaphore_mem>>) src(%arg24 : memref<80x128xf32, #tpu.memory_space<vmem>>) dst(%dma_wait3A_373 : memref<10240x128xf32, #tpu.memory_space<vmem_shared>>)
        } else {
        }
        %dma_start3A_368 = arith.constant 0 : i32
        %dma_start3A_369 = arith.constant 0 : i32
        %dma_start3A_370 = tpu.memref_slice %arg2[%dma_start3A_368, %dma_start3A_369] : memref<10000x128xf32, #tpu.memory_space<hbm>> -> memref<10000x128xf32, #tpu.memory_space<hbm>>
        tpu.enqueue_indirect_dma source(%dma_start3A_370 : memref<10000x128xf32, #tpu.memory_space<hbm>>) target(%arg24 : memref<80x128xf32, #tpu.memory_space<vmem>>) offsets(%arg8 : memref<80xi32, #tpu.memory_space<vmem>>) semaphore(%arg45 : memref<!tpu.dma_semaphore, #tpu.memory_space<semaphore_mem>>)
      } else {
      }
      %dma_wait3A_346 = arith.constant 0 : i32
      %dma_wait3A_347 = arith.constant 0 : i32
      %dma_wait3A_348 = tpu.memref_slice %arg2[%dma_wait3A_346, %dma_wait3A_347] : memref<10000x128xf32, #tpu.memory_space<hbm>> -> memref<10000x128xf32, #tpu.memory_space<hbm>>
      tpu.wait_indirect_dma semaphore(%arg47 : memref<!tpu.dma_semaphore, #tpu.memory_space<semaphore_mem>>) src(%dma_wait3A_348 : memref<10000x128xf32, #tpu.memory_space<hbm>>) dst(%arg26 : memref<80x128xf32, #tpu.memory_space<vmem>>)
      %dma_start3A_349 = arith.constant 0 : i32
      %dma_start3A_350 = arith.constant 0 : i32
      %dma_start3A_351 = tpu.memref_slice %arg27[%dma_start3A_349, %dma_start3A_350] : memref<10240x128xf32, #tpu.memory_space<vmem_shared>> -> memref<10240x128xf32, #tpu.memory_space<vmem_shared>>
      tpu.enqueue_indirect_dma source(%arg26 : memref<80x128xf32, #tpu.memory_space<vmem>>) target(%dma_start3A_351 : memref<10240x128xf32, #tpu.memory_space<vmem_shared>>) offsets(%arg22 : memref<80xi32, #tpu.memory_space<vmem>>) semaphore(%arg51 : memref<!tpu.dma_semaphore, #tpu.memory_space<semaphore_mem>>) {add = true}
    }
    %scan3A_53 = arith.constant 15 : i32
    %add3A_54 = arith.constant 9840 : i32
    %add3A_55 = arith.addi %mul3A_2, %add3A_54 : i32
    %dma_start3A_56 = tpu.memref_slice %arg3[%add3A_55] : memref<320000xi32, #tpu.memory_space<hbm>> -> memref<80xi32, #tpu.memory_space<hbm>>
    %dma_start3A_57 = tpu.memref_slice %arg3[%add3A_55] : memref<320000xi32, #tpu.memory_space<hbm>> -> memref<80xi32, #tpu.memory_space<hbm>>
    tpu.enqueue_dma source(%dma_start3A_57 : memref<80xi32, #tpu.memory_space<hbm>>) target(%arg10 : memref<80xi32, #tpu.memory_space<vmem>>) target_semaphore(%arg31 : memref<!tpu.dma_semaphore, #tpu.memory_space<semaphore_mem>>)
    %add3A_58 = arith.constant 9840 : i32
    %add3A_59 = arith.addi %mul3A_2, %add3A_58 : i32
    %dma_start3A_60 = tpu.memref_slice %arg4[%add3A_59] : memref<320000xi32, #tpu.memory_space<hbm>> -> memref<80xi32, #tpu.memory_space<hbm>>
    %dma_start3A_61 = tpu.memref_slice %arg4[%add3A_59] : memref<320000xi32, #tpu.memory_space<hbm>> -> memref<80xi32, #tpu.memory_space<hbm>>
    tpu.enqueue_dma source(%dma_start3A_61 : memref<80xi32, #tpu.memory_space<hbm>>) target(%arg18 : memref<80xi32, #tpu.memory_space<vmem>>) target_semaphore(%arg39 : memref<!tpu.dma_semaphore, #tpu.memory_space<semaphore_mem>>)
    %add3A_62 = arith.constant 9760 : i32
    %add3A_63 = arith.addi %mul3A_2, %add3A_62 : i32
    %dma_wait3A_64 = tpu.memref_slice %arg3[%add3A_63] : memref<320000xi32, #tpu.memory_space<hbm>> -> memref<80xi32, #tpu.memory_space<hbm>>
    %dma_wait3A_65 = tpu.memref_slice %arg3[%add3A_63] : memref<320000xi32, #tpu.memory_space<hbm>> -> memref<80xi32, #tpu.memory_space<hbm>>
    tpu.wait_dma2 semaphore(%arg30 : memref<!tpu.dma_semaphore, #tpu.memory_space<semaphore_mem>>) src(%dma_wait3A_65 : memref<80xi32, #tpu.memory_space<hbm>>) dst(%arg9 : memref<80xi32, #tpu.memory_space<vmem>>)
    %add3A_66 = arith.constant 9760 : i32
    %add3A_67 = arith.addi %mul3A_2, %add3A_66 : i32
    %dma_wait3A_68 = tpu.memref_slice %arg4[%add3A_67] : memref<320000xi32, #tpu.memory_space<hbm>> -> memref<80xi32, #tpu.memory_space<hbm>>
    %dma_wait3A_69 = tpu.memref_slice %arg4[%add3A_67] : memref<320000xi32, #tpu.memory_space<hbm>> -> memref<80xi32, #tpu.memory_space<hbm>>
    tpu.wait_dma2 semaphore(%arg38 : memref<!tpu.dma_semaphore, #tpu.memory_space<semaphore_mem>>) src(%dma_wait3A_69 : memref<80xi32, #tpu.memory_space<hbm>>) dst(%arg17 : memref<80xi32, #tpu.memory_space<vmem>>)
    %dma_wait3A_70 = arith.constant 0 : i32
    %dma_wait3A_71 = arith.constant 0 : i32
    %dma_wait3A_72 = tpu.memref_slice %arg27[%dma_wait3A_70, %dma_wait3A_71] : memref<10240x128xf32, #tpu.memory_space<vmem_shared>> -> memref<10240x128xf32, #tpu.memory_space<vmem_shared>>
    tpu.wait_indirect_dma semaphore(%arg50 : memref<!tpu.dma_semaphore, #tpu.memory_space<semaphore_mem>>) src(%arg25 : memref<80x128xf32, #tpu.memory_space<vmem>>) dst(%dma_wait3A_72 : memref<10240x128xf32, #tpu.memory_space<vmem_shared>>)
    %dma_start3A_73 = arith.constant 0 : i32
    %dma_start3A_74 = arith.constant 0 : i32
    %dma_start3A_75 = tpu.memref_slice %arg2[%dma_start3A_73, %dma_start3A_74] : memref<10000x128xf32, #tpu.memory_space<hbm>> -> memref<10000x128xf32, #tpu.memory_space<hbm>>
    tpu.enqueue_indirect_dma source(%dma_start3A_75 : memref<10000x128xf32, #tpu.memory_space<hbm>>) target(%arg25 : memref<80x128xf32, #tpu.memory_space<vmem>>) offsets(%arg9 : memref<80xi32, #tpu.memory_space<vmem>>) semaphore(%arg46 : memref<!tpu.dma_semaphore, #tpu.memory_space<semaphore_mem>>)
    %dma_wait3A_76 = arith.constant 0 : i32
    %dma_wait3A_77 = arith.constant 0 : i32
    %dma_wait3A_78 = tpu.memref_slice %arg2[%dma_wait3A_76, %dma_wait3A_77] : memref<10000x128xf32, #tpu.memory_space<hbm>> -> memref<10000x128xf32, #tpu.memory_space<hbm>>
    tpu.wait_indirect_dma semaphore(%arg44 : memref<!tpu.dma_semaphore, #tpu.memory_space<semaphore_mem>>) src(%dma_wait3A_78 : memref<10000x128xf32, #tpu.memory_space<hbm>>) dst(%arg23 : memref<80x128xf32, #tpu.memory_space<vmem>>)
    %dma_start3A_79 = arith.constant 0 : i32
    %dma_start3A_80 = arith.constant 0 : i32
    %dma_start3A_81 = tpu.memref_slice %arg27[%dma_start3A_79, %dma_start3A_80] : memref<10240x128xf32, #tpu.memory_space<vmem_shared>> -> memref<10240x128xf32, #tpu.memory_space<vmem_shared>>
    tpu.enqueue_indirect_dma source(%arg23 : memref<80x128xf32, #tpu.memory_space<vmem>>) target(%dma_start3A_81 : memref<10240x128xf32, #tpu.memory_space<vmem_shared>>) offsets(%arg15 : memref<80xi32, #tpu.memory_space<vmem>>) semaphore(%arg48 : memref<!tpu.dma_semaphore, #tpu.memory_space<semaphore_mem>>) {add = true}
    %add3A_82 = arith.constant 9920 : i32
    %add3A_83 = arith.addi %mul3A_2, %add3A_82 : i32
    %dma_start3A_84 = tpu.memref_slice %arg3[%add3A_83] : memref<320000xi32, #tpu.memory_space<hbm>> -> memref<80xi32, #tpu.memory_space<hbm>>
    %dma_start3A_85 = tpu.memref_slice %arg3[%add3A_83] : memref<320000xi32, #tpu.memory_space<hbm>> -> memref<80xi32, #tpu.memory_space<hbm>>
    tpu.enqueue_dma source(%dma_start3A_85 : memref<80xi32, #tpu.memory_space<hbm>>) target(%arg11 : memref<80xi32, #tpu.memory_space<vmem>>) target_semaphore(%arg32 : memref<!tpu.dma_semaphore, #tpu.memory_space<semaphore_mem>>)
    %add3A_86 = arith.constant 9920 : i32
    %add3A_87 = arith.addi %mul3A_2, %add3A_86 : i32
    %dma_start3A_88 = tpu.memref_slice %arg4[%add3A_87] : memref<320000xi32, #tpu.memory_space<hbm>> -> memref<80xi32, #tpu.memory_space<hbm>>
    %dma_start3A_89 = tpu.memref_slice %arg4[%add3A_87] : memref<320000xi32, #tpu.memory_space<hbm>> -> memref<80xi32, #tpu.memory_space<hbm>>
    tpu.enqueue_dma source(%dma_start3A_89 : memref<80xi32, #tpu.memory_space<hbm>>) target(%arg19 : memref<80xi32, #tpu.memory_space<vmem>>) target_semaphore(%arg40 : memref<!tpu.dma_semaphore, #tpu.memory_space<semaphore_mem>>)
    %add3A_90 = arith.constant 9840 : i32
    %add3A_91 = arith.addi %mul3A_2, %add3A_90 : i32
    %dma_wait3A_92 = tpu.memref_slice %arg3[%add3A_91] : memref<320000xi32, #tpu.memory_space<hbm>> -> memref<80xi32, #tpu.memory_space<hbm>>
    %dma_wait3A_93 = tpu.memref_slice %arg3[%add3A_91] : memref<320000xi32, #tpu.memory_space<hbm>> -> memref<80xi32, #tpu.memory_space<hbm>>
    tpu.wait_dma2 semaphore(%arg31 : memref<!tpu.dma_semaphore, #tpu.memory_space<semaphore_mem>>) src(%dma_wait3A_93 : memref<80xi32, #tpu.memory_space<hbm>>) dst(%arg10 : memref<80xi32, #tpu.memory_space<vmem>>)
    %add3A_94 = arith.constant 9840 : i32
    %add3A_95 = arith.addi %mul3A_2, %add3A_94 : i32
    %dma_wait3A_96 = tpu.memref_slice %arg4[%add3A_95] : memref<320000xi32, #tpu.memory_space<hbm>> -> memref<80xi32, #tpu.memory_space<hbm>>
    %dma_wait3A_97 = tpu.memref_slice %arg4[%add3A_95] : memref<320000xi32, #tpu.memory_space<hbm>> -> memref<80xi32, #tpu.memory_space<hbm>>
    tpu.wait_dma2 semaphore(%arg39 : memref<!tpu.dma_semaphore, #tpu.memory_space<semaphore_mem>>) src(%dma_wait3A_97 : memref<80xi32, #tpu.memory_space<hbm>>) dst(%arg18 : memref<80xi32, #tpu.memory_space<vmem>>)
    %dma_wait3A_98 = arith.constant 0 : i32
    %dma_wait3A_99 = arith.constant 0 : i32
    %dma_wait3A_100 = tpu.memref_slice %arg27[%dma_wait3A_98, %dma_wait3A_99] : memref<10240x128xf32, #tpu.memory_space<vmem_shared>> -> memref<10240x128xf32, #tpu.memory_space<vmem_shared>>
    tpu.wait_indirect_dma semaphore(%arg51 : memref<!tpu.dma_semaphore, #tpu.memory_space<semaphore_mem>>) src(%arg26 : memref<80x128xf32, #tpu.memory_space<vmem>>) dst(%dma_wait3A_100 : memref<10240x128xf32, #tpu.memory_space<vmem_shared>>)
    %dma_start3A_101 = arith.constant 0 : i32
    %dma_start3A_102 = arith.constant 0 : i32
    %dma_start3A_103 = tpu.memref_slice %arg2[%dma_start3A_101, %dma_start3A_102] : memref<10000x128xf32, #tpu.memory_space<hbm>> -> memref<10000x128xf32, #tpu.memory_space<hbm>>
    tpu.enqueue_indirect_dma source(%dma_start3A_103 : memref<10000x128xf32, #tpu.memory_space<hbm>>) target(%arg26 : memref<80x128xf32, #tpu.memory_space<vmem>>) offsets(%arg10 : memref<80xi32, #tpu.memory_space<vmem>>) semaphore(%arg47 : memref<!tpu.dma_semaphore, #tpu.memory_space<semaphore_mem>>)
    %dma_wait3A_104 = arith.constant 0 : i32
    %dma_wait3A_105 = arith.constant 0 : i32
    %dma_wait3A_106 = tpu.memref_slice %arg2[%dma_wait3A_104, %dma_wait3A_105] : memref<10000x128xf32, #tpu.memory_space<hbm>> -> memref<10000x128xf32, #tpu.memory_space<hbm>>
    tpu.wait_indirect_dma semaphore(%arg45 : memref<!tpu.dma_semaphore, #tpu.memory_space<semaphore_mem>>) src(%dma_wait3A_106 : memref<10000x128xf32, #tpu.memory_space<hbm>>) dst(%arg24 : memref<80x128xf32, #tpu.memory_space<vmem>>)
    %dma_start3A_107 = arith.constant 0 : i32
    %dma_start3A_108 = arith.constant 0 : i32
    %dma_start3A_109 = tpu.memref_slice %arg27[%dma_start3A_107, %dma_start3A_108] : memref<10240x128xf32, #tpu.memory_space<vmem_shared>> -> memref<10240x128xf32, #tpu.memory_space<vmem_shared>>
    tpu.enqueue_indirect_dma source(%arg24 : memref<80x128xf32, #tpu.memory_space<vmem>>) target(%dma_start3A_109 : memref<10240x128xf32, #tpu.memory_space<vmem_shared>>) offsets(%arg16 : memref<80xi32, #tpu.memory_space<vmem>>) semaphore(%arg49 : memref<!tpu.dma_semaphore, #tpu.memory_space<semaphore_mem>>) {add = true}
    %add3A_110 = arith.constant 9920 : i32
    %add3A_111 = arith.addi %mul3A_2, %add3A_110 : i32
    %dma_wait3A_112 = tpu.memref_slice %arg3[%add3A_111] : memref<320000xi32, #tpu.memory_space<hbm>> -> memref<80xi32, #tpu.memory_space<hbm>>
    %dma_wait3A_113 = tpu.memref_slice %arg3[%add3A_111] : memref<320000xi32, #tpu.memory_space<hbm>> -> memref<80xi32, #tpu.memory_space<hbm>>
    tpu.wait_dma2 semaphore(%arg32 : memref<!tpu.dma_semaphore, #tpu.memory_space<semaphore_mem>>) src(%dma_wait3A_113 : memref<80xi32, #tpu.memory_space<hbm>>) dst(%arg11 : memref<80xi32, #tpu.memory_space<vmem>>)
    %add3A_114 = arith.constant 9920 : i32
    %add3A_115 = arith.addi %mul3A_2, %add3A_114 : i32
    %dma_wait3A_116 = tpu.memref_slice %arg4[%add3A_115] : memref<320000xi32, #tpu.memory_space<hbm>> -> memref<80xi32, #tpu.memory_space<hbm>>
    %dma_wait3A_117 = tpu.memref_slice %arg4[%add3A_115] : memref<320000xi32, #tpu.memory_space<hbm>> -> memref<80xi32, #tpu.memory_space<hbm>>
    tpu.wait_dma2 semaphore(%arg40 : memref<!tpu.dma_semaphore, #tpu.memory_space<semaphore_mem>>) src(%dma_wait3A_117 : memref<80xi32, #tpu.memory_space<hbm>>) dst(%arg19 : memref<80xi32, #tpu.memory_space<vmem>>)
    %dma_wait3A_118 = arith.constant 0 : i32
    %dma_wait3A_119 = arith.constant 0 : i32
    %dma_wait3A_120 = tpu.memref_slice %arg27[%dma_wait3A_118, %dma_wait3A_119] : memref<10240x128xf32, #tpu.memory_space<vmem_shared>> -> memref<10240x128xf32, #tpu.memory_space<vmem_shared>>
    tpu.wait_indirect_dma semaphore(%arg48 : memref<!tpu.dma_semaphore, #tpu.memory_space<semaphore_mem>>) src(%arg23 : memref<80x128xf32, #tpu.memory_space<vmem>>) dst(%dma_wait3A_120 : memref<10240x128xf32, #tpu.memory_space<vmem_shared>>)
    %dma_start3A_121 = arith.constant 0 : i32
    %dma_start3A_122 = arith.constant 0 : i32
    %dma_start3A_123 = tpu.memref_slice %arg2[%dma_start3A_121, %dma_start3A_122] : memref<10000x128xf32, #tpu.memory_space<hbm>> -> memref<10000x128xf32, #tpu.memory_space<hbm>>
    tpu.enqueue_indirect_dma source(%dma_start3A_123 : memref<10000x128xf32, #tpu.memory_space<hbm>>) target(%arg23 : memref<80x128xf32, #tpu.memory_space<vmem>>) offsets(%arg11 : memref<80xi32, #tpu.memory_space<vmem>>) semaphore(%arg44 : memref<!tpu.dma_semaphore, #tpu.memory_space<semaphore_mem>>)
    %dma_wait3A_124 = arith.constant 0 : i32
    %dma_wait3A_125 = arith.constant 0 : i32
    %dma_wait3A_126 = tpu.memref_slice %arg2[%dma_wait3A_124, %dma_wait3A_125] : memref<10000x128xf32, #tpu.memory_space<hbm>> -> memref<10000x128xf32, #tpu.memory_space<hbm>>
    tpu.wait_indirect_dma semaphore(%arg46 : memref<!tpu.dma_semaphore, #tpu.memory_space<semaphore_mem>>) src(%dma_wait3A_126 : memref<10000x128xf32, #tpu.memory_space<hbm>>) dst(%arg25 : memref<80x128xf32, #tpu.memory_space<vmem>>)
    %dma_start3A_127 = arith.constant 0 : i32
    %dma_start3A_128 = arith.constant 0 : i32
    %dma_start3A_129 = tpu.memref_slice %arg27[%dma_start3A_127, %dma_start3A_128] : memref<10240x128xf32, #tpu.memory_space<vmem_shared>> -> memref<10240x128xf32, #tpu.memory_space<vmem_shared>>
    tpu.enqueue_indirect_dma source(%arg25 : memref<80x128xf32, #tpu.memory_space<vmem>>) target(%dma_start3A_129 : memref<10240x128xf32, #tpu.memory_space<vmem_shared>>) offsets(%arg17 : memref<80xi32, #tpu.memory_space<vmem>>) semaphore(%arg50 : memref<!tpu.dma_semaphore, #tpu.memory_space<semaphore_mem>>) {add = true}
    %dma_wait3A_130 = arith.constant 0 : i32
    %dma_wait3A_131 = arith.constant 0 : i32
    %dma_wait3A_132 = tpu.memref_slice %arg2[%dma_wait3A_130, %dma_wait3A_131] : memref<10000x128xf32, #tpu.memory_space<hbm>> -> memref<10000x128xf32, #tpu.memory_space<hbm>>
    tpu.wait_indirect_dma semaphore(%arg47 : memref<!tpu.dma_semaphore, #tpu.memory_space<semaphore_mem>>) src(%dma_wait3A_132 : memref<10000x128xf32, #tpu.memory_space<hbm>>) dst(%arg26 : memref<80x128xf32, #tpu.memory_space<vmem>>)
    %dma_start3A_133 = arith.constant 0 : i32
    %dma_start3A_134 = arith.constant 0 : i32
    %dma_start3A_135 = tpu.memref_slice %arg27[%dma_start3A_133, %dma_start3A_134] : memref<10240x128xf32, #tpu.memory_space<vmem_shared>> -> memref<10240x128xf32, #tpu.memory_space<vmem_shared>>
    tpu.enqueue_indirect_dma source(%arg26 : memref<80x128xf32, #tpu.memory_space<vmem>>) target(%dma_start3A_135 : memref<10240x128xf32, #tpu.memory_space<vmem_shared>>) offsets(%arg18 : memref<80xi32, #tpu.memory_space<vmem>>) semaphore(%arg51 : memref<!tpu.dma_semaphore, #tpu.memory_space<semaphore_mem>>) {add = true}
    %dma_wait3A_136 = arith.constant 0 : i32
    %dma_wait3A_137 = arith.constant 0 : i32
    %dma_wait3A_138 = tpu.memref_slice %arg2[%dma_wait3A_136, %dma_wait3A_137] : memref<10000x128xf32, #tpu.memory_space<hbm>> -> memref<10000x128xf32, #tpu.memory_space<hbm>>
    tpu.wait_indirect_dma semaphore(%arg44 : memref<!tpu.dma_semaphore, #tpu.memory_space<semaphore_mem>>) src(%dma_wait3A_138 : memref<10000x128xf32, #tpu.memory_space<hbm>>) dst(%arg23 : memref<80x128xf32, #tpu.memory_space<vmem>>)
    %dma_start3A_139 = arith.constant 0 : i32
    %dma_start3A_140 = arith.constant 0 : i32
    %dma_start3A_141 = tpu.memref_slice %arg27[%dma_start3A_139, %dma_start3A_140] : memref<10240x128xf32, #tpu.memory_space<vmem_shared>> -> memref<10240x128xf32, #tpu.memory_space<vmem_shared>>
    tpu.enqueue_indirect_dma source(%arg23 : memref<80x128xf32, #tpu.memory_space<vmem>>) target(%dma_start3A_141 : memref<10240x128xf32, #tpu.memory_space<vmem_shared>>) offsets(%arg19 : memref<80xi32, #tpu.memory_space<vmem>>) semaphore(%arg48 : memref<!tpu.dma_semaphore, #tpu.memory_space<semaphore_mem>>) {add = true}
    %dma_wait3A_142 = arith.constant 0 : i32
    %dma_wait3A_143 = arith.constant 0 : i32
    %dma_wait3A_144 = tpu.memref_slice %arg27[%dma_wait3A_142, %dma_wait3A_143] : memref<10240x128xf32, #tpu.memory_space<vmem_shared>> -> memref<10240x128xf32, #tpu.memory_space<vmem_shared>>
    tpu.wait_indirect_dma semaphore(%arg48 : memref<!tpu.dma_semaphore, #tpu.memory_space<semaphore_mem>>) src(%arg23 : memref<80x128xf32, #tpu.memory_space<vmem>>) dst(%dma_wait3A_144 : memref<10240x128xf32, #tpu.memory_space<vmem_shared>>)
    %dma_wait3A_145 = arith.constant 0 : i32
    %dma_wait3A_146 = arith.constant 0 : i32
    %dma_wait3A_147 = tpu.memref_slice %arg27[%dma_wait3A_145, %dma_wait3A_146] : memref<10240x128xf32, #tpu.memory_space<vmem_shared>> -> memref<10240x128xf32, #tpu.memory_space<vmem_shared>>
    tpu.wait_indirect_dma semaphore(%arg49 : memref<!tpu.dma_semaphore, #tpu.memory_space<semaphore_mem>>) src(%arg24 : memref<80x128xf32, #tpu.memory_space<vmem>>) dst(%dma_wait3A_147 : memref<10240x128xf32, #tpu.memory_space<vmem_shared>>)
    %dma_wait3A_148 = arith.constant 0 : i32
    %dma_wait3A_149 = arith.constant 0 : i32
    %dma_wait3A_150 = tpu.memref_slice %arg27[%dma_wait3A_148, %dma_wait3A_149] : memref<10240x128xf32, #tpu.memory_space<vmem_shared>> -> memref<10240x128xf32, #tpu.memory_space<vmem_shared>>
    tpu.wait_indirect_dma semaphore(%arg50 : memref<!tpu.dma_semaphore, #tpu.memory_space<semaphore_mem>>) src(%arg25 : memref<80x128xf32, #tpu.memory_space<vmem>>) dst(%dma_wait3A_150 : memref<10240x128xf32, #tpu.memory_space<vmem_shared>>)
    %dma_wait3A_151 = arith.constant 0 : i32
    %dma_wait3A_152 = arith.constant 0 : i32
    %dma_wait3A_153 = tpu.memref_slice %arg27[%dma_wait3A_151, %dma_wait3A_152] : memref<10240x128xf32, #tpu.memory_space<vmem_shared>> -> memref<10240x128xf32, #tpu.memory_space<vmem_shared>>
    tpu.wait_indirect_dma semaphore(%arg51 : memref<!tpu.dma_semaphore, #tpu.memory_space<semaphore_mem>>) src(%arg26 : memref<80x128xf32, #tpu.memory_space<vmem>>) dst(%dma_wait3A_153 : memref<10240x128xf32, #tpu.memory_space<vmem_shared>>)
    %barrier3A_154 = arith.constant 0 : index
    tpu.barrier barrier_id(%barrier3A_154)
    %mul3A_155 = arith.constant 10240 : i32
    %mul3A_156 = arith.muli %arg0, %mul3A_155 : i32
    %mul3A_157 = arith.constant 640 : i32
    %mul3A_158 = arith.muli %arg1, %mul3A_157 : i32
    %add3A_159 = arith.addi %mul3A_156, %mul3A_158 : i32
    %mul3A_160 = arith.constant 640 : i32
    %mul3A_161 = arith.muli %arg1, %mul3A_160 : i32
    "tpu.region"() ({
      %run_scoped3A = tpu.sem_alloc : memref<!tpu.dma_semaphore, #tpu.memory_space<semaphore_mem>>
      %dma_start3A_162 = arith.constant 0 : i32
      %dma_start3A_163 = tpu.memref_slice %arg6[%add3A_159, %dma_start3A_162] : memref<20480x128xf32, #tpu.memory_space<hbm>> -> memref<640x128xf32, #tpu.memory_space<hbm>>
      %dma_start3A_164 = arith.constant 0 : i32
      %dma_start3A_165 = tpu.memref_slice %arg27[%mul3A_161, %dma_start3A_164] : memref<10240x128xf32, #tpu.memory_space<vmem_shared>> -> memref<640x128xf32, #tpu.memory_space<vmem_shared>>
      tpu.enqueue_dma source(%dma_start3A_165 : memref<640x128xf32, #tpu.memory_space<vmem_shared>>) target(%dma_start3A_163 : memref<640x128xf32, #tpu.memory_space<hbm>>) target_semaphore(%run_scoped3A : memref<!tpu.dma_semaphore, #tpu.memory_space<semaphore_mem>>)
      %dma_wait3A_166 = arith.constant 0 : i32
      %dma_wait3A_167 = tpu.memref_slice %arg6[%add3A_159, %dma_wait3A_166] : memref<20480x128xf32, #tpu.memory_space<hbm>> -> memref<640x128xf32, #tpu.memory_space<hbm>>
      %dma_wait3A_168 = arith.constant 0 : i32
      %dma_wait3A_169 = tpu.memref_slice %arg27[%mul3A_161, %dma_wait3A_168] : memref<10240x128xf32, #tpu.memory_space<vmem_shared>> -> memref<640x128xf32, #tpu.memory_space<vmem_shared>>
      tpu.wait_dma2 semaphore(%run_scoped3A : memref<!tpu.dma_semaphore, #tpu.memory_space<semaphore_mem>>) src(%dma_wait3A_169 : memref<640x128xf32, #tpu.memory_space<vmem_shared>>) dst(%dma_wait3A_167 : memref<640x128xf32, #tpu.memory_space<hbm>>)
      tpu.yield
    }) : () -> ()
    return
  }
}

#map = affine_map<(d0, d1) -> (0, 0)>
#map1 = affine_map<(d0, d1) -> (0)>
module attributes {stable_mosaic.version = 14 : i64} {
  func.func @_sc_agg_body(%arg0: i32, %arg1: i32, %arg2: memref<10000x128xf32, #tpu.memory_space<hbm>>, %arg3: memref<320000xi32, #tpu.memory_space<hbm>>, %arg4: memref<320000xi32, #tpu.memory_space<hbm>>, %arg5: memref<640x128xf32, #tpu.memory_space<hbm>>, %arg6: memref<20480x128xf32, #tpu.memory_space<hbm>>, %arg7: memref<80xi32, #tpu.memory_space<vmem>>, %arg8: memref<80xi32, #tpu.memory_space<vmem>>, %arg9: memref<80xi32, #tpu.memory_space<vmem>>, %arg10: memref<80xi32, #tpu.memory_space<vmem>>, %arg11: memref<80xi32, #tpu.memory_space<vmem>>, %arg12: memref<80xi32, #tpu.memory_space<vmem>>, %arg13: memref<80xi32, #tpu.memory_space<vmem>>, %arg14: memref<80xi32, #tpu.memory_space<vmem>>, %arg15: memref<80xi32, #tpu.memory_space<vmem>>, %arg16: memref<80xi32, #tpu.memory_space<vmem>>, %arg17: memref<80xi32, #tpu.memory_space<vmem>>, %arg18: memref<80xi32, #tpu.memory_space<vmem>>, %arg19: memref<80xi32, #tpu.memory_space<vmem>>, %arg20: memref<80xi32, #tpu.memory_space<vmem>>, %arg21: memref<80xi32, #tpu.memory_space<vmem>>, %arg22: memref<80xi32, #tpu.memory_space<vmem>>, %arg23: memref<80x128xf32, #tpu.memory_space<vmem>>, %arg24: memref<80x128xf32, #tpu.memory_space<vmem>>, %arg25: memref<80x128xf32, #tpu.memory_space<vmem>>, %arg26: memref<80x128xf32, #tpu.memory_space<vmem>>, %arg27: memref<10240x128xf32, #tpu.memory_space<vmem_shared>>, %arg28: memref<!tpu.dma_semaphore, #tpu.memory_space<semaphore_mem>>, %arg29: memref<!tpu.dma_semaphore, #tpu.memory_space<semaphore_mem>>, %arg30: memref<!tpu.dma_semaphore, #tpu.memory_space<semaphore_mem>>, %arg31: memref<!tpu.dma_semaphore, #tpu.memory_space<semaphore_mem>>, %arg32: memref<!tpu.dma_semaphore, #tpu.memory_space<semaphore_mem>>, %arg33: memref<!tpu.dma_semaphore, #tpu.memory_space<semaphore_mem>>, %arg34: memref<!tpu.dma_semaphore, #tpu.memory_space<semaphore_mem>>, %arg35: memref<!tpu.dma_semaphore, #tpu.memory_space<semaphore_mem>>, %arg36: memref<!tpu.dma_semaphore, #tpu.memory_space<semaphore_mem>>, %arg37: memref<!tpu.dma_semaphore, #tpu.memory_space<semaphore_mem>>, %arg38: memref<!tpu.dma_semaphore, #tpu.memory_space<semaphore_mem>>, %arg39: memref<!tpu.dma_semaphore, #tpu.memory_space<semaphore_mem>>, %arg40: memref<!tpu.dma_semaphore, #tpu.memory_space<semaphore_mem>>, %arg41: memref<!tpu.dma_semaphore, #tpu.memory_space<semaphore_mem>>, %arg42: memref<!tpu.dma_semaphore, #tpu.memory_space<semaphore_mem>>, %arg43: memref<!tpu.dma_semaphore, #tpu.memory_space<semaphore_mem>>, %arg44: memref<!tpu.dma_semaphore, #tpu.memory_space<semaphore_mem>>, %arg45: memref<!tpu.dma_semaphore, #tpu.memory_space<semaphore_mem>>, %arg46: memref<!tpu.dma_semaphore, #tpu.memory_space<semaphore_mem>>, %arg47: memref<!tpu.dma_semaphore, #tpu.memory_space<semaphore_mem>>, %arg48: memref<!tpu.dma_semaphore, #tpu.memory_space<semaphore_mem>>, %arg49: memref<!tpu.dma_semaphore, #tpu.memory_space<semaphore_mem>>, %arg50: memref<!tpu.dma_semaphore, #tpu.memory_space<semaphore_mem>>, %arg51: memref<!tpu.dma_semaphore, #tpu.memory_space<semaphore_mem>>) attributes {dimension_semantics = [#tpu.dimension_semantics<core_parallel>, #tpu.dimension_semantics<subcore_parallel>], iteration_bounds = array<i64: 2, 16>, scalar_prefetch = 0 : i64, scratch_operands = 45 : i64, tpu.core_type = #tpu.core_type<sc_vector_subcore>, window_params = [{transform_indices = #map}, {transform_indices = #map1}, {transform_indices = #map1}, {transform_indices = #map}, {transform_indices = #map}]} {
    %mul3A = arith.constant 16 : i32
    %mul3A_0 = arith.muli %arg0, %mul3A : i32
    %add3A = arith.addi %mul3A_0, %arg1 : i32
    %mul3A_1 = arith.constant 10000 : i32
    %mul3A_2 = arith.muli %add3A, %mul3A_1 : i32
    %mul3A_3 = arith.constant 640 : i32
    %mul3A_4 = arith.muli %arg1, %mul3A_3 : i32
    "tpu.region"() ({
      %run_scoped3A = tpu.sem_alloc : memref<!tpu.dma_semaphore, #tpu.memory_space<semaphore_mem>>
      %dma_start3A_162 = arith.constant 0 : i32
      %dma_start3A_163 = tpu.memref_slice %arg27[%mul3A_4, %dma_start3A_162] : memref<10240x128xf32, #tpu.memory_space<vmem_shared>> -> memref<640x128xf32, #tpu.memory_space<vmem_shared>>
      tpu.enqueue_dma source(%arg5 : memref<640x128xf32, #tpu.memory_space<hbm>>) target(%dma_start3A_163 : memref<640x128xf32, #tpu.memory_space<vmem_shared>>) target_semaphore(%run_scoped3A : memref<!tpu.dma_semaphore, #tpu.memory_space<semaphore_mem>>)
      %dma_wait3A_164 = arith.constant 0 : i32
      %dma_wait3A_165 = tpu.memref_slice %arg27[%mul3A_4, %dma_wait3A_164] : memref<10240x128xf32, #tpu.memory_space<vmem_shared>> -> memref<640x128xf32, #tpu.memory_space<vmem_shared>>
      tpu.wait_dma2 semaphore(%run_scoped3A : memref<!tpu.dma_semaphore, #tpu.memory_space<semaphore_mem>>) src(%arg5 : memref<640x128xf32, #tpu.memory_space<hbm>>) dst(%dma_wait3A_165 : memref<640x128xf32, #tpu.memory_space<vmem_shared>>)
      tpu.yield
    }) : () -> ()
    %add3A_5 = arith.constant 0 : i32
    %add3A_6 = arith.addi %mul3A_2, %add3A_5 : i32
    %dma_start3A = tpu.memref_slice %arg3[%add3A_6] : memref<320000xi32, #tpu.memory_space<hbm>> -> memref<80xi32, #tpu.memory_space<hbm>>
    %dma_start3A_7 = tpu.memref_slice %arg3[%add3A_6] : memref<320000xi32, #tpu.memory_space<hbm>> -> memref<80xi32, #tpu.memory_space<hbm>>
    tpu.enqueue_dma source(%dma_start3A_7 : memref<80xi32, #tpu.memory_space<hbm>>) target(%arg7 : memref<80xi32, #tpu.memory_space<vmem>>) target_semaphore(%arg28 : memref<!tpu.dma_semaphore, #tpu.memory_space<semaphore_mem>>)
    %add3A_8 = arith.constant 0 : i32
    %add3A_9 = arith.addi %mul3A_2, %add3A_8 : i32
    %dma_start3A_10 = tpu.memref_slice %arg4[%add3A_9] : memref<320000xi32, #tpu.memory_space<hbm>> -> memref<80xi32, #tpu.memory_space<hbm>>
    %dma_start3A_11 = tpu.memref_slice %arg4[%add3A_9] : memref<320000xi32, #tpu.memory_space<hbm>> -> memref<80xi32, #tpu.memory_space<hbm>>
    tpu.enqueue_dma source(%dma_start3A_11 : memref<80xi32, #tpu.memory_space<hbm>>) target(%arg15 : memref<80xi32, #tpu.memory_space<vmem>>) target_semaphore(%arg36 : memref<!tpu.dma_semaphore, #tpu.memory_space<semaphore_mem>>)
    %add3A_12 = arith.constant 80 : i32
    %add3A_13 = arith.addi %mul3A_2, %add3A_12 : i32
    %dma_start3A_14 = tpu.memref_slice %arg3[%add3A_13] : memref<320000xi32, #tpu.memory_space<hbm>> -> memref<80xi32, #tpu.memory_space<hbm>>
    %dma_start3A_15 = tpu.memref_slice %arg3[%add3A_13] : memref<320000xi32, #tpu.memory_space<hbm>> -> memref<80xi32, #tpu.memory_space<hbm>>
    tpu.enqueue_dma source(%dma_start3A_15 : memref<80xi32, #tpu.memory_space<hbm>>) target(%arg8 : memref<80xi32, #tpu.memory_space<vmem>>) target_semaphore(%arg29 : memref<!tpu.dma_semaphore, #tpu.memory_space<semaphore_mem>>)
    %add3A_16 = arith.constant 80 : i32
    %add3A_17 = arith.addi %mul3A_2, %add3A_16 : i32
    %dma_start3A_18 = tpu.memref_slice %arg4[%add3A_17] : memref<320000xi32, #tpu.memory_space<hbm>> -> memref<80xi32, #tpu.memory_space<hbm>>
    %dma_start3A_19 = tpu.memref_slice %arg4[%add3A_17] : memref<320000xi32, #tpu.memory_space<hbm>> -> memref<80xi32, #tpu.memory_space<hbm>>
    tpu.enqueue_dma source(%dma_start3A_19 : memref<80xi32, #tpu.memory_space<hbm>>) target(%arg16 : memref<80xi32, #tpu.memory_space<vmem>>) target_semaphore(%arg37 : memref<!tpu.dma_semaphore, #tpu.memory_space<semaphore_mem>>)
    %add3A_20 = arith.constant 160 : i32
    %add3A_21 = arith.addi %mul3A_2, %add3A_20 : i32
    %dma_start3A_22 = tpu.memref_slice %arg3[%add3A_21] : memref<320000xi32, #tpu.memory_space<hbm>> -> memref<80xi32, #tpu.memory_space<hbm>>
    %dma_start3A_23 = tpu.memref_slice %arg3[%add3A_21] : memref<320000xi32, #tpu.memory_space<hbm>> -> memref<80xi32, #tpu.memory_space<hbm>>
    tpu.enqueue_dma source(%dma_start3A_23 : memref<80xi32, #tpu.memory_space<hbm>>) target(%arg9 : memref<80xi32, #tpu.memory_space<vmem>>) target_semaphore(%arg30 : memref<!tpu.dma_semaphore, #tpu.memory_space<semaphore_mem>>)
    %add3A_24 = arith.constant 160 : i32
    %add3A_25 = arith.addi %mul3A_2, %add3A_24 : i32
    %dma_start3A_26 = tpu.memref_slice %arg4[%add3A_25] : memref<320000xi32, #tpu.memory_space<hbm>> -> memref<80xi32, #tpu.memory_space<hbm>>
    %dma_start3A_27 = tpu.memref_slice %arg4[%add3A_25] : memref<320000xi32, #tpu.memory_space<hbm>> -> memref<80xi32, #tpu.memory_space<hbm>>
    tpu.enqueue_dma source(%dma_start3A_27 : memref<80xi32, #tpu.memory_space<hbm>>) target(%arg17 : memref<80xi32, #tpu.memory_space<vmem>>) target_semaphore(%arg38 : memref<!tpu.dma_semaphore, #tpu.memory_space<semaphore_mem>>)
    %add3A_28 = arith.constant 0 : i32
    %add3A_29 = arith.addi %mul3A_2, %add3A_28 : i32
    %dma_wait3A = tpu.memref_slice %arg3[%add3A_29] : memref<320000xi32, #tpu.memory_space<hbm>> -> memref<80xi32, #tpu.memory_space<hbm>>
    %dma_wait3A_30 = tpu.memref_slice %arg3[%add3A_29] : memref<320000xi32, #tpu.memory_space<hbm>> -> memref<80xi32, #tpu.memory_space<hbm>>
    tpu.wait_dma2 semaphore(%arg28 : memref<!tpu.dma_semaphore, #tpu.memory_space<semaphore_mem>>) src(%dma_wait3A_30 : memref<80xi32, #tpu.memory_space<hbm>>) dst(%arg7 : memref<80xi32, #tpu.memory_space<vmem>>)
    %add3A_31 = arith.constant 0 : i32
    %add3A_32 = arith.addi %mul3A_2, %add3A_31 : i32
    %dma_wait3A_33 = tpu.memref_slice %arg4[%add3A_32] : memref<320000xi32, #tpu.memory_space<hbm>> -> memref<80xi32, #tpu.memory_space<hbm>>
    %dma_wait3A_34 = tpu.memref_slice %arg4[%add3A_32] : memref<320000xi32, #tpu.memory_space<hbm>> -> memref<80xi32, #tpu.memory_space<hbm>>
    tpu.wait_dma2 semaphore(%arg36 : memref<!tpu.dma_semaphore, #tpu.memory_space<semaphore_mem>>) src(%dma_wait3A_34 : memref<80xi32, #tpu.memory_space<hbm>>) dst(%arg15 : memref<80xi32, #tpu.memory_space<vmem>>)
    %dma_start3A_35 = arith.constant 0 : i32
    %dma_start3A_36 = arith.constant 0 : i32
    %dma_start3A_37 = tpu.memref_slice %arg2[%dma_start3A_35, %dma_start3A_36] : memref<10000x128xf32, #tpu.memory_space<hbm>> -> memref<10000x128xf32, #tpu.memory_space<hbm>>
    tpu.enqueue_indirect_dma source(%dma_start3A_37 : memref<10000x128xf32, #tpu.memory_space<hbm>>) target(%arg23 : memref<80x128xf32, #tpu.memory_space<vmem>>) offsets(%arg7 : memref<80xi32, #tpu.memory_space<vmem>>) semaphore(%arg44 : memref<!tpu.dma_semaphore, #tpu.memory_space<semaphore_mem>>)
    %add3A_38 = arith.constant 80 : i32
    %add3A_39 = arith.addi %mul3A_2, %add3A_38 : i32
    %dma_wait3A_40 = tpu.memref_slice %arg3[%add3A_39] : memref<320000xi32, #tpu.memory_space<hbm>> -> memref<80xi32, #tpu.memory_space<hbm>>
    %dma_wait3A_41 = tpu.memref_slice %arg3[%add3A_39] : memref<320000xi32, #tpu.memory_space<hbm>> -> memref<80xi32, #tpu.memory_space<hbm>>
    tpu.wait_dma2 semaphore(%arg29 : memref<!tpu.dma_semaphore, #tpu.memory_space<semaphore_mem>>) src(%dma_wait3A_41 : memref<80xi32, #tpu.memory_space<hbm>>) dst(%arg8 : memref<80xi32, #tpu.memory_space<vmem>>)
    %add3A_42 = arith.constant 80 : i32
    %add3A_43 = arith.addi %mul3A_2, %add3A_42 : i32
    %dma_wait3A_44 = tpu.memref_slice %arg4[%add3A_43] : memref<320000xi32, #tpu.memory_space<hbm>> -> memref<80xi32, #tpu.memory_space<hbm>>
    %dma_wait3A_45 = tpu.memref_slice %arg4[%add3A_43] : memref<320000xi32, #tpu.memory_space<hbm>> -> memref<80xi32, #tpu.memory_space<hbm>>
    tpu.wait_dma2 semaphore(%arg37 : memref<!tpu.dma_semaphore, #tpu.memory_space<semaphore_mem>>) src(%dma_wait3A_45 : memref<80xi32, #tpu.memory_space<hbm>>) dst(%arg16 : memref<80xi32, #tpu.memory_space<vmem>>)
    %dma_start3A_46 = arith.constant 0 : i32
    %dma_start3A_47 = arith.constant 0 : i32
    %dma_start3A_48 = tpu.memref_slice %arg2[%dma_start3A_46, %dma_start3A_47] : memref<10000x128xf32, #tpu.memory_space<hbm>> -> memref<10000x128xf32, #tpu.memory_space<hbm>>
    tpu.enqueue_indirect_dma source(%dma_start3A_48 : memref<10000x128xf32, #tpu.memory_space<hbm>>) target(%arg24 : memref<80x128xf32, #tpu.memory_space<vmem>>) offsets(%arg8 : memref<80xi32, #tpu.memory_space<vmem>>) semaphore(%arg45 : memref<!tpu.dma_semaphore, #tpu.memory_space<semaphore_mem>>)
    %barrier3A = arith.constant 0 : index
    tpu.barrier barrier_id(%barrier3A)
    %scan3A = arith.constant 0 : i32
    %scan3A_49 = arith.constant 0 : i32
    %scan3A_50 = arith.constant 15 : i32
    %scan3A_51 = arith.addi %scan3A_49, %scan3A_50 : i32
    %scan3A_52 = arith.constant 1 : i32
    scf.for %scan3A_162 = %scan3A_49 to %scan3A_51 step %scan3A_52  : i32 {
      %mul3A_163 = arith.constant 8 : i32
      %mul3A_164 = arith.muli %mul3A_163, %scan3A_162 : i32
      %add3A_165 = arith.constant 0 : i32
      %add3A_166 = arith.addi %mul3A_164, %add3A_165 : i32
      %add3A_167 = arith.constant 3 : i32
      %add3A_168 = arith.addi %add3A_166, %add3A_167 : i32
      %lt3A = arith.constant 125 : i32
      %lt3A_169 = arith.cmpi slt, %add3A_168, %lt3A : i32
      %convert_element_type3A = arith.extui %lt3A_169 : i1 to i32
      %cond3A = arith.constant 0 : i32
      %cond3A_170 = arith.cmpi ne, %convert_element_type3A, %cond3A : i32
      scf.if %cond3A_170 {
        %add3A_352 = arith.constant 3 : i32
        %add3A_353 = arith.addi %add3A_166, %add3A_352 : i32
        %mul3A_354 = arith.constant 80 : i32
        %mul3A_355 = arith.muli %add3A_353, %mul3A_354 : i32
        %add3A_356 = arith.addi %mul3A_2, %mul3A_355 : i32
        %dma_start3A_357 = tpu.memref_slice %arg3[%add3A_356] : memref<320000xi32, #tpu.memory_space<hbm>> -> memref<80xi32, #tpu.memory_space<hbm>>
        %dma_start3A_358 = tpu.memref_slice %arg3[%add3A_356] : memref<320000xi32, #tpu.memory_space<hbm>> -> memref<80xi32, #tpu.memory_space<hbm>>
        tpu.enqueue_dma source(%dma_start3A_358 : memref<80xi32, #tpu.memory_space<hbm>>) target(%arg10 : memref<80xi32, #tpu.memory_space<vmem>>) target_semaphore(%arg31 : memref<!tpu.dma_semaphore, #tpu.memory_space<semaphore_mem>>)
        %mul3A_359 = arith.constant 80 : i32
        %mul3A_360 = arith.muli %add3A_353, %mul3A_359 : i32
        %add3A_361 = arith.addi %mul3A_2, %mul3A_360 : i32
        %dma_start3A_362 = tpu.memref_slice %arg4[%add3A_361] : memref<320000xi32, #tpu.memory_space<hbm>> -> memref<80xi32, #tpu.memory_space<hbm>>
        %dma_start3A_363 = tpu.memref_slice %arg4[%add3A_361] : memref<320000xi32, #tpu.memory_space<hbm>> -> memref<80xi32, #tpu.memory_space<hbm>>
        tpu.enqueue_dma source(%dma_start3A_363 : memref<80xi32, #tpu.memory_space<hbm>>) target(%arg18 : memref<80xi32, #tpu.memory_space<vmem>>) target_semaphore(%arg39 : memref<!tpu.dma_semaphore, #tpu.memory_space<semaphore_mem>>)
      } else {
      }
      %add3A_171 = arith.constant 2 : i32
      %add3A_172 = arith.addi %add3A_166, %add3A_171 : i32
      %lt3A_173 = arith.constant 125 : i32
      %lt3A_174 = arith.cmpi slt, %add3A_172, %lt3A_173 : i32
      %convert_element_type3A_175 = arith.extui %lt3A_174 : i1 to i32
      %cond3A_176 = arith.constant 0 : i32
      %cond3A_177 = arith.cmpi ne, %convert_element_type3A_175, %cond3A_176 : i32
      scf.if %cond3A_177 {
        %add3A_352 = arith.constant 2 : i32
        %add3A_353 = arith.addi %add3A_166, %add3A_352 : i32
        %mul3A_354 = arith.constant 80 : i32
        %mul3A_355 = arith.muli %add3A_353, %mul3A_354 : i32
        %add3A_356 = arith.addi %mul3A_2, %mul3A_355 : i32
        %dma_wait3A_357 = tpu.memref_slice %arg3[%add3A_356] : memref<320000xi32, #tpu.memory_space<hbm>> -> memref<80xi32, #tpu.memory_space<hbm>>
        %dma_wait3A_358 = tpu.memref_slice %arg3[%add3A_356] : memref<320000xi32, #tpu.memory_space<hbm>> -> memref<80xi32, #tpu.memory_space<hbm>>
        tpu.wait_dma2 semaphore(%arg30 : memref<!tpu.dma_semaphore, #tpu.memory_space<semaphore_mem>>) src(%dma_wait3A_358 : memref<80xi32, #tpu.memory_space<hbm>>) dst(%arg9 : memref<80xi32, #tpu.memory_space<vmem>>)
        %mul3A_359 = arith.constant 80 : i32
        %mul3A_360 = arith.muli %add3A_353, %mul3A_359 : i32
        %add3A_361 = arith.addi %mul3A_2, %mul3A_360 : i32
        %dma_wait3A_362 = tpu.memref_slice %arg4[%add3A_361] : memref<320000xi32, #tpu.memory_space<hbm>> -> memref<80xi32, #tpu.memory_space<hbm>>
        %dma_wait3A_363 = tpu.memref_slice %arg4[%add3A_361] : memref<320000xi32, #tpu.memory_space<hbm>> -> memref<80xi32, #tpu.memory_space<hbm>>
        tpu.wait_dma2 semaphore(%arg38 : memref<!tpu.dma_semaphore, #tpu.memory_space<semaphore_mem>>) src(%dma_wait3A_363 : memref<80xi32, #tpu.memory_space<hbm>>) dst(%arg17 : memref<80xi32, #tpu.memory_space<vmem>>)
        %ge3A = arith.constant 4 : i32
        %ge3A_364 = arith.cmpi sge, %add3A_353, %ge3A : i32
        %convert_element_type3A_365 = arith.extui %ge3A_364 : i1 to i32
        %cond3A_366 = arith.constant 0 : i32
        %cond3A_367 = arith.cmpi ne, %convert_element_type3A_365, %cond3A_366 : i32
        scf.if %cond3A_367 {
          %dma_wait3A_371 = arith.constant 0 : i32
          %dma_wait3A_372 = arith.constant 0 : i32
          %dma_wait3A_373 = tpu.memref_slice %arg27[%dma_wait3A_371, %dma_wait3A_372] : memref<10240x128xf32, #tpu.memory_space<vmem_shared>> -> memref<10240x128xf32, #tpu.memory_space<vmem_shared>>
          tpu.wait_indirect_dma semaphore(%arg50 : memref<!tpu.dma_semaphore, #tpu.memory_space<semaphore_mem>>) src(%arg25 : memref<80x128xf32, #tpu.memory_space<vmem>>) dst(%dma_wait3A_373 : memref<10240x128xf32, #tpu.memory_space<vmem_shared>>)
        } else {
        }
        %dma_start3A_368 = arith.constant 0 : i32
        %dma_start3A_369 = arith.constant 0 : i32
        %dma_start3A_370 = tpu.memref_slice %arg2[%dma_start3A_368, %dma_start3A_369] : memref<10000x128xf32, #tpu.memory_space<hbm>> -> memref<10000x128xf32, #tpu.memory_space<hbm>>
        tpu.enqueue_indirect_dma source(%dma_start3A_370 : memref<10000x128xf32, #tpu.memory_space<hbm>>) target(%arg25 : memref<80x128xf32, #tpu.memory_space<vmem>>) offsets(%arg9 : memref<80xi32, #tpu.memory_space<vmem>>) semaphore(%arg46 : memref<!tpu.dma_semaphore, #tpu.memory_space<semaphore_mem>>)
      } else {
      }
      %dma_wait3A_178 = arith.constant 0 : i32
      %dma_wait3A_179 = arith.constant 0 : i32
      %dma_wait3A_180 = tpu.memref_slice %arg2[%dma_wait3A_178, %dma_wait3A_179] : memref<10000x128xf32, #tpu.memory_space<hbm>> -> memref<10000x128xf32, #tpu.memory_space<hbm>>
      tpu.wait_indirect_dma semaphore(%arg44 : memref<!tpu.dma_semaphore, #tpu.memory_space<semaphore_mem>>) src(%dma_wait3A_180 : memref<10000x128xf32, #tpu.memory_space<hbm>>) dst(%arg23 : memref<80x128xf32, #tpu.memory_space<vmem>>)
      %dma_start3A_181 = arith.constant 0 : i32
      %dma_start3A_182 = arith.constant 0 : i32
      %dma_start3A_183 = tpu.memref_slice %arg27[%dma_start3A_181, %dma_start3A_182] : memref<10240x128xf32, #tpu.memory_space<vmem_shared>> -> memref<10240x128xf32, #tpu.memory_space<vmem_shared>>
      tpu.enqueue_indirect_dma source(%arg23 : memref<80x128xf32, #tpu.memory_space<vmem>>) target(%dma_start3A_183 : memref<10240x128xf32, #tpu.memory_space<vmem_shared>>) offsets(%arg15 : memref<80xi32, #tpu.memory_space<vmem>>) semaphore(%arg48 : memref<!tpu.dma_semaphore, #tpu.memory_space<semaphore_mem>>) {add = true}
      %mul3A_184 = arith.constant 8 : i32
      %mul3A_185 = arith.muli %mul3A_184, %scan3A_162 : i32
      %add3A_186 = arith.constant 1 : i32
      %add3A_187 = arith.addi %mul3A_185, %add3A_186 : i32
      %add3A_188 = arith.constant 3 : i32
      %add3A_189 = arith.addi %add3A_187, %add3A_188 : i32
      %lt3A_190 = arith.constant 125 : i32
      %lt3A_191 = arith.cmpi slt, %add3A_189, %lt3A_190 : i32
      %convert_element_type3A_192 = arith.extui %lt3A_191 : i1 to i32
      %cond3A_193 = arith.constant 0 : i32
      %cond3A_194 = arith.cmpi ne, %convert_element_type3A_192, %cond3A_193 : i32
      scf.if %cond3A_194 {
        %add3A_352 = arith.constant 3 : i32
        %add3A_353 = arith.addi %add3A_187, %add3A_352 : i32
        %mul3A_354 = arith.constant 80 : i32
        %mul3A_355 = arith.muli %add3A_353, %mul3A_354 : i32
        %add3A_356 = arith.addi %mul3A_2, %mul3A_355 : i32
        %dma_start3A_357 = tpu.memref_slice %arg3[%add3A_356] : memref<320000xi32, #tpu.memory_space<hbm>> -> memref<80xi32, #tpu.memory_space<hbm>>
        %dma_start3A_358 = tpu.memref_slice %arg3[%add3A_356] : memref<320000xi32, #tpu.memory_space<hbm>> -> memref<80xi32, #tpu.memory_space<hbm>>
        tpu.enqueue_dma source(%dma_start3A_358 : memref<80xi32, #tpu.memory_space<hbm>>) target(%arg11 : memref<80xi32, #tpu.memory_space<vmem>>) target_semaphore(%arg32 : memref<!tpu.dma_semaphore, #tpu.memory_space<semaphore_mem>>)
        %mul3A_359 = arith.constant 80 : i32
        %mul3A_360 = arith.muli %add3A_353, %mul3A_359 : i32
        %add3A_361 = arith.addi %mul3A_2, %mul3A_360 : i32
        %dma_start3A_362 = tpu.memref_slice %arg4[%add3A_361] : memref<320000xi32, #tpu.memory_space<hbm>> -> memref<80xi32, #tpu.memory_space<hbm>>
        %dma_start3A_363 = tpu.memref_slice %arg4[%add3A_361] : memref<320000xi32, #tpu.memory_space<hbm>> -> memref<80xi32, #tpu.memory_space<hbm>>
        tpu.enqueue_dma source(%dma_start3A_363 : memref<80xi32, #tpu.memory_space<hbm>>) target(%arg19 : memref<80xi32, #tpu.memory_space<vmem>>) target_semaphore(%arg40 : memref<!tpu.dma_semaphore, #tpu.memory_space<semaphore_mem>>)
      } else {
      }
      %add3A_195 = arith.constant 2 : i32
      %add3A_196 = arith.addi %add3A_187, %add3A_195 : i32
      %lt3A_197 = arith.constant 125 : i32
      %lt3A_198 = arith.cmpi slt, %add3A_196, %lt3A_197 : i32
      %convert_element_type3A_199 = arith.extui %lt3A_198 : i1 to i32
      %cond3A_200 = arith.constant 0 : i32
      %cond3A_201 = arith.cmpi ne, %convert_element_type3A_199, %cond3A_200 : i32
      scf.if %cond3A_201 {
        %add3A_352 = arith.constant 2 : i32
        %add3A_353 = arith.addi %add3A_187, %add3A_352 : i32
        %mul3A_354 = arith.constant 80 : i32
        %mul3A_355 = arith.muli %add3A_353, %mul3A_354 : i32
        %add3A_356 = arith.addi %mul3A_2, %mul3A_355 : i32
        %dma_wait3A_357 = tpu.memref_slice %arg3[%add3A_356] : memref<320000xi32, #tpu.memory_space<hbm>> -> memref<80xi32, #tpu.memory_space<hbm>>
        %dma_wait3A_358 = tpu.memref_slice %arg3[%add3A_356] : memref<320000xi32, #tpu.memory_space<hbm>> -> memref<80xi32, #tpu.memory_space<hbm>>
        tpu.wait_dma2 semaphore(%arg31 : memref<!tpu.dma_semaphore, #tpu.memory_space<semaphore_mem>>) src(%dma_wait3A_358 : memref<80xi32, #tpu.memory_space<hbm>>) dst(%arg10 : memref<80xi32, #tpu.memory_space<vmem>>)
        %mul3A_359 = arith.constant 80 : i32
        %mul3A_360 = arith.muli %add3A_353, %mul3A_359 : i32
        %add3A_361 = arith.addi %mul3A_2, %mul3A_360 : i32
        %dma_wait3A_362 = tpu.memref_slice %arg4[%add3A_361] : memref<320000xi32, #tpu.memory_space<hbm>> -> memref<80xi32, #tpu.memory_space<hbm>>
        %dma_wait3A_363 = tpu.memref_slice %arg4[%add3A_361] : memref<320000xi32, #tpu.memory_space<hbm>> -> memref<80xi32, #tpu.memory_space<hbm>>
        tpu.wait_dma2 semaphore(%arg39 : memref<!tpu.dma_semaphore, #tpu.memory_space<semaphore_mem>>) src(%dma_wait3A_363 : memref<80xi32, #tpu.memory_space<hbm>>) dst(%arg18 : memref<80xi32, #tpu.memory_space<vmem>>)
        %ge3A = arith.constant 4 : i32
        %ge3A_364 = arith.cmpi sge, %add3A_353, %ge3A : i32
        %convert_element_type3A_365 = arith.extui %ge3A_364 : i1 to i32
        %cond3A_366 = arith.constant 0 : i32
        %cond3A_367 = arith.cmpi ne, %convert_element_type3A_365, %cond3A_366 : i32
        scf.if %cond3A_367 {
          %dma_wait3A_371 = arith.constant 0 : i32
          %dma_wait3A_372 = arith.constant 0 : i32
          %dma_wait3A_373 = tpu.memref_slice %arg27[%dma_wait3A_371, %dma_wait3A_372] : memref<10240x128xf32, #tpu.memory_space<vmem_shared>> -> memref<10240x128xf32, #tpu.memory_space<vmem_shared>>
          tpu.wait_indirect_dma semaphore(%arg51 : memref<!tpu.dma_semaphore, #tpu.memory_space<semaphore_mem>>) src(%arg26 : memref<80x128xf32, #tpu.memory_space<vmem>>) dst(%dma_wait3A_373 : memref<10240x128xf32, #tpu.memory_space<vmem_shared>>)
        } else {
        }
        %dma_start3A_368 = arith.constant 0 : i32
        %dma_start3A_369 = arith.constant 0 : i32
        %dma_start3A_370 = tpu.memref_slice %arg2[%dma_start3A_368, %dma_start3A_369] : memref<10000x128xf32, #tpu.memory_space<hbm>> -> memref<10000x128xf32, #tpu.memory_space<hbm>>
        tpu.enqueue_indirect_dma source(%dma_start3A_370 : memref<10000x128xf32, #tpu.memory_space<hbm>>) target(%arg26 : memref<80x128xf32, #tpu.memory_space<vmem>>) offsets(%arg10 : memref<80xi32, #tpu.memory_space<vmem>>) semaphore(%arg47 : memref<!tpu.dma_semaphore, #tpu.memory_space<semaphore_mem>>)
      } else {
      }
      %dma_wait3A_202 = arith.constant 0 : i32
      %dma_wait3A_203 = arith.constant 0 : i32
      %dma_wait3A_204 = tpu.memref_slice %arg2[%dma_wait3A_202, %dma_wait3A_203] : memref<10000x128xf32, #tpu.memory_space<hbm>> -> memref<10000x128xf32, #tpu.memory_space<hbm>>
      tpu.wait_indirect_dma semaphore(%arg45 : memref<!tpu.dma_semaphore, #tpu.memory_space<semaphore_mem>>) src(%dma_wait3A_204 : memref<10000x128xf32, #tpu.memory_space<hbm>>) dst(%arg24 : memref<80x128xf32, #tpu.memory_space<vmem>>)
      %dma_start3A_205 = arith.constant 0 : i32
      %dma_start3A_206 = arith.constant 0 : i32
      %dma_start3A_207 = tpu.memref_slice %arg27[%dma_start3A_205, %dma_start3A_206] : memref<10240x128xf32, #tpu.memory_space<vmem_shared>> -> memref<10240x128xf32, #tpu.memory_space<vmem_shared>>
      tpu.enqueue_indirect_dma source(%arg24 : memref<80x128xf32, #tpu.memory_space<vmem>>) target(%dma_start3A_207 : memref<10240x128xf32, #tpu.memory_space<vmem_shared>>) offsets(%arg16 : memref<80xi32, #tpu.memory_space<vmem>>) semaphore(%arg49 : memref<!tpu.dma_semaphore, #tpu.memory_space<semaphore_mem>>) {add = true}
      %mul3A_208 = arith.constant 8 : i32
      %mul3A_209 = arith.muli %mul3A_208, %scan3A_162 : i32
      %add3A_210 = arith.constant 2 : i32
      %add3A_211 = arith.addi %mul3A_209, %add3A_210 : i32
      %add3A_212 = arith.constant 3 : i32
      %add3A_213 = arith.addi %add3A_211, %add3A_212 : i32
      %lt3A_214 = arith.constant 125 : i32
      %lt3A_215 = arith.cmpi slt, %add3A_213, %lt3A_214 : i32
      %convert_element_type3A_216 = arith.extui %lt3A_215 : i1 to i32
      %cond3A_217 = arith.constant 0 : i32
      %cond3A_218 = arith.cmpi ne, %convert_element_type3A_216, %cond3A_217 : i32
      scf.if %cond3A_218 {
        %add3A_352 = arith.constant 3 : i32
        %add3A_353 = arith.addi %add3A_211, %add3A_352 : i32
        %mul3A_354 = arith.constant 80 : i32
        %mul3A_355 = arith.muli %add3A_353, %mul3A_354 : i32
        %add3A_356 = arith.addi %mul3A_2, %mul3A_355 : i32
        %dma_start3A_357 = tpu.memref_slice %arg3[%add3A_356] : memref<320000xi32, #tpu.memory_space<hbm>> -> memref<80xi32, #tpu.memory_space<hbm>>
        %dma_start3A_358 = tpu.memref_slice %arg3[%add3A_356] : memref<320000xi32, #tpu.memory_space<hbm>> -> memref<80xi32, #tpu.memory_space<hbm>>
        tpu.enqueue_dma source(%dma_start3A_358 : memref<80xi32, #tpu.memory_space<hbm>>) target(%arg12 : memref<80xi32, #tpu.memory_space<vmem>>) target_semaphore(%arg33 : memref<!tpu.dma_semaphore, #tpu.memory_space<semaphore_mem>>)
        %mul3A_359 = arith.constant 80 : i32
        %mul3A_360 = arith.muli %add3A_353, %mul3A_359 : i32
        %add3A_361 = arith.addi %mul3A_2, %mul3A_360 : i32
        %dma_start3A_362 = tpu.memref_slice %arg4[%add3A_361] : memref<320000xi32, #tpu.memory_space<hbm>> -> memref<80xi32, #tpu.memory_space<hbm>>
        %dma_start3A_363 = tpu.memref_slice %arg4[%add3A_361] : memref<320000xi32, #tpu.memory_space<hbm>> -> memref<80xi32, #tpu.memory_space<hbm>>
        tpu.enqueue_dma source(%dma_start3A_363 : memref<80xi32, #tpu.memory_space<hbm>>) target(%arg20 : memref<80xi32, #tpu.memory_space<vmem>>) target_semaphore(%arg41 : memref<!tpu.dma_semaphore, #tpu.memory_space<semaphore_mem>>)
      } else {
      }
      %add3A_219 = arith.constant 2 : i32
      %add3A_220 = arith.addi %add3A_211, %add3A_219 : i32
      %lt3A_221 = arith.constant 125 : i32
      %lt3A_222 = arith.cmpi slt, %add3A_220, %lt3A_221 : i32
      %convert_element_type3A_223 = arith.extui %lt3A_222 : i1 to i32
      %cond3A_224 = arith.constant 0 : i32
      %cond3A_225 = arith.cmpi ne, %convert_element_type3A_223, %cond3A_224 : i32
      scf.if %cond3A_225 {
        %add3A_352 = arith.constant 2 : i32
        %add3A_353 = arith.addi %add3A_211, %add3A_352 : i32
        %mul3A_354 = arith.constant 80 : i32
        %mul3A_355 = arith.muli %add3A_353, %mul3A_354 : i32
        %add3A_356 = arith.addi %mul3A_2, %mul3A_355 : i32
        %dma_wait3A_357 = tpu.memref_slice %arg3[%add3A_356] : memref<320000xi32, #tpu.memory_space<hbm>> -> memref<80xi32, #tpu.memory_space<hbm>>
        %dma_wait3A_358 = tpu.memref_slice %arg3[%add3A_356] : memref<320000xi32, #tpu.memory_space<hbm>> -> memref<80xi32, #tpu.memory_space<hbm>>
        tpu.wait_dma2 semaphore(%arg32 : memref<!tpu.dma_semaphore, #tpu.memory_space<semaphore_mem>>) src(%dma_wait3A_358 : memref<80xi32, #tpu.memory_space<hbm>>) dst(%arg11 : memref<80xi32, #tpu.memory_space<vmem>>)
        %mul3A_359 = arith.constant 80 : i32
        %mul3A_360 = arith.muli %add3A_353, %mul3A_359 : i32
        %add3A_361 = arith.addi %mul3A_2, %mul3A_360 : i32
        %dma_wait3A_362 = tpu.memref_slice %arg4[%add3A_361] : memref<320000xi32, #tpu.memory_space<hbm>> -> memref<80xi32, #tpu.memory_space<hbm>>
        %dma_wait3A_363 = tpu.memref_slice %arg4[%add3A_361] : memref<320000xi32, #tpu.memory_space<hbm>> -> memref<80xi32, #tpu.memory_space<hbm>>
        tpu.wait_dma2 semaphore(%arg40 : memref<!tpu.dma_semaphore, #tpu.memory_space<semaphore_mem>>) src(%dma_wait3A_363 : memref<80xi32, #tpu.memory_space<hbm>>) dst(%arg19 : memref<80xi32, #tpu.memory_space<vmem>>)
        %ge3A = arith.constant 4 : i32
        %ge3A_364 = arith.cmpi sge, %add3A_353, %ge3A : i32
        %convert_element_type3A_365 = arith.extui %ge3A_364 : i1 to i32
        %cond3A_366 = arith.constant 0 : i32
        %cond3A_367 = arith.cmpi ne, %convert_element_type3A_365, %cond3A_366 : i32
        scf.if %cond3A_367 {
          %dma_wait3A_371 = arith.constant 0 : i32
          %dma_wait3A_372 = arith.constant 0 : i32
          %dma_wait3A_373 = tpu.memref_slice %arg27[%dma_wait3A_371, %dma_wait3A_372] : memref<10240x128xf32, #tpu.memory_space<vmem_shared>> -> memref<10240x128xf32, #tpu.memory_space<vmem_shared>>
          tpu.wait_indirect_dma semaphore(%arg48 : memref<!tpu.dma_semaphore, #tpu.memory_space<semaphore_mem>>) src(%arg23 : memref<80x128xf32, #tpu.memory_space<vmem>>) dst(%dma_wait3A_373 : memref<10240x128xf32, #tpu.memory_space<vmem_shared>>)
        } else {
        }
        %dma_start3A_368 = arith.constant 0 : i32
        %dma_start3A_369 = arith.constant 0 : i32
        %dma_start3A_370 = tpu.memref_slice %arg2[%dma_start3A_368, %dma_start3A_369] : memref<10000x128xf32, #tpu.memory_space<hbm>> -> memref<10000x128xf32, #tpu.memory_space<hbm>>
        tpu.enqueue_indirect_dma source(%dma_start3A_370 : memref<10000x128xf32, #tpu.memory_space<hbm>>) target(%arg23 : memref<80x128xf32, #tpu.memory_space<vmem>>) offsets(%arg11 : memref<80xi32, #tpu.memory_space<vmem>>) semaphore(%arg44 : memref<!tpu.dma_semaphore, #tpu.memory_space<semaphore_mem>>)
      } else {
      }
      %dma_wait3A_226 = arith.constant 0 : i32
      %dma_wait3A_227 = arith.constant 0 : i32
      %dma_wait3A_228 = tpu.memref_slice %arg2[%dma_wait3A_226, %dma_wait3A_227] : memref<10000x128xf32, #tpu.memory_space<hbm>> -> memref<10000x128xf32, #tpu.memory_space<hbm>>
      tpu.wait_indirect_dma semaphore(%arg46 : memref<!tpu.dma_semaphore, #tpu.memory_space<semaphore_mem>>) src(%dma_wait3A_228 : memref<10000x128xf32, #tpu.memory_space<hbm>>) dst(%arg25 : memref<80x128xf32, #tpu.memory_space<vmem>>)
      %dma_start3A_229 = arith.constant 0 : i32
      %dma_start3A_230 = arith.constant 0 : i32
      %dma_start3A_231 = tpu.memref_slice %arg27[%dma_start3A_229, %dma_start3A_230] : memref<10240x128xf32, #tpu.memory_space<vmem_shared>> -> memref<10240x128xf32, #tpu.memory_space<vmem_shared>>
      tpu.enqueue_indirect_dma source(%arg25 : memref<80x128xf32, #tpu.memory_space<vmem>>) target(%dma_start3A_231 : memref<10240x128xf32, #tpu.memory_space<vmem_shared>>) offsets(%arg17 : memref<80xi32, #tpu.memory_space<vmem>>) semaphore(%arg50 : memref<!tpu.dma_semaphore, #tpu.memory_space<semaphore_mem>>) {add = true}
      %mul3A_232 = arith.constant 8 : i32
      %mul3A_233 = arith.muli %mul3A_232, %scan3A_162 : i32
      %add3A_234 = arith.constant 3 : i32
      %add3A_235 = arith.addi %mul3A_233, %add3A_234 : i32
      %add3A_236 = arith.constant 3 : i32
      %add3A_237 = arith.addi %add3A_235, %add3A_236 : i32
      %lt3A_238 = arith.constant 125 : i32
      %lt3A_239 = arith.cmpi slt, %add3A_237, %lt3A_238 : i32
      %convert_element_type3A_240 = arith.extui %lt3A_239 : i1 to i32
      %cond3A_241 = arith.constant 0 : i32
      %cond3A_242 = arith.cmpi ne, %convert_element_type3A_240, %cond3A_241 : i32
      scf.if %cond3A_242 {
        %add3A_352 = arith.constant 3 : i32
        %add3A_353 = arith.addi %add3A_235, %add3A_352 : i32
        %mul3A_354 = arith.constant 80 : i32
        %mul3A_355 = arith.muli %add3A_353, %mul3A_354 : i32
        %add3A_356 = arith.addi %mul3A_2, %mul3A_355 : i32
        %dma_start3A_357 = tpu.memref_slice %arg3[%add3A_356] : memref<320000xi32, #tpu.memory_space<hbm>> -> memref<80xi32, #tpu.memory_space<hbm>>
        %dma_start3A_358 = tpu.memref_slice %arg3[%add3A_356] : memref<320000xi32, #tpu.memory_space<hbm>> -> memref<80xi32, #tpu.memory_space<hbm>>
        tpu.enqueue_dma source(%dma_start3A_358 : memref<80xi32, #tpu.memory_space<hbm>>) target(%arg13 : memref<80xi32, #tpu.memory_space<vmem>>) target_semaphore(%arg34 : memref<!tpu.dma_semaphore, #tpu.memory_space<semaphore_mem>>)
        %mul3A_359 = arith.constant 80 : i32
        %mul3A_360 = arith.muli %add3A_353, %mul3A_359 : i32
        %add3A_361 = arith.addi %mul3A_2, %mul3A_360 : i32
        %dma_start3A_362 = tpu.memref_slice %arg4[%add3A_361] : memref<320000xi32, #tpu.memory_space<hbm>> -> memref<80xi32, #tpu.memory_space<hbm>>
        %dma_start3A_363 = tpu.memref_slice %arg4[%add3A_361] : memref<320000xi32, #tpu.memory_space<hbm>> -> memref<80xi32, #tpu.memory_space<hbm>>
        tpu.enqueue_dma source(%dma_start3A_363 : memref<80xi32, #tpu.memory_space<hbm>>) target(%arg21 : memref<80xi32, #tpu.memory_space<vmem>>) target_semaphore(%arg42 : memref<!tpu.dma_semaphore, #tpu.memory_space<semaphore_mem>>)
      } else {
      }
      %add3A_243 = arith.constant 2 : i32
      %add3A_244 = arith.addi %add3A_235, %add3A_243 : i32
      %lt3A_245 = arith.constant 125 : i32
      %lt3A_246 = arith.cmpi slt, %add3A_244, %lt3A_245 : i32
      %convert_element_type3A_247 = arith.extui %lt3A_246 : i1 to i32
      %cond3A_248 = arith.constant 0 : i32
      %cond3A_249 = arith.cmpi ne, %convert_element_type3A_247, %cond3A_248 : i32
      scf.if %cond3A_249 {
        %add3A_352 = arith.constant 2 : i32
        %add3A_353 = arith.addi %add3A_235, %add3A_352 : i32
        %mul3A_354 = arith.constant 80 : i32
        %mul3A_355 = arith.muli %add3A_353, %mul3A_354 : i32
        %add3A_356 = arith.addi %mul3A_2, %mul3A_355 : i32
        %dma_wait3A_357 = tpu.memref_slice %arg3[%add3A_356] : memref<320000xi32, #tpu.memory_space<hbm>> -> memref<80xi32, #tpu.memory_space<hbm>>
        %dma_wait3A_358 = tpu.memref_slice %arg3[%add3A_356] : memref<320000xi32, #tpu.memory_space<hbm>> -> memref<80xi32, #tpu.memory_space<hbm>>
        tpu.wait_dma2 semaphore(%arg33 : memref<!tpu.dma_semaphore, #tpu.memory_space<semaphore_mem>>) src(%dma_wait3A_358 : memref<80xi32, #tpu.memory_space<hbm>>) dst(%arg12 : memref<80xi32, #tpu.memory_space<vmem>>)
        %mul3A_359 = arith.constant 80 : i32
        %mul3A_360 = arith.muli %add3A_353, %mul3A_359 : i32
        %add3A_361 = arith.addi %mul3A_2, %mul3A_360 : i32
        %dma_wait3A_362 = tpu.memref_slice %arg4[%add3A_361] : memref<320000xi32, #tpu.memory_space<hbm>> -> memref<80xi32, #tpu.memory_space<hbm>>
        %dma_wait3A_363 = tpu.memref_slice %arg4[%add3A_361] : memref<320000xi32, #tpu.memory_space<hbm>> -> memref<80xi32, #tpu.memory_space<hbm>>
        tpu.wait_dma2 semaphore(%arg41 : memref<!tpu.dma_semaphore, #tpu.memory_space<semaphore_mem>>) src(%dma_wait3A_363 : memref<80xi32, #tpu.memory_space<hbm>>) dst(%arg20 : memref<80xi32, #tpu.memory_space<vmem>>)
        %ge3A = arith.constant 4 : i32
        %ge3A_364 = arith.cmpi sge, %add3A_353, %ge3A : i32
        %convert_element_type3A_365 = arith.extui %ge3A_364 : i1 to i32
        %cond3A_366 = arith.constant 0 : i32
        %cond3A_367 = arith.cmpi ne, %convert_element_type3A_365, %cond3A_366 : i32
        scf.if %cond3A_367 {
          %dma_wait3A_371 = arith.constant 0 : i32
          %dma_wait3A_372 = arith.constant 0 : i32
          %dma_wait3A_373 = tpu.memref_slice %arg27[%dma_wait3A_371, %dma_wait3A_372] : memref<10240x128xf32, #tpu.memory_space<vmem_shared>> -> memref<10240x128xf32, #tpu.memory_space<vmem_shared>>
          tpu.wait_indirect_dma semaphore(%arg49 : memref<!tpu.dma_semaphore, #tpu.memory_space<semaphore_mem>>) src(%arg24 : memref<80x128xf32, #tpu.memory_space<vmem>>) dst(%dma_wait3A_373 : memref<10240x128xf32, #tpu.memory_space<vmem_shared>>)
        } else {
        }
        %dma_start3A_368 = arith.constant 0 : i32
        %dma_start3A_369 = arith.constant 0 : i32
        %dma_start3A_370 = tpu.memref_slice %arg2[%dma_start3A_368, %dma_start3A_369] : memref<10000x128xf32, #tpu.memory_space<hbm>> -> memref<10000x128xf32, #tpu.memory_space<hbm>>
        tpu.enqueue_indirect_dma source(%dma_start3A_370 : memref<10000x128xf32, #tpu.memory_space<hbm>>) target(%arg24 : memref<80x128xf32, #tpu.memory_space<vmem>>) offsets(%arg12 : memref<80xi32, #tpu.memory_space<vmem>>) semaphore(%arg45 : memref<!tpu.dma_semaphore, #tpu.memory_space<semaphore_mem>>)
      } else {
      }
      %dma_wait3A_250 = arith.constant 0 : i32
      %dma_wait3A_251 = arith.constant 0 : i32
      %dma_wait3A_252 = tpu.memref_slice %arg2[%dma_wait3A_250, %dma_wait3A_251] : memref<10000x128xf32, #tpu.memory_space<hbm>> -> memref<10000x128xf32, #tpu.memory_space<hbm>>
      tpu.wait_indirect_dma semaphore(%arg47 : memref<!tpu.dma_semaphore, #tpu.memory_space<semaphore_mem>>) src(%dma_wait3A_252 : memref<10000x128xf32, #tpu.memory_space<hbm>>) dst(%arg26 : memref<80x128xf32, #tpu.memory_space<vmem>>)
      %dma_start3A_253 = arith.constant 0 : i32
      %dma_start3A_254 = arith.constant 0 : i32
      %dma_start3A_255 = tpu.memref_slice %arg27[%dma_start3A_253, %dma_start3A_254] : memref<10240x128xf32, #tpu.memory_space<vmem_shared>> -> memref<10240x128xf32, #tpu.memory_space<vmem_shared>>
      tpu.enqueue_indirect_dma source(%arg26 : memref<80x128xf32, #tpu.memory_space<vmem>>) target(%dma_start3A_255 : memref<10240x128xf32, #tpu.memory_space<vmem_shared>>) offsets(%arg18 : memref<80xi32, #tpu.memory_space<vmem>>) semaphore(%arg51 : memref<!tpu.dma_semaphore, #tpu.memory_space<semaphore_mem>>) {add = true}
      %mul3A_256 = arith.constant 8 : i32
      %mul3A_257 = arith.muli %mul3A_256, %scan3A_162 : i32
      %add3A_258 = arith.constant 4 : i32
      %add3A_259 = arith.addi %mul3A_257, %add3A_258 : i32
      %add3A_260 = arith.constant 3 : i32
      %add3A_261 = arith.addi %add3A_259, %add3A_260 : i32
      %lt3A_262 = arith.constant 125 : i32
      %lt3A_263 = arith.cmpi slt, %add3A_261, %lt3A_262 : i32
      %convert_element_type3A_264 = arith.extui %lt3A_263 : i1 to i32
      %cond3A_265 = arith.constant 0 : i32
      %cond3A_266 = arith.cmpi ne, %convert_element_type3A_264, %cond3A_265 : i32
      scf.if %cond3A_266 {
        %add3A_352 = arith.constant 3 : i32
        %add3A_353 = arith.addi %add3A_259, %add3A_352 : i32
        %mul3A_354 = arith.constant 80 : i32
        %mul3A_355 = arith.muli %add3A_353, %mul3A_354 : i32
        %add3A_356 = arith.addi %mul3A_2, %mul3A_355 : i32
        %dma_start3A_357 = tpu.memref_slice %arg3[%add3A_356] : memref<320000xi32, #tpu.memory_space<hbm>> -> memref<80xi32, #tpu.memory_space<hbm>>
        %dma_start3A_358 = tpu.memref_slice %arg3[%add3A_356] : memref<320000xi32, #tpu.memory_space<hbm>> -> memref<80xi32, #tpu.memory_space<hbm>>
        tpu.enqueue_dma source(%dma_start3A_358 : memref<80xi32, #tpu.memory_space<hbm>>) target(%arg14 : memref<80xi32, #tpu.memory_space<vmem>>) target_semaphore(%arg35 : memref<!tpu.dma_semaphore, #tpu.memory_space<semaphore_mem>>)
        %mul3A_359 = arith.constant 80 : i32
        %mul3A_360 = arith.muli %add3A_353, %mul3A_359 : i32
        %add3A_361 = arith.addi %mul3A_2, %mul3A_360 : i32
        %dma_start3A_362 = tpu.memref_slice %arg4[%add3A_361] : memref<320000xi32, #tpu.memory_space<hbm>> -> memref<80xi32, #tpu.memory_space<hbm>>
        %dma_start3A_363 = tpu.memref_slice %arg4[%add3A_361] : memref<320000xi32, #tpu.memory_space<hbm>> -> memref<80xi32, #tpu.memory_space<hbm>>
        tpu.enqueue_dma source(%dma_start3A_363 : memref<80xi32, #tpu.memory_space<hbm>>) target(%arg22 : memref<80xi32, #tpu.memory_space<vmem>>) target_semaphore(%arg43 : memref<!tpu.dma_semaphore, #tpu.memory_space<semaphore_mem>>)
      } else {
      }
      %add3A_267 = arith.constant 2 : i32
      %add3A_268 = arith.addi %add3A_259, %add3A_267 : i32
      %lt3A_269 = arith.constant 125 : i32
      %lt3A_270 = arith.cmpi slt, %add3A_268, %lt3A_269 : i32
      %convert_element_type3A_271 = arith.extui %lt3A_270 : i1 to i32
      %cond3A_272 = arith.constant 0 : i32
      %cond3A_273 = arith.cmpi ne, %convert_element_type3A_271, %cond3A_272 : i32
      scf.if %cond3A_273 {
        %add3A_352 = arith.constant 2 : i32
        %add3A_353 = arith.addi %add3A_259, %add3A_352 : i32
        %mul3A_354 = arith.constant 80 : i32
        %mul3A_355 = arith.muli %add3A_353, %mul3A_354 : i32
        %add3A_356 = arith.addi %mul3A_2, %mul3A_355 : i32
        %dma_wait3A_357 = tpu.memref_slice %arg3[%add3A_356] : memref<320000xi32, #tpu.memory_space<hbm>> -> memref<80xi32, #tpu.memory_space<hbm>>
        %dma_wait3A_358 = tpu.memref_slice %arg3[%add3A_356] : memref<320000xi32, #tpu.memory_space<hbm>> -> memref<80xi32, #tpu.memory_space<hbm>>
        tpu.wait_dma2 semaphore(%arg34 : memref<!tpu.dma_semaphore, #tpu.memory_space<semaphore_mem>>) src(%dma_wait3A_358 : memref<80xi32, #tpu.memory_space<hbm>>) dst(%arg13 : memref<80xi32, #tpu.memory_space<vmem>>)
        %mul3A_359 = arith.constant 80 : i32
        %mul3A_360 = arith.muli %add3A_353, %mul3A_359 : i32
        %add3A_361 = arith.addi %mul3A_2, %mul3A_360 : i32
        %dma_wait3A_362 = tpu.memref_slice %arg4[%add3A_361] : memref<320000xi32, #tpu.memory_space<hbm>> -> memref<80xi32, #tpu.memory_space<hbm>>
        %dma_wait3A_363 = tpu.memref_slice %arg4[%add3A_361] : memref<320000xi32, #tpu.memory_space<hbm>> -> memref<80xi32, #tpu.memory_space<hbm>>
        tpu.wait_dma2 semaphore(%arg42 : memref<!tpu.dma_semaphore, #tpu.memory_space<semaphore_mem>>) src(%dma_wait3A_363 : memref<80xi32, #tpu.memory_space<hbm>>) dst(%arg21 : memref<80xi32, #tpu.memory_space<vmem>>)
        %ge3A = arith.constant 4 : i32
        %ge3A_364 = arith.cmpi sge, %add3A_353, %ge3A : i32
        %convert_element_type3A_365 = arith.extui %ge3A_364 : i1 to i32
        %cond3A_366 = arith.constant 0 : i32
        %cond3A_367 = arith.cmpi ne, %convert_element_type3A_365, %cond3A_366 : i32
        scf.if %cond3A_367 {
          %dma_wait3A_371 = arith.constant 0 : i32
          %dma_wait3A_372 = arith.constant 0 : i32
          %dma_wait3A_373 = tpu.memref_slice %arg27[%dma_wait3A_371, %dma_wait3A_372] : memref<10240x128xf32, #tpu.memory_space<vmem_shared>> -> memref<10240x128xf32, #tpu.memory_space<vmem_shared>>
          tpu.wait_indirect_dma semaphore(%arg50 : memref<!tpu.dma_semaphore, #tpu.memory_space<semaphore_mem>>) src(%arg25 : memref<80x128xf32, #tpu.memory_space<vmem>>) dst(%dma_wait3A_373 : memref<10240x128xf32, #tpu.memory_space<vmem_shared>>)
        } else {
        }
        %dma_start3A_368 = arith.constant 0 : i32
        %dma_start3A_369 = arith.constant 0 : i32
        %dma_start3A_370 = tpu.memref_slice %arg2[%dma_start3A_368, %dma_start3A_369] : memref<10000x128xf32, #tpu.memory_space<hbm>> -> memref<10000x128xf32, #tpu.memory_space<hbm>>
        tpu.enqueue_indirect_dma source(%dma_start3A_370 : memref<10000x128xf32, #tpu.memory_space<hbm>>) target(%arg25 : memref<80x128xf32, #tpu.memory_space<vmem>>) offsets(%arg13 : memref<80xi32, #tpu.memory_space<vmem>>) semaphore(%arg46 : memref<!tpu.dma_semaphore, #tpu.memory_space<semaphore_mem>>)
      } else {
      }
      %dma_wait3A_274 = arith.constant 0 : i32
      %dma_wait3A_275 = arith.constant 0 : i32
      %dma_wait3A_276 = tpu.memref_slice %arg2[%dma_wait3A_274, %dma_wait3A_275] : memref<10000x128xf32, #tpu.memory_space<hbm>> -> memref<10000x128xf32, #tpu.memory_space<hbm>>
      tpu.wait_indirect_dma semaphore(%arg44 : memref<!tpu.dma_semaphore, #tpu.memory_space<semaphore_mem>>) src(%dma_wait3A_276 : memref<10000x128xf32, #tpu.memory_space<hbm>>) dst(%arg23 : memref<80x128xf32, #tpu.memory_space<vmem>>)
      %dma_start3A_277 = arith.constant 0 : i32
      %dma_start3A_278 = arith.constant 0 : i32
      %dma_start3A_279 = tpu.memref_slice %arg27[%dma_start3A_277, %dma_start3A_278] : memref<10240x128xf32, #tpu.memory_space<vmem_shared>> -> memref<10240x128xf32, #tpu.memory_space<vmem_shared>>
      tpu.enqueue_indirect_dma source(%arg23 : memref<80x128xf32, #tpu.memory_space<vmem>>) target(%dma_start3A_279 : memref<10240x128xf32, #tpu.memory_space<vmem_shared>>) offsets(%arg19 : memref<80xi32, #tpu.memory_space<vmem>>) semaphore(%arg48 : memref<!tpu.dma_semaphore, #tpu.memory_space<semaphore_mem>>) {add = true}
      %mul3A_280 = arith.constant 8 : i32
      %mul3A_281 = arith.muli %mul3A_280, %scan3A_162 : i32
      %add3A_282 = arith.constant 5 : i32
      %add3A_283 = arith.addi %mul3A_281, %add3A_282 : i32
      %add3A_284 = arith.constant 3 : i32
      %add3A_285 = arith.addi %add3A_283, %add3A_284 : i32
      %lt3A_286 = arith.constant 125 : i32
      %lt3A_287 = arith.cmpi slt, %add3A_285, %lt3A_286 : i32
      %convert_element_type3A_288 = arith.extui %lt3A_287 : i1 to i32
      %cond3A_289 = arith.constant 0 : i32
      %cond3A_290 = arith.cmpi ne, %convert_element_type3A_288, %cond3A_289 : i32
      scf.if %cond3A_290 {
        %add3A_352 = arith.constant 3 : i32
        %add3A_353 = arith.addi %add3A_283, %add3A_352 : i32
        %mul3A_354 = arith.constant 80 : i32
        %mul3A_355 = arith.muli %add3A_353, %mul3A_354 : i32
        %add3A_356 = arith.addi %mul3A_2, %mul3A_355 : i32
        %dma_start3A_357 = tpu.memref_slice %arg3[%add3A_356] : memref<320000xi32, #tpu.memory_space<hbm>> -> memref<80xi32, #tpu.memory_space<hbm>>
        %dma_start3A_358 = tpu.memref_slice %arg3[%add3A_356] : memref<320000xi32, #tpu.memory_space<hbm>> -> memref<80xi32, #tpu.memory_space<hbm>>
        tpu.enqueue_dma source(%dma_start3A_358 : memref<80xi32, #tpu.memory_space<hbm>>) target(%arg7 : memref<80xi32, #tpu.memory_space<vmem>>) target_semaphore(%arg28 : memref<!tpu.dma_semaphore, #tpu.memory_space<semaphore_mem>>)
        %mul3A_359 = arith.constant 80 : i32
        %mul3A_360 = arith.muli %add3A_353, %mul3A_359 : i32
        %add3A_361 = arith.addi %mul3A_2, %mul3A_360 : i32
        %dma_start3A_362 = tpu.memref_slice %arg4[%add3A_361] : memref<320000xi32, #tpu.memory_space<hbm>> -> memref<80xi32, #tpu.memory_space<hbm>>
        %dma_start3A_363 = tpu.memref_slice %arg4[%add3A_361] : memref<320000xi32, #tpu.memory_space<hbm>> -> memref<80xi32, #tpu.memory_space<hbm>>
        tpu.enqueue_dma source(%dma_start3A_363 : memref<80xi32, #tpu.memory_space<hbm>>) target(%arg15 : memref<80xi32, #tpu.memory_space<vmem>>) target_semaphore(%arg36 : memref<!tpu.dma_semaphore, #tpu.memory_space<semaphore_mem>>)
      } else {
      }
      %add3A_291 = arith.constant 2 : i32
      %add3A_292 = arith.addi %add3A_283, %add3A_291 : i32
      %lt3A_293 = arith.constant 125 : i32
      %lt3A_294 = arith.cmpi slt, %add3A_292, %lt3A_293 : i32
      %convert_element_type3A_295 = arith.extui %lt3A_294 : i1 to i32
      %cond3A_296 = arith.constant 0 : i32
      %cond3A_297 = arith.cmpi ne, %convert_element_type3A_295, %cond3A_296 : i32
      scf.if %cond3A_297 {
        %add3A_352 = arith.constant 2 : i32
        %add3A_353 = arith.addi %add3A_283, %add3A_352 : i32
        %mul3A_354 = arith.constant 80 : i32
        %mul3A_355 = arith.muli %add3A_353, %mul3A_354 : i32
        %add3A_356 = arith.addi %mul3A_2, %mul3A_355 : i32
        %dma_wait3A_357 = tpu.memref_slice %arg3[%add3A_356] : memref<320000xi32, #tpu.memory_space<hbm>> -> memref<80xi32, #tpu.memory_space<hbm>>
        %dma_wait3A_358 = tpu.memref_slice %arg3[%add3A_356] : memref<320000xi32, #tpu.memory_space<hbm>> -> memref<80xi32, #tpu.memory_space<hbm>>
        tpu.wait_dma2 semaphore(%arg35 : memref<!tpu.dma_semaphore, #tpu.memory_space<semaphore_mem>>) src(%dma_wait3A_358 : memref<80xi32, #tpu.memory_space<hbm>>) dst(%arg14 : memref<80xi32, #tpu.memory_space<vmem>>)
        %mul3A_359 = arith.constant 80 : i32
        %mul3A_360 = arith.muli %add3A_353, %mul3A_359 : i32
        %add3A_361 = arith.addi %mul3A_2, %mul3A_360 : i32
        %dma_wait3A_362 = tpu.memref_slice %arg4[%add3A_361] : memref<320000xi32, #tpu.memory_space<hbm>> -> memref<80xi32, #tpu.memory_space<hbm>>
        %dma_wait3A_363 = tpu.memref_slice %arg4[%add3A_361] : memref<320000xi32, #tpu.memory_space<hbm>> -> memref<80xi32, #tpu.memory_space<hbm>>
        tpu.wait_dma2 semaphore(%arg43 : memref<!tpu.dma_semaphore, #tpu.memory_space<semaphore_mem>>) src(%dma_wait3A_363 : memref<80xi32, #tpu.memory_space<hbm>>) dst(%arg22 : memref<80xi32, #tpu.memory_space<vmem>>)
        %ge3A = arith.constant 4 : i32
        %ge3A_364 = arith.cmpi sge, %add3A_353, %ge3A : i32
        %convert_element_type3A_365 = arith.extui %ge3A_364 : i1 to i32
        %cond3A_366 = arith.constant 0 : i32
        %cond3A_367 = arith.cmpi ne, %convert_element_type3A_365, %cond3A_366 : i32
        scf.if %cond3A_367 {
          %dma_wait3A_371 = arith.constant 0 : i32
          %dma_wait3A_372 = arith.constant 0 : i32
          %dma_wait3A_373 = tpu.memref_slice %arg27[%dma_wait3A_371, %dma_wait3A_372] : memref<10240x128xf32, #tpu.memory_space<vmem_shared>> -> memref<10240x128xf32, #tpu.memory_space<vmem_shared>>
          tpu.wait_indirect_dma semaphore(%arg51 : memref<!tpu.dma_semaphore, #tpu.memory_space<semaphore_mem>>) src(%arg26 : memref<80x128xf32, #tpu.memory_space<vmem>>) dst(%dma_wait3A_373 : memref<10240x128xf32, #tpu.memory_space<vmem_shared>>)
        } else {
        }
        %dma_start3A_368 = arith.constant 0 : i32
        %dma_start3A_369 = arith.constant 0 : i32
        %dma_start3A_370 = tpu.memref_slice %arg2[%dma_start3A_368, %dma_start3A_369] : memref<10000x128xf32, #tpu.memory_space<hbm>> -> memref<10000x128xf32, #tpu.memory_space<hbm>>
        tpu.enqueue_indirect_dma source(%dma_start3A_370 : memref<10000x128xf32, #tpu.memory_space<hbm>>) target(%arg26 : memref<80x128xf32, #tpu.memory_space<vmem>>) offsets(%arg14 : memref<80xi32, #tpu.memory_space<vmem>>) semaphore(%arg47 : memref<!tpu.dma_semaphore, #tpu.memory_space<semaphore_mem>>)
      } else {
      }
      %dma_wait3A_298 = arith.constant 0 : i32
      %dma_wait3A_299 = arith.constant 0 : i32
      %dma_wait3A_300 = tpu.memref_slice %arg2[%dma_wait3A_298, %dma_wait3A_299] : memref<10000x128xf32, #tpu.memory_space<hbm>> -> memref<10000x128xf32, #tpu.memory_space<hbm>>
      tpu.wait_indirect_dma semaphore(%arg45 : memref<!tpu.dma_semaphore, #tpu.memory_space<semaphore_mem>>) src(%dma_wait3A_300 : memref<10000x128xf32, #tpu.memory_space<hbm>>) dst(%arg24 : memref<80x128xf32, #tpu.memory_space<vmem>>)
      %dma_start3A_301 = arith.constant 0 : i32
      %dma_start3A_302 = arith.constant 0 : i32
      %dma_start3A_303 = tpu.memref_slice %arg27[%dma_start3A_301, %dma_start3A_302] : memref<10240x128xf32, #tpu.memory_space<vmem_shared>> -> memref<10240x128xf32, #tpu.memory_space<vmem_shared>>
      tpu.enqueue_indirect_dma source(%arg24 : memref<80x128xf32, #tpu.memory_space<vmem>>) target(%dma_start3A_303 : memref<10240x128xf32, #tpu.memory_space<vmem_shared>>) offsets(%arg20 : memref<80xi32, #tpu.memory_space<vmem>>) semaphore(%arg49 : memref<!tpu.dma_semaphore, #tpu.memory_space<semaphore_mem>>) {add = true}
      %mul3A_304 = arith.constant 8 : i32
      %mul3A_305 = arith.muli %mul3A_304, %scan3A_162 : i32
      %add3A_306 = arith.constant 6 : i32
      %add3A_307 = arith.addi %mul3A_305, %add3A_306 : i32
      %add3A_308 = arith.constant 3 : i32
      %add3A_309 = arith.addi %add3A_307, %add3A_308 : i32
      %lt3A_310 = arith.constant 125 : i32
      %lt3A_311 = arith.cmpi slt, %add3A_309, %lt3A_310 : i32
      %convert_element_type3A_312 = arith.extui %lt3A_311 : i1 to i32
      %cond3A_313 = arith.constant 0 : i32
      %cond3A_314 = arith.cmpi ne, %convert_element_type3A_312, %cond3A_313 : i32
      scf.if %cond3A_314 {
        %add3A_352 = arith.constant 3 : i32
        %add3A_353 = arith.addi %add3A_307, %add3A_352 : i32
        %mul3A_354 = arith.constant 80 : i32
        %mul3A_355 = arith.muli %add3A_353, %mul3A_354 : i32
        %add3A_356 = arith.addi %mul3A_2, %mul3A_355 : i32
        %dma_start3A_357 = tpu.memref_slice %arg3[%add3A_356] : memref<320000xi32, #tpu.memory_space<hbm>> -> memref<80xi32, #tpu.memory_space<hbm>>
        %dma_start3A_358 = tpu.memref_slice %arg3[%add3A_356] : memref<320000xi32, #tpu.memory_space<hbm>> -> memref<80xi32, #tpu.memory_space<hbm>>
        tpu.enqueue_dma source(%dma_start3A_358 : memref<80xi32, #tpu.memory_space<hbm>>) target(%arg8 : memref<80xi32, #tpu.memory_space<vmem>>) target_semaphore(%arg29 : memref<!tpu.dma_semaphore, #tpu.memory_space<semaphore_mem>>)
        %mul3A_359 = arith.constant 80 : i32
        %mul3A_360 = arith.muli %add3A_353, %mul3A_359 : i32
        %add3A_361 = arith.addi %mul3A_2, %mul3A_360 : i32
        %dma_start3A_362 = tpu.memref_slice %arg4[%add3A_361] : memref<320000xi32, #tpu.memory_space<hbm>> -> memref<80xi32, #tpu.memory_space<hbm>>
        %dma_start3A_363 = tpu.memref_slice %arg4[%add3A_361] : memref<320000xi32, #tpu.memory_space<hbm>> -> memref<80xi32, #tpu.memory_space<hbm>>
        tpu.enqueue_dma source(%dma_start3A_363 : memref<80xi32, #tpu.memory_space<hbm>>) target(%arg16 : memref<80xi32, #tpu.memory_space<vmem>>) target_semaphore(%arg37 : memref<!tpu.dma_semaphore, #tpu.memory_space<semaphore_mem>>)
      } else {
      }
      %add3A_315 = arith.constant 2 : i32
      %add3A_316 = arith.addi %add3A_307, %add3A_315 : i32
      %lt3A_317 = arith.constant 125 : i32
      %lt3A_318 = arith.cmpi slt, %add3A_316, %lt3A_317 : i32
      %convert_element_type3A_319 = arith.extui %lt3A_318 : i1 to i32
      %cond3A_320 = arith.constant 0 : i32
      %cond3A_321 = arith.cmpi ne, %convert_element_type3A_319, %cond3A_320 : i32
      scf.if %cond3A_321 {
        %add3A_352 = arith.constant 2 : i32
        %add3A_353 = arith.addi %add3A_307, %add3A_352 : i32
        %mul3A_354 = arith.constant 80 : i32
        %mul3A_355 = arith.muli %add3A_353, %mul3A_354 : i32
        %add3A_356 = arith.addi %mul3A_2, %mul3A_355 : i32
        %dma_wait3A_357 = tpu.memref_slice %arg3[%add3A_356] : memref<320000xi32, #tpu.memory_space<hbm>> -> memref<80xi32, #tpu.memory_space<hbm>>
        %dma_wait3A_358 = tpu.memref_slice %arg3[%add3A_356] : memref<320000xi32, #tpu.memory_space<hbm>> -> memref<80xi32, #tpu.memory_space<hbm>>
        tpu.wait_dma2 semaphore(%arg28 : memref<!tpu.dma_semaphore, #tpu.memory_space<semaphore_mem>>) src(%dma_wait3A_358 : memref<80xi32, #tpu.memory_space<hbm>>) dst(%arg7 : memref<80xi32, #tpu.memory_space<vmem>>)
        %mul3A_359 = arith.constant 80 : i32
        %mul3A_360 = arith.muli %add3A_353, %mul3A_359 : i32
        %add3A_361 = arith.addi %mul3A_2, %mul3A_360 : i32
        %dma_wait3A_362 = tpu.memref_slice %arg4[%add3A_361] : memref<320000xi32, #tpu.memory_space<hbm>> -> memref<80xi32, #tpu.memory_space<hbm>>
        %dma_wait3A_363 = tpu.memref_slice %arg4[%add3A_361] : memref<320000xi32, #tpu.memory_space<hbm>> -> memref<80xi32, #tpu.memory_space<hbm>>
        tpu.wait_dma2 semaphore(%arg36 : memref<!tpu.dma_semaphore, #tpu.memory_space<semaphore_mem>>) src(%dma_wait3A_363 : memref<80xi32, #tpu.memory_space<hbm>>) dst(%arg15 : memref<80xi32, #tpu.memory_space<vmem>>)
        %ge3A = arith.constant 4 : i32
        %ge3A_364 = arith.cmpi sge, %add3A_353, %ge3A : i32
        %convert_element_type3A_365 = arith.extui %ge3A_364 : i1 to i32
        %cond3A_366 = arith.constant 0 : i32
        %cond3A_367 = arith.cmpi ne, %convert_element_type3A_365, %cond3A_366 : i32
        scf.if %cond3A_367 {
          %dma_wait3A_371 = arith.constant 0 : i32
          %dma_wait3A_372 = arith.constant 0 : i32
          %dma_wait3A_373 = tpu.memref_slice %arg27[%dma_wait3A_371, %dma_wait3A_372] : memref<10240x128xf32, #tpu.memory_space<vmem_shared>> -> memref<10240x128xf32, #tpu.memory_space<vmem_shared>>
          tpu.wait_indirect_dma semaphore(%arg48 : memref<!tpu.dma_semaphore, #tpu.memory_space<semaphore_mem>>) src(%arg23 : memref<80x128xf32, #tpu.memory_space<vmem>>) dst(%dma_wait3A_373 : memref<10240x128xf32, #tpu.memory_space<vmem_shared>>)
        } else {
        }
        %dma_start3A_368 = arith.constant 0 : i32
        %dma_start3A_369 = arith.constant 0 : i32
        %dma_start3A_370 = tpu.memref_slice %arg2[%dma_start3A_368, %dma_start3A_369] : memref<10000x128xf32, #tpu.memory_space<hbm>> -> memref<10000x128xf32, #tpu.memory_space<hbm>>
        tpu.enqueue_indirect_dma source(%dma_start3A_370 : memref<10000x128xf32, #tpu.memory_space<hbm>>) target(%arg23 : memref<80x128xf32, #tpu.memory_space<vmem>>) offsets(%arg7 : memref<80xi32, #tpu.memory_space<vmem>>) semaphore(%arg44 : memref<!tpu.dma_semaphore, #tpu.memory_space<semaphore_mem>>)
      } else {
      }
      %dma_wait3A_322 = arith.constant 0 : i32
      %dma_wait3A_323 = arith.constant 0 : i32
      %dma_wait3A_324 = tpu.memref_slice %arg2[%dma_wait3A_322, %dma_wait3A_323] : memref<10000x128xf32, #tpu.memory_space<hbm>> -> memref<10000x128xf32, #tpu.memory_space<hbm>>
      tpu.wait_indirect_dma semaphore(%arg46 : memref<!tpu.dma_semaphore, #tpu.memory_space<semaphore_mem>>) src(%dma_wait3A_324 : memref<10000x128xf32, #tpu.memory_space<hbm>>) dst(%arg25 : memref<80x128xf32, #tpu.memory_space<vmem>>)
      %dma_start3A_325 = arith.constant 0 : i32
      %dma_start3A_326 = arith.constant 0 : i32
      %dma_start3A_327 = tpu.memref_slice %arg27[%dma_start3A_325, %dma_start3A_326] : memref<10240x128xf32, #tpu.memory_space<vmem_shared>> -> memref<10240x128xf32, #tpu.memory_space<vmem_shared>>
      tpu.enqueue_indirect_dma source(%arg25 : memref<80x128xf32, #tpu.memory_space<vmem>>) target(%dma_start3A_327 : memref<10240x128xf32, #tpu.memory_space<vmem_shared>>) offsets(%arg21 : memref<80xi32, #tpu.memory_space<vmem>>) semaphore(%arg50 : memref<!tpu.dma_semaphore, #tpu.memory_space<semaphore_mem>>) {add = true}
      %mul3A_328 = arith.constant 8 : i32
      %mul3A_329 = arith.muli %mul3A_328, %scan3A_162 : i32
      %add3A_330 = arith.constant 7 : i32
      %add3A_331 = arith.addi %mul3A_329, %add3A_330 : i32
      %add3A_332 = arith.constant 3 : i32
      %add3A_333 = arith.addi %add3A_331, %add3A_332 : i32
      %lt3A_334 = arith.constant 125 : i32
      %lt3A_335 = arith.cmpi slt, %add3A_333, %lt3A_334 : i32
      %convert_element_type3A_336 = arith.extui %lt3A_335 : i1 to i32
      %cond3A_337 = arith.constant 0 : i32
      %cond3A_338 = arith.cmpi ne, %convert_element_type3A_336, %cond3A_337 : i32
      scf.if %cond3A_338 {
        %add3A_352 = arith.constant 3 : i32
        %add3A_353 = arith.addi %add3A_331, %add3A_352 : i32
        %mul3A_354 = arith.constant 80 : i32
        %mul3A_355 = arith.muli %add3A_353, %mul3A_354 : i32
        %add3A_356 = arith.addi %mul3A_2, %mul3A_355 : i32
        %dma_start3A_357 = tpu.memref_slice %arg3[%add3A_356] : memref<320000xi32, #tpu.memory_space<hbm>> -> memref<80xi32, #tpu.memory_space<hbm>>
        %dma_start3A_358 = tpu.memref_slice %arg3[%add3A_356] : memref<320000xi32, #tpu.memory_space<hbm>> -> memref<80xi32, #tpu.memory_space<hbm>>
        tpu.enqueue_dma source(%dma_start3A_358 : memref<80xi32, #tpu.memory_space<hbm>>) target(%arg9 : memref<80xi32, #tpu.memory_space<vmem>>) target_semaphore(%arg30 : memref<!tpu.dma_semaphore, #tpu.memory_space<semaphore_mem>>)
        %mul3A_359 = arith.constant 80 : i32
        %mul3A_360 = arith.muli %add3A_353, %mul3A_359 : i32
        %add3A_361 = arith.addi %mul3A_2, %mul3A_360 : i32
        %dma_start3A_362 = tpu.memref_slice %arg4[%add3A_361] : memref<320000xi32, #tpu.memory_space<hbm>> -> memref<80xi32, #tpu.memory_space<hbm>>
        %dma_start3A_363 = tpu.memref_slice %arg4[%add3A_361] : memref<320000xi32, #tpu.memory_space<hbm>> -> memref<80xi32, #tpu.memory_space<hbm>>
        tpu.enqueue_dma source(%dma_start3A_363 : memref<80xi32, #tpu.memory_space<hbm>>) target(%arg17 : memref<80xi32, #tpu.memory_space<vmem>>) target_semaphore(%arg38 : memref<!tpu.dma_semaphore, #tpu.memory_space<semaphore_mem>>)
      } else {
      }
      %add3A_339 = arith.constant 2 : i32
      %add3A_340 = arith.addi %add3A_331, %add3A_339 : i32
      %lt3A_341 = arith.constant 125 : i32
      %lt3A_342 = arith.cmpi slt, %add3A_340, %lt3A_341 : i32
      %convert_element_type3A_343 = arith.extui %lt3A_342 : i1 to i32
      %cond3A_344 = arith.constant 0 : i32
      %cond3A_345 = arith.cmpi ne, %convert_element_type3A_343, %cond3A_344 : i32
      scf.if %cond3A_345 {
        %add3A_352 = arith.constant 2 : i32
        %add3A_353 = arith.addi %add3A_331, %add3A_352 : i32
        %mul3A_354 = arith.constant 80 : i32
        %mul3A_355 = arith.muli %add3A_353, %mul3A_354 : i32
        %add3A_356 = arith.addi %mul3A_2, %mul3A_355 : i32
        %dma_wait3A_357 = tpu.memref_slice %arg3[%add3A_356] : memref<320000xi32, #tpu.memory_space<hbm>> -> memref<80xi32, #tpu.memory_space<hbm>>
        %dma_wait3A_358 = tpu.memref_slice %arg3[%add3A_356] : memref<320000xi32, #tpu.memory_space<hbm>> -> memref<80xi32, #tpu.memory_space<hbm>>
        tpu.wait_dma2 semaphore(%arg29 : memref<!tpu.dma_semaphore, #tpu.memory_space<semaphore_mem>>) src(%dma_wait3A_358 : memref<80xi32, #tpu.memory_space<hbm>>) dst(%arg8 : memref<80xi32, #tpu.memory_space<vmem>>)
        %mul3A_359 = arith.constant 80 : i32
        %mul3A_360 = arith.muli %add3A_353, %mul3A_359 : i32
        %add3A_361 = arith.addi %mul3A_2, %mul3A_360 : i32
        %dma_wait3A_362 = tpu.memref_slice %arg4[%add3A_361] : memref<320000xi32, #tpu.memory_space<hbm>> -> memref<80xi32, #tpu.memory_space<hbm>>
        %dma_wait3A_363 = tpu.memref_slice %arg4[%add3A_361] : memref<320000xi32, #tpu.memory_space<hbm>> -> memref<80xi32, #tpu.memory_space<hbm>>
        tpu.wait_dma2 semaphore(%arg37 : memref<!tpu.dma_semaphore, #tpu.memory_space<semaphore_mem>>) src(%dma_wait3A_363 : memref<80xi32, #tpu.memory_space<hbm>>) dst(%arg16 : memref<80xi32, #tpu.memory_space<vmem>>)
        %ge3A = arith.constant 4 : i32
        %ge3A_364 = arith.cmpi sge, %add3A_353, %ge3A : i32
        %convert_element_type3A_365 = arith.extui %ge3A_364 : i1 to i32
        %cond3A_366 = arith.constant 0 : i32
        %cond3A_367 = arith.cmpi ne, %convert_element_type3A_365, %cond3A_366 : i32
        scf.if %cond3A_367 {
          %dma_wait3A_371 = arith.constant 0 : i32
          %dma_wait3A_372 = arith.constant 0 : i32
          %dma_wait3A_373 = tpu.memref_slice %arg27[%dma_wait3A_371, %dma_wait3A_372] : memref<10240x128xf32, #tpu.memory_space<vmem_shared>> -> memref<10240x128xf32, #tpu.memory_space<vmem_shared>>
          tpu.wait_indirect_dma semaphore(%arg49 : memref<!tpu.dma_semaphore, #tpu.memory_space<semaphore_mem>>) src(%arg24 : memref<80x128xf32, #tpu.memory_space<vmem>>) dst(%dma_wait3A_373 : memref<10240x128xf32, #tpu.memory_space<vmem_shared>>)
        } else {
        }
        %dma_start3A_368 = arith.constant 0 : i32
        %dma_start3A_369 = arith.constant 0 : i32
        %dma_start3A_370 = tpu.memref_slice %arg2[%dma_start3A_368, %dma_start3A_369] : memref<10000x128xf32, #tpu.memory_space<hbm>> -> memref<10000x128xf32, #tpu.memory_space<hbm>>
        tpu.enqueue_indirect_dma source(%dma_start3A_370 : memref<10000x128xf32, #tpu.memory_space<hbm>>) target(%arg24 : memref<80x128xf32, #tpu.memory_space<vmem>>) offsets(%arg8 : memref<80xi32, #tpu.memory_space<vmem>>) semaphore(%arg45 : memref<!tpu.dma_semaphore, #tpu.memory_space<semaphore_mem>>)
      } else {
      }
      %dma_wait3A_346 = arith.constant 0 : i32
      %dma_wait3A_347 = arith.constant 0 : i32
      %dma_wait3A_348 = tpu.memref_slice %arg2[%dma_wait3A_346, %dma_wait3A_347] : memref<10000x128xf32, #tpu.memory_space<hbm>> -> memref<10000x128xf32, #tpu.memory_space<hbm>>
      tpu.wait_indirect_dma semaphore(%arg47 : memref<!tpu.dma_semaphore, #tpu.memory_space<semaphore_mem>>) src(%dma_wait3A_348 : memref<10000x128xf32, #tpu.memory_space<hbm>>) dst(%arg26 : memref<80x128xf32, #tpu.memory_space<vmem>>)
      %dma_start3A_349 = arith.constant 0 : i32
      %dma_start3A_350 = arith.constant 0 : i32
      %dma_start3A_351 = tpu.memref_slice %arg27[%dma_start3A_349, %dma_start3A_350] : memref<10240x128xf32, #tpu.memory_space<vmem_shared>> -> memref<10240x128xf32, #tpu.memory_space<vmem_shared>>
      tpu.enqueue_indirect_dma source(%arg26 : memref<80x128xf32, #tpu.memory_space<vmem>>) target(%dma_start3A_351 : memref<10240x128xf32, #tpu.memory_space<vmem_shared>>) offsets(%arg22 : memref<80xi32, #tpu.memory_space<vmem>>) semaphore(%arg51 : memref<!tpu.dma_semaphore, #tpu.memory_space<semaphore_mem>>) {add = true}
    }
    %scan3A_53 = arith.constant 15 : i32
    %add3A_54 = arith.constant 9840 : i32
    %add3A_55 = arith.addi %mul3A_2, %add3A_54 : i32
    %dma_start3A_56 = tpu.memref_slice %arg3[%add3A_55] : memref<320000xi32, #tpu.memory_space<hbm>> -> memref<80xi32, #tpu.memory_space<hbm>>
    %dma_start3A_57 = tpu.memref_slice %arg3[%add3A_55] : memref<320000xi32, #tpu.memory_space<hbm>> -> memref<80xi32, #tpu.memory_space<hbm>>
    tpu.enqueue_dma source(%dma_start3A_57 : memref<80xi32, #tpu.memory_space<hbm>>) target(%arg10 : memref<80xi32, #tpu.memory_space<vmem>>) target_semaphore(%arg31 : memref<!tpu.dma_semaphore, #tpu.memory_space<semaphore_mem>>)
    %add3A_58 = arith.constant 9840 : i32
    %add3A_59 = arith.addi %mul3A_2, %add3A_58 : i32
    %dma_start3A_60 = tpu.memref_slice %arg4[%add3A_59] : memref<320000xi32, #tpu.memory_space<hbm>> -> memref<80xi32, #tpu.memory_space<hbm>>
    %dma_start3A_61 = tpu.memref_slice %arg4[%add3A_59] : memref<320000xi32, #tpu.memory_space<hbm>> -> memref<80xi32, #tpu.memory_space<hbm>>
    tpu.enqueue_dma source(%dma_start3A_61 : memref<80xi32, #tpu.memory_space<hbm>>) target(%arg18 : memref<80xi32, #tpu.memory_space<vmem>>) target_semaphore(%arg39 : memref<!tpu.dma_semaphore, #tpu.memory_space<semaphore_mem>>)
    %add3A_62 = arith.constant 9760 : i32
    %add3A_63 = arith.addi %mul3A_2, %add3A_62 : i32
    %dma_wait3A_64 = tpu.memref_slice %arg3[%add3A_63] : memref<320000xi32, #tpu.memory_space<hbm>> -> memref<80xi32, #tpu.memory_space<hbm>>
    %dma_wait3A_65 = tpu.memref_slice %arg3[%add3A_63] : memref<320000xi32, #tpu.memory_space<hbm>> -> memref<80xi32, #tpu.memory_space<hbm>>
    tpu.wait_dma2 semaphore(%arg30 : memref<!tpu.dma_semaphore, #tpu.memory_space<semaphore_mem>>) src(%dma_wait3A_65 : memref<80xi32, #tpu.memory_space<hbm>>) dst(%arg9 : memref<80xi32, #tpu.memory_space<vmem>>)
    %add3A_66 = arith.constant 9760 : i32
    %add3A_67 = arith.addi %mul3A_2, %add3A_66 : i32
    %dma_wait3A_68 = tpu.memref_slice %arg4[%add3A_67] : memref<320000xi32, #tpu.memory_space<hbm>> -> memref<80xi32, #tpu.memory_space<hbm>>
    %dma_wait3A_69 = tpu.memref_slice %arg4[%add3A_67] : memref<320000xi32, #tpu.memory_space<hbm>> -> memref<80xi32, #tpu.memory_space<hbm>>
    tpu.wait_dma2 semaphore(%arg38 : memref<!tpu.dma_semaphore, #tpu.memory_space<semaphore_mem>>) src(%dma_wait3A_69 : memref<80xi32, #tpu.memory_space<hbm>>) dst(%arg17 : memref<80xi32, #tpu.memory_space<vmem>>)
    %dma_wait3A_70 = arith.constant 0 : i32
    %dma_wait3A_71 = arith.constant 0 : i32
    %dma_wait3A_72 = tpu.memref_slice %arg27[%dma_wait3A_70, %dma_wait3A_71] : memref<10240x128xf32, #tpu.memory_space<vmem_shared>> -> memref<10240x128xf32, #tpu.memory_space<vmem_shared>>
    tpu.wait_indirect_dma semaphore(%arg50 : memref<!tpu.dma_semaphore, #tpu.memory_space<semaphore_mem>>) src(%arg25 : memref<80x128xf32, #tpu.memory_space<vmem>>) dst(%dma_wait3A_72 : memref<10240x128xf32, #tpu.memory_space<vmem_shared>>)
    %dma_start3A_73 = arith.constant 0 : i32
    %dma_start3A_74 = arith.constant 0 : i32
    %dma_start3A_75 = tpu.memref_slice %arg2[%dma_start3A_73, %dma_start3A_74] : memref<10000x128xf32, #tpu.memory_space<hbm>> -> memref<10000x128xf32, #tpu.memory_space<hbm>>
    tpu.enqueue_indirect_dma source(%dma_start3A_75 : memref<10000x128xf32, #tpu.memory_space<hbm>>) target(%arg25 : memref<80x128xf32, #tpu.memory_space<vmem>>) offsets(%arg9 : memref<80xi32, #tpu.memory_space<vmem>>) semaphore(%arg46 : memref<!tpu.dma_semaphore, #tpu.memory_space<semaphore_mem>>)
    %dma_wait3A_76 = arith.constant 0 : i32
    %dma_wait3A_77 = arith.constant 0 : i32
    %dma_wait3A_78 = tpu.memref_slice %arg2[%dma_wait3A_76, %dma_wait3A_77] : memref<10000x128xf32, #tpu.memory_space<hbm>> -> memref<10000x128xf32, #tpu.memory_space<hbm>>
    tpu.wait_indirect_dma semaphore(%arg44 : memref<!tpu.dma_semaphore, #tpu.memory_space<semaphore_mem>>) src(%dma_wait3A_78 : memref<10000x128xf32, #tpu.memory_space<hbm>>) dst(%arg23 : memref<80x128xf32, #tpu.memory_space<vmem>>)
    %dma_start3A_79 = arith.constant 0 : i32
    %dma_start3A_80 = arith.constant 0 : i32
    %dma_start3A_81 = tpu.memref_slice %arg27[%dma_start3A_79, %dma_start3A_80] : memref<10240x128xf32, #tpu.memory_space<vmem_shared>> -> memref<10240x128xf32, #tpu.memory_space<vmem_shared>>
    tpu.enqueue_indirect_dma source(%arg23 : memref<80x128xf32, #tpu.memory_space<vmem>>) target(%dma_start3A_81 : memref<10240x128xf32, #tpu.memory_space<vmem_shared>>) offsets(%arg15 : memref<80xi32, #tpu.memory_space<vmem>>) semaphore(%arg48 : memref<!tpu.dma_semaphore, #tpu.memory_space<semaphore_mem>>) {add = true}
    %add3A_82 = arith.constant 9920 : i32
    %add3A_83 = arith.addi %mul3A_2, %add3A_82 : i32
    %dma_start3A_84 = tpu.memref_slice %arg3[%add3A_83] : memref<320000xi32, #tpu.memory_space<hbm>> -> memref<80xi32, #tpu.memory_space<hbm>>
    %dma_start3A_85 = tpu.memref_slice %arg3[%add3A_83] : memref<320000xi32, #tpu.memory_space<hbm>> -> memref<80xi32, #tpu.memory_space<hbm>>
    tpu.enqueue_dma source(%dma_start3A_85 : memref<80xi32, #tpu.memory_space<hbm>>) target(%arg11 : memref<80xi32, #tpu.memory_space<vmem>>) target_semaphore(%arg32 : memref<!tpu.dma_semaphore, #tpu.memory_space<semaphore_mem>>)
    %add3A_86 = arith.constant 9920 : i32
    %add3A_87 = arith.addi %mul3A_2, %add3A_86 : i32
    %dma_start3A_88 = tpu.memref_slice %arg4[%add3A_87] : memref<320000xi32, #tpu.memory_space<hbm>> -> memref<80xi32, #tpu.memory_space<hbm>>
    %dma_start3A_89 = tpu.memref_slice %arg4[%add3A_87] : memref<320000xi32, #tpu.memory_space<hbm>> -> memref<80xi32, #tpu.memory_space<hbm>>
    tpu.enqueue_dma source(%dma_start3A_89 : memref<80xi32, #tpu.memory_space<hbm>>) target(%arg19 : memref<80xi32, #tpu.memory_space<vmem>>) target_semaphore(%arg40 : memref<!tpu.dma_semaphore, #tpu.memory_space<semaphore_mem>>)
    %add3A_90 = arith.constant 9840 : i32
    %add3A_91 = arith.addi %mul3A_2, %add3A_90 : i32
    %dma_wait3A_92 = tpu.memref_slice %arg3[%add3A_91] : memref<320000xi32, #tpu.memory_space<hbm>> -> memref<80xi32, #tpu.memory_space<hbm>>
    %dma_wait3A_93 = tpu.memref_slice %arg3[%add3A_91] : memref<320000xi32, #tpu.memory_space<hbm>> -> memref<80xi32, #tpu.memory_space<hbm>>
    tpu.wait_dma2 semaphore(%arg31 : memref<!tpu.dma_semaphore, #tpu.memory_space<semaphore_mem>>) src(%dma_wait3A_93 : memref<80xi32, #tpu.memory_space<hbm>>) dst(%arg10 : memref<80xi32, #tpu.memory_space<vmem>>)
    %add3A_94 = arith.constant 9840 : i32
    %add3A_95 = arith.addi %mul3A_2, %add3A_94 : i32
    %dma_wait3A_96 = tpu.memref_slice %arg4[%add3A_95] : memref<320000xi32, #tpu.memory_space<hbm>> -> memref<80xi32, #tpu.memory_space<hbm>>
    %dma_wait3A_97 = tpu.memref_slice %arg4[%add3A_95] : memref<320000xi32, #tpu.memory_space<hbm>> -> memref<80xi32, #tpu.memory_space<hbm>>
    tpu.wait_dma2 semaphore(%arg39 : memref<!tpu.dma_semaphore, #tpu.memory_space<semaphore_mem>>) src(%dma_wait3A_97 : memref<80xi32, #tpu.memory_space<hbm>>) dst(%arg18 : memref<80xi32, #tpu.memory_space<vmem>>)
    %dma_wait3A_98 = arith.constant 0 : i32
    %dma_wait3A_99 = arith.constant 0 : i32
    %dma_wait3A_100 = tpu.memref_slice %arg27[%dma_wait3A_98, %dma_wait3A_99] : memref<10240x128xf32, #tpu.memory_space<vmem_shared>> -> memref<10240x128xf32, #tpu.memory_space<vmem_shared>>
    tpu.wait_indirect_dma semaphore(%arg51 : memref<!tpu.dma_semaphore, #tpu.memory_space<semaphore_mem>>) src(%arg26 : memref<80x128xf32, #tpu.memory_space<vmem>>) dst(%dma_wait3A_100 : memref<10240x128xf32, #tpu.memory_space<vmem_shared>>)
    %dma_start3A_101 = arith.constant 0 : i32
    %dma_start3A_102 = arith.constant 0 : i32
    %dma_start3A_103 = tpu.memref_slice %arg2[%dma_start3A_101, %dma_start3A_102] : memref<10000x128xf32, #tpu.memory_space<hbm>> -> memref<10000x128xf32, #tpu.memory_space<hbm>>
    tpu.enqueue_indirect_dma source(%dma_start3A_103 : memref<10000x128xf32, #tpu.memory_space<hbm>>) target(%arg26 : memref<80x128xf32, #tpu.memory_space<vmem>>) offsets(%arg10 : memref<80xi32, #tpu.memory_space<vmem>>) semaphore(%arg47 : memref<!tpu.dma_semaphore, #tpu.memory_space<semaphore_mem>>)
    %dma_wait3A_104 = arith.constant 0 : i32
    %dma_wait3A_105 = arith.constant 0 : i32
    %dma_wait3A_106 = tpu.memref_slice %arg2[%dma_wait3A_104, %dma_wait3A_105] : memref<10000x128xf32, #tpu.memory_space<hbm>> -> memref<10000x128xf32, #tpu.memory_space<hbm>>
    tpu.wait_indirect_dma semaphore(%arg45 : memref<!tpu.dma_semaphore, #tpu.memory_space<semaphore_mem>>) src(%dma_wait3A_106 : memref<10000x128xf32, #tpu.memory_space<hbm>>) dst(%arg24 : memref<80x128xf32, #tpu.memory_space<vmem>>)
    %dma_start3A_107 = arith.constant 0 : i32
    %dma_start3A_108 = arith.constant 0 : i32
    %dma_start3A_109 = tpu.memref_slice %arg27[%dma_start3A_107, %dma_start3A_108] : memref<10240x128xf32, #tpu.memory_space<vmem_shared>> -> memref<10240x128xf32, #tpu.memory_space<vmem_shared>>
    tpu.enqueue_indirect_dma source(%arg24 : memref<80x128xf32, #tpu.memory_space<vmem>>) target(%dma_start3A_109 : memref<10240x128xf32, #tpu.memory_space<vmem_shared>>) offsets(%arg16 : memref<80xi32, #tpu.memory_space<vmem>>) semaphore(%arg49 : memref<!tpu.dma_semaphore, #tpu.memory_space<semaphore_mem>>) {add = true}
    %add3A_110 = arith.constant 9920 : i32
    %add3A_111 = arith.addi %mul3A_2, %add3A_110 : i32
    %dma_wait3A_112 = tpu.memref_slice %arg3[%add3A_111] : memref<320000xi32, #tpu.memory_space<hbm>> -> memref<80xi32, #tpu.memory_space<hbm>>
    %dma_wait3A_113 = tpu.memref_slice %arg3[%add3A_111] : memref<320000xi32, #tpu.memory_space<hbm>> -> memref<80xi32, #tpu.memory_space<hbm>>
    tpu.wait_dma2 semaphore(%arg32 : memref<!tpu.dma_semaphore, #tpu.memory_space<semaphore_mem>>) src(%dma_wait3A_113 : memref<80xi32, #tpu.memory_space<hbm>>) dst(%arg11 : memref<80xi32, #tpu.memory_space<vmem>>)
    %add3A_114 = arith.constant 9920 : i32
    %add3A_115 = arith.addi %mul3A_2, %add3A_114 : i32
    %dma_wait3A_116 = tpu.memref_slice %arg4[%add3A_115] : memref<320000xi32, #tpu.memory_space<hbm>> -> memref<80xi32, #tpu.memory_space<hbm>>
    %dma_wait3A_117 = tpu.memref_slice %arg4[%add3A_115] : memref<320000xi32, #tpu.memory_space<hbm>> -> memref<80xi32, #tpu.memory_space<hbm>>
    tpu.wait_dma2 semaphore(%arg40 : memref<!tpu.dma_semaphore, #tpu.memory_space<semaphore_mem>>) src(%dma_wait3A_117 : memref<80xi32, #tpu.memory_space<hbm>>) dst(%arg19 : memref<80xi32, #tpu.memory_space<vmem>>)
    %dma_wait3A_118 = arith.constant 0 : i32
    %dma_wait3A_119 = arith.constant 0 : i32
    %dma_wait3A_120 = tpu.memref_slice %arg27[%dma_wait3A_118, %dma_wait3A_119] : memref<10240x128xf32, #tpu.memory_space<vmem_shared>> -> memref<10240x128xf32, #tpu.memory_space<vmem_shared>>
    tpu.wait_indirect_dma semaphore(%arg48 : memref<!tpu.dma_semaphore, #tpu.memory_space<semaphore_mem>>) src(%arg23 : memref<80x128xf32, #tpu.memory_space<vmem>>) dst(%dma_wait3A_120 : memref<10240x128xf32, #tpu.memory_space<vmem_shared>>)
    %dma_start3A_121 = arith.constant 0 : i32
    %dma_start3A_122 = arith.constant 0 : i32
    %dma_start3A_123 = tpu.memref_slice %arg2[%dma_start3A_121, %dma_start3A_122] : memref<10000x128xf32, #tpu.memory_space<hbm>> -> memref<10000x128xf32, #tpu.memory_space<hbm>>
    tpu.enqueue_indirect_dma source(%dma_start3A_123 : memref<10000x128xf32, #tpu.memory_space<hbm>>) target(%arg23 : memref<80x128xf32, #tpu.memory_space<vmem>>) offsets(%arg11 : memref<80xi32, #tpu.memory_space<vmem>>) semaphore(%arg44 : memref<!tpu.dma_semaphore, #tpu.memory_space<semaphore_mem>>)
    %dma_wait3A_124 = arith.constant 0 : i32
    %dma_wait3A_125 = arith.constant 0 : i32
    %dma_wait3A_126 = tpu.memref_slice %arg2[%dma_wait3A_124, %dma_wait3A_125] : memref<10000x128xf32, #tpu.memory_space<hbm>> -> memref<10000x128xf32, #tpu.memory_space<hbm>>
    tpu.wait_indirect_dma semaphore(%arg46 : memref<!tpu.dma_semaphore, #tpu.memory_space<semaphore_mem>>) src(%dma_wait3A_126 : memref<10000x128xf32, #tpu.memory_space<hbm>>) dst(%arg25 : memref<80x128xf32, #tpu.memory_space<vmem>>)
    %dma_start3A_127 = arith.constant 0 : i32
    %dma_start3A_128 = arith.constant 0 : i32
    %dma_start3A_129 = tpu.memref_slice %arg27[%dma_start3A_127, %dma_start3A_128] : memref<10240x128xf32, #tpu.memory_space<vmem_shared>> -> memref<10240x128xf32, #tpu.memory_space<vmem_shared>>
    tpu.enqueue_indirect_dma source(%arg25 : memref<80x128xf32, #tpu.memory_space<vmem>>) target(%dma_start3A_129 : memref<10240x128xf32, #tpu.memory_space<vmem_shared>>) offsets(%arg17 : memref<80xi32, #tpu.memory_space<vmem>>) semaphore(%arg50 : memref<!tpu.dma_semaphore, #tpu.memory_space<semaphore_mem>>) {add = true}
    %dma_wait3A_130 = arith.constant 0 : i32
    %dma_wait3A_131 = arith.constant 0 : i32
    %dma_wait3A_132 = tpu.memref_slice %arg2[%dma_wait3A_130, %dma_wait3A_131] : memref<10000x128xf32, #tpu.memory_space<hbm>> -> memref<10000x128xf32, #tpu.memory_space<hbm>>
    tpu.wait_indirect_dma semaphore(%arg47 : memref<!tpu.dma_semaphore, #tpu.memory_space<semaphore_mem>>) src(%dma_wait3A_132 : memref<10000x128xf32, #tpu.memory_space<hbm>>) dst(%arg26 : memref<80x128xf32, #tpu.memory_space<vmem>>)
    %dma_start3A_133 = arith.constant 0 : i32
    %dma_start3A_134 = arith.constant 0 : i32
    %dma_start3A_135 = tpu.memref_slice %arg27[%dma_start3A_133, %dma_start3A_134] : memref<10240x128xf32, #tpu.memory_space<vmem_shared>> -> memref<10240x128xf32, #tpu.memory_space<vmem_shared>>
    tpu.enqueue_indirect_dma source(%arg26 : memref<80x128xf32, #tpu.memory_space<vmem>>) target(%dma_start3A_135 : memref<10240x128xf32, #tpu.memory_space<vmem_shared>>) offsets(%arg18 : memref<80xi32, #tpu.memory_space<vmem>>) semaphore(%arg51 : memref<!tpu.dma_semaphore, #tpu.memory_space<semaphore_mem>>) {add = true}
    %dma_wait3A_136 = arith.constant 0 : i32
    %dma_wait3A_137 = arith.constant 0 : i32
    %dma_wait3A_138 = tpu.memref_slice %arg2[%dma_wait3A_136, %dma_wait3A_137] : memref<10000x128xf32, #tpu.memory_space<hbm>> -> memref<10000x128xf32, #tpu.memory_space<hbm>>
    tpu.wait_indirect_dma semaphore(%arg44 : memref<!tpu.dma_semaphore, #tpu.memory_space<semaphore_mem>>) src(%dma_wait3A_138 : memref<10000x128xf32, #tpu.memory_space<hbm>>) dst(%arg23 : memref<80x128xf32, #tpu.memory_space<vmem>>)
    %dma_start3A_139 = arith.constant 0 : i32
    %dma_start3A_140 = arith.constant 0 : i32
    %dma_start3A_141 = tpu.memref_slice %arg27[%dma_start3A_139, %dma_start3A_140] : memref<10240x128xf32, #tpu.memory_space<vmem_shared>> -> memref<10240x128xf32, #tpu.memory_space<vmem_shared>>
    tpu.enqueue_indirect_dma source(%arg23 : memref<80x128xf32, #tpu.memory_space<vmem>>) target(%dma_start3A_141 : memref<10240x128xf32, #tpu.memory_space<vmem_shared>>) offsets(%arg19 : memref<80xi32, #tpu.memory_space<vmem>>) semaphore(%arg48 : memref<!tpu.dma_semaphore, #tpu.memory_space<semaphore_mem>>) {add = true}
    %dma_wait3A_142 = arith.constant 0 : i32
    %dma_wait3A_143 = arith.constant 0 : i32
    %dma_wait3A_144 = tpu.memref_slice %arg27[%dma_wait3A_142, %dma_wait3A_143] : memref<10240x128xf32, #tpu.memory_space<vmem_shared>> -> memref<10240x128xf32, #tpu.memory_space<vmem_shared>>
    tpu.wait_indirect_dma semaphore(%arg48 : memref<!tpu.dma_semaphore, #tpu.memory_space<semaphore_mem>>) src(%arg23 : memref<80x128xf32, #tpu.memory_space<vmem>>) dst(%dma_wait3A_144 : memref<10240x128xf32, #tpu.memory_space<vmem_shared>>)
    %dma_wait3A_145 = arith.constant 0 : i32
    %dma_wait3A_146 = arith.constant 0 : i32
    %dma_wait3A_147 = tpu.memref_slice %arg27[%dma_wait3A_145, %dma_wait3A_146] : memref<10240x128xf32, #tpu.memory_space<vmem_shared>> -> memref<10240x128xf32, #tpu.memory_space<vmem_shared>>
    tpu.wait_indirect_dma semaphore(%arg49 : memref<!tpu.dma_semaphore, #tpu.memory_space<semaphore_mem>>) src(%arg24 : memref<80x128xf32, #tpu.memory_space<vmem>>) dst(%dma_wait3A_147 : memref<10240x128xf32, #tpu.memory_space<vmem_shared>>)
    %dma_wait3A_148 = arith.constant 0 : i32
    %dma_wait3A_149 = arith.constant 0 : i32
    %dma_wait3A_150 = tpu.memref_slice %arg27[%dma_wait3A_148, %dma_wait3A_149] : memref<10240x128xf32, #tpu.memory_space<vmem_shared>> -> memref<10240x128xf32, #tpu.memory_space<vmem_shared>>
    tpu.wait_indirect_dma semaphore(%arg50 : memref<!tpu.dma_semaphore, #tpu.memory_space<semaphore_mem>>) src(%arg25 : memref<80x128xf32, #tpu.memory_space<vmem>>) dst(%dma_wait3A_150 : memref<10240x128xf32, #tpu.memory_space<vmem_shared>>)
    %dma_wait3A_151 = arith.constant 0 : i32
    %dma_wait3A_152 = arith.constant 0 : i32
    %dma_wait3A_153 = tpu.memref_slice %arg27[%dma_wait3A_151, %dma_wait3A_152] : memref<10240x128xf32, #tpu.memory_space<vmem_shared>> -> memref<10240x128xf32, #tpu.memory_space<vmem_shared>>
    tpu.wait_indirect_dma semaphore(%arg51 : memref<!tpu.dma_semaphore, #tpu.memory_space<semaphore_mem>>) src(%arg26 : memref<80x128xf32, #tpu.memory_space<vmem>>) dst(%dma_wait3A_153 : memref<10240x128xf32, #tpu.memory_space<vmem_shared>>)
    %barrier3A_154 = arith.constant 0 : index
    tpu.barrier barrier_id(%barrier3A_154)
    %mul3A_155 = arith.constant 10240 : i32
    %mul3A_156 = arith.muli %arg0, %mul3A_155 : i32
    %mul3A_157 = arith.constant 640 : i32
    %mul3A_158 = arith.muli %arg1, %mul3A_157 : i32
    %add3A_159 = arith.addi %mul3A_156, %mul3A_158 : i32
    %mul3A_160 = arith.constant 640 : i32
    %mul3A_161 = arith.muli %arg1, %mul3A_160 : i32
    "tpu.region"() ({
      %run_scoped3A = tpu.sem_alloc : memref<!tpu.dma_semaphore, #tpu.memory_space<semaphore_mem>>
      %dma_start3A_162 = arith.constant 0 : i32
      %dma_start3A_163 = tpu.memref_slice %arg6[%add3A_159, %dma_start3A_162] : memref<20480x128xf32, #tpu.memory_space<hbm>> -> memref<640x128xf32, #tpu.memory_space<hbm>>
      %dma_start3A_164 = arith.constant 0 : i32
      %dma_start3A_165 = tpu.memref_slice %arg27[%mul3A_161, %dma_start3A_164] : memref<10240x128xf32, #tpu.memory_space<vmem_shared>> -> memref<640x128xf32, #tpu.memory_space<vmem_shared>>
      tpu.enqueue_dma source(%dma_start3A_165 : memref<640x128xf32, #tpu.memory_space<vmem_shared>>) target(%dma_start3A_163 : memref<640x128xf32, #tpu.memory_space<hbm>>) target_semaphore(%run_scoped3A : memref<!tpu.dma_semaphore, #tpu.memory_space<semaphore_mem>>)
      %dma_wait3A_166 = arith.constant 0 : i32
      %dma_wait3A_167 = tpu.memref_slice %arg6[%add3A_159, %dma_wait3A_166] : memref<20480x128xf32, #tpu.memory_space<hbm>> -> memref<640x128xf32, #tpu.memory_space<hbm>>
      %dma_wait3A_168 = arith.constant 0 : i32
      %dma_wait3A_169 = tpu.memref_slice %arg27[%mul3A_161, %dma_wait3A_168] : memref<10240x128xf32, #tpu.memory_space<vmem_shared>> -> memref<640x128xf32, #tpu.memory_space<vmem_shared>>
      tpu.wait_dma2 semaphore(%run_scoped3A : memref<!tpu.dma_semaphore, #tpu.memory_space<semaphore_mem>>) src(%dma_wait3A_169 : memref<640x128xf32, #tpu.memory_space<vmem_shared>>) dst(%dma_wait3A_167 : memref<640x128xf32, #tpu.memory_space<hbm>>)
      tpu.yield
    }) : () -> ()
    return
  }
}

#map = affine_map<(d0, d1) -> (0, 0)>
#map1 = affine_map<(d0, d1) -> (0)>
module attributes {stable_mosaic.version = 14 : i64} {
  func.func @_sc_agg_body(%arg0: i32, %arg1: i32, %arg2: memref<10000x128xf32, #tpu.memory_space<hbm>>, %arg3: memref<320000xi32, #tpu.memory_space<hbm>>, %arg4: memref<320000xi32, #tpu.memory_space<hbm>>, %arg5: memref<640x128xf32, #tpu.memory_space<hbm>>, %arg6: memref<20480x128xf32, #tpu.memory_space<hbm>>, %arg7: memref<80xi32, #tpu.memory_space<vmem>>, %arg8: memref<80xi32, #tpu.memory_space<vmem>>, %arg9: memref<80xi32, #tpu.memory_space<vmem>>, %arg10: memref<80xi32, #tpu.memory_space<vmem>>, %arg11: memref<80xi32, #tpu.memory_space<vmem>>, %arg12: memref<80xi32, #tpu.memory_space<vmem>>, %arg13: memref<80xi32, #tpu.memory_space<vmem>>, %arg14: memref<80xi32, #tpu.memory_space<vmem>>, %arg15: memref<80xi32, #tpu.memory_space<vmem>>, %arg16: memref<80xi32, #tpu.memory_space<vmem>>, %arg17: memref<80xi32, #tpu.memory_space<vmem>>, %arg18: memref<80xi32, #tpu.memory_space<vmem>>, %arg19: memref<80xi32, #tpu.memory_space<vmem>>, %arg20: memref<80xi32, #tpu.memory_space<vmem>>, %arg21: memref<80xi32, #tpu.memory_space<vmem>>, %arg22: memref<80xi32, #tpu.memory_space<vmem>>, %arg23: memref<80x128xf32, #tpu.memory_space<vmem>>, %arg24: memref<80x128xf32, #tpu.memory_space<vmem>>, %arg25: memref<80x128xf32, #tpu.memory_space<vmem>>, %arg26: memref<80x128xf32, #tpu.memory_space<vmem>>, %arg27: memref<10240x128xf32, #tpu.memory_space<vmem_shared>>, %arg28: memref<!tpu.dma_semaphore, #tpu.memory_space<semaphore_mem>>, %arg29: memref<!tpu.dma_semaphore, #tpu.memory_space<semaphore_mem>>, %arg30: memref<!tpu.dma_semaphore, #tpu.memory_space<semaphore_mem>>, %arg31: memref<!tpu.dma_semaphore, #tpu.memory_space<semaphore_mem>>, %arg32: memref<!tpu.dma_semaphore, #tpu.memory_space<semaphore_mem>>, %arg33: memref<!tpu.dma_semaphore, #tpu.memory_space<semaphore_mem>>, %arg34: memref<!tpu.dma_semaphore, #tpu.memory_space<semaphore_mem>>, %arg35: memref<!tpu.dma_semaphore, #tpu.memory_space<semaphore_mem>>, %arg36: memref<!tpu.dma_semaphore, #tpu.memory_space<semaphore_mem>>, %arg37: memref<!tpu.dma_semaphore, #tpu.memory_space<semaphore_mem>>, %arg38: memref<!tpu.dma_semaphore, #tpu.memory_space<semaphore_mem>>, %arg39: memref<!tpu.dma_semaphore, #tpu.memory_space<semaphore_mem>>, %arg40: memref<!tpu.dma_semaphore, #tpu.memory_space<semaphore_mem>>, %arg41: memref<!tpu.dma_semaphore, #tpu.memory_space<semaphore_mem>>, %arg42: memref<!tpu.dma_semaphore, #tpu.memory_space<semaphore_mem>>, %arg43: memref<!tpu.dma_semaphore, #tpu.memory_space<semaphore_mem>>, %arg44: memref<!tpu.dma_semaphore, #tpu.memory_space<semaphore_mem>>, %arg45: memref<!tpu.dma_semaphore, #tpu.memory_space<semaphore_mem>>, %arg46: memref<!tpu.dma_semaphore, #tpu.memory_space<semaphore_mem>>, %arg47: memref<!tpu.dma_semaphore, #tpu.memory_space<semaphore_mem>>, %arg48: memref<!tpu.dma_semaphore, #tpu.memory_space<semaphore_mem>>, %arg49: memref<!tpu.dma_semaphore, #tpu.memory_space<semaphore_mem>>, %arg50: memref<!tpu.dma_semaphore, #tpu.memory_space<semaphore_mem>>, %arg51: memref<!tpu.dma_semaphore, #tpu.memory_space<semaphore_mem>>) attributes {dimension_semantics = [#tpu.dimension_semantics<core_parallel>, #tpu.dimension_semantics<subcore_parallel>], iteration_bounds = array<i64: 2, 16>, scalar_prefetch = 0 : i64, scratch_operands = 45 : i64, tpu.core_type = #tpu.core_type<sc_vector_subcore>, window_params = [{transform_indices = #map}, {transform_indices = #map1}, {transform_indices = #map1}, {transform_indices = #map}, {transform_indices = #map}]} {
    %mul3A = arith.constant 16 : i32
    %mul3A_0 = arith.muli %arg0, %mul3A : i32
    %add3A = arith.addi %mul3A_0, %arg1 : i32
    %mul3A_1 = arith.constant 10000 : i32
    %mul3A_2 = arith.muli %add3A, %mul3A_1 : i32
    %mul3A_3 = arith.constant 640 : i32
    %mul3A_4 = arith.muli %arg1, %mul3A_3 : i32
    "tpu.region"() ({
      %run_scoped3A = tpu.sem_alloc : memref<!tpu.dma_semaphore, #tpu.memory_space<semaphore_mem>>
      %dma_start3A_162 = arith.constant 0 : i32
      %dma_start3A_163 = tpu.memref_slice %arg27[%mul3A_4, %dma_start3A_162] : memref<10240x128xf32, #tpu.memory_space<vmem_shared>> -> memref<640x128xf32, #tpu.memory_space<vmem_shared>>
      tpu.enqueue_dma source(%arg5 : memref<640x128xf32, #tpu.memory_space<hbm>>) target(%dma_start3A_163 : memref<640x128xf32, #tpu.memory_space<vmem_shared>>) target_semaphore(%run_scoped3A : memref<!tpu.dma_semaphore, #tpu.memory_space<semaphore_mem>>)
      %dma_wait3A_164 = arith.constant 0 : i32
      %dma_wait3A_165 = tpu.memref_slice %arg27[%mul3A_4, %dma_wait3A_164] : memref<10240x128xf32, #tpu.memory_space<vmem_shared>> -> memref<640x128xf32, #tpu.memory_space<vmem_shared>>
      tpu.wait_dma2 semaphore(%run_scoped3A : memref<!tpu.dma_semaphore, #tpu.memory_space<semaphore_mem>>) src(%arg5 : memref<640x128xf32, #tpu.memory_space<hbm>>) dst(%dma_wait3A_165 : memref<640x128xf32, #tpu.memory_space<vmem_shared>>)
      tpu.yield
    }) : () -> ()
    %add3A_5 = arith.constant 0 : i32
    %add3A_6 = arith.addi %mul3A_2, %add3A_5 : i32
    %dma_start3A = tpu.memref_slice %arg3[%add3A_6] : memref<320000xi32, #tpu.memory_space<hbm>> -> memref<80xi32, #tpu.memory_space<hbm>>
    %dma_start3A_7 = tpu.memref_slice %arg3[%add3A_6] : memref<320000xi32, #tpu.memory_space<hbm>> -> memref<80xi32, #tpu.memory_space<hbm>>
    tpu.enqueue_dma source(%dma_start3A_7 : memref<80xi32, #tpu.memory_space<hbm>>) target(%arg7 : memref<80xi32, #tpu.memory_space<vmem>>) target_semaphore(%arg28 : memref<!tpu.dma_semaphore, #tpu.memory_space<semaphore_mem>>)
    %add3A_8 = arith.constant 0 : i32
    %add3A_9 = arith.addi %mul3A_2, %add3A_8 : i32
    %dma_start3A_10 = tpu.memref_slice %arg4[%add3A_9] : memref<320000xi32, #tpu.memory_space<hbm>> -> memref<80xi32, #tpu.memory_space<hbm>>
    %dma_start3A_11 = tpu.memref_slice %arg4[%add3A_9] : memref<320000xi32, #tpu.memory_space<hbm>> -> memref<80xi32, #tpu.memory_space<hbm>>
    tpu.enqueue_dma source(%dma_start3A_11 : memref<80xi32, #tpu.memory_space<hbm>>) target(%arg15 : memref<80xi32, #tpu.memory_space<vmem>>) target_semaphore(%arg36 : memref<!tpu.dma_semaphore, #tpu.memory_space<semaphore_mem>>)
    %add3A_12 = arith.constant 80 : i32
    %add3A_13 = arith.addi %mul3A_2, %add3A_12 : i32
    %dma_start3A_14 = tpu.memref_slice %arg3[%add3A_13] : memref<320000xi32, #tpu.memory_space<hbm>> -> memref<80xi32, #tpu.memory_space<hbm>>
    %dma_start3A_15 = tpu.memref_slice %arg3[%add3A_13] : memref<320000xi32, #tpu.memory_space<hbm>> -> memref<80xi32, #tpu.memory_space<hbm>>
    tpu.enqueue_dma source(%dma_start3A_15 : memref<80xi32, #tpu.memory_space<hbm>>) target(%arg8 : memref<80xi32, #tpu.memory_space<vmem>>) target_semaphore(%arg29 : memref<!tpu.dma_semaphore, #tpu.memory_space<semaphore_mem>>)
    %add3A_16 = arith.constant 80 : i32
    %add3A_17 = arith.addi %mul3A_2, %add3A_16 : i32
    %dma_start3A_18 = tpu.memref_slice %arg4[%add3A_17] : memref<320000xi32, #tpu.memory_space<hbm>> -> memref<80xi32, #tpu.memory_space<hbm>>
    %dma_start3A_19 = tpu.memref_slice %arg4[%add3A_17] : memref<320000xi32, #tpu.memory_space<hbm>> -> memref<80xi32, #tpu.memory_space<hbm>>
    tpu.enqueue_dma source(%dma_start3A_19 : memref<80xi32, #tpu.memory_space<hbm>>) target(%arg16 : memref<80xi32, #tpu.memory_space<vmem>>) target_semaphore(%arg37 : memref<!tpu.dma_semaphore, #tpu.memory_space<semaphore_mem>>)
    %add3A_20 = arith.constant 160 : i32
    %add3A_21 = arith.addi %mul3A_2, %add3A_20 : i32
    %dma_start3A_22 = tpu.memref_slice %arg3[%add3A_21] : memref<320000xi32, #tpu.memory_space<hbm>> -> memref<80xi32, #tpu.memory_space<hbm>>
    %dma_start3A_23 = tpu.memref_slice %arg3[%add3A_21] : memref<320000xi32, #tpu.memory_space<hbm>> -> memref<80xi32, #tpu.memory_space<hbm>>
    tpu.enqueue_dma source(%dma_start3A_23 : memref<80xi32, #tpu.memory_space<hbm>>) target(%arg9 : memref<80xi32, #tpu.memory_space<vmem>>) target_semaphore(%arg30 : memref<!tpu.dma_semaphore, #tpu.memory_space<semaphore_mem>>)
    %add3A_24 = arith.constant 160 : i32
    %add3A_25 = arith.addi %mul3A_2, %add3A_24 : i32
    %dma_start3A_26 = tpu.memref_slice %arg4[%add3A_25] : memref<320000xi32, #tpu.memory_space<hbm>> -> memref<80xi32, #tpu.memory_space<hbm>>
    %dma_start3A_27 = tpu.memref_slice %arg4[%add3A_25] : memref<320000xi32, #tpu.memory_space<hbm>> -> memref<80xi32, #tpu.memory_space<hbm>>
    tpu.enqueue_dma source(%dma_start3A_27 : memref<80xi32, #tpu.memory_space<hbm>>) target(%arg17 : memref<80xi32, #tpu.memory_space<vmem>>) target_semaphore(%arg38 : memref<!tpu.dma_semaphore, #tpu.memory_space<semaphore_mem>>)
    %add3A_28 = arith.constant 0 : i32
    %add3A_29 = arith.addi %mul3A_2, %add3A_28 : i32
    %dma_wait3A = tpu.memref_slice %arg3[%add3A_29] : memref<320000xi32, #tpu.memory_space<hbm>> -> memref<80xi32, #tpu.memory_space<hbm>>
    %dma_wait3A_30 = tpu.memref_slice %arg3[%add3A_29] : memref<320000xi32, #tpu.memory_space<hbm>> -> memref<80xi32, #tpu.memory_space<hbm>>
    tpu.wait_dma2 semaphore(%arg28 : memref<!tpu.dma_semaphore, #tpu.memory_space<semaphore_mem>>) src(%dma_wait3A_30 : memref<80xi32, #tpu.memory_space<hbm>>) dst(%arg7 : memref<80xi32, #tpu.memory_space<vmem>>)
    %add3A_31 = arith.constant 0 : i32
    %add3A_32 = arith.addi %mul3A_2, %add3A_31 : i32
    %dma_wait3A_33 = tpu.memref_slice %arg4[%add3A_32] : memref<320000xi32, #tpu.memory_space<hbm>> -> memref<80xi32, #tpu.memory_space<hbm>>
    %dma_wait3A_34 = tpu.memref_slice %arg4[%add3A_32] : memref<320000xi32, #tpu.memory_space<hbm>> -> memref<80xi32, #tpu.memory_space<hbm>>
    tpu.wait_dma2 semaphore(%arg36 : memref<!tpu.dma_semaphore, #tpu.memory_space<semaphore_mem>>) src(%dma_wait3A_34 : memref<80xi32, #tpu.memory_space<hbm>>) dst(%arg15 : memref<80xi32, #tpu.memory_space<vmem>>)
    %dma_start3A_35 = arith.constant 0 : i32
    %dma_start3A_36 = arith.constant 0 : i32
    %dma_start3A_37 = tpu.memref_slice %arg2[%dma_start3A_35, %dma_start3A_36] : memref<10000x128xf32, #tpu.memory_space<hbm>> -> memref<10000x128xf32, #tpu.memory_space<hbm>>
    tpu.enqueue_indirect_dma source(%dma_start3A_37 : memref<10000x128xf32, #tpu.memory_space<hbm>>) target(%arg23 : memref<80x128xf32, #tpu.memory_space<vmem>>) offsets(%arg7 : memref<80xi32, #tpu.memory_space<vmem>>) semaphore(%arg44 : memref<!tpu.dma_semaphore, #tpu.memory_space<semaphore_mem>>)
    %add3A_38 = arith.constant 80 : i32
    %add3A_39 = arith.addi %mul3A_2, %add3A_38 : i32
    %dma_wait3A_40 = tpu.memref_slice %arg3[%add3A_39] : memref<320000xi32, #tpu.memory_space<hbm>> -> memref<80xi32, #tpu.memory_space<hbm>>
    %dma_wait3A_41 = tpu.memref_slice %arg3[%add3A_39] : memref<320000xi32, #tpu.memory_space<hbm>> -> memref<80xi32, #tpu.memory_space<hbm>>
    tpu.wait_dma2 semaphore(%arg29 : memref<!tpu.dma_semaphore, #tpu.memory_space<semaphore_mem>>) src(%dma_wait3A_41 : memref<80xi32, #tpu.memory_space<hbm>>) dst(%arg8 : memref<80xi32, #tpu.memory_space<vmem>>)
    %add3A_42 = arith.constant 80 : i32
    %add3A_43 = arith.addi %mul3A_2, %add3A_42 : i32
    %dma_wait3A_44 = tpu.memref_slice %arg4[%add3A_43] : memref<320000xi32, #tpu.memory_space<hbm>> -> memref<80xi32, #tpu.memory_space<hbm>>
    %dma_wait3A_45 = tpu.memref_slice %arg4[%add3A_43] : memref<320000xi32, #tpu.memory_space<hbm>> -> memref<80xi32, #tpu.memory_space<hbm>>
    tpu.wait_dma2 semaphore(%arg37 : memref<!tpu.dma_semaphore, #tpu.memory_space<semaphore_mem>>) src(%dma_wait3A_45 : memref<80xi32, #tpu.memory_space<hbm>>) dst(%arg16 : memref<80xi32, #tpu.memory_space<vmem>>)
    %dma_start3A_46 = arith.constant 0 : i32
    %dma_start3A_47 = arith.constant 0 : i32
    %dma_start3A_48 = tpu.memref_slice %arg2[%dma_start3A_46, %dma_start3A_47] : memref<10000x128xf32, #tpu.memory_space<hbm>> -> memref<10000x128xf32, #tpu.memory_space<hbm>>
    tpu.enqueue_indirect_dma source(%dma_start3A_48 : memref<10000x128xf32, #tpu.memory_space<hbm>>) target(%arg24 : memref<80x128xf32, #tpu.memory_space<vmem>>) offsets(%arg8 : memref<80xi32, #tpu.memory_space<vmem>>) semaphore(%arg45 : memref<!tpu.dma_semaphore, #tpu.memory_space<semaphore_mem>>)
    %barrier3A = arith.constant 0 : index
    tpu.barrier barrier_id(%barrier3A)
    %scan3A = arith.constant 0 : i32
    %scan3A_49 = arith.constant 0 : i32
    %scan3A_50 = arith.constant 15 : i32
    %scan3A_51 = arith.addi %scan3A_49, %scan3A_50 : i32
    %scan3A_52 = arith.constant 1 : i32
    scf.for %scan3A_162 = %scan3A_49 to %scan3A_51 step %scan3A_52  : i32 {
      %mul3A_163 = arith.constant 8 : i32
      %mul3A_164 = arith.muli %mul3A_163, %scan3A_162 : i32
      %add3A_165 = arith.constant 0 : i32
      %add3A_166 = arith.addi %mul3A_164, %add3A_165 : i32
      %add3A_167 = arith.constant 3 : i32
      %add3A_168 = arith.addi %add3A_166, %add3A_167 : i32
      %lt3A = arith.constant 125 : i32
      %lt3A_169 = arith.cmpi slt, %add3A_168, %lt3A : i32
      %convert_element_type3A = arith.extui %lt3A_169 : i1 to i32
      %cond3A = arith.constant 0 : i32
      %cond3A_170 = arith.cmpi ne, %convert_element_type3A, %cond3A : i32
      scf.if %cond3A_170 {
        %add3A_352 = arith.constant 3 : i32
        %add3A_353 = arith.addi %add3A_166, %add3A_352 : i32
        %mul3A_354 = arith.constant 80 : i32
        %mul3A_355 = arith.muli %add3A_353, %mul3A_354 : i32
        %add3A_356 = arith.addi %mul3A_2, %mul3A_355 : i32
        %dma_start3A_357 = tpu.memref_slice %arg3[%add3A_356] : memref<320000xi32, #tpu.memory_space<hbm>> -> memref<80xi32, #tpu.memory_space<hbm>>
        %dma_start3A_358 = tpu.memref_slice %arg3[%add3A_356] : memref<320000xi32, #tpu.memory_space<hbm>> -> memref<80xi32, #tpu.memory_space<hbm>>
        tpu.enqueue_dma source(%dma_start3A_358 : memref<80xi32, #tpu.memory_space<hbm>>) target(%arg10 : memref<80xi32, #tpu.memory_space<vmem>>) target_semaphore(%arg31 : memref<!tpu.dma_semaphore, #tpu.memory_space<semaphore_mem>>)
        %mul3A_359 = arith.constant 80 : i32
        %mul3A_360 = arith.muli %add3A_353, %mul3A_359 : i32
        %add3A_361 = arith.addi %mul3A_2, %mul3A_360 : i32
        %dma_start3A_362 = tpu.memref_slice %arg4[%add3A_361] : memref<320000xi32, #tpu.memory_space<hbm>> -> memref<80xi32, #tpu.memory_space<hbm>>
        %dma_start3A_363 = tpu.memref_slice %arg4[%add3A_361] : memref<320000xi32, #tpu.memory_space<hbm>> -> memref<80xi32, #tpu.memory_space<hbm>>
        tpu.enqueue_dma source(%dma_start3A_363 : memref<80xi32, #tpu.memory_space<hbm>>) target(%arg18 : memref<80xi32, #tpu.memory_space<vmem>>) target_semaphore(%arg39 : memref<!tpu.dma_semaphore, #tpu.memory_space<semaphore_mem>>)
      } else {
      }
      %add3A_171 = arith.constant 2 : i32
      %add3A_172 = arith.addi %add3A_166, %add3A_171 : i32
      %lt3A_173 = arith.constant 125 : i32
      %lt3A_174 = arith.cmpi slt, %add3A_172, %lt3A_173 : i32
      %convert_element_type3A_175 = arith.extui %lt3A_174 : i1 to i32
      %cond3A_176 = arith.constant 0 : i32
      %cond3A_177 = arith.cmpi ne, %convert_element_type3A_175, %cond3A_176 : i32
      scf.if %cond3A_177 {
        %add3A_352 = arith.constant 2 : i32
        %add3A_353 = arith.addi %add3A_166, %add3A_352 : i32
        %mul3A_354 = arith.constant 80 : i32
        %mul3A_355 = arith.muli %add3A_353, %mul3A_354 : i32
        %add3A_356 = arith.addi %mul3A_2, %mul3A_355 : i32
        %dma_wait3A_357 = tpu.memref_slice %arg3[%add3A_356] : memref<320000xi32, #tpu.memory_space<hbm>> -> memref<80xi32, #tpu.memory_space<hbm>>
        %dma_wait3A_358 = tpu.memref_slice %arg3[%add3A_356] : memref<320000xi32, #tpu.memory_space<hbm>> -> memref<80xi32, #tpu.memory_space<hbm>>
        tpu.wait_dma2 semaphore(%arg30 : memref<!tpu.dma_semaphore, #tpu.memory_space<semaphore_mem>>) src(%dma_wait3A_358 : memref<80xi32, #tpu.memory_space<hbm>>) dst(%arg9 : memref<80xi32, #tpu.memory_space<vmem>>)
        %mul3A_359 = arith.constant 80 : i32
        %mul3A_360 = arith.muli %add3A_353, %mul3A_359 : i32
        %add3A_361 = arith.addi %mul3A_2, %mul3A_360 : i32
        %dma_wait3A_362 = tpu.memref_slice %arg4[%add3A_361] : memref<320000xi32, #tpu.memory_space<hbm>> -> memref<80xi32, #tpu.memory_space<hbm>>
        %dma_wait3A_363 = tpu.memref_slice %arg4[%add3A_361] : memref<320000xi32, #tpu.memory_space<hbm>> -> memref<80xi32, #tpu.memory_space<hbm>>
        tpu.wait_dma2 semaphore(%arg38 : memref<!tpu.dma_semaphore, #tpu.memory_space<semaphore_mem>>) src(%dma_wait3A_363 : memref<80xi32, #tpu.memory_space<hbm>>) dst(%arg17 : memref<80xi32, #tpu.memory_space<vmem>>)
        %ge3A = arith.constant 4 : i32
        %ge3A_364 = arith.cmpi sge, %add3A_353, %ge3A : i32
        %convert_element_type3A_365 = arith.extui %ge3A_364 : i1 to i32
        %cond3A_366 = arith.constant 0 : i32
        %cond3A_367 = arith.cmpi ne, %convert_element_type3A_365, %cond3A_366 : i32
        scf.if %cond3A_367 {
          %dma_wait3A_371 = arith.constant 0 : i32
          %dma_wait3A_372 = arith.constant 0 : i32
          %dma_wait3A_373 = tpu.memref_slice %arg27[%dma_wait3A_371, %dma_wait3A_372] : memref<10240x128xf32, #tpu.memory_space<vmem_shared>> -> memref<10240x128xf32, #tpu.memory_space<vmem_shared>>
          tpu.wait_indirect_dma semaphore(%arg50 : memref<!tpu.dma_semaphore, #tpu.memory_space<semaphore_mem>>) src(%arg25 : memref<80x128xf32, #tpu.memory_space<vmem>>) dst(%dma_wait3A_373 : memref<10240x128xf32, #tpu.memory_space<vmem_shared>>)
        } else {
        }
        %dma_start3A_368 = arith.constant 0 : i32
        %dma_start3A_369 = arith.constant 0 : i32
        %dma_start3A_370 = tpu.memref_slice %arg2[%dma_start3A_368, %dma_start3A_369] : memref<10000x128xf32, #tpu.memory_space<hbm>> -> memref<10000x128xf32, #tpu.memory_space<hbm>>
        tpu.enqueue_indirect_dma source(%dma_start3A_370 : memref<10000x128xf32, #tpu.memory_space<hbm>>) target(%arg25 : memref<80x128xf32, #tpu.memory_space<vmem>>) offsets(%arg9 : memref<80xi32, #tpu.memory_space<vmem>>) semaphore(%arg46 : memref<!tpu.dma_semaphore, #tpu.memory_space<semaphore_mem>>)
      } else {
      }
      %dma_wait3A_178 = arith.constant 0 : i32
      %dma_wait3A_179 = arith.constant 0 : i32
      %dma_wait3A_180 = tpu.memref_slice %arg2[%dma_wait3A_178, %dma_wait3A_179] : memref<10000x128xf32, #tpu.memory_space<hbm>> -> memref<10000x128xf32, #tpu.memory_space<hbm>>
      tpu.wait_indirect_dma semaphore(%arg44 : memref<!tpu.dma_semaphore, #tpu.memory_space<semaphore_mem>>) src(%dma_wait3A_180 : memref<10000x128xf32, #tpu.memory_space<hbm>>) dst(%arg23 : memref<80x128xf32, #tpu.memory_space<vmem>>)
      %dma_start3A_181 = arith.constant 0 : i32
      %dma_start3A_182 = arith.constant 0 : i32
      %dma_start3A_183 = tpu.memref_slice %arg27[%dma_start3A_181, %dma_start3A_182] : memref<10240x128xf32, #tpu.memory_space<vmem_shared>> -> memref<10240x128xf32, #tpu.memory_space<vmem_shared>>
      tpu.enqueue_indirect_dma source(%arg23 : memref<80x128xf32, #tpu.memory_space<vmem>>) target(%dma_start3A_183 : memref<10240x128xf32, #tpu.memory_space<vmem_shared>>) offsets(%arg15 : memref<80xi32, #tpu.memory_space<vmem>>) semaphore(%arg48 : memref<!tpu.dma_semaphore, #tpu.memory_space<semaphore_mem>>) {add = true}
      %mul3A_184 = arith.constant 8 : i32
      %mul3A_185 = arith.muli %mul3A_184, %scan3A_162 : i32
      %add3A_186 = arith.constant 1 : i32
      %add3A_187 = arith.addi %mul3A_185, %add3A_186 : i32
      %add3A_188 = arith.constant 3 : i32
      %add3A_189 = arith.addi %add3A_187, %add3A_188 : i32
      %lt3A_190 = arith.constant 125 : i32
      %lt3A_191 = arith.cmpi slt, %add3A_189, %lt3A_190 : i32
      %convert_element_type3A_192 = arith.extui %lt3A_191 : i1 to i32
      %cond3A_193 = arith.constant 0 : i32
      %cond3A_194 = arith.cmpi ne, %convert_element_type3A_192, %cond3A_193 : i32
      scf.if %cond3A_194 {
        %add3A_352 = arith.constant 3 : i32
        %add3A_353 = arith.addi %add3A_187, %add3A_352 : i32
        %mul3A_354 = arith.constant 80 : i32
        %mul3A_355 = arith.muli %add3A_353, %mul3A_354 : i32
        %add3A_356 = arith.addi %mul3A_2, %mul3A_355 : i32
        %dma_start3A_357 = tpu.memref_slice %arg3[%add3A_356] : memref<320000xi32, #tpu.memory_space<hbm>> -> memref<80xi32, #tpu.memory_space<hbm>>
        %dma_start3A_358 = tpu.memref_slice %arg3[%add3A_356] : memref<320000xi32, #tpu.memory_space<hbm>> -> memref<80xi32, #tpu.memory_space<hbm>>
        tpu.enqueue_dma source(%dma_start3A_358 : memref<80xi32, #tpu.memory_space<hbm>>) target(%arg11 : memref<80xi32, #tpu.memory_space<vmem>>) target_semaphore(%arg32 : memref<!tpu.dma_semaphore, #tpu.memory_space<semaphore_mem>>)
        %mul3A_359 = arith.constant 80 : i32
        %mul3A_360 = arith.muli %add3A_353, %mul3A_359 : i32
        %add3A_361 = arith.addi %mul3A_2, %mul3A_360 : i32
        %dma_start3A_362 = tpu.memref_slice %arg4[%add3A_361] : memref<320000xi32, #tpu.memory_space<hbm>> -> memref<80xi32, #tpu.memory_space<hbm>>
        %dma_start3A_363 = tpu.memref_slice %arg4[%add3A_361] : memref<320000xi32, #tpu.memory_space<hbm>> -> memref<80xi32, #tpu.memory_space<hbm>>
        tpu.enqueue_dma source(%dma_start3A_363 : memref<80xi32, #tpu.memory_space<hbm>>) target(%arg19 : memref<80xi32, #tpu.memory_space<vmem>>) target_semaphore(%arg40 : memref<!tpu.dma_semaphore, #tpu.memory_space<semaphore_mem>>)
      } else {
      }
      %add3A_195 = arith.constant 2 : i32
      %add3A_196 = arith.addi %add3A_187, %add3A_195 : i32
      %lt3A_197 = arith.constant 125 : i32
      %lt3A_198 = arith.cmpi slt, %add3A_196, %lt3A_197 : i32
      %convert_element_type3A_199 = arith.extui %lt3A_198 : i1 to i32
      %cond3A_200 = arith.constant 0 : i32
      %cond3A_201 = arith.cmpi ne, %convert_element_type3A_199, %cond3A_200 : i32
      scf.if %cond3A_201 {
        %add3A_352 = arith.constant 2 : i32
        %add3A_353 = arith.addi %add3A_187, %add3A_352 : i32
        %mul3A_354 = arith.constant 80 : i32
        %mul3A_355 = arith.muli %add3A_353, %mul3A_354 : i32
        %add3A_356 = arith.addi %mul3A_2, %mul3A_355 : i32
        %dma_wait3A_357 = tpu.memref_slice %arg3[%add3A_356] : memref<320000xi32, #tpu.memory_space<hbm>> -> memref<80xi32, #tpu.memory_space<hbm>>
        %dma_wait3A_358 = tpu.memref_slice %arg3[%add3A_356] : memref<320000xi32, #tpu.memory_space<hbm>> -> memref<80xi32, #tpu.memory_space<hbm>>
        tpu.wait_dma2 semaphore(%arg31 : memref<!tpu.dma_semaphore, #tpu.memory_space<semaphore_mem>>) src(%dma_wait3A_358 : memref<80xi32, #tpu.memory_space<hbm>>) dst(%arg10 : memref<80xi32, #tpu.memory_space<vmem>>)
        %mul3A_359 = arith.constant 80 : i32
        %mul3A_360 = arith.muli %add3A_353, %mul3A_359 : i32
        %add3A_361 = arith.addi %mul3A_2, %mul3A_360 : i32
        %dma_wait3A_362 = tpu.memref_slice %arg4[%add3A_361] : memref<320000xi32, #tpu.memory_space<hbm>> -> memref<80xi32, #tpu.memory_space<hbm>>
        %dma_wait3A_363 = tpu.memref_slice %arg4[%add3A_361] : memref<320000xi32, #tpu.memory_space<hbm>> -> memref<80xi32, #tpu.memory_space<hbm>>
        tpu.wait_dma2 semaphore(%arg39 : memref<!tpu.dma_semaphore, #tpu.memory_space<semaphore_mem>>) src(%dma_wait3A_363 : memref<80xi32, #tpu.memory_space<hbm>>) dst(%arg18 : memref<80xi32, #tpu.memory_space<vmem>>)
        %ge3A = arith.constant 4 : i32
        %ge3A_364 = arith.cmpi sge, %add3A_353, %ge3A : i32
        %convert_element_type3A_365 = arith.extui %ge3A_364 : i1 to i32
        %cond3A_366 = arith.constant 0 : i32
        %cond3A_367 = arith.cmpi ne, %convert_element_type3A_365, %cond3A_366 : i32
        scf.if %cond3A_367 {
          %dma_wait3A_371 = arith.constant 0 : i32
          %dma_wait3A_372 = arith.constant 0 : i32
          %dma_wait3A_373 = tpu.memref_slice %arg27[%dma_wait3A_371, %dma_wait3A_372] : memref<10240x128xf32, #tpu.memory_space<vmem_shared>> -> memref<10240x128xf32, #tpu.memory_space<vmem_shared>>
          tpu.wait_indirect_dma semaphore(%arg51 : memref<!tpu.dma_semaphore, #tpu.memory_space<semaphore_mem>>) src(%arg26 : memref<80x128xf32, #tpu.memory_space<vmem>>) dst(%dma_wait3A_373 : memref<10240x128xf32, #tpu.memory_space<vmem_shared>>)
        } else {
        }
        %dma_start3A_368 = arith.constant 0 : i32
        %dma_start3A_369 = arith.constant 0 : i32
        %dma_start3A_370 = tpu.memref_slice %arg2[%dma_start3A_368, %dma_start3A_369] : memref<10000x128xf32, #tpu.memory_space<hbm>> -> memref<10000x128xf32, #tpu.memory_space<hbm>>
        tpu.enqueue_indirect_dma source(%dma_start3A_370 : memref<10000x128xf32, #tpu.memory_space<hbm>>) target(%arg26 : memref<80x128xf32, #tpu.memory_space<vmem>>) offsets(%arg10 : memref<80xi32, #tpu.memory_space<vmem>>) semaphore(%arg47 : memref<!tpu.dma_semaphore, #tpu.memory_space<semaphore_mem>>)
      } else {
      }
      %dma_wait3A_202 = arith.constant 0 : i32
      %dma_wait3A_203 = arith.constant 0 : i32
      %dma_wait3A_204 = tpu.memref_slice %arg2[%dma_wait3A_202, %dma_wait3A_203] : memref<10000x128xf32, #tpu.memory_space<hbm>> -> memref<10000x128xf32, #tpu.memory_space<hbm>>
      tpu.wait_indirect_dma semaphore(%arg45 : memref<!tpu.dma_semaphore, #tpu.memory_space<semaphore_mem>>) src(%dma_wait3A_204 : memref<10000x128xf32, #tpu.memory_space<hbm>>) dst(%arg24 : memref<80x128xf32, #tpu.memory_space<vmem>>)
      %dma_start3A_205 = arith.constant 0 : i32
      %dma_start3A_206 = arith.constant 0 : i32
      %dma_start3A_207 = tpu.memref_slice %arg27[%dma_start3A_205, %dma_start3A_206] : memref<10240x128xf32, #tpu.memory_space<vmem_shared>> -> memref<10240x128xf32, #tpu.memory_space<vmem_shared>>
      tpu.enqueue_indirect_dma source(%arg24 : memref<80x128xf32, #tpu.memory_space<vmem>>) target(%dma_start3A_207 : memref<10240x128xf32, #tpu.memory_space<vmem_shared>>) offsets(%arg16 : memref<80xi32, #tpu.memory_space<vmem>>) semaphore(%arg49 : memref<!tpu.dma_semaphore, #tpu.memory_space<semaphore_mem>>) {add = true}
      %mul3A_208 = arith.constant 8 : i32
      %mul3A_209 = arith.muli %mul3A_208, %scan3A_162 : i32
      %add3A_210 = arith.constant 2 : i32
      %add3A_211 = arith.addi %mul3A_209, %add3A_210 : i32
      %add3A_212 = arith.constant 3 : i32
      %add3A_213 = arith.addi %add3A_211, %add3A_212 : i32
      %lt3A_214 = arith.constant 125 : i32
      %lt3A_215 = arith.cmpi slt, %add3A_213, %lt3A_214 : i32
      %convert_element_type3A_216 = arith.extui %lt3A_215 : i1 to i32
      %cond3A_217 = arith.constant 0 : i32
      %cond3A_218 = arith.cmpi ne, %convert_element_type3A_216, %cond3A_217 : i32
      scf.if %cond3A_218 {
        %add3A_352 = arith.constant 3 : i32
        %add3A_353 = arith.addi %add3A_211, %add3A_352 : i32
        %mul3A_354 = arith.constant 80 : i32
        %mul3A_355 = arith.muli %add3A_353, %mul3A_354 : i32
        %add3A_356 = arith.addi %mul3A_2, %mul3A_355 : i32
        %dma_start3A_357 = tpu.memref_slice %arg3[%add3A_356] : memref<320000xi32, #tpu.memory_space<hbm>> -> memref<80xi32, #tpu.memory_space<hbm>>
        %dma_start3A_358 = tpu.memref_slice %arg3[%add3A_356] : memref<320000xi32, #tpu.memory_space<hbm>> -> memref<80xi32, #tpu.memory_space<hbm>>
        tpu.enqueue_dma source(%dma_start3A_358 : memref<80xi32, #tpu.memory_space<hbm>>) target(%arg12 : memref<80xi32, #tpu.memory_space<vmem>>) target_semaphore(%arg33 : memref<!tpu.dma_semaphore, #tpu.memory_space<semaphore_mem>>)
        %mul3A_359 = arith.constant 80 : i32
        %mul3A_360 = arith.muli %add3A_353, %mul3A_359 : i32
        %add3A_361 = arith.addi %mul3A_2, %mul3A_360 : i32
        %dma_start3A_362 = tpu.memref_slice %arg4[%add3A_361] : memref<320000xi32, #tpu.memory_space<hbm>> -> memref<80xi32, #tpu.memory_space<hbm>>
        %dma_start3A_363 = tpu.memref_slice %arg4[%add3A_361] : memref<320000xi32, #tpu.memory_space<hbm>> -> memref<80xi32, #tpu.memory_space<hbm>>
        tpu.enqueue_dma source(%dma_start3A_363 : memref<80xi32, #tpu.memory_space<hbm>>) target(%arg20 : memref<80xi32, #tpu.memory_space<vmem>>) target_semaphore(%arg41 : memref<!tpu.dma_semaphore, #tpu.memory_space<semaphore_mem>>)
      } else {
      }
      %add3A_219 = arith.constant 2 : i32
      %add3A_220 = arith.addi %add3A_211, %add3A_219 : i32
      %lt3A_221 = arith.constant 125 : i32
      %lt3A_222 = arith.cmpi slt, %add3A_220, %lt3A_221 : i32
      %convert_element_type3A_223 = arith.extui %lt3A_222 : i1 to i32
      %cond3A_224 = arith.constant 0 : i32
      %cond3A_225 = arith.cmpi ne, %convert_element_type3A_223, %cond3A_224 : i32
      scf.if %cond3A_225 {
        %add3A_352 = arith.constant 2 : i32
        %add3A_353 = arith.addi %add3A_211, %add3A_352 : i32
        %mul3A_354 = arith.constant 80 : i32
        %mul3A_355 = arith.muli %add3A_353, %mul3A_354 : i32
        %add3A_356 = arith.addi %mul3A_2, %mul3A_355 : i32
        %dma_wait3A_357 = tpu.memref_slice %arg3[%add3A_356] : memref<320000xi32, #tpu.memory_space<hbm>> -> memref<80xi32, #tpu.memory_space<hbm>>
        %dma_wait3A_358 = tpu.memref_slice %arg3[%add3A_356] : memref<320000xi32, #tpu.memory_space<hbm>> -> memref<80xi32, #tpu.memory_space<hbm>>
        tpu.wait_dma2 semaphore(%arg32 : memref<!tpu.dma_semaphore, #tpu.memory_space<semaphore_mem>>) src(%dma_wait3A_358 : memref<80xi32, #tpu.memory_space<hbm>>) dst(%arg11 : memref<80xi32, #tpu.memory_space<vmem>>)
        %mul3A_359 = arith.constant 80 : i32
        %mul3A_360 = arith.muli %add3A_353, %mul3A_359 : i32
        %add3A_361 = arith.addi %mul3A_2, %mul3A_360 : i32
        %dma_wait3A_362 = tpu.memref_slice %arg4[%add3A_361] : memref<320000xi32, #tpu.memory_space<hbm>> -> memref<80xi32, #tpu.memory_space<hbm>>
        %dma_wait3A_363 = tpu.memref_slice %arg4[%add3A_361] : memref<320000xi32, #tpu.memory_space<hbm>> -> memref<80xi32, #tpu.memory_space<hbm>>
        tpu.wait_dma2 semaphore(%arg40 : memref<!tpu.dma_semaphore, #tpu.memory_space<semaphore_mem>>) src(%dma_wait3A_363 : memref<80xi32, #tpu.memory_space<hbm>>) dst(%arg19 : memref<80xi32, #tpu.memory_space<vmem>>)
        %ge3A = arith.constant 4 : i32
        %ge3A_364 = arith.cmpi sge, %add3A_353, %ge3A : i32
        %convert_element_type3A_365 = arith.extui %ge3A_364 : i1 to i32
        %cond3A_366 = arith.constant 0 : i32
        %cond3A_367 = arith.cmpi ne, %convert_element_type3A_365, %cond3A_366 : i32
        scf.if %cond3A_367 {
          %dma_wait3A_371 = arith.constant 0 : i32
          %dma_wait3A_372 = arith.constant 0 : i32
          %dma_wait3A_373 = tpu.memref_slice %arg27[%dma_wait3A_371, %dma_wait3A_372] : memref<10240x128xf32, #tpu.memory_space<vmem_shared>> -> memref<10240x128xf32, #tpu.memory_space<vmem_shared>>
          tpu.wait_indirect_dma semaphore(%arg48 : memref<!tpu.dma_semaphore, #tpu.memory_space<semaphore_mem>>) src(%arg23 : memref<80x128xf32, #tpu.memory_space<vmem>>) dst(%dma_wait3A_373 : memref<10240x128xf32, #tpu.memory_space<vmem_shared>>)
        } else {
        }
        %dma_start3A_368 = arith.constant 0 : i32
        %dma_start3A_369 = arith.constant 0 : i32
        %dma_start3A_370 = tpu.memref_slice %arg2[%dma_start3A_368, %dma_start3A_369] : memref<10000x128xf32, #tpu.memory_space<hbm>> -> memref<10000x128xf32, #tpu.memory_space<hbm>>
        tpu.enqueue_indirect_dma source(%dma_start3A_370 : memref<10000x128xf32, #tpu.memory_space<hbm>>) target(%arg23 : memref<80x128xf32, #tpu.memory_space<vmem>>) offsets(%arg11 : memref<80xi32, #tpu.memory_space<vmem>>) semaphore(%arg44 : memref<!tpu.dma_semaphore, #tpu.memory_space<semaphore_mem>>)
      } else {
      }
      %dma_wait3A_226 = arith.constant 0 : i32
      %dma_wait3A_227 = arith.constant 0 : i32
      %dma_wait3A_228 = tpu.memref_slice %arg2[%dma_wait3A_226, %dma_wait3A_227] : memref<10000x128xf32, #tpu.memory_space<hbm>> -> memref<10000x128xf32, #tpu.memory_space<hbm>>
      tpu.wait_indirect_dma semaphore(%arg46 : memref<!tpu.dma_semaphore, #tpu.memory_space<semaphore_mem>>) src(%dma_wait3A_228 : memref<10000x128xf32, #tpu.memory_space<hbm>>) dst(%arg25 : memref<80x128xf32, #tpu.memory_space<vmem>>)
      %dma_start3A_229 = arith.constant 0 : i32
      %dma_start3A_230 = arith.constant 0 : i32
      %dma_start3A_231 = tpu.memref_slice %arg27[%dma_start3A_229, %dma_start3A_230] : memref<10240x128xf32, #tpu.memory_space<vmem_shared>> -> memref<10240x128xf32, #tpu.memory_space<vmem_shared>>
      tpu.enqueue_indirect_dma source(%arg25 : memref<80x128xf32, #tpu.memory_space<vmem>>) target(%dma_start3A_231 : memref<10240x128xf32, #tpu.memory_space<vmem_shared>>) offsets(%arg17 : memref<80xi32, #tpu.memory_space<vmem>>) semaphore(%arg50 : memref<!tpu.dma_semaphore, #tpu.memory_space<semaphore_mem>>) {add = true}
      %mul3A_232 = arith.constant 8 : i32
      %mul3A_233 = arith.muli %mul3A_232, %scan3A_162 : i32
      %add3A_234 = arith.constant 3 : i32
      %add3A_235 = arith.addi %mul3A_233, %add3A_234 : i32
      %add3A_236 = arith.constant 3 : i32
      %add3A_237 = arith.addi %add3A_235, %add3A_236 : i32
      %lt3A_238 = arith.constant 125 : i32
      %lt3A_239 = arith.cmpi slt, %add3A_237, %lt3A_238 : i32
      %convert_element_type3A_240 = arith.extui %lt3A_239 : i1 to i32
      %cond3A_241 = arith.constant 0 : i32
      %cond3A_242 = arith.cmpi ne, %convert_element_type3A_240, %cond3A_241 : i32
      scf.if %cond3A_242 {
        %add3A_352 = arith.constant 3 : i32
        %add3A_353 = arith.addi %add3A_235, %add3A_352 : i32
        %mul3A_354 = arith.constant 80 : i32
        %mul3A_355 = arith.muli %add3A_353, %mul3A_354 : i32
        %add3A_356 = arith.addi %mul3A_2, %mul3A_355 : i32
        %dma_start3A_357 = tpu.memref_slice %arg3[%add3A_356] : memref<320000xi32, #tpu.memory_space<hbm>> -> memref<80xi32, #tpu.memory_space<hbm>>
        %dma_start3A_358 = tpu.memref_slice %arg3[%add3A_356] : memref<320000xi32, #tpu.memory_space<hbm>> -> memref<80xi32, #tpu.memory_space<hbm>>
        tpu.enqueue_dma source(%dma_start3A_358 : memref<80xi32, #tpu.memory_space<hbm>>) target(%arg13 : memref<80xi32, #tpu.memory_space<vmem>>) target_semaphore(%arg34 : memref<!tpu.dma_semaphore, #tpu.memory_space<semaphore_mem>>)
        %mul3A_359 = arith.constant 80 : i32
        %mul3A_360 = arith.muli %add3A_353, %mul3A_359 : i32
        %add3A_361 = arith.addi %mul3A_2, %mul3A_360 : i32
        %dma_start3A_362 = tpu.memref_slice %arg4[%add3A_361] : memref<320000xi32, #tpu.memory_space<hbm>> -> memref<80xi32, #tpu.memory_space<hbm>>
        %dma_start3A_363 = tpu.memref_slice %arg4[%add3A_361] : memref<320000xi32, #tpu.memory_space<hbm>> -> memref<80xi32, #tpu.memory_space<hbm>>
        tpu.enqueue_dma source(%dma_start3A_363 : memref<80xi32, #tpu.memory_space<hbm>>) target(%arg21 : memref<80xi32, #tpu.memory_space<vmem>>) target_semaphore(%arg42 : memref<!tpu.dma_semaphore, #tpu.memory_space<semaphore_mem>>)
      } else {
      }
      %add3A_243 = arith.constant 2 : i32
      %add3A_244 = arith.addi %add3A_235, %add3A_243 : i32
      %lt3A_245 = arith.constant 125 : i32
      %lt3A_246 = arith.cmpi slt, %add3A_244, %lt3A_245 : i32
      %convert_element_type3A_247 = arith.extui %lt3A_246 : i1 to i32
      %cond3A_248 = arith.constant 0 : i32
      %cond3A_249 = arith.cmpi ne, %convert_element_type3A_247, %cond3A_248 : i32
      scf.if %cond3A_249 {
        %add3A_352 = arith.constant 2 : i32
        %add3A_353 = arith.addi %add3A_235, %add3A_352 : i32
        %mul3A_354 = arith.constant 80 : i32
        %mul3A_355 = arith.muli %add3A_353, %mul3A_354 : i32
        %add3A_356 = arith.addi %mul3A_2, %mul3A_355 : i32
        %dma_wait3A_357 = tpu.memref_slice %arg3[%add3A_356] : memref<320000xi32, #tpu.memory_space<hbm>> -> memref<80xi32, #tpu.memory_space<hbm>>
        %dma_wait3A_358 = tpu.memref_slice %arg3[%add3A_356] : memref<320000xi32, #tpu.memory_space<hbm>> -> memref<80xi32, #tpu.memory_space<hbm>>
        tpu.wait_dma2 semaphore(%arg33 : memref<!tpu.dma_semaphore, #tpu.memory_space<semaphore_mem>>) src(%dma_wait3A_358 : memref<80xi32, #tpu.memory_space<hbm>>) dst(%arg12 : memref<80xi32, #tpu.memory_space<vmem>>)
        %mul3A_359 = arith.constant 80 : i32
        %mul3A_360 = arith.muli %add3A_353, %mul3A_359 : i32
        %add3A_361 = arith.addi %mul3A_2, %mul3A_360 : i32
        %dma_wait3A_362 = tpu.memref_slice %arg4[%add3A_361] : memref<320000xi32, #tpu.memory_space<hbm>> -> memref<80xi32, #tpu.memory_space<hbm>>
        %dma_wait3A_363 = tpu.memref_slice %arg4[%add3A_361] : memref<320000xi32, #tpu.memory_space<hbm>> -> memref<80xi32, #tpu.memory_space<hbm>>
        tpu.wait_dma2 semaphore(%arg41 : memref<!tpu.dma_semaphore, #tpu.memory_space<semaphore_mem>>) src(%dma_wait3A_363 : memref<80xi32, #tpu.memory_space<hbm>>) dst(%arg20 : memref<80xi32, #tpu.memory_space<vmem>>)
        %ge3A = arith.constant 4 : i32
        %ge3A_364 = arith.cmpi sge, %add3A_353, %ge3A : i32
        %convert_element_type3A_365 = arith.extui %ge3A_364 : i1 to i32
        %cond3A_366 = arith.constant 0 : i32
        %cond3A_367 = arith.cmpi ne, %convert_element_type3A_365, %cond3A_366 : i32
        scf.if %cond3A_367 {
          %dma_wait3A_371 = arith.constant 0 : i32
          %dma_wait3A_372 = arith.constant 0 : i32
          %dma_wait3A_373 = tpu.memref_slice %arg27[%dma_wait3A_371, %dma_wait3A_372] : memref<10240x128xf32, #tpu.memory_space<vmem_shared>> -> memref<10240x128xf32, #tpu.memory_space<vmem_shared>>
          tpu.wait_indirect_dma semaphore(%arg49 : memref<!tpu.dma_semaphore, #tpu.memory_space<semaphore_mem>>) src(%arg24 : memref<80x128xf32, #tpu.memory_space<vmem>>) dst(%dma_wait3A_373 : memref<10240x128xf32, #tpu.memory_space<vmem_shared>>)
        } else {
        }
        %dma_start3A_368 = arith.constant 0 : i32
        %dma_start3A_369 = arith.constant 0 : i32
        %dma_start3A_370 = tpu.memref_slice %arg2[%dma_start3A_368, %dma_start3A_369] : memref<10000x128xf32, #tpu.memory_space<hbm>> -> memref<10000x128xf32, #tpu.memory_space<hbm>>
        tpu.enqueue_indirect_dma source(%dma_start3A_370 : memref<10000x128xf32, #tpu.memory_space<hbm>>) target(%arg24 : memref<80x128xf32, #tpu.memory_space<vmem>>) offsets(%arg12 : memref<80xi32, #tpu.memory_space<vmem>>) semaphore(%arg45 : memref<!tpu.dma_semaphore, #tpu.memory_space<semaphore_mem>>)
      } else {
      }
      %dma_wait3A_250 = arith.constant 0 : i32
      %dma_wait3A_251 = arith.constant 0 : i32
      %dma_wait3A_252 = tpu.memref_slice %arg2[%dma_wait3A_250, %dma_wait3A_251] : memref<10000x128xf32, #tpu.memory_space<hbm>> -> memref<10000x128xf32, #tpu.memory_space<hbm>>
      tpu.wait_indirect_dma semaphore(%arg47 : memref<!tpu.dma_semaphore, #tpu.memory_space<semaphore_mem>>) src(%dma_wait3A_252 : memref<10000x128xf32, #tpu.memory_space<hbm>>) dst(%arg26 : memref<80x128xf32, #tpu.memory_space<vmem>>)
      %dma_start3A_253 = arith.constant 0 : i32
      %dma_start3A_254 = arith.constant 0 : i32
      %dma_start3A_255 = tpu.memref_slice %arg27[%dma_start3A_253, %dma_start3A_254] : memref<10240x128xf32, #tpu.memory_space<vmem_shared>> -> memref<10240x128xf32, #tpu.memory_space<vmem_shared>>
      tpu.enqueue_indirect_dma source(%arg26 : memref<80x128xf32, #tpu.memory_space<vmem>>) target(%dma_start3A_255 : memref<10240x128xf32, #tpu.memory_space<vmem_shared>>) offsets(%arg18 : memref<80xi32, #tpu.memory_space<vmem>>) semaphore(%arg51 : memref<!tpu.dma_semaphore, #tpu.memory_space<semaphore_mem>>) {add = true}
      %mul3A_256 = arith.constant 8 : i32
      %mul3A_257 = arith.muli %mul3A_256, %scan3A_162 : i32
      %add3A_258 = arith.constant 4 : i32
      %add3A_259 = arith.addi %mul3A_257, %add3A_258 : i32
      %add3A_260 = arith.constant 3 : i32
      %add3A_261 = arith.addi %add3A_259, %add3A_260 : i32
      %lt3A_262 = arith.constant 125 : i32
      %lt3A_263 = arith.cmpi slt, %add3A_261, %lt3A_262 : i32
      %convert_element_type3A_264 = arith.extui %lt3A_263 : i1 to i32
      %cond3A_265 = arith.constant 0 : i32
      %cond3A_266 = arith.cmpi ne, %convert_element_type3A_264, %cond3A_265 : i32
      scf.if %cond3A_266 {
        %add3A_352 = arith.constant 3 : i32
        %add3A_353 = arith.addi %add3A_259, %add3A_352 : i32
        %mul3A_354 = arith.constant 80 : i32
        %mul3A_355 = arith.muli %add3A_353, %mul3A_354 : i32
        %add3A_356 = arith.addi %mul3A_2, %mul3A_355 : i32
        %dma_start3A_357 = tpu.memref_slice %arg3[%add3A_356] : memref<320000xi32, #tpu.memory_space<hbm>> -> memref<80xi32, #tpu.memory_space<hbm>>
        %dma_start3A_358 = tpu.memref_slice %arg3[%add3A_356] : memref<320000xi32, #tpu.memory_space<hbm>> -> memref<80xi32, #tpu.memory_space<hbm>>
        tpu.enqueue_dma source(%dma_start3A_358 : memref<80xi32, #tpu.memory_space<hbm>>) target(%arg14 : memref<80xi32, #tpu.memory_space<vmem>>) target_semaphore(%arg35 : memref<!tpu.dma_semaphore, #tpu.memory_space<semaphore_mem>>)
        %mul3A_359 = arith.constant 80 : i32
        %mul3A_360 = arith.muli %add3A_353, %mul3A_359 : i32
        %add3A_361 = arith.addi %mul3A_2, %mul3A_360 : i32
        %dma_start3A_362 = tpu.memref_slice %arg4[%add3A_361] : memref<320000xi32, #tpu.memory_space<hbm>> -> memref<80xi32, #tpu.memory_space<hbm>>
        %dma_start3A_363 = tpu.memref_slice %arg4[%add3A_361] : memref<320000xi32, #tpu.memory_space<hbm>> -> memref<80xi32, #tpu.memory_space<hbm>>
        tpu.enqueue_dma source(%dma_start3A_363 : memref<80xi32, #tpu.memory_space<hbm>>) target(%arg22 : memref<80xi32, #tpu.memory_space<vmem>>) target_semaphore(%arg43 : memref<!tpu.dma_semaphore, #tpu.memory_space<semaphore_mem>>)
      } else {
      }
      %add3A_267 = arith.constant 2 : i32
      %add3A_268 = arith.addi %add3A_259, %add3A_267 : i32
      %lt3A_269 = arith.constant 125 : i32
      %lt3A_270 = arith.cmpi slt, %add3A_268, %lt3A_269 : i32
      %convert_element_type3A_271 = arith.extui %lt3A_270 : i1 to i32
      %cond3A_272 = arith.constant 0 : i32
      %cond3A_273 = arith.cmpi ne, %convert_element_type3A_271, %cond3A_272 : i32
      scf.if %cond3A_273 {
        %add3A_352 = arith.constant 2 : i32
        %add3A_353 = arith.addi %add3A_259, %add3A_352 : i32
        %mul3A_354 = arith.constant 80 : i32
        %mul3A_355 = arith.muli %add3A_353, %mul3A_354 : i32
        %add3A_356 = arith.addi %mul3A_2, %mul3A_355 : i32
        %dma_wait3A_357 = tpu.memref_slice %arg3[%add3A_356] : memref<320000xi32, #tpu.memory_space<hbm>> -> memref<80xi32, #tpu.memory_space<hbm>>
        %dma_wait3A_358 = tpu.memref_slice %arg3[%add3A_356] : memref<320000xi32, #tpu.memory_space<hbm>> -> memref<80xi32, #tpu.memory_space<hbm>>
        tpu.wait_dma2 semaphore(%arg34 : memref<!tpu.dma_semaphore, #tpu.memory_space<semaphore_mem>>) src(%dma_wait3A_358 : memref<80xi32, #tpu.memory_space<hbm>>) dst(%arg13 : memref<80xi32, #tpu.memory_space<vmem>>)
        %mul3A_359 = arith.constant 80 : i32
        %mul3A_360 = arith.muli %add3A_353, %mul3A_359 : i32
        %add3A_361 = arith.addi %mul3A_2, %mul3A_360 : i32
        %dma_wait3A_362 = tpu.memref_slice %arg4[%add3A_361] : memref<320000xi32, #tpu.memory_space<hbm>> -> memref<80xi32, #tpu.memory_space<hbm>>
        %dma_wait3A_363 = tpu.memref_slice %arg4[%add3A_361] : memref<320000xi32, #tpu.memory_space<hbm>> -> memref<80xi32, #tpu.memory_space<hbm>>
        tpu.wait_dma2 semaphore(%arg42 : memref<!tpu.dma_semaphore, #tpu.memory_space<semaphore_mem>>) src(%dma_wait3A_363 : memref<80xi32, #tpu.memory_space<hbm>>) dst(%arg21 : memref<80xi32, #tpu.memory_space<vmem>>)
        %ge3A = arith.constant 4 : i32
        %ge3A_364 = arith.cmpi sge, %add3A_353, %ge3A : i32
        %convert_element_type3A_365 = arith.extui %ge3A_364 : i1 to i32
        %cond3A_366 = arith.constant 0 : i32
        %cond3A_367 = arith.cmpi ne, %convert_element_type3A_365, %cond3A_366 : i32
        scf.if %cond3A_367 {
          %dma_wait3A_371 = arith.constant 0 : i32
          %dma_wait3A_372 = arith.constant 0 : i32
          %dma_wait3A_373 = tpu.memref_slice %arg27[%dma_wait3A_371, %dma_wait3A_372] : memref<10240x128xf32, #tpu.memory_space<vmem_shared>> -> memref<10240x128xf32, #tpu.memory_space<vmem_shared>>
          tpu.wait_indirect_dma semaphore(%arg50 : memref<!tpu.dma_semaphore, #tpu.memory_space<semaphore_mem>>) src(%arg25 : memref<80x128xf32, #tpu.memory_space<vmem>>) dst(%dma_wait3A_373 : memref<10240x128xf32, #tpu.memory_space<vmem_shared>>)
        } else {
        }
        %dma_start3A_368 = arith.constant 0 : i32
        %dma_start3A_369 = arith.constant 0 : i32
        %dma_start3A_370 = tpu.memref_slice %arg2[%dma_start3A_368, %dma_start3A_369] : memref<10000x128xf32, #tpu.memory_space<hbm>> -> memref<10000x128xf32, #tpu.memory_space<hbm>>
        tpu.enqueue_indirect_dma source(%dma_start3A_370 : memref<10000x128xf32, #tpu.memory_space<hbm>>) target(%arg25 : memref<80x128xf32, #tpu.memory_space<vmem>>) offsets(%arg13 : memref<80xi32, #tpu.memory_space<vmem>>) semaphore(%arg46 : memref<!tpu.dma_semaphore, #tpu.memory_space<semaphore_mem>>)
      } else {
      }
      %dma_wait3A_274 = arith.constant 0 : i32
      %dma_wait3A_275 = arith.constant 0 : i32
      %dma_wait3A_276 = tpu.memref_slice %arg2[%dma_wait3A_274, %dma_wait3A_275] : memref<10000x128xf32, #tpu.memory_space<hbm>> -> memref<10000x128xf32, #tpu.memory_space<hbm>>
      tpu.wait_indirect_dma semaphore(%arg44 : memref<!tpu.dma_semaphore, #tpu.memory_space<semaphore_mem>>) src(%dma_wait3A_276 : memref<10000x128xf32, #tpu.memory_space<hbm>>) dst(%arg23 : memref<80x128xf32, #tpu.memory_space<vmem>>)
      %dma_start3A_277 = arith.constant 0 : i32
      %dma_start3A_278 = arith.constant 0 : i32
      %dma_start3A_279 = tpu.memref_slice %arg27[%dma_start3A_277, %dma_start3A_278] : memref<10240x128xf32, #tpu.memory_space<vmem_shared>> -> memref<10240x128xf32, #tpu.memory_space<vmem_shared>>
      tpu.enqueue_indirect_dma source(%arg23 : memref<80x128xf32, #tpu.memory_space<vmem>>) target(%dma_start3A_279 : memref<10240x128xf32, #tpu.memory_space<vmem_shared>>) offsets(%arg19 : memref<80xi32, #tpu.memory_space<vmem>>) semaphore(%arg48 : memref<!tpu.dma_semaphore, #tpu.memory_space<semaphore_mem>>) {add = true}
      %mul3A_280 = arith.constant 8 : i32
      %mul3A_281 = arith.muli %mul3A_280, %scan3A_162 : i32
      %add3A_282 = arith.constant 5 : i32
      %add3A_283 = arith.addi %mul3A_281, %add3A_282 : i32
      %add3A_284 = arith.constant 3 : i32
      %add3A_285 = arith.addi %add3A_283, %add3A_284 : i32
      %lt3A_286 = arith.constant 125 : i32
      %lt3A_287 = arith.cmpi slt, %add3A_285, %lt3A_286 : i32
      %convert_element_type3A_288 = arith.extui %lt3A_287 : i1 to i32
      %cond3A_289 = arith.constant 0 : i32
      %cond3A_290 = arith.cmpi ne, %convert_element_type3A_288, %cond3A_289 : i32
      scf.if %cond3A_290 {
        %add3A_352 = arith.constant 3 : i32
        %add3A_353 = arith.addi %add3A_283, %add3A_352 : i32
        %mul3A_354 = arith.constant 80 : i32
        %mul3A_355 = arith.muli %add3A_353, %mul3A_354 : i32
        %add3A_356 = arith.addi %mul3A_2, %mul3A_355 : i32
        %dma_start3A_357 = tpu.memref_slice %arg3[%add3A_356] : memref<320000xi32, #tpu.memory_space<hbm>> -> memref<80xi32, #tpu.memory_space<hbm>>
        %dma_start3A_358 = tpu.memref_slice %arg3[%add3A_356] : memref<320000xi32, #tpu.memory_space<hbm>> -> memref<80xi32, #tpu.memory_space<hbm>>
        tpu.enqueue_dma source(%dma_start3A_358 : memref<80xi32, #tpu.memory_space<hbm>>) target(%arg7 : memref<80xi32, #tpu.memory_space<vmem>>) target_semaphore(%arg28 : memref<!tpu.dma_semaphore, #tpu.memory_space<semaphore_mem>>)
        %mul3A_359 = arith.constant 80 : i32
        %mul3A_360 = arith.muli %add3A_353, %mul3A_359 : i32
        %add3A_361 = arith.addi %mul3A_2, %mul3A_360 : i32
        %dma_start3A_362 = tpu.memref_slice %arg4[%add3A_361] : memref<320000xi32, #tpu.memory_space<hbm>> -> memref<80xi32, #tpu.memory_space<hbm>>
        %dma_start3A_363 = tpu.memref_slice %arg4[%add3A_361] : memref<320000xi32, #tpu.memory_space<hbm>> -> memref<80xi32, #tpu.memory_space<hbm>>
        tpu.enqueue_dma source(%dma_start3A_363 : memref<80xi32, #tpu.memory_space<hbm>>) target(%arg15 : memref<80xi32, #tpu.memory_space<vmem>>) target_semaphore(%arg36 : memref<!tpu.dma_semaphore, #tpu.memory_space<semaphore_mem>>)
      } else {
      }
      %add3A_291 = arith.constant 2 : i32
      %add3A_292 = arith.addi %add3A_283, %add3A_291 : i32
      %lt3A_293 = arith.constant 125 : i32
      %lt3A_294 = arith.cmpi slt, %add3A_292, %lt3A_293 : i32
      %convert_element_type3A_295 = arith.extui %lt3A_294 : i1 to i32
      %cond3A_296 = arith.constant 0 : i32
      %cond3A_297 = arith.cmpi ne, %convert_element_type3A_295, %cond3A_296 : i32
      scf.if %cond3A_297 {
        %add3A_352 = arith.constant 2 : i32
        %add3A_353 = arith.addi %add3A_283, %add3A_352 : i32
        %mul3A_354 = arith.constant 80 : i32
        %mul3A_355 = arith.muli %add3A_353, %mul3A_354 : i32
        %add3A_356 = arith.addi %mul3A_2, %mul3A_355 : i32
        %dma_wait3A_357 = tpu.memref_slice %arg3[%add3A_356] : memref<320000xi32, #tpu.memory_space<hbm>> -> memref<80xi32, #tpu.memory_space<hbm>>
        %dma_wait3A_358 = tpu.memref_slice %arg3[%add3A_356] : memref<320000xi32, #tpu.memory_space<hbm>> -> memref<80xi32, #tpu.memory_space<hbm>>
        tpu.wait_dma2 semaphore(%arg35 : memref<!tpu.dma_semaphore, #tpu.memory_space<semaphore_mem>>) src(%dma_wait3A_358 : memref<80xi32, #tpu.memory_space<hbm>>) dst(%arg14 : memref<80xi32, #tpu.memory_space<vmem>>)
        %mul3A_359 = arith.constant 80 : i32
        %mul3A_360 = arith.muli %add3A_353, %mul3A_359 : i32
        %add3A_361 = arith.addi %mul3A_2, %mul3A_360 : i32
        %dma_wait3A_362 = tpu.memref_slice %arg4[%add3A_361] : memref<320000xi32, #tpu.memory_space<hbm>> -> memref<80xi32, #tpu.memory_space<hbm>>
        %dma_wait3A_363 = tpu.memref_slice %arg4[%add3A_361] : memref<320000xi32, #tpu.memory_space<hbm>> -> memref<80xi32, #tpu.memory_space<hbm>>
        tpu.wait_dma2 semaphore(%arg43 : memref<!tpu.dma_semaphore, #tpu.memory_space<semaphore_mem>>) src(%dma_wait3A_363 : memref<80xi32, #tpu.memory_space<hbm>>) dst(%arg22 : memref<80xi32, #tpu.memory_space<vmem>>)
        %ge3A = arith.constant 4 : i32
        %ge3A_364 = arith.cmpi sge, %add3A_353, %ge3A : i32
        %convert_element_type3A_365 = arith.extui %ge3A_364 : i1 to i32
        %cond3A_366 = arith.constant 0 : i32
        %cond3A_367 = arith.cmpi ne, %convert_element_type3A_365, %cond3A_366 : i32
        scf.if %cond3A_367 {
          %dma_wait3A_371 = arith.constant 0 : i32
          %dma_wait3A_372 = arith.constant 0 : i32
          %dma_wait3A_373 = tpu.memref_slice %arg27[%dma_wait3A_371, %dma_wait3A_372] : memref<10240x128xf32, #tpu.memory_space<vmem_shared>> -> memref<10240x128xf32, #tpu.memory_space<vmem_shared>>
          tpu.wait_indirect_dma semaphore(%arg51 : memref<!tpu.dma_semaphore, #tpu.memory_space<semaphore_mem>>) src(%arg26 : memref<80x128xf32, #tpu.memory_space<vmem>>) dst(%dma_wait3A_373 : memref<10240x128xf32, #tpu.memory_space<vmem_shared>>)
        } else {
        }
        %dma_start3A_368 = arith.constant 0 : i32
        %dma_start3A_369 = arith.constant 0 : i32
        %dma_start3A_370 = tpu.memref_slice %arg2[%dma_start3A_368, %dma_start3A_369] : memref<10000x128xf32, #tpu.memory_space<hbm>> -> memref<10000x128xf32, #tpu.memory_space<hbm>>
        tpu.enqueue_indirect_dma source(%dma_start3A_370 : memref<10000x128xf32, #tpu.memory_space<hbm>>) target(%arg26 : memref<80x128xf32, #tpu.memory_space<vmem>>) offsets(%arg14 : memref<80xi32, #tpu.memory_space<vmem>>) semaphore(%arg47 : memref<!tpu.dma_semaphore, #tpu.memory_space<semaphore_mem>>)
      } else {
      }
      %dma_wait3A_298 = arith.constant 0 : i32
      %dma_wait3A_299 = arith.constant 0 : i32
      %dma_wait3A_300 = tpu.memref_slice %arg2[%dma_wait3A_298, %dma_wait3A_299] : memref<10000x128xf32, #tpu.memory_space<hbm>> -> memref<10000x128xf32, #tpu.memory_space<hbm>>
      tpu.wait_indirect_dma semaphore(%arg45 : memref<!tpu.dma_semaphore, #tpu.memory_space<semaphore_mem>>) src(%dma_wait3A_300 : memref<10000x128xf32, #tpu.memory_space<hbm>>) dst(%arg24 : memref<80x128xf32, #tpu.memory_space<vmem>>)
      %dma_start3A_301 = arith.constant 0 : i32
      %dma_start3A_302 = arith.constant 0 : i32
      %dma_start3A_303 = tpu.memref_slice %arg27[%dma_start3A_301, %dma_start3A_302] : memref<10240x128xf32, #tpu.memory_space<vmem_shared>> -> memref<10240x128xf32, #tpu.memory_space<vmem_shared>>
      tpu.enqueue_indirect_dma source(%arg24 : memref<80x128xf32, #tpu.memory_space<vmem>>) target(%dma_start3A_303 : memref<10240x128xf32, #tpu.memory_space<vmem_shared>>) offsets(%arg20 : memref<80xi32, #tpu.memory_space<vmem>>) semaphore(%arg49 : memref<!tpu.dma_semaphore, #tpu.memory_space<semaphore_mem>>) {add = true}
      %mul3A_304 = arith.constant 8 : i32
      %mul3A_305 = arith.muli %mul3A_304, %scan3A_162 : i32
      %add3A_306 = arith.constant 6 : i32
      %add3A_307 = arith.addi %mul3A_305, %add3A_306 : i32
      %add3A_308 = arith.constant 3 : i32
      %add3A_309 = arith.addi %add3A_307, %add3A_308 : i32
      %lt3A_310 = arith.constant 125 : i32
      %lt3A_311 = arith.cmpi slt, %add3A_309, %lt3A_310 : i32
      %convert_element_type3A_312 = arith.extui %lt3A_311 : i1 to i32
      %cond3A_313 = arith.constant 0 : i32
      %cond3A_314 = arith.cmpi ne, %convert_element_type3A_312, %cond3A_313 : i32
      scf.if %cond3A_314 {
        %add3A_352 = arith.constant 3 : i32
        %add3A_353 = arith.addi %add3A_307, %add3A_352 : i32
        %mul3A_354 = arith.constant 80 : i32
        %mul3A_355 = arith.muli %add3A_353, %mul3A_354 : i32
        %add3A_356 = arith.addi %mul3A_2, %mul3A_355 : i32
        %dma_start3A_357 = tpu.memref_slice %arg3[%add3A_356] : memref<320000xi32, #tpu.memory_space<hbm>> -> memref<80xi32, #tpu.memory_space<hbm>>
        %dma_start3A_358 = tpu.memref_slice %arg3[%add3A_356] : memref<320000xi32, #tpu.memory_space<hbm>> -> memref<80xi32, #tpu.memory_space<hbm>>
        tpu.enqueue_dma source(%dma_start3A_358 : memref<80xi32, #tpu.memory_space<hbm>>) target(%arg8 : memref<80xi32, #tpu.memory_space<vmem>>) target_semaphore(%arg29 : memref<!tpu.dma_semaphore, #tpu.memory_space<semaphore_mem>>)
        %mul3A_359 = arith.constant 80 : i32
        %mul3A_360 = arith.muli %add3A_353, %mul3A_359 : i32
        %add3A_361 = arith.addi %mul3A_2, %mul3A_360 : i32
        %dma_start3A_362 = tpu.memref_slice %arg4[%add3A_361] : memref<320000xi32, #tpu.memory_space<hbm>> -> memref<80xi32, #tpu.memory_space<hbm>>
        %dma_start3A_363 = tpu.memref_slice %arg4[%add3A_361] : memref<320000xi32, #tpu.memory_space<hbm>> -> memref<80xi32, #tpu.memory_space<hbm>>
        tpu.enqueue_dma source(%dma_start3A_363 : memref<80xi32, #tpu.memory_space<hbm>>) target(%arg16 : memref<80xi32, #tpu.memory_space<vmem>>) target_semaphore(%arg37 : memref<!tpu.dma_semaphore, #tpu.memory_space<semaphore_mem>>)
      } else {
      }
      %add3A_315 = arith.constant 2 : i32
      %add3A_316 = arith.addi %add3A_307, %add3A_315 : i32
      %lt3A_317 = arith.constant 125 : i32
      %lt3A_318 = arith.cmpi slt, %add3A_316, %lt3A_317 : i32
      %convert_element_type3A_319 = arith.extui %lt3A_318 : i1 to i32
      %cond3A_320 = arith.constant 0 : i32
      %cond3A_321 = arith.cmpi ne, %convert_element_type3A_319, %cond3A_320 : i32
      scf.if %cond3A_321 {
        %add3A_352 = arith.constant 2 : i32
        %add3A_353 = arith.addi %add3A_307, %add3A_352 : i32
        %mul3A_354 = arith.constant 80 : i32
        %mul3A_355 = arith.muli %add3A_353, %mul3A_354 : i32
        %add3A_356 = arith.addi %mul3A_2, %mul3A_355 : i32
        %dma_wait3A_357 = tpu.memref_slice %arg3[%add3A_356] : memref<320000xi32, #tpu.memory_space<hbm>> -> memref<80xi32, #tpu.memory_space<hbm>>
        %dma_wait3A_358 = tpu.memref_slice %arg3[%add3A_356] : memref<320000xi32, #tpu.memory_space<hbm>> -> memref<80xi32, #tpu.memory_space<hbm>>
        tpu.wait_dma2 semaphore(%arg28 : memref<!tpu.dma_semaphore, #tpu.memory_space<semaphore_mem>>) src(%dma_wait3A_358 : memref<80xi32, #tpu.memory_space<hbm>>) dst(%arg7 : memref<80xi32, #tpu.memory_space<vmem>>)
        %mul3A_359 = arith.constant 80 : i32
        %mul3A_360 = arith.muli %add3A_353, %mul3A_359 : i32
        %add3A_361 = arith.addi %mul3A_2, %mul3A_360 : i32
        %dma_wait3A_362 = tpu.memref_slice %arg4[%add3A_361] : memref<320000xi32, #tpu.memory_space<hbm>> -> memref<80xi32, #tpu.memory_space<hbm>>
        %dma_wait3A_363 = tpu.memref_slice %arg4[%add3A_361] : memref<320000xi32, #tpu.memory_space<hbm>> -> memref<80xi32, #tpu.memory_space<hbm>>
        tpu.wait_dma2 semaphore(%arg36 : memref<!tpu.dma_semaphore, #tpu.memory_space<semaphore_mem>>) src(%dma_wait3A_363 : memref<80xi32, #tpu.memory_space<hbm>>) dst(%arg15 : memref<80xi32, #tpu.memory_space<vmem>>)
        %ge3A = arith.constant 4 : i32
        %ge3A_364 = arith.cmpi sge, %add3A_353, %ge3A : i32
        %convert_element_type3A_365 = arith.extui %ge3A_364 : i1 to i32
        %cond3A_366 = arith.constant 0 : i32
        %cond3A_367 = arith.cmpi ne, %convert_element_type3A_365, %cond3A_366 : i32
        scf.if %cond3A_367 {
          %dma_wait3A_371 = arith.constant 0 : i32
          %dma_wait3A_372 = arith.constant 0 : i32
          %dma_wait3A_373 = tpu.memref_slice %arg27[%dma_wait3A_371, %dma_wait3A_372] : memref<10240x128xf32, #tpu.memory_space<vmem_shared>> -> memref<10240x128xf32, #tpu.memory_space<vmem_shared>>
          tpu.wait_indirect_dma semaphore(%arg48 : memref<!tpu.dma_semaphore, #tpu.memory_space<semaphore_mem>>) src(%arg23 : memref<80x128xf32, #tpu.memory_space<vmem>>) dst(%dma_wait3A_373 : memref<10240x128xf32, #tpu.memory_space<vmem_shared>>)
        } else {
        }
        %dma_start3A_368 = arith.constant 0 : i32
        %dma_start3A_369 = arith.constant 0 : i32
        %dma_start3A_370 = tpu.memref_slice %arg2[%dma_start3A_368, %dma_start3A_369] : memref<10000x128xf32, #tpu.memory_space<hbm>> -> memref<10000x128xf32, #tpu.memory_space<hbm>>
        tpu.enqueue_indirect_dma source(%dma_start3A_370 : memref<10000x128xf32, #tpu.memory_space<hbm>>) target(%arg23 : memref<80x128xf32, #tpu.memory_space<vmem>>) offsets(%arg7 : memref<80xi32, #tpu.memory_space<vmem>>) semaphore(%arg44 : memref<!tpu.dma_semaphore, #tpu.memory_space<semaphore_mem>>)
      } else {
      }
      %dma_wait3A_322 = arith.constant 0 : i32
      %dma_wait3A_323 = arith.constant 0 : i32
      %dma_wait3A_324 = tpu.memref_slice %arg2[%dma_wait3A_322, %dma_wait3A_323] : memref<10000x128xf32, #tpu.memory_space<hbm>> -> memref<10000x128xf32, #tpu.memory_space<hbm>>
      tpu.wait_indirect_dma semaphore(%arg46 : memref<!tpu.dma_semaphore, #tpu.memory_space<semaphore_mem>>) src(%dma_wait3A_324 : memref<10000x128xf32, #tpu.memory_space<hbm>>) dst(%arg25 : memref<80x128xf32, #tpu.memory_space<vmem>>)
      %dma_start3A_325 = arith.constant 0 : i32
      %dma_start3A_326 = arith.constant 0 : i32
      %dma_start3A_327 = tpu.memref_slice %arg27[%dma_start3A_325, %dma_start3A_326] : memref<10240x128xf32, #tpu.memory_space<vmem_shared>> -> memref<10240x128xf32, #tpu.memory_space<vmem_shared>>
      tpu.enqueue_indirect_dma source(%arg25 : memref<80x128xf32, #tpu.memory_space<vmem>>) target(%dma_start3A_327 : memref<10240x128xf32, #tpu.memory_space<vmem_shared>>) offsets(%arg21 : memref<80xi32, #tpu.memory_space<vmem>>) semaphore(%arg50 : memref<!tpu.dma_semaphore, #tpu.memory_space<semaphore_mem>>) {add = true}
      %mul3A_328 = arith.constant 8 : i32
      %mul3A_329 = arith.muli %mul3A_328, %scan3A_162 : i32
      %add3A_330 = arith.constant 7 : i32
      %add3A_331 = arith.addi %mul3A_329, %add3A_330 : i32
      %add3A_332 = arith.constant 3 : i32
      %add3A_333 = arith.addi %add3A_331, %add3A_332 : i32
      %lt3A_334 = arith.constant 125 : i32
      %lt3A_335 = arith.cmpi slt, %add3A_333, %lt3A_334 : i32
      %convert_element_type3A_336 = arith.extui %lt3A_335 : i1 to i32
      %cond3A_337 = arith.constant 0 : i32
      %cond3A_338 = arith.cmpi ne, %convert_element_type3A_336, %cond3A_337 : i32
      scf.if %cond3A_338 {
        %add3A_352 = arith.constant 3 : i32
        %add3A_353 = arith.addi %add3A_331, %add3A_352 : i32
        %mul3A_354 = arith.constant 80 : i32
        %mul3A_355 = arith.muli %add3A_353, %mul3A_354 : i32
        %add3A_356 = arith.addi %mul3A_2, %mul3A_355 : i32
        %dma_start3A_357 = tpu.memref_slice %arg3[%add3A_356] : memref<320000xi32, #tpu.memory_space<hbm>> -> memref<80xi32, #tpu.memory_space<hbm>>
        %dma_start3A_358 = tpu.memref_slice %arg3[%add3A_356] : memref<320000xi32, #tpu.memory_space<hbm>> -> memref<80xi32, #tpu.memory_space<hbm>>
        tpu.enqueue_dma source(%dma_start3A_358 : memref<80xi32, #tpu.memory_space<hbm>>) target(%arg9 : memref<80xi32, #tpu.memory_space<vmem>>) target_semaphore(%arg30 : memref<!tpu.dma_semaphore, #tpu.memory_space<semaphore_mem>>)
        %mul3A_359 = arith.constant 80 : i32
        %mul3A_360 = arith.muli %add3A_353, %mul3A_359 : i32
        %add3A_361 = arith.addi %mul3A_2, %mul3A_360 : i32
        %dma_start3A_362 = tpu.memref_slice %arg4[%add3A_361] : memref<320000xi32, #tpu.memory_space<hbm>> -> memref<80xi32, #tpu.memory_space<hbm>>
        %dma_start3A_363 = tpu.memref_slice %arg4[%add3A_361] : memref<320000xi32, #tpu.memory_space<hbm>> -> memref<80xi32, #tpu.memory_space<hbm>>
        tpu.enqueue_dma source(%dma_start3A_363 : memref<80xi32, #tpu.memory_space<hbm>>) target(%arg17 : memref<80xi32, #tpu.memory_space<vmem>>) target_semaphore(%arg38 : memref<!tpu.dma_semaphore, #tpu.memory_space<semaphore_mem>>)
      } else {
      }
      %add3A_339 = arith.constant 2 : i32
      %add3A_340 = arith.addi %add3A_331, %add3A_339 : i32
      %lt3A_341 = arith.constant 125 : i32
      %lt3A_342 = arith.cmpi slt, %add3A_340, %lt3A_341 : i32
      %convert_element_type3A_343 = arith.extui %lt3A_342 : i1 to i32
      %cond3A_344 = arith.constant 0 : i32
      %cond3A_345 = arith.cmpi ne, %convert_element_type3A_343, %cond3A_344 : i32
      scf.if %cond3A_345 {
        %add3A_352 = arith.constant 2 : i32
        %add3A_353 = arith.addi %add3A_331, %add3A_352 : i32
        %mul3A_354 = arith.constant 80 : i32
        %mul3A_355 = arith.muli %add3A_353, %mul3A_354 : i32
        %add3A_356 = arith.addi %mul3A_2, %mul3A_355 : i32
        %dma_wait3A_357 = tpu.memref_slice %arg3[%add3A_356] : memref<320000xi32, #tpu.memory_space<hbm>> -> memref<80xi32, #tpu.memory_space<hbm>>
        %dma_wait3A_358 = tpu.memref_slice %arg3[%add3A_356] : memref<320000xi32, #tpu.memory_space<hbm>> -> memref<80xi32, #tpu.memory_space<hbm>>
        tpu.wait_dma2 semaphore(%arg29 : memref<!tpu.dma_semaphore, #tpu.memory_space<semaphore_mem>>) src(%dma_wait3A_358 : memref<80xi32, #tpu.memory_space<hbm>>) dst(%arg8 : memref<80xi32, #tpu.memory_space<vmem>>)
        %mul3A_359 = arith.constant 80 : i32
        %mul3A_360 = arith.muli %add3A_353, %mul3A_359 : i32
        %add3A_361 = arith.addi %mul3A_2, %mul3A_360 : i32
        %dma_wait3A_362 = tpu.memref_slice %arg4[%add3A_361] : memref<320000xi32, #tpu.memory_space<hbm>> -> memref<80xi32, #tpu.memory_space<hbm>>
        %dma_wait3A_363 = tpu.memref_slice %arg4[%add3A_361] : memref<320000xi32, #tpu.memory_space<hbm>> -> memref<80xi32, #tpu.memory_space<hbm>>
        tpu.wait_dma2 semaphore(%arg37 : memref<!tpu.dma_semaphore, #tpu.memory_space<semaphore_mem>>) src(%dma_wait3A_363 : memref<80xi32, #tpu.memory_space<hbm>>) dst(%arg16 : memref<80xi32, #tpu.memory_space<vmem>>)
        %ge3A = arith.constant 4 : i32
        %ge3A_364 = arith.cmpi sge, %add3A_353, %ge3A : i32
        %convert_element_type3A_365 = arith.extui %ge3A_364 : i1 to i32
        %cond3A_366 = arith.constant 0 : i32
        %cond3A_367 = arith.cmpi ne, %convert_element_type3A_365, %cond3A_366 : i32
        scf.if %cond3A_367 {
          %dma_wait3A_371 = arith.constant 0 : i32
          %dma_wait3A_372 = arith.constant 0 : i32
          %dma_wait3A_373 = tpu.memref_slice %arg27[%dma_wait3A_371, %dma_wait3A_372] : memref<10240x128xf32, #tpu.memory_space<vmem_shared>> -> memref<10240x128xf32, #tpu.memory_space<vmem_shared>>
          tpu.wait_indirect_dma semaphore(%arg49 : memref<!tpu.dma_semaphore, #tpu.memory_space<semaphore_mem>>) src(%arg24 : memref<80x128xf32, #tpu.memory_space<vmem>>) dst(%dma_wait3A_373 : memref<10240x128xf32, #tpu.memory_space<vmem_shared>>)
        } else {
        }
        %dma_start3A_368 = arith.constant 0 : i32
        %dma_start3A_369 = arith.constant 0 : i32
        %dma_start3A_370 = tpu.memref_slice %arg2[%dma_start3A_368, %dma_start3A_369] : memref<10000x128xf32, #tpu.memory_space<hbm>> -> memref<10000x128xf32, #tpu.memory_space<hbm>>
        tpu.enqueue_indirect_dma source(%dma_start3A_370 : memref<10000x128xf32, #tpu.memory_space<hbm>>) target(%arg24 : memref<80x128xf32, #tpu.memory_space<vmem>>) offsets(%arg8 : memref<80xi32, #tpu.memory_space<vmem>>) semaphore(%arg45 : memref<!tpu.dma_semaphore, #tpu.memory_space<semaphore_mem>>)
      } else {
      }
      %dma_wait3A_346 = arith.constant 0 : i32
      %dma_wait3A_347 = arith.constant 0 : i32
      %dma_wait3A_348 = tpu.memref_slice %arg2[%dma_wait3A_346, %dma_wait3A_347] : memref<10000x128xf32, #tpu.memory_space<hbm>> -> memref<10000x128xf32, #tpu.memory_space<hbm>>
      tpu.wait_indirect_dma semaphore(%arg47 : memref<!tpu.dma_semaphore, #tpu.memory_space<semaphore_mem>>) src(%dma_wait3A_348 : memref<10000x128xf32, #tpu.memory_space<hbm>>) dst(%arg26 : memref<80x128xf32, #tpu.memory_space<vmem>>)
      %dma_start3A_349 = arith.constant 0 : i32
      %dma_start3A_350 = arith.constant 0 : i32
      %dma_start3A_351 = tpu.memref_slice %arg27[%dma_start3A_349, %dma_start3A_350] : memref<10240x128xf32, #tpu.memory_space<vmem_shared>> -> memref<10240x128xf32, #tpu.memory_space<vmem_shared>>
      tpu.enqueue_indirect_dma source(%arg26 : memref<80x128xf32, #tpu.memory_space<vmem>>) target(%dma_start3A_351 : memref<10240x128xf32, #tpu.memory_space<vmem_shared>>) offsets(%arg22 : memref<80xi32, #tpu.memory_space<vmem>>) semaphore(%arg51 : memref<!tpu.dma_semaphore, #tpu.memory_space<semaphore_mem>>) {add = true}
    }
    %scan3A_53 = arith.constant 15 : i32
    %add3A_54 = arith.constant 9840 : i32
    %add3A_55 = arith.addi %mul3A_2, %add3A_54 : i32
    %dma_start3A_56 = tpu.memref_slice %arg3[%add3A_55] : memref<320000xi32, #tpu.memory_space<hbm>> -> memref<80xi32, #tpu.memory_space<hbm>>
    %dma_start3A_57 = tpu.memref_slice %arg3[%add3A_55] : memref<320000xi32, #tpu.memory_space<hbm>> -> memref<80xi32, #tpu.memory_space<hbm>>
    tpu.enqueue_dma source(%dma_start3A_57 : memref<80xi32, #tpu.memory_space<hbm>>) target(%arg10 : memref<80xi32, #tpu.memory_space<vmem>>) target_semaphore(%arg31 : memref<!tpu.dma_semaphore, #tpu.memory_space<semaphore_mem>>)
    %add3A_58 = arith.constant 9840 : i32
    %add3A_59 = arith.addi %mul3A_2, %add3A_58 : i32
    %dma_start3A_60 = tpu.memref_slice %arg4[%add3A_59] : memref<320000xi32, #tpu.memory_space<hbm>> -> memref<80xi32, #tpu.memory_space<hbm>>
    %dma_start3A_61 = tpu.memref_slice %arg4[%add3A_59] : memref<320000xi32, #tpu.memory_space<hbm>> -> memref<80xi32, #tpu.memory_space<hbm>>
    tpu.enqueue_dma source(%dma_start3A_61 : memref<80xi32, #tpu.memory_space<hbm>>) target(%arg18 : memref<80xi32, #tpu.memory_space<vmem>>) target_semaphore(%arg39 : memref<!tpu.dma_semaphore, #tpu.memory_space<semaphore_mem>>)
    %add3A_62 = arith.constant 9760 : i32
    %add3A_63 = arith.addi %mul3A_2, %add3A_62 : i32
    %dma_wait3A_64 = tpu.memref_slice %arg3[%add3A_63] : memref<320000xi32, #tpu.memory_space<hbm>> -> memref<80xi32, #tpu.memory_space<hbm>>
    %dma_wait3A_65 = tpu.memref_slice %arg3[%add3A_63] : memref<320000xi32, #tpu.memory_space<hbm>> -> memref<80xi32, #tpu.memory_space<hbm>>
    tpu.wait_dma2 semaphore(%arg30 : memref<!tpu.dma_semaphore, #tpu.memory_space<semaphore_mem>>) src(%dma_wait3A_65 : memref<80xi32, #tpu.memory_space<hbm>>) dst(%arg9 : memref<80xi32, #tpu.memory_space<vmem>>)
    %add3A_66 = arith.constant 9760 : i32
    %add3A_67 = arith.addi %mul3A_2, %add3A_66 : i32
    %dma_wait3A_68 = tpu.memref_slice %arg4[%add3A_67] : memref<320000xi32, #tpu.memory_space<hbm>> -> memref<80xi32, #tpu.memory_space<hbm>>
    %dma_wait3A_69 = tpu.memref_slice %arg4[%add3A_67] : memref<320000xi32, #tpu.memory_space<hbm>> -> memref<80xi32, #tpu.memory_space<hbm>>
    tpu.wait_dma2 semaphore(%arg38 : memref<!tpu.dma_semaphore, #tpu.memory_space<semaphore_mem>>) src(%dma_wait3A_69 : memref<80xi32, #tpu.memory_space<hbm>>) dst(%arg17 : memref<80xi32, #tpu.memory_space<vmem>>)
    %dma_wait3A_70 = arith.constant 0 : i32
    %dma_wait3A_71 = arith.constant 0 : i32
    %dma_wait3A_72 = tpu.memref_slice %arg27[%dma_wait3A_70, %dma_wait3A_71] : memref<10240x128xf32, #tpu.memory_space<vmem_shared>> -> memref<10240x128xf32, #tpu.memory_space<vmem_shared>>
    tpu.wait_indirect_dma semaphore(%arg50 : memref<!tpu.dma_semaphore, #tpu.memory_space<semaphore_mem>>) src(%arg25 : memref<80x128xf32, #tpu.memory_space<vmem>>) dst(%dma_wait3A_72 : memref<10240x128xf32, #tpu.memory_space<vmem_shared>>)
    %dma_start3A_73 = arith.constant 0 : i32
    %dma_start3A_74 = arith.constant 0 : i32
    %dma_start3A_75 = tpu.memref_slice %arg2[%dma_start3A_73, %dma_start3A_74] : memref<10000x128xf32, #tpu.memory_space<hbm>> -> memref<10000x128xf32, #tpu.memory_space<hbm>>
    tpu.enqueue_indirect_dma source(%dma_start3A_75 : memref<10000x128xf32, #tpu.memory_space<hbm>>) target(%arg25 : memref<80x128xf32, #tpu.memory_space<vmem>>) offsets(%arg9 : memref<80xi32, #tpu.memory_space<vmem>>) semaphore(%arg46 : memref<!tpu.dma_semaphore, #tpu.memory_space<semaphore_mem>>)
    %dma_wait3A_76 = arith.constant 0 : i32
    %dma_wait3A_77 = arith.constant 0 : i32
    %dma_wait3A_78 = tpu.memref_slice %arg2[%dma_wait3A_76, %dma_wait3A_77] : memref<10000x128xf32, #tpu.memory_space<hbm>> -> memref<10000x128xf32, #tpu.memory_space<hbm>>
    tpu.wait_indirect_dma semaphore(%arg44 : memref<!tpu.dma_semaphore, #tpu.memory_space<semaphore_mem>>) src(%dma_wait3A_78 : memref<10000x128xf32, #tpu.memory_space<hbm>>) dst(%arg23 : memref<80x128xf32, #tpu.memory_space<vmem>>)
    %dma_start3A_79 = arith.constant 0 : i32
    %dma_start3A_80 = arith.constant 0 : i32
    %dma_start3A_81 = tpu.memref_slice %arg27[%dma_start3A_79, %dma_start3A_80] : memref<10240x128xf32, #tpu.memory_space<vmem_shared>> -> memref<10240x128xf32, #tpu.memory_space<vmem_shared>>
    tpu.enqueue_indirect_dma source(%arg23 : memref<80x128xf32, #tpu.memory_space<vmem>>) target(%dma_start3A_81 : memref<10240x128xf32, #tpu.memory_space<vmem_shared>>) offsets(%arg15 : memref<80xi32, #tpu.memory_space<vmem>>) semaphore(%arg48 : memref<!tpu.dma_semaphore, #tpu.memory_space<semaphore_mem>>) {add = true}
    %add3A_82 = arith.constant 9920 : i32
    %add3A_83 = arith.addi %mul3A_2, %add3A_82 : i32
    %dma_start3A_84 = tpu.memref_slice %arg3[%add3A_83] : memref<320000xi32, #tpu.memory_space<hbm>> -> memref<80xi32, #tpu.memory_space<hbm>>
    %dma_start3A_85 = tpu.memref_slice %arg3[%add3A_83] : memref<320000xi32, #tpu.memory_space<hbm>> -> memref<80xi32, #tpu.memory_space<hbm>>
    tpu.enqueue_dma source(%dma_start3A_85 : memref<80xi32, #tpu.memory_space<hbm>>) target(%arg11 : memref<80xi32, #tpu.memory_space<vmem>>) target_semaphore(%arg32 : memref<!tpu.dma_semaphore, #tpu.memory_space<semaphore_mem>>)
    %add3A_86 = arith.constant 9920 : i32
    %add3A_87 = arith.addi %mul3A_2, %add3A_86 : i32
    %dma_start3A_88 = tpu.memref_slice %arg4[%add3A_87] : memref<320000xi32, #tpu.memory_space<hbm>> -> memref<80xi32, #tpu.memory_space<hbm>>
    %dma_start3A_89 = tpu.memref_slice %arg4[%add3A_87] : memref<320000xi32, #tpu.memory_space<hbm>> -> memref<80xi32, #tpu.memory_space<hbm>>
    tpu.enqueue_dma source(%dma_start3A_89 : memref<80xi32, #tpu.memory_space<hbm>>) target(%arg19 : memref<80xi32, #tpu.memory_space<vmem>>) target_semaphore(%arg40 : memref<!tpu.dma_semaphore, #tpu.memory_space<semaphore_mem>>)
    %add3A_90 = arith.constant 9840 : i32
    %add3A_91 = arith.addi %mul3A_2, %add3A_90 : i32
    %dma_wait3A_92 = tpu.memref_slice %arg3[%add3A_91] : memref<320000xi32, #tpu.memory_space<hbm>> -> memref<80xi32, #tpu.memory_space<hbm>>
    %dma_wait3A_93 = tpu.memref_slice %arg3[%add3A_91] : memref<320000xi32, #tpu.memory_space<hbm>> -> memref<80xi32, #tpu.memory_space<hbm>>
    tpu.wait_dma2 semaphore(%arg31 : memref<!tpu.dma_semaphore, #tpu.memory_space<semaphore_mem>>) src(%dma_wait3A_93 : memref<80xi32, #tpu.memory_space<hbm>>) dst(%arg10 : memref<80xi32, #tpu.memory_space<vmem>>)
    %add3A_94 = arith.constant 9840 : i32
    %add3A_95 = arith.addi %mul3A_2, %add3A_94 : i32
    %dma_wait3A_96 = tpu.memref_slice %arg4[%add3A_95] : memref<320000xi32, #tpu.memory_space<hbm>> -> memref<80xi32, #tpu.memory_space<hbm>>
    %dma_wait3A_97 = tpu.memref_slice %arg4[%add3A_95] : memref<320000xi32, #tpu.memory_space<hbm>> -> memref<80xi32, #tpu.memory_space<hbm>>
    tpu.wait_dma2 semaphore(%arg39 : memref<!tpu.dma_semaphore, #tpu.memory_space<semaphore_mem>>) src(%dma_wait3A_97 : memref<80xi32, #tpu.memory_space<hbm>>) dst(%arg18 : memref<80xi32, #tpu.memory_space<vmem>>)
    %dma_wait3A_98 = arith.constant 0 : i32
    %dma_wait3A_99 = arith.constant 0 : i32
    %dma_wait3A_100 = tpu.memref_slice %arg27[%dma_wait3A_98, %dma_wait3A_99] : memref<10240x128xf32, #tpu.memory_space<vmem_shared>> -> memref<10240x128xf32, #tpu.memory_space<vmem_shared>>
    tpu.wait_indirect_dma semaphore(%arg51 : memref<!tpu.dma_semaphore, #tpu.memory_space<semaphore_mem>>) src(%arg26 : memref<80x128xf32, #tpu.memory_space<vmem>>) dst(%dma_wait3A_100 : memref<10240x128xf32, #tpu.memory_space<vmem_shared>>)
    %dma_start3A_101 = arith.constant 0 : i32
    %dma_start3A_102 = arith.constant 0 : i32
    %dma_start3A_103 = tpu.memref_slice %arg2[%dma_start3A_101, %dma_start3A_102] : memref<10000x128xf32, #tpu.memory_space<hbm>> -> memref<10000x128xf32, #tpu.memory_space<hbm>>
    tpu.enqueue_indirect_dma source(%dma_start3A_103 : memref<10000x128xf32, #tpu.memory_space<hbm>>) target(%arg26 : memref<80x128xf32, #tpu.memory_space<vmem>>) offsets(%arg10 : memref<80xi32, #tpu.memory_space<vmem>>) semaphore(%arg47 : memref<!tpu.dma_semaphore, #tpu.memory_space<semaphore_mem>>)
    %dma_wait3A_104 = arith.constant 0 : i32
    %dma_wait3A_105 = arith.constant 0 : i32
    %dma_wait3A_106 = tpu.memref_slice %arg2[%dma_wait3A_104, %dma_wait3A_105] : memref<10000x128xf32, #tpu.memory_space<hbm>> -> memref<10000x128xf32, #tpu.memory_space<hbm>>
    tpu.wait_indirect_dma semaphore(%arg45 : memref<!tpu.dma_semaphore, #tpu.memory_space<semaphore_mem>>) src(%dma_wait3A_106 : memref<10000x128xf32, #tpu.memory_space<hbm>>) dst(%arg24 : memref<80x128xf32, #tpu.memory_space<vmem>>)
    %dma_start3A_107 = arith.constant 0 : i32
    %dma_start3A_108 = arith.constant 0 : i32
    %dma_start3A_109 = tpu.memref_slice %arg27[%dma_start3A_107, %dma_start3A_108] : memref<10240x128xf32, #tpu.memory_space<vmem_shared>> -> memref<10240x128xf32, #tpu.memory_space<vmem_shared>>
    tpu.enqueue_indirect_dma source(%arg24 : memref<80x128xf32, #tpu.memory_space<vmem>>) target(%dma_start3A_109 : memref<10240x128xf32, #tpu.memory_space<vmem_shared>>) offsets(%arg16 : memref<80xi32, #tpu.memory_space<vmem>>) semaphore(%arg49 : memref<!tpu.dma_semaphore, #tpu.memory_space<semaphore_mem>>) {add = true}
    %add3A_110 = arith.constant 9920 : i32
    %add3A_111 = arith.addi %mul3A_2, %add3A_110 : i32
    %dma_wait3A_112 = tpu.memref_slice %arg3[%add3A_111] : memref<320000xi32, #tpu.memory_space<hbm>> -> memref<80xi32, #tpu.memory_space<hbm>>
    %dma_wait3A_113 = tpu.memref_slice %arg3[%add3A_111] : memref<320000xi32, #tpu.memory_space<hbm>> -> memref<80xi32, #tpu.memory_space<hbm>>
    tpu.wait_dma2 semaphore(%arg32 : memref<!tpu.dma_semaphore, #tpu.memory_space<semaphore_mem>>) src(%dma_wait3A_113 : memref<80xi32, #tpu.memory_space<hbm>>) dst(%arg11 : memref<80xi32, #tpu.memory_space<vmem>>)
    %add3A_114 = arith.constant 9920 : i32
    %add3A_115 = arith.addi %mul3A_2, %add3A_114 : i32
    %dma_wait3A_116 = tpu.memref_slice %arg4[%add3A_115] : memref<320000xi32, #tpu.memory_space<hbm>> -> memref<80xi32, #tpu.memory_space<hbm>>
    %dma_wait3A_117 = tpu.memref_slice %arg4[%add3A_115] : memref<320000xi32, #tpu.memory_space<hbm>> -> memref<80xi32, #tpu.memory_space<hbm>>
    tpu.wait_dma2 semaphore(%arg40 : memref<!tpu.dma_semaphore, #tpu.memory_space<semaphore_mem>>) src(%dma_wait3A_117 : memref<80xi32, #tpu.memory_space<hbm>>) dst(%arg19 : memref<80xi32, #tpu.memory_space<vmem>>)
    %dma_wait3A_118 = arith.constant 0 : i32
    %dma_wait3A_119 = arith.constant 0 : i32
    %dma_wait3A_120 = tpu.memref_slice %arg27[%dma_wait3A_118, %dma_wait3A_119] : memref<10240x128xf32, #tpu.memory_space<vmem_shared>> -> memref<10240x128xf32, #tpu.memory_space<vmem_shared>>
    tpu.wait_indirect_dma semaphore(%arg48 : memref<!tpu.dma_semaphore, #tpu.memory_space<semaphore_mem>>) src(%arg23 : memref<80x128xf32, #tpu.memory_space<vmem>>) dst(%dma_wait3A_120 : memref<10240x128xf32, #tpu.memory_space<vmem_shared>>)
    %dma_start3A_121 = arith.constant 0 : i32
    %dma_start3A_122 = arith.constant 0 : i32
    %dma_start3A_123 = tpu.memref_slice %arg2[%dma_start3A_121, %dma_start3A_122] : memref<10000x128xf32, #tpu.memory_space<hbm>> -> memref<10000x128xf32, #tpu.memory_space<hbm>>
    tpu.enqueue_indirect_dma source(%dma_start3A_123 : memref<10000x128xf32, #tpu.memory_space<hbm>>) target(%arg23 : memref<80x128xf32, #tpu.memory_space<vmem>>) offsets(%arg11 : memref<80xi32, #tpu.memory_space<vmem>>) semaphore(%arg44 : memref<!tpu.dma_semaphore, #tpu.memory_space<semaphore_mem>>)
    %dma_wait3A_124 = arith.constant 0 : i32
    %dma_wait3A_125 = arith.constant 0 : i32
    %dma_wait3A_126 = tpu.memref_slice %arg2[%dma_wait3A_124, %dma_wait3A_125] : memref<10000x128xf32, #tpu.memory_space<hbm>> -> memref<10000x128xf32, #tpu.memory_space<hbm>>
    tpu.wait_indirect_dma semaphore(%arg46 : memref<!tpu.dma_semaphore, #tpu.memory_space<semaphore_mem>>) src(%dma_wait3A_126 : memref<10000x128xf32, #tpu.memory_space<hbm>>) dst(%arg25 : memref<80x128xf32, #tpu.memory_space<vmem>>)
    %dma_start3A_127 = arith.constant 0 : i32
    %dma_start3A_128 = arith.constant 0 : i32
    %dma_start3A_129 = tpu.memref_slice %arg27[%dma_start3A_127, %dma_start3A_128] : memref<10240x128xf32, #tpu.memory_space<vmem_shared>> -> memref<10240x128xf32, #tpu.memory_space<vmem_shared>>
    tpu.enqueue_indirect_dma source(%arg25 : memref<80x128xf32, #tpu.memory_space<vmem>>) target(%dma_start3A_129 : memref<10240x128xf32, #tpu.memory_space<vmem_shared>>) offsets(%arg17 : memref<80xi32, #tpu.memory_space<vmem>>) semaphore(%arg50 : memref<!tpu.dma_semaphore, #tpu.memory_space<semaphore_mem>>) {add = true}
    %dma_wait3A_130 = arith.constant 0 : i32
    %dma_wait3A_131 = arith.constant 0 : i32
    %dma_wait3A_132 = tpu.memref_slice %arg2[%dma_wait3A_130, %dma_wait3A_131] : memref<10000x128xf32, #tpu.memory_space<hbm>> -> memref<10000x128xf32, #tpu.memory_space<hbm>>
    tpu.wait_indirect_dma semaphore(%arg47 : memref<!tpu.dma_semaphore, #tpu.memory_space<semaphore_mem>>) src(%dma_wait3A_132 : memref<10000x128xf32, #tpu.memory_space<hbm>>) dst(%arg26 : memref<80x128xf32, #tpu.memory_space<vmem>>)
    %dma_start3A_133 = arith.constant 0 : i32
    %dma_start3A_134 = arith.constant 0 : i32
    %dma_start3A_135 = tpu.memref_slice %arg27[%dma_start3A_133, %dma_start3A_134] : memref<10240x128xf32, #tpu.memory_space<vmem_shared>> -> memref<10240x128xf32, #tpu.memory_space<vmem_shared>>
    tpu.enqueue_indirect_dma source(%arg26 : memref<80x128xf32, #tpu.memory_space<vmem>>) target(%dma_start3A_135 : memref<10240x128xf32, #tpu.memory_space<vmem_shared>>) offsets(%arg18 : memref<80xi32, #tpu.memory_space<vmem>>) semaphore(%arg51 : memref<!tpu.dma_semaphore, #tpu.memory_space<semaphore_mem>>) {add = true}
    %dma_wait3A_136 = arith.constant 0 : i32
    %dma_wait3A_137 = arith.constant 0 : i32
    %dma_wait3A_138 = tpu.memref_slice %arg2[%dma_wait3A_136, %dma_wait3A_137] : memref<10000x128xf32, #tpu.memory_space<hbm>> -> memref<10000x128xf32, #tpu.memory_space<hbm>>
    tpu.wait_indirect_dma semaphore(%arg44 : memref<!tpu.dma_semaphore, #tpu.memory_space<semaphore_mem>>) src(%dma_wait3A_138 : memref<10000x128xf32, #tpu.memory_space<hbm>>) dst(%arg23 : memref<80x128xf32, #tpu.memory_space<vmem>>)
    %dma_start3A_139 = arith.constant 0 : i32
    %dma_start3A_140 = arith.constant 0 : i32
    %dma_start3A_141 = tpu.memref_slice %arg27[%dma_start3A_139, %dma_start3A_140] : memref<10240x128xf32, #tpu.memory_space<vmem_shared>> -> memref<10240x128xf32, #tpu.memory_space<vmem_shared>>
    tpu.enqueue_indirect_dma source(%arg23 : memref<80x128xf32, #tpu.memory_space<vmem>>) target(%dma_start3A_141 : memref<10240x128xf32, #tpu.memory_space<vmem_shared>>) offsets(%arg19 : memref<80xi32, #tpu.memory_space<vmem>>) semaphore(%arg48 : memref<!tpu.dma_semaphore, #tpu.memory_space<semaphore_mem>>) {add = true}
    %dma_wait3A_142 = arith.constant 0 : i32
    %dma_wait3A_143 = arith.constant 0 : i32
    %dma_wait3A_144 = tpu.memref_slice %arg27[%dma_wait3A_142, %dma_wait3A_143] : memref<10240x128xf32, #tpu.memory_space<vmem_shared>> -> memref<10240x128xf32, #tpu.memory_space<vmem_shared>>
    tpu.wait_indirect_dma semaphore(%arg48 : memref<!tpu.dma_semaphore, #tpu.memory_space<semaphore_mem>>) src(%arg23 : memref<80x128xf32, #tpu.memory_space<vmem>>) dst(%dma_wait3A_144 : memref<10240x128xf32, #tpu.memory_space<vmem_shared>>)
    %dma_wait3A_145 = arith.constant 0 : i32
    %dma_wait3A_146 = arith.constant 0 : i32
    %dma_wait3A_147 = tpu.memref_slice %arg27[%dma_wait3A_145, %dma_wait3A_146] : memref<10240x128xf32, #tpu.memory_space<vmem_shared>> -> memref<10240x128xf32, #tpu.memory_space<vmem_shared>>
    tpu.wait_indirect_dma semaphore(%arg49 : memref<!tpu.dma_semaphore, #tpu.memory_space<semaphore_mem>>) src(%arg24 : memref<80x128xf32, #tpu.memory_space<vmem>>) dst(%dma_wait3A_147 : memref<10240x128xf32, #tpu.memory_space<vmem_shared>>)
    %dma_wait3A_148 = arith.constant 0 : i32
    %dma_wait3A_149 = arith.constant 0 : i32
    %dma_wait3A_150 = tpu.memref_slice %arg27[%dma_wait3A_148, %dma_wait3A_149] : memref<10240x128xf32, #tpu.memory_space<vmem_shared>> -> memref<10240x128xf32, #tpu.memory_space<vmem_shared>>
    tpu.wait_indirect_dma semaphore(%arg50 : memref<!tpu.dma_semaphore, #tpu.memory_space<semaphore_mem>>) src(%arg25 : memref<80x128xf32, #tpu.memory_space<vmem>>) dst(%dma_wait3A_150 : memref<10240x128xf32, #tpu.memory_space<vmem_shared>>)
    %dma_wait3A_151 = arith.constant 0 : i32
    %dma_wait3A_152 = arith.constant 0 : i32
    %dma_wait3A_153 = tpu.memref_slice %arg27[%dma_wait3A_151, %dma_wait3A_152] : memref<10240x128xf32, #tpu.memory_space<vmem_shared>> -> memref<10240x128xf32, #tpu.memory_space<vmem_shared>>
    tpu.wait_indirect_dma semaphore(%arg51 : memref<!tpu.dma_semaphore, #tpu.memory_space<semaphore_mem>>) src(%arg26 : memref<80x128xf32, #tpu.memory_space<vmem>>) dst(%dma_wait3A_153 : memref<10240x128xf32, #tpu.memory_space<vmem_shared>>)
    %barrier3A_154 = arith.constant 0 : index
    tpu.barrier barrier_id(%barrier3A_154)
    %mul3A_155 = arith.constant 10240 : i32
    %mul3A_156 = arith.muli %arg0, %mul3A_155 : i32
    %mul3A_157 = arith.constant 640 : i32
    %mul3A_158 = arith.muli %arg1, %mul3A_157 : i32
    %add3A_159 = arith.addi %mul3A_156, %mul3A_158 : i32
    %mul3A_160 = arith.constant 640 : i32
    %mul3A_161 = arith.muli %arg1, %mul3A_160 : i32
    "tpu.region"() ({
      %run_scoped3A = tpu.sem_alloc : memref<!tpu.dma_semaphore, #tpu.memory_space<semaphore_mem>>
      %dma_start3A_162 = arith.constant 0 : i32
      %dma_start3A_163 = tpu.memref_slice %arg6[%add3A_159, %dma_start3A_162] : memref<20480x128xf32, #tpu.memory_space<hbm>> -> memref<640x128xf32, #tpu.memory_space<hbm>>
      %dma_start3A_164 = arith.constant 0 : i32
      %dma_start3A_165 = tpu.memref_slice %arg27[%mul3A_161, %dma_start3A_164] : memref<10240x128xf32, #tpu.memory_space<vmem_shared>> -> memref<640x128xf32, #tpu.memory_space<vmem_shared>>
      tpu.enqueue_dma source(%dma_start3A_165 : memref<640x128xf32, #tpu.memory_space<vmem_shared>>) target(%dma_start3A_163 : memref<640x128xf32, #tpu.memory_space<hbm>>) target_semaphore(%run_scoped3A : memref<!tpu.dma_semaphore, #tpu.memory_space<semaphore_mem>>)
      %dma_wait3A_166 = arith.constant 0 : i32
      %dma_wait3A_167 = tpu.memref_slice %arg6[%add3A_159, %dma_wait3A_166] : memref<20480x128xf32, #tpu.memory_space<hbm>> -> memref<640x128xf32, #tpu.memory_space<hbm>>
      %dma_wait3A_168 = arith.constant 0 : i32
      %dma_wait3A_169 = tpu.memref_slice %arg27[%mul3A_161, %dma_wait3A_168] : memref<10240x128xf32, #tpu.memory_space<vmem_shared>> -> memref<640x128xf32, #tpu.memory_space<vmem_shared>>
      tpu.wait_dma2 semaphore(%run_scoped3A : memref<!tpu.dma_semaphore, #tpu.memory_space<semaphore_mem>>) src(%dma_wait3A_169 : memref<640x128xf32, #tpu.memory_space<vmem_shared>>) dst(%dma_wait3A_167 : memref<640x128xf32, #tpu.memory_space<hbm>>)
      tpu.yield
    }) : () -> ()
    return
  }
}

#map = affine_map<(d0, d1) -> (0)>
#map1 = affine_map<(d0, d1) -> (0, 0)>
module attributes {stable_mosaic.version = 14 : i64} {
  func.func @_sc_deg_body(%arg0: i32, %arg1: i32, %arg2: memref<320000xi32, #tpu.memory_space<hbm>>, %arg3: memref<640x128xf32, #tpu.memory_space<hbm>>, %arg4: memref<80x128xf32, #tpu.memory_space<hbm>>, %arg5: memref<20480x128xf32, #tpu.memory_space<hbm>>, %arg6: memref<80xi32, #tpu.memory_space<vmem>>, %arg7: memref<80xi32, #tpu.memory_space<vmem>>, %arg8: memref<80x128xf32, #tpu.memory_space<vmem>>, %arg9: memref<10240x128xf32, #tpu.memory_space<vmem_shared>>, %arg10: memref<!tpu.dma_semaphore, #tpu.memory_space<semaphore_mem>>, %arg11: memref<!tpu.dma_semaphore, #tpu.memory_space<semaphore_mem>>) attributes {dimension_semantics = [#tpu.dimension_semantics<core_parallel>, #tpu.dimension_semantics<subcore_parallel>], iteration_bounds = array<i64: 2, 16>, scalar_prefetch = 0 : i64, scratch_operands = 6 : i64, tpu.core_type = #tpu.core_type<sc_vector_subcore>, window_params = [{transform_indices = #map}, {transform_indices = #map1}, {transform_indices = #map1}, {transform_indices = #map1}]} {
    %mul3A = arith.constant 16 : i32
    %mul3A_0 = arith.muli %arg0, %mul3A : i32
    %add3A = arith.addi %mul3A_0, %arg1 : i32
    %mul3A_1 = arith.constant 10000 : i32
    %mul3A_2 = arith.muli %add3A, %mul3A_1 : i32
    %mul3A_3 = arith.constant 640 : i32
    %mul3A_4 = arith.muli %arg1, %mul3A_3 : i32
    "tpu.region"() ({
      %run_scoped3A = tpu.sem_alloc : memref<!tpu.dma_semaphore, #tpu.memory_space<semaphore_mem>>
      %dma_start3A_22 = arith.constant 0 : i32
      %dma_start3A_23 = tpu.memref_slice %arg9[%mul3A_4, %dma_start3A_22] : memref<10240x128xf32, #tpu.memory_space<vmem_shared>> -> memref<640x128xf32, #tpu.memory_space<vmem_shared>>
      tpu.enqueue_dma source(%arg3 : memref<640x128xf32, #tpu.memory_space<hbm>>) target(%dma_start3A_23 : memref<640x128xf32, #tpu.memory_space<vmem_shared>>) target_semaphore(%run_scoped3A : memref<!tpu.dma_semaphore, #tpu.memory_space<semaphore_mem>>)
      %dma_wait3A_24 = arith.constant 0 : i32
      %dma_wait3A_25 = tpu.memref_slice %arg9[%mul3A_4, %dma_wait3A_24] : memref<10240x128xf32, #tpu.memory_space<vmem_shared>> -> memref<640x128xf32, #tpu.memory_space<vmem_shared>>
      tpu.wait_dma2 semaphore(%run_scoped3A : memref<!tpu.dma_semaphore, #tpu.memory_space<semaphore_mem>>) src(%arg3 : memref<640x128xf32, #tpu.memory_space<hbm>>) dst(%dma_wait3A_25 : memref<640x128xf32, #tpu.memory_space<vmem_shared>>)
      tpu.yield
    }) : () -> ()
    "tpu.region"() ({
      %run_scoped3A = tpu.sem_alloc : memref<!tpu.dma_semaphore, #tpu.memory_space<semaphore_mem>>
      tpu.enqueue_dma source(%arg4 : memref<80x128xf32, #tpu.memory_space<hbm>>) target(%arg8 : memref<80x128xf32, #tpu.memory_space<vmem>>) target_semaphore(%run_scoped3A : memref<!tpu.dma_semaphore, #tpu.memory_space<semaphore_mem>>)
      tpu.wait_dma2 semaphore(%run_scoped3A : memref<!tpu.dma_semaphore, #tpu.memory_space<semaphore_mem>>) src(%arg4 : memref<80x128xf32, #tpu.memory_space<hbm>>) dst(%arg8 : memref<80x128xf32, #tpu.memory_space<vmem>>)
      tpu.yield
    }) : () -> ()
    %dma_start3A = tpu.memref_slice %arg2[%mul3A_2] : memref<320000xi32, #tpu.memory_space<hbm>> -> memref<80xi32, #tpu.memory_space<hbm>>
    %dma_start3A_5 = tpu.memref_slice %arg2[%mul3A_2] : memref<320000xi32, #tpu.memory_space<hbm>> -> memref<80xi32, #tpu.memory_space<hbm>>
    tpu.enqueue_dma source(%dma_start3A_5 : memref<80xi32, #tpu.memory_space<hbm>>) target(%arg6 : memref<80xi32, #tpu.memory_space<vmem>>) target_semaphore(%arg10 : memref<!tpu.dma_semaphore, #tpu.memory_space<semaphore_mem>>)
    %barrier3A = arith.constant 0 : index
    tpu.barrier barrier_id(%barrier3A)
    %scan3A = arith.constant 0 : i32
    %scan3A_6 = arith.constant 0 : i32
    %scan3A_7 = arith.constant 62 : i32
    %scan3A_8 = arith.addi %scan3A_6, %scan3A_7 : i32
    %scan3A_9 = arith.constant 1 : i32
    scf.for %scan3A_22 = %scan3A_6 to %scan3A_8 step %scan3A_9  : i32 {
      %mul3A_23 = arith.constant 2 : i32
      %mul3A_24 = arith.muli %mul3A_23, %scan3A_22 : i32
      %add3A_25 = arith.constant 1 : i32
      %add3A_26 = arith.addi %mul3A_24, %add3A_25 : i32
      %lt3A = arith.constant 125 : i32
      %lt3A_27 = arith.cmpi slt, %add3A_26, %lt3A : i32
      %convert_element_type3A = arith.extui %lt3A_27 : i1 to i32
      %cond3A = arith.constant 0 : i32
      %cond3A_28 = arith.cmpi ne, %convert_element_type3A, %cond3A : i32
      scf.if %cond3A_28 {
        %add3A_50 = arith.constant 1 : i32
        %add3A_51 = arith.addi %mul3A_24, %add3A_50 : i32
        %mul3A_52 = arith.constant 80 : i32
        %mul3A_53 = arith.muli %add3A_51, %mul3A_52 : i32
        %add3A_54 = arith.addi %mul3A_2, %mul3A_53 : i32
        %dma_start3A_55 = tpu.memref_slice %arg2[%add3A_54] : memref<320000xi32, #tpu.memory_space<hbm>> -> memref<80xi32, #tpu.memory_space<hbm>>
        %dma_start3A_56 = tpu.memref_slice %arg2[%add3A_54] : memref<320000xi32, #tpu.memory_space<hbm>> -> memref<80xi32, #tpu.memory_space<hbm>>
        tpu.enqueue_dma source(%dma_start3A_56 : memref<80xi32, #tpu.memory_space<hbm>>) target(%arg7 : memref<80xi32, #tpu.memory_space<vmem>>) target_semaphore(%arg11 : memref<!tpu.dma_semaphore, #tpu.memory_space<semaphore_mem>>)
      } else {
      }
      %mul3A_29 = arith.constant 80 : i32
      %mul3A_30 = arith.muli %mul3A_24, %mul3A_29 : i32
      %add3A_31 = arith.addi %mul3A_2, %mul3A_30 : i32
      %dma_wait3A_32 = tpu.memref_slice %arg2[%add3A_31] : memref<320000xi32, #tpu.memory_space<hbm>> -> memref<80xi32, #tpu.memory_space<hbm>>
      %dma_wait3A_33 = tpu.memref_slice %arg2[%add3A_31] : memref<320000xi32, #tpu.memory_space<hbm>> -> memref<80xi32, #tpu.memory_space<hbm>>
      tpu.wait_dma2 semaphore(%arg10 : memref<!tpu.dma_semaphore, #tpu.memory_space<semaphore_mem>>) src(%dma_wait3A_33 : memref<80xi32, #tpu.memory_space<hbm>>) dst(%arg6 : memref<80xi32, #tpu.memory_space<vmem>>)
      "tpu.region"() ({
        %run_scoped3A = tpu.sem_alloc : memref<!tpu.dma_semaphore, #tpu.memory_space<semaphore_mem>>
        %dma_start3A_50 = arith.constant 0 : i32
        %dma_start3A_51 = arith.constant 0 : i32
        %dma_start3A_52 = tpu.memref_slice %arg9[%dma_start3A_50, %dma_start3A_51] : memref<10240x128xf32, #tpu.memory_space<vmem_shared>> -> memref<10240x128xf32, #tpu.memory_space<vmem_shared>>
        tpu.enqueue_indirect_dma source(%arg8 : memref<80x128xf32, #tpu.memory_space<vmem>>) target(%dma_start3A_52 : memref<10240x128xf32, #tpu.memory_space<vmem_shared>>) offsets(%arg6 : memref<80xi32, #tpu.memory_space<vmem>>) semaphore(%run_scoped3A : memref<!tpu.dma_semaphore, #tpu.memory_space<semaphore_mem>>) {add = true}
        %dma_wait3A_53 = arith.constant 0 : i32
        %dma_wait3A_54 = arith.constant 0 : i32
        %dma_wait3A_55 = tpu.memref_slice %arg9[%dma_wait3A_53, %dma_wait3A_54] : memref<10240x128xf32, #tpu.memory_space<vmem_shared>> -> memref<10240x128xf32, #tpu.memory_space<vmem_shared>>
        tpu.wait_indirect_dma semaphore(%run_scoped3A : memref<!tpu.dma_semaphore, #tpu.memory_space<semaphore_mem>>) src(%arg8 : memref<80x128xf32, #tpu.memory_space<vmem>>) dst(%dma_wait3A_55 : memref<10240x128xf32, #tpu.memory_space<vmem_shared>>)
        tpu.yield
      }) : () -> ()
      %mul3A_34 = arith.constant 2 : i32
      %mul3A_35 = arith.muli %mul3A_34, %scan3A_22 : i32
      %add3A_36 = arith.constant 1 : i32
      %add3A_37 = arith.addi %mul3A_35, %add3A_36 : i32
      %add3A_38 = arith.constant 1 : i32
      %add3A_39 = arith.addi %add3A_37, %add3A_38 : i32
      %lt3A_40 = arith.constant 125 : i32
      %lt3A_41 = arith.cmpi slt, %add3A_39, %lt3A_40 : i32
      %convert_element_type3A_42 = arith.extui %lt3A_41 : i1 to i32
      %cond3A_43 = arith.constant 0 : i32
      %cond3A_44 = arith.cmpi ne, %convert_element_type3A_42, %cond3A_43 : i32
      scf.if %cond3A_44 {
        %add3A_50 = arith.constant 1 : i32
        %add3A_51 = arith.addi %add3A_37, %add3A_50 : i32
        %mul3A_52 = arith.constant 80 : i32
        %mul3A_53 = arith.muli %add3A_51, %mul3A_52 : i32
        %add3A_54 = arith.addi %mul3A_2, %mul3A_53 : i32
        %dma_start3A_55 = tpu.memref_slice %arg2[%add3A_54] : memref<320000xi32, #tpu.memory_space<hbm>> -> memref<80xi32, #tpu.memory_space<hbm>>
        %dma_start3A_56 = tpu.memref_slice %arg2[%add3A_54] : memref<320000xi32, #tpu.memory_space<hbm>> -> memref<80xi32, #tpu.memory_space<hbm>>
        tpu.enqueue_dma source(%dma_start3A_56 : memref<80xi32, #tpu.memory_space<hbm>>) target(%arg6 : memref<80xi32, #tpu.memory_space<vmem>>) target_semaphore(%arg10 : memref<!tpu.dma_semaphore, #tpu.memory_space<semaphore_mem>>)
      } else {
      }
      %mul3A_45 = arith.constant 80 : i32
      %mul3A_46 = arith.muli %add3A_37, %mul3A_45 : i32
      %add3A_47 = arith.addi %mul3A_2, %mul3A_46 : i32
      %dma_wait3A_48 = tpu.memref_slice %arg2[%add3A_47] : memref<320000xi32, #tpu.memory_space<hbm>> -> memref<80xi32, #tpu.memory_space<hbm>>
      %dma_wait3A_49 = tpu.memref_slice %arg2[%add3A_47] : memref<320000xi32, #tpu.memory_space<hbm>> -> memref<80xi32, #tpu.memory_space<hbm>>
      tpu.wait_dma2 semaphore(%arg11 : memref<!tpu.dma_semaphore, #tpu.memory_space<semaphore_mem>>) src(%dma_wait3A_49 : memref<80xi32, #tpu.memory_space<hbm>>) dst(%arg7 : memref<80xi32, #tpu.memory_space<vmem>>)
      "tpu.region"() ({
        %run_scoped3A = tpu.sem_alloc : memref<!tpu.dma_semaphore, #tpu.memory_space<semaphore_mem>>
        %dma_start3A_50 = arith.constant 0 : i32
        %dma_start3A_51 = arith.constant 0 : i32
        %dma_start3A_52 = tpu.memref_slice %arg9[%dma_start3A_50, %dma_start3A_51] : memref<10240x128xf32, #tpu.memory_space<vmem_shared>> -> memref<10240x128xf32, #tpu.memory_space<vmem_shared>>
        tpu.enqueue_indirect_dma source(%arg8 : memref<80x128xf32, #tpu.memory_space<vmem>>) target(%dma_start3A_52 : memref<10240x128xf32, #tpu.memory_space<vmem_shared>>) offsets(%arg7 : memref<80xi32, #tpu.memory_space<vmem>>) semaphore(%run_scoped3A : memref<!tpu.dma_semaphore, #tpu.memory_space<semaphore_mem>>) {add = true}
        %dma_wait3A_53 = arith.constant 0 : i32
        %dma_wait3A_54 = arith.constant 0 : i32
        %dma_wait3A_55 = tpu.memref_slice %arg9[%dma_wait3A_53, %dma_wait3A_54] : memref<10240x128xf32, #tpu.memory_space<vmem_shared>> -> memref<10240x128xf32, #tpu.memory_space<vmem_shared>>
        tpu.wait_indirect_dma semaphore(%run_scoped3A : memref<!tpu.dma_semaphore, #tpu.memory_space<semaphore_mem>>) src(%arg8 : memref<80x128xf32, #tpu.memory_space<vmem>>) dst(%dma_wait3A_55 : memref<10240x128xf32, #tpu.memory_space<vmem_shared>>)
        tpu.yield
      }) : () -> ()
    }
    %scan3A_10 = arith.constant 62 : i32
    %add3A_11 = arith.constant 9920 : i32
    %add3A_12 = arith.addi %mul3A_2, %add3A_11 : i32
    %dma_wait3A = tpu.memref_slice %arg2[%add3A_12] : memref<320000xi32, #tpu.memory_space<hbm>> -> memref<80xi32, #tpu.memory_space<hbm>>
    %dma_wait3A_13 = tpu.memref_slice %arg2[%add3A_12] : memref<320000xi32, #tpu.memory_space<hbm>> -> memref<80xi32, #tpu.memory_space<hbm>>
    tpu.wait_dma2 semaphore(%arg10 : memref<!tpu.dma_semaphore, #tpu.memory_space<semaphore_mem>>) src(%dma_wait3A_13 : memref<80xi32, #tpu.memory_space<hbm>>) dst(%arg6 : memref<80xi32, #tpu.memory_space<vmem>>)
    "tpu.region"() ({
      %run_scoped3A = tpu.sem_alloc : memref<!tpu.dma_semaphore, #tpu.memory_space<semaphore_mem>>
      %dma_start3A_22 = arith.constant 0 : i32
      %dma_start3A_23 = arith.constant 0 : i32
      %dma_start3A_24 = tpu.memref_slice %arg9[%dma_start3A_22, %dma_start3A_23] : memref<10240x128xf32, #tpu.memory_space<vmem_shared>> -> memref<10240x128xf32, #tpu.memory_space<vmem_shared>>
      tpu.enqueue_indirect_dma source(%arg8 : memref<80x128xf32, #tpu.memory_space<vmem>>) target(%dma_start3A_24 : memref<10240x128xf32, #tpu.memory_space<vmem_shared>>) offsets(%arg6 : memref<80xi32, #tpu.memory_space<vmem>>) semaphore(%run_scoped3A : memref<!tpu.dma_semaphore, #tpu.memory_space<semaphore_mem>>) {add = true}
      %dma_wait3A_25 = arith.constant 0 : i32
      %dma_wait3A_26 = arith.constant 0 : i32
      %dma_wait3A_27 = tpu.memref_slice %arg9[%dma_wait3A_25, %dma_wait3A_26] : memref<10240x128xf32, #tpu.memory_space<vmem_shared>> -> memref<10240x128xf32, #tpu.memory_space<vmem_shared>>
      tpu.wait_indirect_dma semaphore(%run_scoped3A : memref<!tpu.dma_semaphore, #tpu.memory_space<semaphore_mem>>) src(%arg8 : memref<80x128xf32, #tpu.memory_space<vmem>>) dst(%dma_wait3A_27 : memref<10240x128xf32, #tpu.memory_space<vmem_shared>>)
      tpu.yield
    }) : () -> ()
    %barrier3A_14 = arith.constant 0 : index
    tpu.barrier barrier_id(%barrier3A_14)
    %mul3A_15 = arith.constant 10240 : i32
    %mul3A_16 = arith.muli %arg0, %mul3A_15 : i32
    %mul3A_17 = arith.constant 640 : i32
    %mul3A_18 = arith.muli %arg1, %mul3A_17 : i32
    %add3A_19 = arith.addi %mul3A_16, %mul3A_18 : i32
    %mul3A_20 = arith.constant 640 : i32
    %mul3A_21 = arith.muli %arg1, %mul3A_20 : i32
    "tpu.region"() ({
      %run_scoped3A = tpu.sem_alloc : memref<!tpu.dma_semaphore, #tpu.memory_space<semaphore_mem>>
      %dma_start3A_22 = arith.constant 0 : i32
      %dma_start3A_23 = tpu.memref_slice %arg5[%add3A_19, %dma_start3A_22] : memref<20480x128xf32, #tpu.memory_space<hbm>> -> memref<640x128xf32, #tpu.memory_space<hbm>>
      %dma_start3A_24 = arith.constant 0 : i32
      %dma_start3A_25 = tpu.memref_slice %arg9[%mul3A_21, %dma_start3A_24] : memref<10240x128xf32, #tpu.memory_space<vmem_shared>> -> memref<640x128xf32, #tpu.memory_space<vmem_shared>>
      tpu.enqueue_dma source(%dma_start3A_25 : memref<640x128xf32, #tpu.memory_space<vmem_shared>>) target(%dma_start3A_23 : memref<640x128xf32, #tpu.memory_space<hbm>>) target_semaphore(%run_scoped3A : memref<!tpu.dma_semaphore, #tpu.memory_space<semaphore_mem>>)
      %dma_wait3A_26 = arith.constant 0 : i32
      %dma_wait3A_27 = tpu.memref_slice %arg5[%add3A_19, %dma_wait3A_26] : memref<20480x128xf32, #tpu.memory_space<hbm>> -> memref<640x128xf32, #tpu.memory_space<hbm>>
      %dma_wait3A_28 = arith.constant 0 : i32
      %dma_wait3A_29 = tpu.memref_slice %arg9[%mul3A_21, %dma_wait3A_28] : memref<10240x128xf32, #tpu.memory_space<vmem_shared>> -> memref<640x128xf32, #tpu.memory_space<vmem_shared>>
      tpu.wait_dma2 semaphore(%run_scoped3A : memref<!tpu.dma_semaphore, #tpu.memory_space<semaphore_mem>>) src(%dma_wait3A_29 : memref<640x128xf32, #tpu.memory_space<vmem_shared>>) dst(%dma_wait3A_27 : memref<640x128xf32, #tpu.memory_space<hbm>>)
      tpu.yield
    }) : () -> ()
    return
  }
}

module attributes {stable_mosaic.version = 14 : i64} {
  func.func @body(%arg0: memref<2x10240x128xf32, #tpu.memory_space<vmem>>, %arg1: memref<10000x128xf32, #tpu.memory_space<vmem>>, %arg2: memref<10000x128xf32, #tpu.memory_space<vmem>>, %arg3: memref<128x128xf32, #tpu.memory_space<vmem>>, %arg4: memref<128x128xf32, #tpu.memory_space<vmem>>, %arg5: memref<1x128xf32, #tpu.memory_space<vmem>>, %arg6: memref<1x128xf32, #tpu.memory_space<vmem>>, %arg7: memref<1x128xf32, #tpu.memory_space<vmem>>, %arg8: memref<10000x128xf32, #tpu.memory_space<vmem>>) attributes {dimension_semantics = [], scalar_prefetch = 0 : i64, scratch_operands = 0 : i64, tpu.core_type = #tpu.core_type<tc>} {
    %get3A = arith.constant 0 : index
    %get3A_0 = arith.constant 0 : index
    %get3A_1 = arith.constant 0 : index
    %get3A_2 = vector.load %arg0[%get3A, %get3A_0, %get3A_1] : memref<2x10240x128xf32, #tpu.memory_space<vmem>>, vector<1x10000x128xf32>
    %get3A_3 = vector.shape_cast %get3A_2 : vector<1x10000x128xf32> to vector<10000x128xf32>
    %get3A_4 = arith.constant 1 : index
    %get3A_5 = arith.constant 0 : index
    %get3A_6 = arith.constant 0 : index
    %get3A_7 = vector.load %arg0[%get3A_4, %get3A_5, %get3A_6] : memref<2x10240x128xf32, #tpu.memory_space<vmem>>, vector<1x10000x128xf32>
    %get3A_8 = vector.shape_cast %get3A_7 : vector<1x10000x128xf32> to vector<10000x128xf32>
    %add3A = arith.addf %get3A_3, %get3A_8 : vector<10000x128xf32>
    %get3A_9 = arith.constant 0 : index
    %get3A_10 = arith.constant 0 : index
    %get3A_11 = vector.load %arg1[%get3A_9, %get3A_10] : memref<10000x128xf32, #tpu.memory_space<vmem>>, vector<10000x128xf32>
    %mul3A = arith.mulf %add3A, %get3A_11 : vector<10000x128xf32>
    %get3A_12 = arith.constant 0 : index
    %get3A_13 = arith.constant 0 : index
    %get3A_14 = vector.load %arg3[%get3A_12, %get3A_13] : memref<128x128xf32, #tpu.memory_space<vmem>>, vector<128x128xf32>
    %dot_general3A = arith.constant dense<0.000000e+00> : vector<10000x128xf32>
    %dot_general3A_15 = tpu.matmul %mul3A, %get3A_14, %dot_general3A {dimension_numbers = #tpu.dot_dimension_numbers<[1], [0], [0], [1], [0, 0, 1, 1], [], []>, transpose_lhs_hint = false} : vector<10000x128xf32>, vector<128x128xf32>, vector<10000x128xf32> -> vector<10000x128xf32>
    %get3A_16 = arith.constant 0 : index
    %get3A_17 = arith.constant 0 : index
    %get3A_18 = vector.load %arg2[%get3A_16, %get3A_17] : memref<10000x128xf32, #tpu.memory_space<vmem>>, vector<10000x128xf32>
    %get3A_19 = arith.constant 0 : index
    %get3A_20 = arith.constant 0 : index
    %get3A_21 = vector.load %arg4[%get3A_19, %get3A_20] : memref<128x128xf32, #tpu.memory_space<vmem>>, vector<128x128xf32>
    %dot_general3A_22 = arith.constant dense<0.000000e+00> : vector<10000x128xf32>
    %dot_general3A_23 = tpu.matmul %get3A_18, %get3A_21, %dot_general3A_22 {dimension_numbers = #tpu.dot_dimension_numbers<[1], [0], [0], [1], [0, 0, 1, 1], [], []>, transpose_lhs_hint = false} : vector<10000x128xf32>, vector<128x128xf32>, vector<10000x128xf32> -> vector<10000x128xf32>
    %add3A_24 = arith.addf %dot_general3A_15, %dot_general3A_23 : vector<10000x128xf32>
    %get3A_25 = arith.constant 0 : index
    %get3A_26 = arith.constant 0 : index
    %get3A_27 = vector.load %arg5[%get3A_25, %get3A_26] : memref<1x128xf32, #tpu.memory_space<vmem>>, vector<1x128xf32>
    %add3A_28 = vector.broadcast %get3A_27 : vector<1x128xf32> to vector<10000x128xf32>
    %add3A_29 = arith.addf %add3A_24, %add3A_28 : vector<10000x128xf32>
    %reduce_sum3A = arith.constant dense<0.000000e+00> : vector<128xf32>
    %reduce_sum3A_30 = vector.multi_reduction <add>, %add3A_29, %reduce_sum3A [0] : vector<10000x128xf32> to vector<128xf32>
    %broadcast_in_dim3A = vector.shape_cast %reduce_sum3A_30 : vector<128xf32> to vector<1x128xf32>
    %div3A = arith.constant 1.000000e+04 : f32
    %div3A_31 = vector.broadcast %div3A : f32 to vector<1x128xf32>
    %div3A_32 = arith.divf %broadcast_in_dim3A, %div3A_31 : vector<1x128xf32>
    %sub3A = vector.broadcast %div3A_32 : vector<1x128xf32> to vector<10000x128xf32>
    %sub3A_33 = arith.subf %add3A_29, %sub3A : vector<10000x128xf32>
    %mul3A_34 = arith.mulf %sub3A_33, %sub3A_33 : vector<10000x128xf32>
    %reduce_sum3A_35 = arith.constant dense<0.000000e+00> : vector<128xf32>
    %reduce_sum3A_36 = vector.multi_reduction <add>, %mul3A_34, %reduce_sum3A_35 [0] : vector<10000x128xf32> to vector<128xf32>
    %broadcast_in_dim3A_37 = vector.shape_cast %reduce_sum3A_36 : vector<128xf32> to vector<1x128xf32>
    %div3A_38 = arith.constant 1.000000e+04 : f32
    %div3A_39 = vector.broadcast %div3A_38 : f32 to vector<1x128xf32>
    %div3A_40 = arith.divf %broadcast_in_dim3A_37, %div3A_39 : vector<1x128xf32>
    %get3A_41 = arith.constant 0 : index
    %get3A_42 = arith.constant 0 : index
    %get3A_43 = vector.load %arg6[%get3A_41, %get3A_42] : memref<1x128xf32, #tpu.memory_space<vmem>>, vector<1x128xf32>
    %add3A_44 = arith.constant 9.99999974E-6 : f32
    %add3A_45 = vector.broadcast %add3A_44 : f32 to vector<1x128xf32>
    %add3A_46 = arith.addf %div3A_40, %add3A_45 : vector<1x128xf32>
    %rsqrt3A = math.rsqrt %add3A_46 : vector<1x128xf32>
    %mul3A_47 = arith.mulf %get3A_43, %rsqrt3A : vector<1x128xf32>
    %mul3A_48 = vector.broadcast %mul3A_47 : vector<1x128xf32> to vector<10000x128xf32>
    %mul3A_49 = arith.mulf %sub3A_33, %mul3A_48 : vector<10000x128xf32>
    %get3A_50 = arith.constant 0 : index
    %get3A_51 = arith.constant 0 : index
    %get3A_52 = vector.load %arg7[%get3A_50, %get3A_51] : memref<1x128xf32, #tpu.memory_space<vmem>>, vector<1x128xf32>
    %add3A_53 = vector.broadcast %get3A_52 : vector<1x128xf32> to vector<10000x128xf32>
    %add3A_54 = arith.addf %mul3A_49, %add3A_53 : vector<10000x128xf32>
    %max3A = arith.constant 0.000000e+00 : f32
    %max3A_55 = vector.broadcast %max3A : f32 to vector<10000x128xf32>
    %max3A_56 = arith.maximumf %add3A_54, %max3A_55 : vector<10000x128xf32>
    %swap3A = arith.constant 0 : index
    %swap3A_57 = arith.constant 0 : index
    %swap3A_58 = vector.load %arg8[%swap3A, %swap3A_57] : memref<10000x128xf32, #tpu.memory_space<vmem>>, vector<10000x128xf32>
    tpu.vector_store %arg8[%swap3A, %swap3A_57], %max3A_56 {strides = array<i32>} : memref<10000x128xf32, #tpu.memory_space<vmem>>, vector<10000x128xf32>,
    return
  }
}

module attributes {stable_mosaic.version = 14 : i64} {
  func.func @body(%arg0: memref<2x10240x128xf32, #tpu.memory_space<vmem>>, %arg1: memref<2x10240x128xf32, #tpu.memory_space<vmem>>, %arg2: memref<10000x128xf32, #tpu.memory_space<vmem>>, %arg3: memref<128x128xf32, #tpu.memory_space<vmem>>, %arg4: memref<128x128xf32, #tpu.memory_space<vmem>>, %arg5: memref<1x128xf32, #tpu.memory_space<vmem>>, %arg6: memref<1x128xf32, #tpu.memory_space<vmem>>, %arg7: memref<1x128xf32, #tpu.memory_space<vmem>>, %arg8: memref<10000x128xf32, #tpu.memory_space<vmem>>, %arg9: memref<10000x128xf32, #tpu.memory_space<vmem>>) attributes {dimension_semantics = [], scalar_prefetch = 0 : i64, scratch_operands = 0 : i64, tpu.core_type = #tpu.core_type<tc>} {
    %get3A = arith.constant 0 : index
    %get3A_0 = arith.constant 0 : index
    %get3A_1 = arith.constant 0 : index
    %get3A_2 = vector.load %arg1[%get3A, %get3A_0, %get3A_1] : memref<2x10240x128xf32, #tpu.memory_space<vmem>>, vector<1x10000x128xf32>
    %get3A_3 = vector.shape_cast %get3A_2 : vector<1x10000x128xf32> to vector<10000x128xf32>
    %get3A_4 = arith.constant 1 : index
    %get3A_5 = arith.constant 0 : index
    %get3A_6 = arith.constant 0 : index
    %get3A_7 = vector.load %arg1[%get3A_4, %get3A_5, %get3A_6] : memref<2x10240x128xf32, #tpu.memory_space<vmem>>, vector<1x10000x128xf32>
    %get3A_8 = vector.shape_cast %get3A_7 : vector<1x10000x128xf32> to vector<10000x128xf32>
    %add3A = arith.addf %get3A_3, %get3A_8 : vector<10000x128xf32>
    %max3A = arith.constant 1.000000e+00 : f32
    %max3A_9 = vector.broadcast %max3A : f32 to vector<10000x128xf32>
    %max3A_10 = arith.maximumf %add3A, %max3A_9 : vector<10000x128xf32>
    %div3A = arith.constant 1.000000e+00 : f32
    %div3A_11 = vector.broadcast %div3A : f32 to vector<10000x128xf32>
    %div3A_12 = arith.divf %div3A_11, %max3A_10 : vector<10000x128xf32>
    %swap3A = arith.constant 0 : index
    %swap3A_13 = arith.constant 0 : index
    %swap3A_14 = vector.load %arg9[%swap3A, %swap3A_13] : memref<10000x128xf32, #tpu.memory_space<vmem>>, vector<10000x128xf32>
    tpu.vector_store %arg9[%swap3A, %swap3A_13], %div3A_12 {strides = array<i32>} : memref<10000x128xf32, #tpu.memory_space<vmem>>, vector<10000x128xf32>,
    %get3A_15 = arith.constant 0 : index
    %get3A_16 = arith.constant 0 : index
    %get3A_17 = arith.constant 0 : index
    %get3A_18 = vector.load %arg0[%get3A_15, %get3A_16, %get3A_17] : memref<2x10240x128xf32, #tpu.memory_space<vmem>>, vector<1x10000x128xf32>
    %get3A_19 = vector.shape_cast %get3A_18 : vector<1x10000x128xf32> to vector<10000x128xf32>
    %get3A_20 = arith.constant 1 : index
    %get3A_21 = arith.constant 0 : index
    %get3A_22 = arith.constant 0 : index
    %get3A_23 = vector.load %arg0[%get3A_20, %get3A_21, %get3A_22] : memref<2x10240x128xf32, #tpu.memory_space<vmem>>, vector<1x10000x128xf32>
    %get3A_24 = vector.shape_cast %get3A_23 : vector<1x10000x128xf32> to vector<10000x128xf32>
    %add3A_25 = arith.addf %get3A_19, %get3A_24 : vector<10000x128xf32>
    %mul3A = arith.mulf %add3A_25, %div3A_12 : vector<10000x128xf32>
    %get3A_26 = arith.constant 0 : index
    %get3A_27 = arith.constant 0 : index
    %get3A_28 = vector.load %arg3[%get3A_26, %get3A_27] : memref<128x128xf32, #tpu.memory_space<vmem>>, vector<128x128xf32>
    %dot_general3A = arith.constant dense<0.000000e+00> : vector<10000x128xf32>
    %dot_general3A_29 = tpu.matmul %mul3A, %get3A_28, %dot_general3A {dimension_numbers = #tpu.dot_dimension_numbers<[1], [0], [0], [1], [0, 0, 1, 1], [], []>, transpose_lhs_hint = false} : vector<10000x128xf32>, vector<128x128xf32>, vector<10000x128xf32> -> vector<10000x128xf32>
    %get3A_30 = arith.constant 0 : index
    %get3A_31 = arith.constant 0 : index
    %get3A_32 = vector.load %arg2[%get3A_30, %get3A_31] : memref<10000x128xf32, #tpu.memory_space<vmem>>, vector<10000x128xf32>
    %get3A_33 = arith.constant 0 : index
    %get3A_34 = arith.constant 0 : index
    %get3A_35 = vector.load %arg4[%get3A_33, %get3A_34] : memref<128x128xf32, #tpu.memory_space<vmem>>, vector<128x128xf32>
    %dot_general3A_36 = arith.constant dense<0.000000e+00> : vector<10000x128xf32>
    %dot_general3A_37 = tpu.matmul %get3A_32, %get3A_35, %dot_general3A_36 {dimension_numbers = #tpu.dot_dimension_numbers<[1], [0], [0], [1], [0, 0, 1, 1], [], []>, transpose_lhs_hint = false} : vector<10000x128xf32>, vector<128x128xf32>, vector<10000x128xf32> -> vector<10000x128xf32>
    %add3A_38 = arith.addf %dot_general3A_29, %dot_general3A_37 : vector<10000x128xf32>
    %get3A_39 = arith.constant 0 : index
    %get3A_40 = arith.constant 0 : index
    %get3A_41 = vector.load %arg5[%get3A_39, %get3A_40] : memref<1x128xf32, #tpu.memory_space<vmem>>, vector<1x128xf32>
    %add3A_42 = vector.broadcast %get3A_41 : vector<1x128xf32> to vector<10000x128xf32>
    %add3A_43 = arith.addf %add3A_38, %add3A_42 : vector<10000x128xf32>
    %reduce_sum3A = arith.constant dense<0.000000e+00> : vector<128xf32>
    %reduce_sum3A_44 = vector.multi_reduction <add>, %add3A_43, %reduce_sum3A [0] : vector<10000x128xf32> to vector<128xf32>
    %broadcast_in_dim3A = vector.shape_cast %reduce_sum3A_44 : vector<128xf32> to vector<1x128xf32>
    %div3A_45 = arith.constant 1.000000e+04 : f32
    %div3A_46 = vector.broadcast %div3A_45 : f32 to vector<1x128xf32>
    %div3A_47 = arith.divf %broadcast_in_dim3A, %div3A_46 : vector<1x128xf32>
    %sub3A = vector.broadcast %div3A_47 : vector<1x128xf32> to vector<10000x128xf32>
    %sub3A_48 = arith.subf %add3A_43, %sub3A : vector<10000x128xf32>
    %mul3A_49 = arith.mulf %sub3A_48, %sub3A_48 : vector<10000x128xf32>
    %reduce_sum3A_50 = arith.constant dense<0.000000e+00> : vector<128xf32>
    %reduce_sum3A_51 = vector.multi_reduction <add>, %mul3A_49, %reduce_sum3A_50 [0] : vector<10000x128xf32> to vector<128xf32>
    %broadcast_in_dim3A_52 = vector.shape_cast %reduce_sum3A_51 : vector<128xf32> to vector<1x128xf32>
    %div3A_53 = arith.constant 1.000000e+04 : f32
    %div3A_54 = vector.broadcast %div3A_53 : f32 to vector<1x128xf32>
    %div3A_55 = arith.divf %broadcast_in_dim3A_52, %div3A_54 : vector<1x128xf32>
    %get3A_56 = arith.constant 0 : index
    %get3A_57 = arith.constant 0 : index
    %get3A_58 = vector.load %arg6[%get3A_56, %get3A_57] : memref<1x128xf32, #tpu.memory_space<vmem>>, vector<1x128xf32>
    %add3A_59 = arith.constant 9.99999974E-6 : f32
    %add3A_60 = vector.broadcast %add3A_59 : f32 to vector<1x128xf32>
    %add3A_61 = arith.addf %div3A_55, %add3A_60 : vector<1x128xf32>
    %rsqrt3A = math.rsqrt %add3A_61 : vector<1x128xf32>
    %mul3A_62 = arith.mulf %get3A_58, %rsqrt3A : vector<1x128xf32>
    %mul3A_63 = vector.broadcast %mul3A_62 : vector<1x128xf32> to vector<10000x128xf32>
    %mul3A_64 = arith.mulf %sub3A_48, %mul3A_63 : vector<10000x128xf32>
    %get3A_65 = arith.constant 0 : index
    %get3A_66 = arith.constant 0 : index
    %get3A_67 = vector.load %arg7[%get3A_65, %get3A_66] : memref<1x128xf32, #tpu.memory_space<vmem>>, vector<1x128xf32>
    %add3A_68 = vector.broadcast %get3A_67 : vector<1x128xf32> to vector<10000x128xf32>
    %add3A_69 = arith.addf %mul3A_64, %add3A_68 : vector<10000x128xf32>
    %max3A_70 = arith.constant 0.000000e+00 : f32
    %max3A_71 = vector.broadcast %max3A_70 : f32 to vector<10000x128xf32>
    %max3A_72 = arith.maximumf %add3A_69, %max3A_71 : vector<10000x128xf32>
    %swap3A_73 = arith.constant 0 : index
    %swap3A_74 = arith.constant 0 : index
    %swap3A_75 = vector.load %arg8[%swap3A_73, %swap3A_74] : memref<10000x128xf32, #tpu.memory_space<vmem>>, vector<10000x128xf32>
    tpu.vector_store %arg8[%swap3A_73, %swap3A_74], %max3A_72 {strides = array<i32>} : memref<10000x128xf32, #tpu.memory_space<vmem>>, vector<10000x128xf32>,
    return
  }
}

module attributes {stable_mosaic.version = 14 : i64} {
  func.func @body(%arg0: memref<2x10240x128xf32, #tpu.memory_space<vmem>>, %arg1: memref<10000x128xf32, #tpu.memory_space<vmem>>, %arg2: memref<10000x128xf32, #tpu.memory_space<vmem>>, %arg3: memref<128x128xf32, #tpu.memory_space<vmem>>, %arg4: memref<128x128xf32, #tpu.memory_space<vmem>>, %arg5: memref<1x128xf32, #tpu.memory_space<vmem>>, %arg6: memref<10000x128xf32, #tpu.memory_space<vmem>>) attributes {dimension_semantics = [], scalar_prefetch = 0 : i64, scratch_operands = 0 : i64, tpu.core_type = #tpu.core_type<tc>} {
    %get3A = arith.constant 0 : index
    %get3A_0 = arith.constant 0 : index
    %get3A_1 = arith.constant 0 : index
    %get3A_2 = vector.load %arg0[%get3A, %get3A_0, %get3A_1] : memref<2x10240x128xf32, #tpu.memory_space<vmem>>, vector<1x10000x128xf32>
    %get3A_3 = vector.shape_cast %get3A_2 : vector<1x10000x128xf32> to vector<10000x128xf32>
    %get3A_4 = arith.constant 1 : index
    %get3A_5 = arith.constant 0 : index
    %get3A_6 = arith.constant 0 : index
    %get3A_7 = vector.load %arg0[%get3A_4, %get3A_5, %get3A_6] : memref<2x10240x128xf32, #tpu.memory_space<vmem>>, vector<1x10000x128xf32>
    %get3A_8 = vector.shape_cast %get3A_7 : vector<1x10000x128xf32> to vector<10000x128xf32>
    %add3A = arith.addf %get3A_3, %get3A_8 : vector<10000x128xf32>
    %get3A_9 = arith.constant 0 : index
    %get3A_10 = arith.constant 0 : index
    %get3A_11 = vector.load %arg1[%get3A_9, %get3A_10] : memref<10000x128xf32, #tpu.memory_space<vmem>>, vector<10000x128xf32>
    %mul3A = arith.mulf %add3A, %get3A_11 : vector<10000x128xf32>
    %get3A_12 = arith.constant 0 : index
    %get3A_13 = arith.constant 0 : index
    %get3A_14 = vector.load %arg3[%get3A_12, %get3A_13] : memref<128x128xf32, #tpu.memory_space<vmem>>, vector<128x128xf32>
    %dot_general3A = arith.constant dense<0.000000e+00> : vector<10000x128xf32>
    %dot_general3A_15 = tpu.matmul %mul3A, %get3A_14, %dot_general3A {dimension_numbers = #tpu.dot_dimension_numbers<[1], [0], [0], [1], [0, 0, 1, 1], [], []>, transpose_lhs_hint = false} : vector<10000x128xf32>, vector<128x128xf32>, vector<10000x128xf32> -> vector<10000x128xf32>
    %get3A_16 = arith.constant 0 : index
    %get3A_17 = arith.constant 0 : index
    %get3A_18 = vector.load %arg2[%get3A_16, %get3A_17] : memref<10000x128xf32, #tpu.memory_space<vmem>>, vector<10000x128xf32>
    %get3A_19 = arith.constant 0 : index
    %get3A_20 = arith.constant 0 : index
    %get3A_21 = vector.load %arg4[%get3A_19, %get3A_20] : memref<128x128xf32, #tpu.memory_space<vmem>>, vector<128x128xf32>
    %dot_general3A_22 = arith.constant dense<0.000000e+00> : vector<10000x128xf32>
    %dot_general3A_23 = tpu.matmul %get3A_18, %get3A_21, %dot_general3A_22 {dimension_numbers = #tpu.dot_dimension_numbers<[1], [0], [0], [1], [0, 0, 1, 1], [], []>, transpose_lhs_hint = false} : vector<10000x128xf32>, vector<128x128xf32>, vector<10000x128xf32> -> vector<10000x128xf32>
    %add3A_24 = arith.addf %dot_general3A_15, %dot_general3A_23 : vector<10000x128xf32>
    %get3A_25 = arith.constant 0 : index
    %get3A_26 = arith.constant 0 : index
    %get3A_27 = vector.load %arg5[%get3A_25, %get3A_26] : memref<1x128xf32, #tpu.memory_space<vmem>>, vector<1x128xf32>
    %add3A_28 = vector.broadcast %get3A_27 : vector<1x128xf32> to vector<10000x128xf32>
    %add3A_29 = arith.addf %add3A_24, %add3A_28 : vector<10000x128xf32>
    %swap3A = arith.constant 0 : index
    %swap3A_30 = arith.constant 0 : index
    %swap3A_31 = vector.load %arg6[%swap3A, %swap3A_30] : memref<10000x128xf32, #tpu.memory_space<vmem>>, vector<10000x128xf32>
    tpu.vector_store %arg6[%swap3A, %swap3A_30], %add3A_29 {strides = array<i32>} : memref<10000x128xf32, #tpu.memory_space<vmem>>, vector<10000x128xf32>,
    return
  }
}

</mosaic_0001>

<sc_bundles>
// kernel: kernel.12.cloned.1.call-start
scs
__scs_entry_jumppad:
0x0: {  	(pc) =	sbr.rel $0x88, $3  }
0x1: {  	(tag) =	ssettag $0x0;
	lr =	simm.s32 $0x1  }
0x2: {  	[smem:$0x3F92] =	sst lr;
	_ =	strace $0xD0000000  }
0x3: {  	_ = 	snop  }
0x4: {  	_ = 	snop  }
0x5: {  	_ = 	snop  }
0x6: {  	_ = 	snop  }
0x7: {  	_ = 	snop  }
__scs_overlays_trampoline_lowered:
0x8: {  	[smem:$0x3FA1] =	sst s0  }
0x9: {  	[smem:$0x3FA2] =	sst s1  }
0xa: {  	[smem:$0x3FA3] =	sst s2  }
0xb: {  	[smem:$0x3FA4] =	sst s3  }
0xc: {  	[smem:$0x3FA5] =	sst s4  }
0xd: {  	[smem:$0x3FA6] =	sst s5  }
0xe: {  	[smem:$0x3FA7] =	sst s6  }
0xf: {  	[smem:$0x3FA8] =	sst s7  }
0x10: {  	[smem:$0x3FA9] =	sst s8  }
0x11: {  	[smem:$0x3FAA] =	sst s9;
	s0 =	simm.s32 @!p0 $0x0  }
0x12: {  	s1 =	sld [smem:$0x3F90];
	s0 =	simm.s32 @p0 $0x1  }
0x13: {  	[smem:$0x3FAB] =	sst s0;
	s0 =	simm.s32 @!p1 $0x0  }
0x14: {  	s2 =	sld [smem:$0x3F8F];
	s0 =	simm.s32 @p1 $0x1  }
0x15: {  	[smem:$0x3FAC] =	sst s0;
	s0 =	simm.s32 @!p2 $0x0  }
0x16: {  	s3 =	sld [smem:$0x3FDB];
	s0 =	simm.s32 @p2 $0x1  }
0x17: {  	s4 =	simm.s32 $0x1BF5;
	[smem:$0x3FAE] =	sst s0  }
0x18: {  	s0 =	sld [smem:$0x3F91];
	_ =	swait.ge [sflag:s4], $0x0  }
0x19: {  	s7 =	sld [smem:$0x3F92]  }
0x1a: {  	s8 =	sadd.s32 $0xFFFFE003, lr  }
0x1b: {  	s9 =	sadd.s32 $0xFFFFFEF7, lr;
	s5 =	simm.s32 $0xFFFFFFFF;
	p2 =	slt.u32 s8, $0xFFFFF086  }
0x1c: {  	p1 =	slt.u32 s9, $0xF7A;
	s5 =	simm.s32 @!p2 $0x0  }
0x1d: {  	s5 =	simm.s32 @p1 $0x1;
	p0 =	seq.s32 s7, s2  }
0x1e: {  	s7 =	smul.u32 @!p0 $0xF7A, s2;
	p2 =	seq.s32 @!p0 s5, $0x0  }
0x1f: {  	s9 =	smul.u32 $0xF7A, s1;
	s8 =	simm.s32 @!p0 $0x1BF5;
	p2 =	por !p2, p0  }
0x20: {  	[sflag:s8] =	ssyncset.s32 @!p0 $0xFFFFF086;
	s6 =	sadd.s32 @!p0 s3, s7;
	s7 =	simm.s32 @!p0 $0x108  }
0x21: {  	s3 =	sadd.s32 s3, s9;
	s6 =	sadd.s32 @!p0 $0x88, s6;
	s7 =	simm.s32 @p2 $0x1082  }
0x22: {  	[simem:s7], [sflag:s8] =	dma.local @!p0 [hbm:s6], $0xF7A  }
0x23: {  	s9 =	sor.u32 $0xD0000000, s2;
	s6 =	simm.s32 $0x108;
	_ =	swait.ge @!p0 [sflag:s8], $0x0  }
0x24: {  	s3 =	sadd.s32 $0x88, s3;
	s6 =	simm.s32 @!p1 $0x1082;
	[sflag:s4] =	ssyncset.s32 $0xFFFFF086  }
0x25: {  	[simem:s6], [sflag:s4] =	dma.local [hbm:s3], $0xF7A  }
0x26: {  	[smem:$0x3F92] =	sst s1;
	(tag) =	ssettag s2;
	_ =	strace s9  }
0x27: {  	s1 =	sld [smem:$0x3FA2]  }
0x28: {  	s2 =	sld [smem:$0x3FA3]  }
0x29: {  	s4 =	sld [smem:$0x3FA5]  }
0x2a: {  	p0 =	seq.s32 s5, $0x0;
	s5 =	sld [smem:$0x3FA6]  }
0x2b: {  	s6 =	sld [smem:$0x3FA7]  }
0x2c: {  	s7 =	sld [smem:$0x3FA8]  }
0x2d: {  	s3 =	simm.s32 $0x108;
	s8 =	sld [smem:$0x3FA9]  }
0x2e: {  	s3 =	simm.s32 @!p0 $0x1082;
	s9 =	sld [smem:$0x3FAA]  }
0x2f: {  	lr =	sadd.s32 s0, s3;
	s0 =	sld [smem:$0x3FA1]  }
0x30: {  	s3 =	sld [smem:$0x3FA4]  }
0x31: {  	[smem:$0x3FAD] =	sst s10  }
0x32: {  	s10 =	sld [smem:$0x3FAB];
	_ =	sdelay $0x3  }
0x33: {  	p0 =	seq.s32 s10, $0x1;
	s10 =	sld [smem:$0x3FAD];
	_ =	sdelay $0x3  }
0x34: {  	[smem:$0x3FAD] =	sst s10  }
0x35: {  	s10 =	sld [smem:$0x3FAC];
	_ =	sdelay $0x3  }
0x36: {  	p1 =	seq.s32 s10, $0x1;
	s10 =	sld [smem:$0x3FAD];
	_ =	sdelay $0x3  }
0x37: {  	[smem:$0x3FAD] =	sst s10  }
0x38: {  	s10 =	sld [smem:$0x3FAE]  }
0x39: {  	_ = 	snop;
	(pc) =	sbr.ind lr, $3  }
0x3a: {  	_ = 	snop  }
0x3b: {  	_ = 	snop  }
0x3c: {  	p2 =	seq.s32 s10, $0x1;
	s10 =	sld [smem:$0x3FAD]  }
0x3d: {  	_ =	shalt  }
0x3e: {  	_ =	shalt  }
0x3f: {  	_ =	shalt  }
0x40: {  	_ =	shalt  }
0x41: {  	_ =	shalt  }
0x42: {  	_ =	shalt  }
0x43: {  	_ =	shalt  }
0x44: {  	_ =	shalt  }
0x45: {  	_ =	shalt  }
0x46: {  	_ =	shalt  }
0x47: {  	_ =	shalt  }
0x48: {  	_ =	shalt  }
0x49: {  	_ =	shalt  }
0x4a: {  	_ =	shalt  }
0x4b: {  	_ =	shalt  }
0x4c: {  	_ =	shalt  }
0x4d: {  	_ =	shalt  }
0x4e: {  	_ =	shalt  }
0x4f: {  	_ =	shalt  }
0x50: {  	_ =	shalt  }
0x51: {  	_ =	shalt  }
0x52: {  	_ =	shalt  }
0x53: {  	_ =	shalt  }
0x54: {  	_ =	shalt  }
0x55: {  	_ =	shalt  }
0x56: {  	_ =	shalt  }
0x57: {  	_ =	shalt  }
0x58: {  	_ =	shalt  }
0x59: {  	_ =	shalt  }
0x5a: {  	_ =	shalt  }
0x5b: {  	_ =	shalt  }
0x5c: {  	_ =	shalt  }
0x5d: {  	_ =	shalt  }
0x5e: {  	_ =	shalt  }
0x5f: {  	_ =	shalt  }
0x60: {  	_ =	shalt  }
0x61: {  	_ =	shalt  }
0x62: {  	_ =	shalt  }
0x63: {  	_ =	shalt  }
0x64: {  	_ =	shalt  }
0x65: {  	_ =	shalt  }
0x66: {  	_ =	shalt  }
0x67: {  	_ =	shalt  }
0x68: {  	_ =	shalt  }
0x69: {  	_ =	shalt  }
0x6a: {  	_ =	shalt  }
0x6b: {  	_ =	shalt  }
0x6c: {  	_ =	shalt  }
0x6d: {  	_ =	shalt  }
0x6e: {  	_ =	shalt  }
0x6f: {  	_ =	shalt  }
0x70: {  	_ =	shalt  }
0x71: {  	_ =	shalt  }
0x72: {  	_ =	shalt  }
0x73: {  	_ =	shalt  }
0x74: {  	_ =	shalt  }
0x75: {  	_ =	shalt  }
0x76: {  	_ =	shalt  }
0x77: {  	_ =	shalt  }
0x78: {  	_ =	shalt  }
0x79: {  	_ =	shalt  }
0x7a: {  	_ =	shalt  }
0x7b: {  	_ =	shalt  }
0x7c: {  	_ =	shalt  }
0x7d: {  	_ =	shalt  }
0x7e: {  	_ =	shalt  }
0x7f: {  	_ =	shalt  }
0x80: {  	_ =	shalt  }
0x81: {  	_ =	shalt  }
0x82: {  	_ =	shalt  }
0x83: {  	_ =	shalt  }
0x84: {  	_ =	shalt  }
0x85: {  	_ =	shalt  }
0x86: {  	_ =	shalt  }
0x87: {  	_ =	shalt  }
.Lfunc_end0:
.L_simem_size_0:
called_computation.1_lowered:
.L_overlay_start_0:
0x88: {  	s2 =	sld [smem:$0x3FD9]  }
0x89: {  	s3 =	sld [smem:$0x3FFE];
	_ =	sdelay $0x1  }
0x8a: {  	s1 =	srdreg.scid  }
0x8b: {  	s0 =	sand.u32 $0x1, s1  }
0x8c: {  	s17 =	sshll.u32 s0, $0xA;
	s2 =	sadd.s32 s3, s2  }
0x8d: {  	s2 =	sadd.s32 s2, s17  }
0x8e: {  	[smem:$0x3FB9] =	sst s2  }
0x8f: {  	_ = 	snop  }
0x90: {  	s2 =	sld [smem:$0x3FC9];
	(tm) =	ssettm $0x1  }
0x91: {  	s18 =	sld [smem:$0x3FFB];
	_ =	sdelay $0x3  }
0x92: {  	_ =	strace s18  }
0x93: {  	s3 =	sld [smem:$0x3FFC];
	_ =	sdelay $0x3  }
0x94: {  	_ =	strace s3  }
0x95: {  	s3 =	sld [smem:$0x3FFD];
	_ =	sdelay $0x3  }
0x96: {  	_ =	strace s3  }
0x97: {  	_ =	strace $0x8FFFFFFF  }
0x98: {  	s19 =	sld [smem:$0x3FDB];
	_ =	sdelay $0x1  }
0x99: {  	s4 =	simm.s32 $_scs_section_size  }
0x9a: {  	s5 =	simm.s32 $_size__tile_overlayer_lowered;
	s6 =	simm.s32 $_tile_overlayer_lowered  }
0x9b: {  	s22 =	simm.s32 $0x1BFF;
	s21 =	sshll.u32 s6, $0x1;
	s3 =	sadd.s32 s4, s19  }
0x9c: {  	s7 =	simm.s32 $0x0;
	s20 =	sshll.u32 s5, $0x1;
	s5 =	sadd.s32 s21, s3  }
0x9d: {  	[timem:s7], [sflag:s22] =	dma.local [hbm:s5], s20  }
0x9e: {  	_ =	swait.ge [sflag:s22], s20  }
0x9f: {  	s4 =	ssub.s32 $0x0, s20;
	[sflag:s22] =	ssyncset.done $0x0  }
0xa0: {  	[sflag:s22] =	ssyncadd.s32 s4;
	_ =	sdelay $0x1  }
0xa1: {  	s23 =	simm.s32 $0x1B8B  }
0xa2: {  	_ =	swait.ge [sflag:s23], $0x1  }
0xa3: {  	[sflag:s23] =	ssyncset.done $0x0  }
0xa4: {  	s25 =	simm.s32 $0x1B8E;
	s24 =	sld [smem:$0x3FFE];
	[sflag:s23] =	ssyncadd.s32 $0xFFFFFFFF  }
0xa5: {  	s26 =	simm.s32 $execute0_lowered;
	[smem:$0x3FD2] =	sst s25  }
0xa6: {  	s5 =	sshll.u32 s26, $0x1;
	_ =	strace $0x80000046;
	[dreg:$0x1] =	wrdreg $0xFFFFFFFF  }
0xa7: {  	s28 =	simm.s32 $_size_execute0_lowered;
	s3 =	sadd.s32 s3, s5;
	[dreg:$0x0] =	wrdreg $0x0  }
0xa8: {  	s5 =	sshll.u32 s28, $0x1;
	[dreg:$0x2] =	wrdreg s3  }
0xa9: {  	[dreg:$0x3] =	wrdreg s5  }
0xaa: {  	[dreg:$0x4] =	wrdreg $0xC0  }
0xab: {  	_ =	task [dreg:s7], $0x5FFFF  }
0xac: {  	[dreg:$0x1] =	wrdreg $0xFFFFFFFF  }
0xad: {  	[dreg:$0x0] =	wrdreg $0x60  }
0xae: {  	[dreg:$0x2] =	wrdreg s2  }
0xaf: {  	[dreg:$0x3] =	wrdreg s24  }
0xb0: {  	[dreg:$0x4] =	wrdreg $0xA8000  }
0xb1: {  	[dreg:$0x5] =	wrdreg $0xA  }
0xb2: {  	_ =	task.clear_ibuf [dreg:s7], $0x6FFFF;
	_ =	strace $0x90000046  }
0xb3: {  	s29 =	simm.s32 $0xA;
	_ =	strace $0x80000048  }
0xb4: {  	_ =	swait.ge [sflag:s29], $0x1  }
0xb5: {  	[sflag:s29] =	ssyncadd.s32 $0xFFFFFFFF  }
0xb6: {  	_ =	strace $0x90000048  }
0xb7: {  	_ =	sfence  }
0xb8: {  	s30 =	sld [smem:$0x0];
	_ =	sdelay $0x2  }
0xb9: {  	s31 =	sshll.u32 s1, $0xD;
	s1 =	sshrl.u32 s1, $0x2  }
0xba: {  	s3 =	sand.u32 $0x4000, s31;
	s1 =	sadd.s32 s1, s30  }
0xbb: {  	s0 =	sor.u32 s3, s0;
	s1 =	sshll.u32 s1, $0x11  }
0xbc: {  	s0 =	sor.u32 s1, s0  }
0xbd: {  	s0 =	sadd.s32 $0x8F2B, s0  }
0xbe: {  	[sflag:s0] =	ssyncadd.remote.s32 $0x1  }
0xbf: {  	_ =	sfence.sel $0xFFFF  }
0xc0: {  	[dreg:$0x0] =	wrdreg $0xFFFFFFFF;
	(pc) =	sbr.abs _section_cstart, $3  }
0xc1: {  	[dreg:$0x1] =	wrdreg $0xFFFFFFFF  }
0xc2: {  	_ =	task.clear_ibuf [dreg:s7], $0x2FFFF;
	_ =	strace $0x9FFFFFFF  }
0xc3: {  	(tm) =	ssettm $0x7FFFFFFF  }
tec
execute0_lowered:
.L_overlay_start_1:
0x0: {  	(tag) =	ssettag $0x1  }
0x1: {  	s1 =	rddreg [dreg:$0x0]  }
0x2: {  	s0 =	rddreg [dreg:$0x1]  }
0x3: {  	s3 =	rddreg [dreg:$0x2]  }
0x4: {  	s2 =	srdreg.scid;
	s9 =	stileid.u32;
	s4 =	simm.s32 $0x0  }
0x5: {  	s5 =	sand.u32 $0x1, s2;
	s28 =	smul.u32 $0x2800, s9;
	[smem:$0x7FF] =	sst s4  }
0x6: {  	s10 =	sadd.s32 $0xD400, s0;
	s11 =	sadd.s32 $0x3600, s0;
	s8 =	smul.u32 $0x50000, s9  }
0x7: {  	s7 =	sadd.s32 $0x17200, s0;
	s13 =	sshll.u32 s9, $0x6;
	s6 =	smul.u32 $0x28000, s5  }
0x8: {  	_ =	strace $0x80000047;
	[dreg:$0x14] =	wrdreg s7;
	s29 =	sshll.u32 s5, $0x4  }
0x9: {  	s30 =	ssub.s32 $0x2, s5;
	s13 =	sor.u32 $0x1C19, s13;
	[dreg:$0x13] =	wrdreg s11  }
0xa: {  	s5 =	smul.u32 $0x27100, s5;
	[dreg:$0x12] =	wrdreg s10;
	s31 =	sshrl.u32 s30, $0x1  }
0xb: {  	s12 =	sshrl.u32 s8, $0x2;
	[dreg:$0x16] =	wrdreg s13;
	s2 =	sadd.s32 s28, s6  }
0xc: {  	s6 =	sor.u32 s9, s29;
	s7 =	sadd.s32 s12, s3;
	s9 =	smul.u32 $0x2710, s9  }
0xd: {  	s0 =	sadd.s32 s2, s0;
	s6 =	smul.u32 $0x2710, s6;
	s2 =	ssub.s32 s30, s31  }
0xe: {  	[dreg:$0x15] =	wrdreg s7;
	s5 =	sadd.s32 s9, s5;
	s0 =	sadd.s32 $0x19A00, s0  }
0xf: {  	s2 =	smax.u32 s2, $0x1;
	s6 =	sshrl.u32 s6, $0x3;
	[smem:$0x7FB] =	sst s0  }
0x10: {  	s31 =	sadd.s32 $0x230, s5;
	[smem:$0x7FC] =	sst s2;
	s14 =	sadd.s32 s10, s6  }
0x11: {  	s15 =	sadd.s32 s11, s6;
	s16 =	sadd.s32 $0xA, s6;
	[dreg:$0x17] =	wrdreg s14  }
0x12: {  	s8 =	sshrl.u32 s31, $0x3;
	s31 =	sadd.s32 $0x280, s5;
	[dreg:$0x18] =	wrdreg s15  }
0x13: {  	s12 =	sadd.s32 s10, s16;
	[smem:$0x7FD] =	sst s31  }
0x14: {  	s17 =	sadd.s32 $0x14, s6;
	s7 =	sadd.s32 s11, s16;
	[dreg:$0x19] =	wrdreg s12  }
0x15: {  	s22 =	sadd.s32 $0x2D0, s5;
	s18 =	sadd.s32 s10, s17;
	[dreg:$0x1a] =	wrdreg s7  }
0x16: {  	s20 =	sadd.s32 $0x4CE, s6;
	s19 =	sadd.s32 s11, s17;
	[dreg:$0x1b] =	wrdreg s18  }
0x17: {  	s6 =	sadd.s32 $0x4D8, s6;
	s21 =	sadd.s32 s10, s20;
	[dreg:$0x1c] =	wrdreg s19  }
0x18: {  	s26 =	sadd.s32 $0x320, s5;
	s23 =	sadd.s32 s10, s6;
	[dreg:$0x1d] =	wrdreg s21  }
0x19: {  	s24 =	sshrl.u32 s22, $0x3;
	s6 =	sadd.s32 s11, s6;
	[dreg:$0x1f] =	wrdreg s23  }
0x1a: {  	s0 =	simm.s32 $0x50;
	s25 =	sadd.s32 s24, s11;
	[smem:$0x7FA] =	sst s6  }
0x1b: {  	s29 =	sshrl.u32 s26, $0x3;
	s28 =	sadd.s32 s24, s10;
	[dreg:$0x4] =	wrdreg s25  }
0x1c: {  	s2 =	simm.s32 $0x800;
	s30 =	sadd.s32 s29, s11;
	[dreg:$0x5] =	wrdreg s28  }
0x1d: {  	s9 =	sadd.s32 s8, s11;
	s14 =	sadd.s32 s8, s10;
	[dreg:$0x6] =	wrdreg s30  }
0x1e: {  	s17 =	sadd.s32 $0x190, s5;
	s8 =	simm.s32 $0x19;
	[dreg:$0x8] =	wrdreg s9  }
0x1f: {  	s7 =	sadd.s32 s11, s20;
	s12 =	sadd.s32 $0x1E0, s5;
	[dreg:$0x9] =	wrdreg s14  }
0x20: {  	s19 =	sshrl.u32 s17, $0x3;
	s21 =	sadd.s32 $0x140, s5;
	s25 =	sadd.s32 $0xF0, s5  }
0x21: {  	s9 =	simm.s32 $0x12;
	[dreg:$0x1e] =	wrdreg s7;
	s7 =	sadd.s32 s29, s10  }
0x22: {  	s17 =	simm.s32 $0x14;
	s20 =	sadd.s32 s19, s11;
	[dreg:$0x7] =	wrdreg s7  }
0x23: {  	s15 =	sshrl.u32 s12, $0x3;
	s22 =	sadd.s32 s19, s10;
	[dreg:$0xc] =	wrdreg s20  }
0x24: {  	s5 =	simm.s32 $0x0;
	s16 =	sadd.s32 s15, s11;
	[dreg:$0xd] =	wrdreg s22  }
0x25: {  	s23 =	sshrl.u32 s21, $0x3;
	s18 =	sadd.s32 s15, s10;
	[dreg:$0xa] =	wrdreg s16  }
0x26: {  	s28 =	sshrl.u32 s25, $0x3;
	s24 =	sadd.s32 s23, s11;
	[dreg:$0xb] =	wrdreg s18  }
0x27: {  	s21 =	simm.s32 $0x8000;
	s26 =	sadd.s32 s23, s10;
	[dreg:$0xe] =	wrdreg s24  }
0x28: {  	s25 =	simm.s32 $0x13;
	s29 =	sadd.s32 s28, s11;
	[dreg:$0xf] =	wrdreg s26  }
0x29: {  	s12 =	simm.s32 $0x16;
	s30 =	sadd.s32 s28, s10;
	[dreg:$0x10] =	wrdreg s29  }
0x2a: {  	s10 =	simm.s32 $0x3000;
	s15 =	simm.s32 $0x5800;
	[dreg:$0x11] =	wrdreg s30  }
0x2b: {  	s16 =	simm.s32 $0x11;
	s24 =	simm.s32 $0x15;
	s26 =	simm.s32 $0x780  }
.LBB2_1:
0x2c: {  	[smem:$0x7F8] =	sst s5  }
0x2d: {  	s7 =	rddreg [dreg:$0x15]  }
0x2e: {  	s28 =	rddreg [dreg:$0x14];
	s23 =	sshrl.u32 s7, $0x3  }
0x2f: {  	[smem:$0x7F9] =	sst s23  }
0x30: {  	[spmem:s23], [sflag:s13] =	dma.local [hbm:s28], $0x2800  }
0x31: {  	_ =	swait.ge [sflag:s8], $0x2800  }
0x32: {  	[sflag:s8] =	ssyncset.done $0x0  }
0x33: {  	s29 =	rddreg [dreg:$0x17];
	[sflag:s8] =	ssyncadd.s32 $0xFFFFD800  }
0x34: {  	[tilespmem:s4], [sflag:$0x1] =	stream.linear.gather [hbm4b:s29+s4], $0x50, $0x38;
	[tilespmem:$0x1E800] =	vst v63  }
0x35: {  	s14 =	simm.s32 $0x400;
	s30 =	rddreg [dreg:$0x18]  }
0x36: {  	[tilespmem:s14], [sflag:$0x9] =	stream.linear.gather [hbm4b:s30+s4], $0x50, $0x38;
	[tilespmem:$0x1E800] =	vst v63  }
0x37: {  	s20 =	simm.s32 $0x80;
	s5 =	rddreg [dreg:$0x19]  }
0x38: {  	[tilespmem:s20], [sflag:$0x2] =	stream.linear.gather [hbm4b:s5+s4], $0x50, $0x38;
	[tilespmem:$0x1E800] =	vst v63  }
0x39: {  	s6 =	rddreg [dreg:$0x1a];
	s8 =	simm.s32 $0x480  }
0x3a: {  	[tilespmem:s8], [sflag:$0xA] =	stream.linear.gather [hbm4b:s6+s4], $0x50, $0x38;
	[tilespmem:$0x1E800] =	vst v63  }
0x3b: {  	s11 =	rddreg [dreg:$0x1b];
	s30 =	simm.s32 $0x100  }
0x3c: {  	[tilespmem:s30], [sflag:$0x3] =	stream.linear.gather [hbm4b:s11+s4], $0x50, $0x38;
	[tilespmem:$0x1E800] =	vst v63  }
0x3d: {  	s28 =	simm.s32 $0x500;
	s13 =	rddreg [dreg:$0x1c];
	s29 =	simm.s32 $0x1  }
0x3e: {  	[tilespmem:s28], [sflag:$0xB] =	stream.linear.gather [hbm4b:s13+s4], $0x50, $0x38;
	[tilespmem:$0x1E800] =	vst v63  }
0x3f: {  	_ =	swait.ge [sflag:s29], $0x50  }
0x40: {  	[sflag:s29] =	ssyncset.done $0x0  }
0x41: {  	s31 =	simm.s32 $0x9;
	[sflag:s29] =	ssyncadd.s32 $0xFFFFFFB0  }
0x42: {  	_ =	swait.ge [sflag:s31], $0x50  }
0x43: {  	[sflag:s31] =	ssyncset.done $0x0  }
0x44: {  	s11 =	simm.s32 $0x2;
	[sflag:s31] =	ssyncadd.s32 $0xFFFFFFB0  }
0x45: {  	[tilespmem:s2], [sflag:$0x11] =	stream.indirect.gather [hbm4b:s1+s0], $0x80, s4, s0, $0xb8;
	[tilespmem:$0x1E800] =	vst v63  }
0x46: {  	_ =	swait.ge [sflag:s11], $0x50  }
0x47: {  	[sflag:s11] =	ssyncset.done $0x0  }
0x48: {  	s6 =	simm.s32 $0xA;
	[sflag:s11] =	ssyncadd.s32 $0xFFFFFFB0  }
0x49: {  	_ =	swait.ge [sflag:s6], $0x50  }
0x4a: {  	[sflag:s6] =	ssyncset.done $0x0  }
0x4b: {  	[sflag:s6] =	ssyncadd.s32 $0xFFFFFFB0  }
0x4c: {  	[tilespmem:s10], [sflag:$0x12] =	stream.indirect.gather [hbm4b:s1+s0], $0x80, s20, s0, $0xb8;
	[tilespmem:$0x1E800] =	vst v63  }
0x4d: {  	[bflag:$0x0] =	sbarrier.arrive $0xFFFF  }
0x4e: {  	s19 =	rddreg [dreg:$0x11]  }
0x4f: {  	s22 =	rddreg [dreg:$0x10];
	s7 =	sadd.s32 $0x0, s19;
	s19 =	simm.s32 $0x180  }
0x50: {  	[tilespmem:s19], [sflag:$0x4] =	stream.linear.gather [hbm4b:s7+s4], $0x50, $0x38;
	[tilespmem:$0x1E800] =	vst v63  }
0x51: {  	s5 =	simm.s32 $0x3;
	s13 =	simm.s32 $0x580;
	s23 =	sadd.s32 $0x0, s22  }
0x52: {  	[tilespmem:s13], [sflag:$0xC] =	stream.linear.gather [hbm4b:s23+s4], $0x50, $0x38;
	[tilespmem:$0x1E800] =	vst v63  }
0x53: {  	_ =	swait.ge [sflag:s5], $0x50  }
0x54: {  	[sflag:s5] =	ssyncset.done $0x0  }
0x55: {  	s8 =	simm.s32 $0xB;
	[sflag:s5] =	ssyncadd.s32 $0xFFFFFFB0  }
0x56: {  	_ =	swait.ge [sflag:s8], $0x50  }
0x57: {  	p0 =	por $0x1, $0x1;
	[sflag:s8] =	ssyncset.done $0x0  }
0x58: {  	s7 =	simm.s32 @!p0 $0x17;
	[sflag:s8] =	ssyncadd.s32 $0xFFFFFFB0  }
0x59: {  	_ =	swait.ge @!p0 [sflag:s7], $0x2800  }
0x5a: {  	[sflag:s7] =	ssyncset.done @!p0 $0x0  }
0x5b: {  	[sflag:s7] =	ssyncadd.s32 @!p0 $0xFFFFD800  }
0x5c: {  	[tilespmem:s15], [sflag:$0x13] =	stream.indirect.gather [hbm4b:s1+s0], $0x80, s30, s0, $0xb8;
	[tilespmem:$0x1E800] =	vst v63  }
0x5d: {  	_ =	swait.ge [sflag:s16], $0x2800  }
0x5e: {  	[sflag:s16] =	ssyncset.done $0x0  }
0x5f: {  	s22 =	rddreg [dreg:$0xf];
	[sflag:s16] =	ssyncadd.s32 $0xFFFFD800  }
0x60: {  	[spmem:s3] =	stream.indirect.scatter.add.f32 [tilespmem:s2], [sflag:$0x15], $0x80, s14, s0, $0xb8;
	[tilespmem:$0x1E800] =	vst v63  }
0x61: {  	s5 =	simm.s32 $0x200;
	s23 =	rddreg [dreg:$0xe];
	s7 =	sadd.s32 $0x0, s22  }
0x62: {  	[tilespmem:s5], [sflag:$0x5] =	stream.linear.gather [hbm4b:s7+s4], $0x50, $0x38;
	[tilespmem:$0x1E800] =	vst v63  }
0x63: {  	s8 =	sadd.s32 $0x0, s23;
	s23 =	simm.s32 $0x600;
	s22 =	simm.s32 $0x4  }
0x64: {  	[tilespmem:s23], [sflag:$0xD] =	stream.linear.gather [hbm4b:s8+s4], $0x50, $0x38;
	[tilespmem:$0x1E800] =	vst v63  }
0x65: {  	_ =	swait.ge [sflag:s22], $0x50  }
0x66: {  	[sflag:s22] =	ssyncset.done $0x0  }
0x67: {  	s8 =	simm.s32 $0xC;
	[sflag:s22] =	ssyncadd.s32 $0xFFFFFFB0  }
0x68: {  	_ =	swait.ge [sflag:s8], $0x50  }
0x69: {  	[sflag:s8] =	ssyncset.done $0x0  }
0x6a: {  	s7 =	simm.s32 @!p0 $0x18;
	[sflag:s8] =	ssyncadd.s32 $0xFFFFFFB0  }
0x6b: {  	_ =	swait.ge @!p0 [sflag:s7], $0x2800  }
0x6c: {  	[sflag:s7] =	ssyncset.done @!p0 $0x0  }
0x6d: {  	[sflag:s7] =	ssyncadd.s32 @!p0 $0xFFFFD800  }
0x6e: {  	[tilespmem:s21], [sflag:$0x14] =	stream.indirect.gather [hbm4b:s1+s0], $0x80, s19, s0, $0xb8;
	[tilespmem:$0x1E800] =	vst v63  }
0x6f: {  	_ =	swait.ge [sflag:s9], $0x2800  }
0x70: {  	[sflag:s9] =	ssyncset.done $0x0  }
0x71: {  	s18 =	simm.s32 $0x480;
	s19 =	rddreg [dreg:$0xd];
	[sflag:s9] =	ssyncadd.s32 $0xFFFFD800  }
0x72: {  	[spmem:s3] =	stream.indirect.scatter.add.f32 [tilespmem:s10], [sflag:$0x16], $0x80, s18, s0, $0xb8;
	[tilespmem:$0x1E800] =	vst v63  }
0x73: {  	s22 =	rddreg [dreg:$0xc];
	s7 =	sadd.s32 $0x0, s19;
	s19 =	simm.s32 $0x280  }
0x74: {  	[tilespmem:s19], [sflag:$0x6] =	stream.linear.gather [hbm4b:s7+s4], $0x50, $0x38;
	[tilespmem:$0x1E800] =	vst v63  }
0x75: {  	s8 =	simm.s32 $0x5;
	s22 =	sadd.s32 $0x0, s22;
	s18 =	simm.s32 $0x680  }
0x76: {  	[tilespmem:s18], [sflag:$0xE] =	stream.linear.gather [hbm4b:s22+s4], $0x50, $0x38;
	[tilespmem:$0x1E800] =	vst v63  }
0x77: {  	_ =	swait.ge [sflag:s8], $0x50  }
0x78: {  	[sflag:s8] =	ssyncset.done $0x0  }
0x79: {  	s22 =	simm.s32 $0xD;
	[sflag:s8] =	ssyncadd.s32 $0xFFFFFFB0  }
0x7a: {  	_ =	swait.ge [sflag:s22], $0x50  }
0x7b: {  	[sflag:s22] =	ssyncset.done $0x0  }
0x7c: {  	[sflag:s22] =	ssyncadd.s32 $0xFFFFFFB0  }
0x7d: {  	_ =	swait.ge [sflag:s24], $0x2800  }
0x7e: {  	[sflag:s24] =	ssyncset.done $0x0  }
0x7f: {  	[sflag:s24] =	ssyncadd.s32 $0xFFFFD800  }
0x80: {  	[tilespmem:s2], [sflag:$0x11] =	stream.indirect.gather [hbm4b:s1+s0], $0x80, s5, s0, $0xb8;
	[tilespmem:$0x1E800] =	vst v63  }
0x81: {  	_ =	swait.ge [sflag:s25], $0x2800  }
0x82: {  	[sflag:s25] =	ssyncset.done $0x0  }
0x83: {  	s8 =	rddreg [dreg:$0xb];
	[sflag:s25] =	ssyncadd.s32 $0xFFFFD800  }
0x84: {  	[spmem:s3] =	stream.indirect.scatter.add.f32 [tilespmem:s15], [sflag:$0x17], $0x80, s28, s0, $0xb8;
	[tilespmem:$0x1E800] =	vst v63  }
0x85: {  	s5 =	simm.s32 $0x300;
	s22 =	rddreg [dreg:$0xa];
	s7 =	sadd.s32 $0x0, s8  }
0x86: {  	[tilespmem:s5], [sflag:$0x7] =	stream.linear.gather [hbm4b:s7+s4], $0x50, $0x38;
	[tilespmem:$0x1E800] =	vst v63  }
0x87: {  	s8 =	sadd.s32 $0x0, s22;
	s22 =	simm.s32 $0x700  }
0x88: {  	[tilespmem:s22], [sflag:$0xF] =	stream.linear.gather [hbm4b:s8+s4], $0x50, $0x38;
	[tilespmem:$0x1E800] =	vst v63  }
0x89: {  	s8 =	simm.s32 $0x6  }
0x8a: {  	_ =	swait.ge [sflag:s8], $0x50  }
0x8b: {  	[sflag:s8] =	ssyncset.done $0x0  }
0x8c: {  	[sflag:s8] =	ssyncadd.s32 $0xFFFFFFB0;
	s8 =	simm.s32 $0xE  }
0x8d: {  	_ =	swait.ge [sflag:s8], $0x50  }
0x8e: {  	[sflag:s8] =	ssyncset.done $0x0  }
0x8f: {  	[sflag:s8] =	ssyncadd.s32 $0xFFFFFFB0  }
0x90: {  	_ =	swait.ge [sflag:s12], $0x2800  }
0x91: {  	[sflag:s12] =	ssyncset.done $0x0  }
0x92: {  	[sflag:s12] =	ssyncadd.s32 $0xFFFFD800  }
0x93: {  	[tilespmem:s10], [sflag:$0x12] =	stream.indirect.gather [hbm4b:s1+s0], $0x80, s19, s0, $0xb8;
	[tilespmem:$0x1E800] =	vst v63  }
0x94: {  	_ =	swait.ge [sflag:s17], $0x2800  }
0x95: {  	[sflag:s17] =	ssyncset.done $0x0  }
0x96: {  	s8 =	rddreg [dreg:$0x9];
	[sflag:s17] =	ssyncadd.s32 $0xFFFFD800  }
0x97: {  	[spmem:s3] =	stream.indirect.scatter.add.f32 [tilespmem:s21], [sflag:$0x18], $0x80, s13, s0, $0xb8;
	[tilespmem:$0x1E800] =	vst v63  }
0x98: {  	s19 =	rddreg [dreg:$0x8];
	s7 =	sadd.s32 $0x0, s8;
	s13 =	simm.s32 $0x380  }
0x99: {  	[tilespmem:s13], [sflag:$0x8] =	stream.linear.gather [hbm4b:s7+s4], $0x50, $0x38;
	[tilespmem:$0x1E800] =	vst v63  }
0x9a: {  	s19 =	sadd.s32 $0x0, s19  }
0x9b: {  	[tilespmem:s26], [sflag:$0x10] =	stream.linear.gather [hbm4b:s19+s4], $0x50, $0x38;
	[tilespmem:$0x1E800] =	vst v63  }
0x9c: {  	s26 =	simm.s32 $0x7  }
0x9d: {  	_ =	swait.ge [sflag:s26], $0x50  }
0x9e: {  	[sflag:s26] =	ssyncset.done $0x0  }
0x9f: {  	s8 =	simm.s32 $0xF;
	[sflag:s26] =	ssyncadd.s32 $0xFFFFFFB0  }
0xa0: {  	_ =	swait.ge [sflag:s8], $0x50  }
0xa1: {  	[sflag:s8] =	ssyncset.done $0x0  }
0xa2: {  	s19 =	simm.s32 $0x17;
	[sflag:s8] =	ssyncadd.s32 $0xFFFFFFB0  }
0xa3: {  	_ =	swait.ge [sflag:s19], $0x2800  }
0xa4: {  	[sflag:s19] =	ssyncset.done $0x0  }
0xa5: {  	[sflag:s19] =	ssyncadd.s32 $0xFFFFD800  }
0xa6: {  	[tilespmem:s15], [sflag:$0x13] =	stream.indirect.gather [hbm4b:s1+s0], $0x80, s5, s0, $0xb8;
	[tilespmem:$0x1E800] =	vst v63  }
0xa7: {  	_ =	swait.ge [sflag:s16], $0x2800  }
0xa8: {  	[sflag:s16] =	ssyncset.done $0x0;
	s19 =	sld [smem:$0x7FD]  }
0xa9: {  	[sflag:s16] =	ssyncadd.s32 $0xFFFFD800  }
0xaa: {  	[spmem:s3] =	stream.indirect.scatter.add.f32 [tilespmem:s2], [sflag:$0x15], $0x80, s23, s0, $0xb8;
	[tilespmem:$0x1E800] =	vst v63  }
0xab: {  	s5 =	rddreg [dreg:$0x12];
	s26 =	sshrl.u32 s19, $0x3  }
0xac: {  	s23 =	rddreg [dreg:$0x13];
	s8 =	sadd.s32 s5, s26  }
0xad: {  	[tilespmem:s4], [sflag:$0x1] =	stream.linear.gather [hbm4b:s8+s4], $0x50, $0x38;
	[tilespmem:$0x1E800] =	vst v63  }
0xae: {  	s7 =	sadd.s32 s23, s26;
	s26 =	simm.s32 $0x8  }
0xaf: {  	[tilespmem:s14], [sflag:$0x9] =	stream.linear.gather [hbm4b:s7+s4], $0x50, $0x38;
	[tilespmem:$0x1E800] =	vst v63  }
0xb0: {  	_ =	swait.ge [sflag:s26], $0x50  }
0xb1: {  	[sflag:s26] =	ssyncset.done $0x0  }
0xb2: {  	s7 =	simm.s32 $0x10;
	[sflag:s26] =	ssyncadd.s32 $0xFFFFFFB0  }
0xb3: {  	_ =	swait.ge [sflag:s7], $0x50  }
0xb4: {  	[sflag:s7] =	ssyncset.done $0x0  }
0xb5: {  	s8 =	simm.s32 $0x18;
	[sflag:s7] =	ssyncadd.s32 $0xFFFFFFB0  }
0xb6: {  	_ =	swait.ge [sflag:s8], $0x2800  }
0xb7: {  	[sflag:s8] =	ssyncset.done $0x0  }
0xb8: {  	[sflag:s8] =	ssyncadd.s32 $0xFFFFD800  }
0xb9: {  	[tilespmem:s21], [sflag:$0x14] =	stream.indirect.gather [hbm4b:s1+s0], $0x80, s13, s0, $0xb8;
	[tilespmem:$0x1E800] =	vst v63  }
0xba: {  	_ =	swait.ge [sflag:s9], $0x2800  }
0xbb: {  	[sflag:s9] =	ssyncset.done $0x0  }
0xbc: {  	s13 =	rddreg [dreg:$0x5];
	[sflag:s9] =	ssyncadd.s32 $0xFFFFD800  }
0xbd: {  	[spmem:s3] =	stream.indirect.scatter.add.f32 [tilespmem:s10], [sflag:$0x16], $0x80, s18, s0, $0xb8;
	[tilespmem:$0x1E800] =	vst v63  }
0xbe: {  	s14 =	rddreg [dreg:$0x4];
	s7 =	sadd.s32 $0x0, s13  }
0xbf: {  	[tilespmem:s20], [sflag:$0x2] =	stream.linear.gather [hbm4b:s7+s4], $0x50, $0x38;
	[tilespmem:$0x1E800] =	vst v63  }
0xc0: {  	s23 =	simm.s32 $0x480;
	s18 =	sadd.s32 $0x0, s14  }
0xc1: {  	[tilespmem:s23], [sflag:$0xA] =	stream.linear.gather [hbm4b:s18+s4], $0x50, $0x38;
	[tilespmem:$0x1E800] =	vst v63  }
0xc2: {  	_ =	swait.ge [sflag:s29], $0x50  }
0xc3: {  	[sflag:s29] =	ssyncset.done $0x0  }
0xc4: {  	[sflag:s29] =	ssyncadd.s32 $0xFFFFFFB0  }
0xc5: {  	_ =	swait.ge [sflag:s31], $0x50  }
0xc6: {  	[sflag:s31] =	ssyncset.done $0x0  }
0xc7: {  	[sflag:s31] =	ssyncadd.s32 $0xFFFFFFB0  }
0xc8: {  	_ =	swait.ge [sflag:s24], $0x2800  }
0xc9: {  	[sflag:s24] =	ssyncset.done $0x0  }
0xca: {  	[sflag:s24] =	ssyncadd.s32 $0xFFFFD800  }
0xcb: {  	[tilespmem:s2], [sflag:$0x11] =	stream.indirect.gather [hbm4b:s1+s0], $0x80, s4, s0, $0xb8;
	[tilespmem:$0x1E800] =	vst v63  }
0xcc: {  	_ =	swait.ge [sflag:s25], $0x2800  }
0xcd: {  	[sflag:s25] =	ssyncset.done $0x0  }
0xce: {  	s26 =	rddreg [dreg:$0x7];
	[sflag:s25] =	ssyncadd.s32 $0xFFFFD800  }
0xcf: {  	[spmem:s3] =	stream.indirect.scatter.add.f32 [tilespmem:s15], [sflag:$0x17], $0x80, s22, s0, $0xb8;
	[tilespmem:$0x1E800] =	vst v63  }
0xd0: {  	s29 =	rddreg [dreg:$0x6];
	s7 =	sadd.s32 $0x0, s26  }
0xd1: {  	[tilespmem:s30], [sflag:$0x3] =	stream.linear.gather [hbm4b:s7+s4], $0x50, $0x38;
	[tilespmem:$0x1E800] =	vst v63  }
0xd2: {  	s30 =	sadd.s32 $0x0, s29  }
0xd3: {  	[tilespmem:s28], [sflag:$0xB] =	stream.linear.gather [hbm4b:s30+s4], $0x50, $0x38;
	[tilespmem:$0x1E800] =	vst v63  }
0xd4: {  	_ =	swait.ge [sflag:s11], $0x50  }
0xd5: {  	[sflag:s11] =	ssyncset.done $0x0  }
0xd6: {  	[sflag:s11] =	ssyncadd.s32 $0xFFFFFFB0  }
0xd7: {  	_ =	swait.ge [sflag:s6], $0x50  }
0xd8: {  	[sflag:s6] =	ssyncset.done $0x0  }
0xd9: {  	[sflag:s6] =	ssyncadd.s32 $0xFFFFFFB0  }
0xda: {  	_ =	swait.ge [sflag:s12], $0x2800  }
0xdb: {  	[sflag:s12] =	ssyncset.done $0x0  }
0xdc: {  	[sflag:s12] =	ssyncadd.s32 $0xFFFFD800  }
0xdd: {  	[tilespmem:s10], [sflag:$0x12] =	stream.indirect.gather [hbm4b:s1+s0], $0x80, s20, s0, $0xb8;
	[tilespmem:$0x1E800] =	vst v63  }
0xde: {  	s8 =	simm.s32 $0xA0;
	_ =	swait.ge [sflag:s17], $0x2800  }
0xdf: {  	s31 =	simm.s32 $0x50;
	s13 =	rddreg [dreg:$0x11];
	[sflag:s17] =	ssyncset.done $0x0  }
0xe0: {  	s7 =	sadd.s32 $0x280, s19;
	s14 =	rddreg [dreg:$0x10];
	[sflag:s17] =	ssyncadd.s32 $0xFFFFD800  }
.LBB2_2:
0xe1: {  	s30 =	simm.s32 $0x780  }
0xe2: {  	[spmem:s3] =	stream.indirect.scatter.add.f32 [tilespmem:s21], [sflag:$0x18], $0x80, s30, s0, $0xb8;
	[tilespmem:$0x1E800] =	vst v63  }
0xe3: {  	s19 =	sadd.s32 s31, s13;
	s5 =	simm.s32 $0x180  }
0xe4: {  	[tilespmem:s5], [sflag:$0x4] =	stream.linear.gather [hbm4b:s19+s4], $0x50, $0x38;
	[tilespmem:$0x1E800] =	vst v63  }
0xe5: {  	s14 =	sadd.s32 s31, s14;
	s11 =	simm.s32 $0x580;
	s6 =	simm.s32 $0x3  }
0xe6: {  	[tilespmem:s11], [sflag:$0xC] =	stream.linear.gather [hbm4b:s14+s4], $0x50, $0x38;
	[tilespmem:$0x1E800] =	vst v63  }
0xe7: {  	_ =	swait.ge [sflag:s6], $0x50  }
0xe8: {  	[sflag:s6] =	ssyncset.done $0x0  }
0xe9: {  	s28 =	simm.s32 $0xB;
	[sflag:s6] =	ssyncadd.s32 $0xFFFFFFB0  }
0xea: {  	_ =	swait.ge [sflag:s28], $0x50  }
0xeb: {  	p1 =	seq.s32 s31, $0x0;
	[sflag:s28] =	ssyncset.done $0x0  }
0xec: {  	s14 =	simm.s32 @!p1 $0x17;
	[sflag:s28] =	ssyncadd.s32 $0xFFFFFFB0  }
0xed: {  	_ =	swait.ge @!p1 [sflag:s14], $0x2800  }
0xee: {  	[sflag:s14] =	ssyncset.done @!p1 $0x0  }
0xef: {  	s6 =	simm.s32 $0x100;
	[sflag:s14] =	ssyncadd.s32 @!p1 $0xFFFFD800  }
0xf0: {  	[tilespmem:s15], [sflag:$0x13] =	stream.indirect.gather [hbm4b:s1+s0], $0x80, s6, s0, $0xb8;
	[tilespmem:$0x1E800] =	vst v63  }
0xf1: {  	_ =	swait.ge [sflag:s16], $0x2800  }
0xf2: {  	[sflag:s16] =	ssyncset.done $0x0  }
0xf3: {  	s20 =	simm.s32 $0x400;
	s29 =	rddreg [dreg:$0xf];
	[sflag:s16] =	ssyncadd.s32 $0xFFFFD800  }
0xf4: {  	[spmem:s3] =	stream.indirect.scatter.add.f32 [tilespmem:s2], [sflag:$0x15], $0x80, s20, s0, $0xb8;
	[tilespmem:$0x1E800] =	vst v63  }
0xf5: {  	s18 =	rddreg [dreg:$0xe];
	s14 =	sadd.s32 s31, s29;
	s29 =	simm.s32 $0x200  }
0xf6: {  	[tilespmem:s29], [sflag:$0x5] =	stream.linear.gather [hbm4b:s14+s4], $0x50, $0x38;
	[tilespmem:$0x1E800] =	vst v63  }
0xf7: {  	s23 =	simm.s32 $0x600;
	s22 =	simm.s32 $0x4;
	s19 =	sadd.s32 s31, s18  }
0xf8: {  	[tilespmem:s23], [sflag:$0xD] =	stream.linear.gather [hbm4b:s19+s4], $0x50, $0x38;
	[tilespmem:$0x1E800] =	vst v63  }
0xf9: {  	_ =	swait.ge [sflag:s22], $0x50  }
0xfa: {  	[sflag:s22] =	ssyncset.done $0x0  }
0xfb: {  	s26 =	simm.s32 $0xC;
	[sflag:s22] =	ssyncadd.s32 $0xFFFFFFB0  }
0xfc: {  	_ =	swait.ge [sflag:s26], $0x50  }
0xfd: {  	[sflag:s26] =	ssyncset.done $0x0  }
0xfe: {  	s14 =	simm.s32 @!p1 $0x18;
	[sflag:s26] =	ssyncadd.s32 $0xFFFFFFB0  }
0xff: {  	_ =	swait.ge @!p1 [sflag:s14], $0x2800  }
0x100: {  	[sflag:s14] =	ssyncset.done @!p1 $0x0  }
0x101: {  	[sflag:s14] =	ssyncadd.s32 @!p1 $0xFFFFD800  }
0x102: {  	[tilespmem:s21], [sflag:$0x14] =	stream.indirect.gather [hbm4b:s1+s0], $0x80, s5, s0, $0xb8;
	[tilespmem:$0x1E800] =	vst v63  }
0x103: {  	_ =	swait.ge [sflag:s9], $0x2800  }
0x104: {  	[sflag:s9] =	ssyncset.done $0x0  }
0x105: {  	s5 =	simm.s32 $0x480;
	s28 =	rddreg [dreg:$0xd];
	[sflag:s9] =	ssyncadd.s32 $0xFFFFD800  }
0x106: {  	[spmem:s3] =	stream.indirect.scatter.add.f32 [tilespmem:s10], [sflag:$0x16], $0x80, s5, s0, $0xb8;
	[tilespmem:$0x1E800] =	vst v63  }
0x107: {  	s26 =	simm.s32 $0x280;
	s18 =	rddreg [dreg:$0xc];
	s14 =	sadd.s32 s31, s28  }
0x108: {  	[tilespmem:s26], [sflag:$0x6] =	stream.linear.gather [hbm4b:s14+s4], $0x50, $0x38;
	[tilespmem:$0x1E800] =	vst v63  }
0x109: {  	s22 =	simm.s32 $0x5;
	s19 =	sadd.s32 s31, s18;
	s18 =	simm.s32 $0x680  }
0x10a: {  	[tilespmem:s18], [sflag:$0xE] =	stream.linear.gather [hbm4b:s19+s4], $0x50, $0x38;
	[tilespmem:$0x1E800] =	vst v63  }
0x10b: {  	_ =	swait.ge [sflag:s22], $0x50  }
0x10c: {  	[sflag:s22] =	ssyncset.done $0x0  }
0x10d: {  	s28 =	simm.s32 $0xD;
	[sflag:s22] =	ssyncadd.s32 $0xFFFFFFB0  }
0x10e: {  	_ =	swait.ge [sflag:s28], $0x50  }
0x10f: {  	[sflag:s28] =	ssyncset.done $0x0  }
0x110: {  	[sflag:s28] =	ssyncadd.s32 $0xFFFFFFB0  }
0x111: {  	_ =	swait.ge [sflag:s24], $0x2800  }
0x112: {  	[sflag:s24] =	ssyncset.done $0x0  }
0x113: {  	[sflag:s24] =	ssyncadd.s32 $0xFFFFD800  }
0x114: {  	[tilespmem:s2], [sflag:$0x11] =	stream.indirect.gather [hbm4b:s1+s0], $0x80, s29, s0, $0xb8;
	[tilespmem:$0x1E800] =	vst v63  }
0x115: {  	_ =	swait.ge [sflag:s25], $0x2800  }
0x116: {  	[sflag:s25] =	ssyncset.done $0x0  }
0x117: {  	s29 =	simm.s32 $0x500;
	s19 =	rddreg [dreg:$0xb];
	[sflag:s25] =	ssyncadd.s32 $0xFFFFD800  }
0x118: {  	[spmem:s3] =	stream.indirect.scatter.add.f32 [tilespmem:s15], [sflag:$0x17], $0x80, s29, s0, $0xb8;
	[tilespmem:$0x1E800] =	vst v63  }
0x119: {  	s28 =	simm.s32 $0x300;
	s22 =	rddreg [dreg:$0xa];
	s14 =	sadd.s32 s31, s19  }
0x11a: {  	[tilespmem:s28], [sflag:$0x7] =	stream.linear.gather [hbm4b:s14+s4], $0x50, $0x38;
	[tilespmem:$0x1E800] =	vst v63  }
0x11b: {  	s19 =	sadd.s32 s31, s22;
	s22 =	simm.s32 $0x700  }
0x11c: {  	[tilespmem:s22], [sflag:$0xF] =	stream.linear.gather [hbm4b:s19+s4], $0x50, $0x38;
	[tilespmem:$0x1E800] =	vst v63  }
0x11d: {  	s19 =	simm.s32 $0x6  }
0x11e: {  	_ =	swait.ge [sflag:s19], $0x50  }
0x11f: {  	[sflag:s19] =	ssyncset.done $0x0  }
0x120: {  	[sflag:s19] =	ssyncadd.s32 $0xFFFFFFB0;
	s19 =	simm.s32 $0xE  }
0x121: {  	_ =	swait.ge [sflag:s19], $0x50  }
0x122: {  	[sflag:s19] =	ssyncset.done $0x0  }
0x123: {  	[sflag:s19] =	ssyncadd.s32 $0xFFFFFFB0  }
0x124: {  	_ =	swait.ge [sflag:s12], $0x2800  }
0x125: {  	[sflag:s12] =	ssyncset.done $0x0  }
0x126: {  	[sflag:s12] =	ssyncadd.s32 $0xFFFFD800  }
0x127: {  	[tilespmem:s10], [sflag:$0x12] =	stream.indirect.gather [hbm4b:s1+s0], $0x80, s26, s0, $0xb8;
	[tilespmem:$0x1E800] =	vst v63  }
0x128: {  	_ =	swait.ge [sflag:s17], $0x2800  }
0x129: {  	[sflag:s17] =	ssyncset.done $0x0  }
0x12a: {  	s19 =	rddreg [dreg:$0x9];
	[sflag:s17] =	ssyncadd.s32 $0xFFFFD800  }
0x12b: {  	[spmem:s3] =	stream.indirect.scatter.add.f32 [tilespmem:s21], [sflag:$0x18], $0x80, s11, s0, $0xb8;
	[tilespmem:$0x1E800] =	vst v63  }
0x12c: {  	s26 =	rddreg [dreg:$0x8];
	s14 =	sadd.s32 s31, s19;
	s11 =	simm.s32 $0x380  }
0x12d: {  	[tilespmem:s11], [sflag:$0x8] =	stream.linear.gather [hbm4b:s14+s4], $0x50, $0x38;
	[tilespmem:$0x1E800] =	vst v63  }
0x12e: {  	s19 =	sadd.s32 s31, s26;
	s26 =	simm.s32 $0x7  }
0x12f: {  	[tilespmem:s30], [sflag:$0x10] =	stream.linear.gather [hbm4b:s19+s4], $0x50, $0x38;
	[tilespmem:$0x1E800] =	vst v63  }
0x130: {  	_ =	swait.ge [sflag:s26], $0x50  }
0x131: {  	[sflag:s26] =	ssyncset.done $0x0  }
0x132: {  	s30 =	simm.s32 $0xF;
	[sflag:s26] =	ssyncadd.s32 $0xFFFFFFB0  }
0x133: {  	_ =	swait.ge [sflag:s30], $0x50  }
0x134: {  	[sflag:s30] =	ssyncset.done $0x0  }
0x135: {  	s19 =	simm.s32 $0x17;
	[sflag:s30] =	ssyncadd.s32 $0xFFFFFFB0  }
0x136: {  	_ =	swait.ge [sflag:s19], $0x2800  }
0x137: {  	[sflag:s19] =	ssyncset.done $0x0  }
0x138: {  	[sflag:s19] =	ssyncadd.s32 $0xFFFFD800  }
0x139: {  	[tilespmem:s15], [sflag:$0x13] =	stream.indirect.gather [hbm4b:s1+s0], $0x80, s28, s0, $0xb8;
	[tilespmem:$0x1E800] =	vst v63  }
0x13a: {  	_ =	swait.ge [sflag:s16], $0x2800  }
0x13b: {  	[sflag:s16] =	ssyncset.done $0x0  }
0x13c: {  	s26 =	sshrl.u32 s7, $0x3;
	s28 =	rddreg [dreg:$0x12];
	[sflag:s16] =	ssyncadd.s32 $0xFFFFD800  }
0x13d: {  	[spmem:s3] =	stream.indirect.scatter.add.f32 [tilespmem:s2], [sflag:$0x15], $0x80, s23, s0, $0xb8;
	[tilespmem:$0x1E800] =	vst v63  }
0x13e: {  	s30 =	rddreg [dreg:$0x13];
	s19 =	sadd.s32 s28, s26  }
0x13f: {  	[tilespmem:s4], [sflag:$0x1] =	stream.linear.gather [hbm4b:s19+s4], $0x50, $0x38;
	[tilespmem:$0x1E800] =	vst v63  }
0x140: {  	s14 =	sadd.s32 s30, s26  }
0x141: {  	[tilespmem:s20], [sflag:$0x9] =	stream.linear.gather [hbm4b:s14+s4], $0x50, $0x38;
	[tilespmem:$0x1E800] =	vst v63  }
0x142: {  	s20 =	simm.s32 $0x8  }
0x143: {  	_ =	swait.ge [sflag:s20], $0x50  }
0x144: {  	[sflag:s20] =	ssyncset.done $0x0  }
0x145: {  	s23 =	simm.s32 $0x10;
	[sflag:s20] =	ssyncadd.s32 $0xFFFFFFB0  }
0x146: {  	_ =	swait.ge [sflag:s23], $0x50  }
0x147: {  	[sflag:s23] =	ssyncset.done $0x0  }
0x148: {  	s26 =	simm.s32 $0x18;
	[sflag:s23] =	ssyncadd.s32 $0xFFFFFFB0  }
0x149: {  	_ =	swait.ge [sflag:s26], $0x2800  }
0x14a: {  	[sflag:s26] =	ssyncset.done $0x0  }
0x14b: {  	[sflag:s26] =	ssyncadd.s32 $0xFFFFD800  }
0x14c: {  	[tilespmem:s21], [sflag:$0x14] =	stream.indirect.gather [hbm4b:s1+s0], $0x80, s11, s0, $0xb8;
	[tilespmem:$0x1E800] =	vst v63  }
0x14d: {  	_ =	swait.ge [sflag:s9], $0x2800  }
0x14e: {  	[sflag:s9] =	ssyncset.done $0x0  }
0x14f: {  	s28 =	rddreg [dreg:$0x5];
	[sflag:s9] =	ssyncadd.s32 $0xFFFFD800  }
0x150: {  	[spmem:s3] =	stream.indirect.scatter.add.f32 [tilespmem:s10], [sflag:$0x16], $0x80, s18, s0, $0xb8;
	[tilespmem:$0x1E800] =	vst v63  }
0x151: {  	s20 =	simm.s32 $0x80;
	s30 =	rddreg [dreg:$0x4];
	s14 =	sadd.s32 s31, s28  }
0x152: {  	[tilespmem:s20], [sflag:$0x2] =	stream.linear.gather [hbm4b:s14+s4], $0x50, $0x38;
	[tilespmem:$0x1E800] =	vst v63  }
0x153: {  	s11 =	sadd.s32 s31, s30;
	s18 =	simm.s32 $0x1  }
0x154: {  	[tilespmem:s5], [sflag:$0xA] =	stream.linear.gather [hbm4b:s11+s4], $0x50, $0x38;
	[tilespmem:$0x1E800] =	vst v63  }
0x155: {  	_ =	swait.ge [sflag:s18], $0x50  }
0x156: {  	[sflag:s18] =	ssyncset.done $0x0  }
0x157: {  	s19 =	simm.s32 $0x9;
	[sflag:s18] =	ssyncadd.s32 $0xFFFFFFB0  }
0x158: {  	_ =	swait.ge [sflag:s19], $0x50  }
0x159: {  	[sflag:s19] =	ssyncset.done $0x0  }
0x15a: {  	[sflag:s19] =	ssyncadd.s32 $0xFFFFFFB0  }
0x15b: {  	_ =	swait.ge [sflag:s24], $0x2800  }
0x15c: {  	[sflag:s24] =	ssyncset.done $0x0  }
0x15d: {  	[sflag:s24] =	ssyncadd.s32 $0xFFFFD800  }
0x15e: {  	[tilespmem:s2], [sflag:$0x11] =	stream.indirect.gather [hbm4b:s1+s0], $0x80, s4, s0, $0xb8;
	[tilespmem:$0x1E800] =	vst v63  }
0x15f: {  	_ =	swait.ge [sflag:s25], $0x2800  }
0x160: {  	[sflag:s25] =	ssyncset.done $0x0  }
0x161: {  	s23 =	rddreg [dreg:$0x7];
	[sflag:s25] =	ssyncadd.s32 $0xFFFFD800  }
0x162: {  	[spmem:s3] =	stream.indirect.scatter.add.f32 [tilespmem:s15], [sflag:$0x17], $0x80, s22, s0, $0xb8;
	[tilespmem:$0x1E800] =	vst v63  }
0x163: {  	s26 =	rddreg [dreg:$0x6];
	s14 =	sadd.s32 s31, s23  }
0x164: {  	[tilespmem:s6], [sflag:$0x3] =	stream.linear.gather [hbm4b:s14+s4], $0x50, $0x38;
	[tilespmem:$0x1E800] =	vst v63  }
0x165: {  	s28 =	sadd.s32 s31, s26  }
0x166: {  	[tilespmem:s29], [sflag:$0xB] =	stream.linear.gather [hbm4b:s28+s4], $0x50, $0x38;
	[tilespmem:$0x1E800] =	vst v63  }
0x167: {  	s29 =	simm.s32 $0x2  }
0x168: {  	_ =	swait.ge [sflag:s29], $0x50  }
0x169: {  	[sflag:s29] =	ssyncset.done $0x0  }
0x16a: {  	s30 =	simm.s32 $0xA;
	[sflag:s29] =	ssyncadd.s32 $0xFFFFFFB0  }
0x16b: {  	_ =	swait.ge [sflag:s30], $0x50  }
0x16c: {  	[sflag:s30] =	ssyncset.done $0x0  }
0x16d: {  	[sflag:s30] =	ssyncadd.s32 $0xFFFFFFB0  }
0x16e: {  	s13 =	smov.u32 s8;
	s8 =	sadd.s32 $0x50, s8;
	_ =	swait.ge [sflag:s12], $0x2800  }
0x16f: {  	p0 =	sne.s32 s8, $0x4B0;
	[sflag:s12] =	ssyncset.done $0x0  }
.Ltmp0:
0x170: {  	[sflag:s12] =	ssyncadd.s32 $0xFFFFD800;
	(pc) =	sbr.rel @p0 .LBB2_2-.Ltmp0, $4  }
0x171: {  	[tilespmem:s10], [sflag:$0x12] =	stream.indirect.gather [hbm4b:s1+s0], $0x80, s20, s0, $0xb8;
	[tilespmem:$0x1E800] =	vst v63  }
0x172: {  	_ =	swait.ge [sflag:s17], $0x2800  }
0x173: {  	s31 =	smov.u32 s13;
	s13 =	rddreg [dreg:$0x11];
	[sflag:s17] =	ssyncset.done $0x0  }
0x174: {  	s7 =	sadd.s32 $0x280, s7;
	s14 =	rddreg [dreg:$0x10];
	[sflag:s17] =	ssyncadd.s32 $0xFFFFD800  }
0x175: {  	s5 =	simm.s32 $0x780  }
0x176: {  	[spmem:s3] =	stream.indirect.scatter.add.f32 [tilespmem:s21], [sflag:$0x18], $0x80, s5, s0, $0xb8;
	[tilespmem:$0x1E800] =	vst v63  }
0x177: {  	s8 =	sadd.s32 s31, s13;
	s30 =	simm.s32 $0x180  }
0x178: {  	[tilespmem:s30], [sflag:$0x4] =	stream.linear.gather [hbm4b:s8+s4], $0x50, $0x38;
	[tilespmem:$0x1E800] =	vst v63  }
0x179: {  	s6 =	simm.s32 $0x580;
	s18 =	simm.s32 $0x3;
	s5 =	sadd.s32 s31, s14  }
0x17a: {  	[tilespmem:s6], [sflag:$0xC] =	stream.linear.gather [hbm4b:s5+s4], $0x50, $0x38;
	[tilespmem:$0x1E800] =	vst v63  }
0x17b: {  	_ =	swait.ge [sflag:s18], $0x50  }
0x17c: {  	[sflag:s18] =	ssyncset.done $0x0  }
0x17d: {  	s19 =	simm.s32 $0xB;
	[sflag:s18] =	ssyncadd.s32 $0xFFFFFFB0  }
0x17e: {  	_ =	swait.ge [sflag:s19], $0x50  }
0x17f: {  	p0 =	seq.s32 s31, $0x0;
	[sflag:s19] =	ssyncset.done $0x0  }
0x180: {  	s8 =	simm.s32 @!p0 $0x17;
	[sflag:s19] =	ssyncadd.s32 $0xFFFFFFB0  }
0x181: {  	_ =	swait.ge @!p0 [sflag:s8], $0x2800  }
0x182: {  	[sflag:s8] =	ssyncset.done @!p0 $0x0  }
0x183: {  	s6 =	simm.s32 $0x100;
	[sflag:s8] =	ssyncadd.s32 @!p0 $0xFFFFD800  }
0x184: {  	[tilespmem:s15], [sflag:$0x13] =	stream.indirect.gather [hbm4b:s1+s0], $0x80, s6, s0, $0xb8;
	[tilespmem:$0x1E800] =	vst v63  }
0x185: {  	_ =	swait.ge [sflag:s16], $0x2800  }
0x186: {  	[sflag:s16] =	ssyncset.done $0x0  }
0x187: {  	s20 =	simm.s32 $0x400;
	s13 =	rddreg [dreg:$0xf];
	[sflag:s16] =	ssyncadd.s32 $0xFFFFD800  }
0x188: {  	[spmem:s3] =	stream.indirect.scatter.add.f32 [tilespmem:s2], [sflag:$0x15], $0x80, s20, s0, $0xb8;
	[tilespmem:$0x1E800] =	vst v63  }
0x189: {  	s29 =	simm.s32 $0x200;
	s14 =	rddreg [dreg:$0xe];
	s8 =	sadd.s32 s31, s13  }
0x18a: {  	[tilespmem:s29], [sflag:$0x5] =	stream.linear.gather [hbm4b:s8+s4], $0x50, $0x38;
	[tilespmem:$0x1E800] =	vst v63  }
0x18b: {  	s23 =	simm.s32 $0x600;
	s22 =	sadd.s32 s31, s14  }
0x18c: {  	[tilespmem:s23], [sflag:$0xD] =	stream.linear.gather [hbm4b:s22+s4], $0x50, $0x38;
	[tilespmem:$0x1E800] =	vst v63  }
0x18d: {  	s23 =	simm.s32 $0x4  }
0x18e: {  	_ =	swait.ge [sflag:s23], $0x50  }
0x18f: {  	[sflag:s23] =	ssyncset.done $0x0  }
0x190: {  	s14 =	simm.s32 $0xC;
	[sflag:s23] =	ssyncadd.s32 $0xFFFFFFB0  }
0x191: {  	_ =	swait.ge [sflag:s14], $0x50  }
0x192: {  	[sflag:s14] =	ssyncset.done $0x0  }
0x193: {  	s8 =	simm.s32 @!p0 $0x18;
	[sflag:s14] =	ssyncadd.s32 $0xFFFFFFB0  }
0x194: {  	_ =	swait.ge @!p0 [sflag:s8], $0x2800  }
0x195: {  	[sflag:s8] =	ssyncset.done @!p0 $0x0  }
0x196: {  	s11 =	simm.s32 $0x180;
	[sflag:s8] =	ssyncadd.s32 @!p0 $0xFFFFD800  }
0x197: {  	[tilespmem:s21], [sflag:$0x14] =	stream.indirect.gather [hbm4b:s1+s0], $0x80, s11, s0, $0xb8;
	[tilespmem:$0x1E800] =	vst v63  }
0x198: {  	_ =	swait.ge [sflag:s9], $0x2800  }
0x199: {  	[sflag:s9] =	ssyncset.done $0x0  }
0x19a: {  	s30 =	simm.s32 $0x480;
	s26 =	rddreg [dreg:$0xd];
	[sflag:s9] =	ssyncadd.s32 $0xFFFFD800  }
0x19b: {  	[spmem:s3] =	stream.indirect.scatter.add.f32 [tilespmem:s10], [sflag:$0x16], $0x80, s30, s0, $0xb8;
	[tilespmem:$0x1E800] =	vst v63  }
0x19c: {  	s28 =	rddreg [dreg:$0xc];
	s8 =	sadd.s32 s31, s26;
	s26 =	simm.s32 $0x280  }
0x19d: {  	[tilespmem:s26], [sflag:$0x6] =	stream.linear.gather [hbm4b:s8+s4], $0x50, $0x38;
	[tilespmem:$0x1E800] =	vst v63  }
0x19e: {  	s20 =	simm.s32 $0x680;
	s11 =	sadd.s32 s31, s28  }
0x19f: {  	[tilespmem:s20], [sflag:$0xE] =	stream.linear.gather [hbm4b:s11+s4], $0x50, $0x38;
	[tilespmem:$0x1E800] =	vst v63  }
0x1a0: {  	s11 =	simm.s32 $0x5  }
0x1a1: {  	_ =	swait.ge [sflag:s11], $0x50  }
0x1a2: {  	[sflag:s11] =	ssyncset.done $0x0  }
0x1a3: {  	s6 =	simm.s32 $0xD;
	[sflag:s11] =	ssyncadd.s32 $0xFFFFFFB0  }
0x1a4: {  	_ =	swait.ge [sflag:s6], $0x50  }
0x1a5: {  	[sflag:s6] =	ssyncset.done $0x0  }
0x1a6: {  	[sflag:s6] =	ssyncadd.s32 $0xFFFFFFB0  }
0x1a7: {  	_ =	swait.ge [sflag:s24], $0x2800  }
0x1a8: {  	[sflag:s24] =	ssyncset.done $0x0  }
0x1a9: {  	[sflag:s24] =	ssyncadd.s32 $0xFFFFD800  }
0x1aa: {  	[tilespmem:s2], [sflag:$0x11] =	stream.indirect.gather [hbm4b:s1+s0], $0x80, s29, s0, $0xb8;
	[tilespmem:$0x1E800] =	vst v63  }
0x1ab: {  	_ =	swait.ge [sflag:s25], $0x2800  }
0x1ac: {  	[sflag:s25] =	ssyncset.done $0x0  }
0x1ad: {  	s30 =	simm.s32 $0x500;
	s13 =	rddreg [dreg:$0xb];
	[sflag:s25] =	ssyncadd.s32 $0xFFFFD800  }
0x1ae: {  	[spmem:s3] =	stream.indirect.scatter.add.f32 [tilespmem:s15], [sflag:$0x17], $0x80, s30, s0, $0xb8;
	[tilespmem:$0x1E800] =	vst v63  }
0x1af: {  	s28 =	simm.s32 $0x300;
	s22 =	rddreg [dreg:$0xa];
	s8 =	sadd.s32 s31, s13  }
0x1b0: {  	[tilespmem:s28], [sflag:$0x7] =	stream.linear.gather [hbm4b:s8+s4], $0x50, $0x38;
	[tilespmem:$0x1E800] =	vst v63  }
0x1b1: {  	s13 =	sadd.s32 s31, s22;
	s22 =	simm.s32 $0x700  }
0x1b2: {  	[tilespmem:s22], [sflag:$0xF] =	stream.linear.gather [hbm4b:s13+s4], $0x50, $0x38;
	[tilespmem:$0x1E800] =	vst v63  }
0x1b3: {  	s13 =	simm.s32 $0x6  }
0x1b4: {  	_ =	swait.ge [sflag:s13], $0x50  }
0x1b5: {  	[sflag:s13] =	ssyncset.done $0x0  }
0x1b6: {  	[sflag:s13] =	ssyncadd.s32 $0xFFFFFFB0;
	s13 =	simm.s32 $0xE  }
0x1b7: {  	_ =	swait.ge [sflag:s13], $0x50  }
0x1b8: {  	[sflag:s13] =	ssyncset.done $0x0  }
0x1b9: {  	[sflag:s13] =	ssyncadd.s32 $0xFFFFFFB0  }
0x1ba: {  	_ =	swait.ge [sflag:s12], $0x2800  }
0x1bb: {  	[sflag:s12] =	ssyncset.done $0x0  }
0x1bc: {  	[sflag:s12] =	ssyncadd.s32 $0xFFFFD800  }
0x1bd: {  	[tilespmem:s10], [sflag:$0x12] =	stream.indirect.gather [hbm4b:s1+s0], $0x80, s26, s0, $0xb8;
	[tilespmem:$0x1E800] =	vst v63  }
0x1be: {  	_ =	swait.ge [sflag:s17], $0x2800  }
0x1bf: {  	[sflag:s17] =	ssyncset.done $0x0  }
0x1c0: {  	s5 =	simm.s32 $0x580;
	s26 =	rddreg [dreg:$0x9];
	[sflag:s17] =	ssyncadd.s32 $0xFFFFD800  }
0x1c1: {  	[spmem:s3] =	stream.indirect.scatter.add.f32 [tilespmem:s21], [sflag:$0x18], $0x80, s5, s0, $0xb8;
	[tilespmem:$0x1E800] =	vst v63  }
0x1c2: {  	s13 =	rddreg [dreg:$0x8];
	s8 =	sadd.s32 s31, s26;
	s26 =	simm.s32 $0x380  }
0x1c3: {  	[tilespmem:s26], [sflag:$0x8] =	stream.linear.gather [hbm4b:s8+s4], $0x50, $0x38;
	[tilespmem:$0x1E800] =	vst v63  }
0x1c4: {  	s5 =	sadd.s32 s31, s13;
	s13 =	simm.s32 $0x780  }
0x1c5: {  	[tilespmem:s13], [sflag:$0x10] =	stream.linear.gather [hbm4b:s5+s4], $0x50, $0x38;
	[tilespmem:$0x1E800] =	vst v63  }
0x1c6: {  	s5 =	simm.s32 $0x7  }
0x1c7: {  	_ =	swait.ge [sflag:s5], $0x50  }
0x1c8: {  	[sflag:s5] =	ssyncset.done $0x0  }
0x1c9: {  	s13 =	simm.s32 $0xF;
	[sflag:s5] =	ssyncadd.s32 $0xFFFFFFB0  }
0x1ca: {  	_ =	swait.ge [sflag:s13], $0x50  }
0x1cb: {  	[sflag:s13] =	ssyncset.done $0x0  }
0x1cc: {  	s5 =	simm.s32 $0x17;
	[sflag:s13] =	ssyncadd.s32 $0xFFFFFFB0  }
0x1cd: {  	_ =	swait.ge [sflag:s5], $0x2800  }
0x1ce: {  	[sflag:s5] =	ssyncset.done $0x0  }
0x1cf: {  	[sflag:s5] =	ssyncadd.s32 $0xFFFFD800  }
0x1d0: {  	[tilespmem:s15], [sflag:$0x13] =	stream.indirect.gather [hbm4b:s1+s0], $0x80, s28, s0, $0xb8;
	[tilespmem:$0x1E800] =	vst v63  }
0x1d1: {  	_ =	swait.ge [sflag:s16], $0x2800  }
0x1d2: {  	s7 =	sshrl.u32 s7, $0x3;
	[sflag:s16] =	ssyncset.done $0x0  }
0x1d3: {  	s28 =	simm.s32 $0x600;
	s13 =	rddreg [dreg:$0x12];
	[sflag:s16] =	ssyncadd.s32 $0xFFFFD800  }
0x1d4: {  	[spmem:s3] =	stream.indirect.scatter.add.f32 [tilespmem:s2], [sflag:$0x15], $0x80, s28, s0, $0xb8;
	[tilespmem:$0x1E800] =	vst v63  }
0x1d5: {  	s8 =	sadd.s32 s13, s7;
	s28 =	rddreg [dreg:$0x13]  }
0x1d6: {  	[tilespmem:s4], [sflag:$0x1] =	stream.linear.gather [hbm4b:s8+s4], $0x50, $0x38;
	[tilespmem:$0x1E800] =	vst v63  }
0x1d7: {  	s13 =	simm.s32 $0x400;
	s7 =	sadd.s32 s28, s7;
	s28 =	simm.s32 $0x8  }
0x1d8: {  	[tilespmem:s13], [sflag:$0x9] =	stream.linear.gather [hbm4b:s7+s4], $0x50, $0x38;
	[tilespmem:$0x1E800] =	vst v63  }
0x1d9: {  	_ =	swait.ge [sflag:s28], $0x50  }
0x1da: {  	[sflag:s28] =	ssyncset.done $0x0  }
0x1db: {  	s8 =	simm.s32 $0x10;
	[sflag:s28] =	ssyncadd.s32 $0xFFFFFFB0  }
0x1dc: {  	_ =	swait.ge [sflag:s8], $0x50  }
0x1dd: {  	[sflag:s8] =	ssyncset.done $0x0  }
0x1de: {  	s28 =	simm.s32 $0x18;
	[sflag:s8] =	ssyncadd.s32 $0xFFFFFFB0  }
0x1df: {  	_ =	swait.ge [sflag:s28], $0x2800  }
0x1e0: {  	[sflag:s28] =	ssyncset.done $0x0  }
0x1e1: {  	[sflag:s28] =	ssyncadd.s32 $0xFFFFD800  }
0x1e2: {  	[tilespmem:s21], [sflag:$0x14] =	stream.indirect.gather [hbm4b:s1+s0], $0x80, s26, s0, $0xb8;
	[tilespmem:$0x1E800] =	vst v63  }
0x1e3: {  	_ =	swait.ge [sflag:s9], $0x2800  }
0x1e4: {  	[sflag:s9] =	ssyncset.done $0x0  }
0x1e5: {  	s13 =	rddreg [dreg:$0x5];
	[sflag:s9] =	ssyncadd.s32 $0xFFFFD800  }
0x1e6: {  	[spmem:s3] =	stream.indirect.scatter.add.f32 [tilespmem:s10], [sflag:$0x16], $0x80, s20, s0, $0xb8;
	[tilespmem:$0x1E800] =	vst v63  }
0x1e7: {  	s26 =	rddreg [dreg:$0x4];
	s7 =	sadd.s32 s31, s13;
	s13 =	simm.s32 $0x80  }
0x1e8: {  	[tilespmem:s13], [sflag:$0x2] =	stream.linear.gather [hbm4b:s7+s4], $0x50, $0x38;
	[tilespmem:$0x1E800] =	vst v63  }
0x1e9: {  	s20 =	sadd.s32 s31, s26;
	s26 =	simm.s32 $0x480  }
0x1ea: {  	[tilespmem:s26], [sflag:$0xA] =	stream.linear.gather [hbm4b:s20+s4], $0x50, $0x38;
	[tilespmem:$0x1E800] =	vst v63  }
0x1eb: {  	s20 =	simm.s32 $0x1  }
0x1ec: {  	_ =	swait.ge [sflag:s20], $0x50  }
0x1ed: {  	[sflag:s20] =	ssyncset.done $0x0  }
0x1ee: {  	s26 =	simm.s32 $0x9;
	[sflag:s20] =	ssyncadd.s32 $0xFFFFFFB0  }
0x1ef: {  	_ =	swait.ge [sflag:s26], $0x50  }
0x1f0: {  	[sflag:s26] =	ssyncset.done $0x0  }
0x1f1: {  	[sflag:s26] =	ssyncadd.s32 $0xFFFFFFB0  }
0x1f2: {  	_ =	swait.ge [sflag:s24], $0x2800  }
0x1f3: {  	[sflag:s24] =	ssyncset.done $0x0  }
0x1f4: {  	[sflag:s24] =	ssyncadd.s32 $0xFFFFD800  }
0x1f5: {  	[tilespmem:s2], [sflag:$0x11] =	stream.indirect.gather [hbm4b:s1+s0], $0x80, s4, s0, $0xb8;
	[tilespmem:$0x1E800] =	vst v63  }
0x1f6: {  	_ =	swait.ge [sflag:s25], $0x2800  }
0x1f7: {  	[sflag:s25] =	ssyncset.done $0x0  }
0x1f8: {  	s8 =	rddreg [dreg:$0x7];
	[sflag:s25] =	ssyncadd.s32 $0xFFFFD800  }
0x1f9: {  	[spmem:s3] =	stream.indirect.scatter.add.f32 [tilespmem:s15], [sflag:$0x17], $0x80, s22, s0, $0xb8;
	[tilespmem:$0x1E800] =	vst v63  }
0x1fa: {  	s20 =	rddreg [dreg:$0x6];
	s7 =	sadd.s32 s31, s8;
	s22 =	simm.s32 $0x100  }
0x1fb: {  	[tilespmem:s22], [sflag:$0x3] =	stream.linear.gather [hbm4b:s7+s4], $0x50, $0x38;
	[tilespmem:$0x1E800] =	vst v63  }
0x1fc: {  	s26 =	sadd.s32 s31, s20;
	s31 =	simm.s32 $0x2  }
0x1fd: {  	[tilespmem:s30], [sflag:$0xB] =	stream.linear.gather [hbm4b:s26+s4], $0x50, $0x38;
	[tilespmem:$0x1E800] =	vst v63  }
0x1fe: {  	_ =	swait.ge [sflag:s31], $0x50  }
0x1ff: {  	[sflag:s31] =	ssyncset.done $0x0  }
0x200: {  	s8 =	simm.s32 $0xA;
	[sflag:s31] =	ssyncadd.s32 $0xFFFFFFB0  }
0x201: {  	_ =	swait.ge [sflag:s8], $0x50  }
0x202: {  	[sflag:s8] =	ssyncset.done $0x0  }
0x203: {  	[sflag:s8] =	ssyncadd.s32 $0xFFFFFFB0  }
0x204: {  	_ =	swait.ge [sflag:s12], $0x2800  }
0x205: {  	[sflag:s12] =	ssyncset.done $0x0  }
0x206: {  	[sflag:s12] =	ssyncadd.s32 $0xFFFFD800  }
0x207: {  	[tilespmem:s10], [sflag:$0x12] =	stream.indirect.gather [hbm4b:s1+s0], $0x80, s13, s0, $0xb8;
	[tilespmem:$0x1E800] =	vst v63  }
0x208: {  	_ =	swait.ge [sflag:s17], $0x2800  }
0x209: {  	[sflag:s17] =	ssyncset.done $0x0  }
0x20a: {  	s20 =	simm.s32 $0x780;
	[sflag:s17] =	ssyncadd.s32 $0xFFFFD800  }
0x20b: {  	[spmem:s3] =	stream.indirect.scatter.add.f32 [tilespmem:s21], [sflag:$0x18], $0x80, s20, s0, $0xb8;
	[tilespmem:$0x1E800] =	vst v63  }
0x20c: {  	s8 =	simm.s32 $0x180;
	s31 =	rddreg [dreg:$0x1d]  }
0x20d: {  	[tilespmem:s8], [sflag:$0x4] =	stream.linear.gather [hbm4b:s31+s4], $0x50, $0x38;
	[tilespmem:$0x1E800] =	vst v63  }
0x20e: {  	s13 =	rddreg [dreg:$0x1e];
	s31 =	simm.s32 $0x580  }
0x20f: {  	[tilespmem:s31], [sflag:$0xC] =	stream.linear.gather [hbm4b:s13+s4], $0x50, $0x38;
	[tilespmem:$0x1E800] =	vst v63  }
0x210: {  	_ =	swait.ge [sflag:s18], $0x50  }
0x211: {  	[sflag:s18] =	ssyncset.done $0x0  }
0x212: {  	[sflag:s18] =	ssyncadd.s32 $0xFFFFFFB0  }
0x213: {  	_ =	swait.ge [sflag:s19], $0x50  }
0x214: {  	[sflag:s19] =	ssyncset.done $0x0  }
0x215: {  	[sflag:s19] =	ssyncadd.s32 $0xFFFFFFB0  }
0x216: {  	_ =	swait.ge [sflag:s5], $0x2800  }
0x217: {  	[sflag:s5] =	ssyncset.done $0x0  }
0x218: {  	[sflag:s5] =	ssyncadd.s32 $0xFFFFD800  }
0x219: {  	[tilespmem:s15], [sflag:$0x13] =	stream.indirect.gather [hbm4b:s1+s0], $0x80, s22, s0, $0xb8;
	[tilespmem:$0x1E800] =	vst v63  }
0x21a: {  	_ =	swait.ge [sflag:s16], $0x2800  }
0x21b: {  	[sflag:s16] =	ssyncset.done $0x0  }
0x21c: {  	s13 =	simm.s32 $0x400;
	s18 =	rddreg [dreg:$0x1f];
	[sflag:s16] =	ssyncadd.s32 $0xFFFFD800  }
0x21d: {  	[spmem:s3] =	stream.indirect.scatter.add.f32 [tilespmem:s2], [sflag:$0x15], $0x80, s13, s0, $0xb8;
	[tilespmem:$0x1E800] =	vst v63  }
0x21e: {  	s19 =	sld [smem:$0x7FA]  }
0x21f: {  	[tilespmem:s29], [sflag:$0x5] =	stream.linear.gather [hbm4b:s18+s4], $0x50, $0x38;
	[tilespmem:$0x1E800] =	vst v63  }
0x220: {  	s22 =	simm.s32 $0x600  }
0x221: {  	[tilespmem:s22], [sflag:$0xD] =	stream.linear.gather [hbm4b:s19+s4], $0x50, $0x38;
	[tilespmem:$0x1E800] =	vst v63  }
0x222: {  	_ =	swait.ge [sflag:s23], $0x50  }
0x223: {  	[sflag:s23] =	ssyncset.done $0x0  }
0x224: {  	[sflag:s23] =	ssyncadd.s32 $0xFFFFFFB0  }
0x225: {  	_ =	swait.ge [sflag:s14], $0x50  }
0x226: {  	[sflag:s14] =	ssyncset.done $0x0  }
0x227: {  	[sflag:s14] =	ssyncadd.s32 $0xFFFFFFB0  }
0x228: {  	_ =	swait.ge [sflag:s28], $0x2800  }
0x229: {  	[sflag:s28] =	ssyncset.done $0x0  }
0x22a: {  	[sflag:s28] =	ssyncadd.s32 $0xFFFFD800  }
0x22b: {  	[tilespmem:s21], [sflag:$0x14] =	stream.indirect.gather [hbm4b:s1+s0], $0x80, s8, s0, $0xb8;
	[tilespmem:$0x1E800] =	vst v63  }
0x22c: {  	_ =	swait.ge [sflag:s9], $0x2800  }
0x22d: {  	[sflag:s9] =	ssyncset.done $0x0  }
0x22e: {  	s23 =	simm.s32 $0x480;
	[sflag:s9] =	ssyncadd.s32 $0xFFFFD800  }
0x22f: {  	[spmem:s3] =	stream.indirect.scatter.add.f32 [tilespmem:s10], [sflag:$0x16], $0x80, s23, s0, $0xb8;
	[tilespmem:$0x1E800] =	vst v63  }
0x230: {  	_ =	swait.ge [sflag:s11], $0x50  }
0x231: {  	[sflag:s11] =	ssyncset.done $0x0  }
0x232: {  	[sflag:s11] =	ssyncadd.s32 $0xFFFFFFB0  }
0x233: {  	_ =	swait.ge [sflag:s6], $0x50  }
0x234: {  	[sflag:s6] =	ssyncset.done $0x0  }
0x235: {  	[sflag:s6] =	ssyncadd.s32 $0xFFFFFFB0  }
0x236: {  	_ =	swait.ge [sflag:s24], $0x2800  }
0x237: {  	[sflag:s24] =	ssyncset.done $0x0  }
0x238: {  	[sflag:s24] =	ssyncadd.s32 $0xFFFFD800  }
0x239: {  	[tilespmem:s2], [sflag:$0x11] =	stream.indirect.gather [hbm4b:s1+s0], $0x80, s29, s0, $0xb8;
	[tilespmem:$0x1E800] =	vst v63  }
0x23a: {  	_ =	swait.ge [sflag:s25], $0x2800  }
0x23b: {  	[sflag:s25] =	ssyncset.done $0x0  }
0x23c: {  	[sflag:s25] =	ssyncadd.s32 $0xFFFFD800  }
0x23d: {  	[spmem:s3] =	stream.indirect.scatter.add.f32 [tilespmem:s15], [sflag:$0x17], $0x80, s30, s0, $0xb8;
	[tilespmem:$0x1E800] =	vst v63  }
0x23e: {  	_ =	swait.ge [sflag:s17], $0x2800  }
0x23f: {  	[sflag:s17] =	ssyncset.done $0x0  }
0x240: {  	[sflag:s17] =	ssyncadd.s32 $0xFFFFD800  }
0x241: {  	[spmem:s3] =	stream.indirect.scatter.add.f32 [tilespmem:s21], [sflag:$0x18], $0x80, s31, s0, $0xb8;
	[tilespmem:$0x1E800] =	vst v63  }
0x242: {  	_ =	swait.ge [sflag:s16], $0x2800  }
0x243: {  	[sflag:s16] =	ssyncset.done $0x0  }
0x244: {  	[sflag:s16] =	ssyncadd.s32 $0xFFFFD800  }
0x245: {  	[spmem:s3] =	stream.indirect.scatter.add.f32 [tilespmem:s2], [sflag:$0x15], $0x80, s22, s0, $0xb8;
	[tilespmem:$0x1E800] =	vst v63  }
0x246: {  	_ =	swait.ge [sflag:s24], $0x2800  }
0x247: {  	[sflag:s24] =	ssyncset.done $0x0  }
0x248: {  	[sflag:s24] =	ssyncadd.s32 $0xFFFFD800  }
0x249: {  	_ =	swait.ge [sflag:s12], $0x2800  }
0x24a: {  	[sflag:s12] =	ssyncset.done $0x0  }
0x24b: {  	[sflag:s12] =	ssyncadd.s32 $0xFFFFD800  }
0x24c: {  	_ =	swait.ge [sflag:s5], $0x2800  }
0x24d: {  	[sflag:s5] =	ssyncset.done $0x0  }
0x24e: {  	[sflag:s5] =	ssyncadd.s32 $0xFFFFD800  }
0x24f: {  	_ =	swait.ge [sflag:s28], $0x2800  }
0x250: {  	[sflag:s28] =	ssyncset.done $0x0  }
0x251: {  	[sflag:s28] =	ssyncadd.s32 $0xFFFFD800  }
0x252: {  	[bflag:$0x0] =	sbarrier.arrive $0xFFFF  }
0x253: {  	s28 =	sld [smem:$0x7FB]  }
0x254: {  	s29 =	sld [smem:$0x7F9];
	_ =	sdelay $0x1  }
0x255: {  	s8 =	simm.s32 $0x19;
	s13 =	rddreg [dreg:$0x16]  }
0x256: {  	[hbm:s28], [sflag:s13] =	dma.local [spmem:s29], $0x2800  }
0x257: {  	_ =	swait.ge [sflag:s8], $0x2800  }
0x258: {  	s30 =	sld [smem:$0x7F8]  }
0x259: {  	s31 =	sld [smem:$0x7FC];
	_ =	sdelay $0x1  }
0x25a: {  	s5 =	sadd.s32 $0x1, s30  }
0x25b: {  	p0 =	sne.s32 s5, s31  }
.Ltmp1:
0x25c: {  	_ = 	snop;
	(pc) =	sbr.rel @p0 .LBB2_1-.Ltmp1, $3  }
0x25d: {  	_ =	sdelay $0x1  }
0x25e: {  	[sflag:s8] =	ssyncset.done $0x0  }
0x25f: {  	s26 =	simm.s32 $0x780;
	[sflag:s8] =	ssyncadd.s32 $0xFFFFD800  }
0x260: {  	_ =	sfence.sel $0x180000  }
0x261: {  	[bflag:$0x0] =	sbarrier.arrive $0xFFFF  }
0x262: {  	_ =	strace $0x90000047  }
0x263: {  	s0 =	stileid.u32;
	[bflag:$0x2] =	sbarrier.arrive $0xFFFF  }
0x264: {  	p0 =	sne.s32 s0, $0x0;
	s0 =	rddreg [dreg:$0x3]  }
0x265: {  	s0 =	sadd.s32 @!p0 $0x100000, s0  }
0x266: {  	[sflag:s0] =	ssyncadd.tile.s32 @!p0 $0x1;
	_ =	shalt  }
.Lfunc_end2:
_tile_overlayer_lowered:
.L_overlay_start_2:
0x267: {  	(tag) =	ssettag $0x2  }
0x268: {  	s0 =	rddreg [dreg:$0x0];
	s2 =	stileid.u32  }
0x269: {  	s1 =	rddreg [dreg:$0x1];
	p0 =	sne.s32 s2, $0x0  }
0x26a: {  	s3 =	rddreg [dreg:$0x2];
	[bflag:$0x3] =	sbarrier.arrive $0xFFFF;
	s2 =	simm.s32 @!p0 $0x1C19  }
0x26b: {  	[timem:s3], [sflag:s2] =	dma.local @!p0 [hbm:s0], s1  }
0x26c: {  	s0 =	simm.s32 @!p0 $0x19  }
0x26d: {  	_ =	swait.ge @!p0 [sflag:s0], s1  }
0x26e: {  	s1 =	ssub.s32 @!p0 $0x0, s1;
	[sflag:s0] =	ssyncset.done @!p0 $0x0  }
0x26f: {  	[sflag:s0] =	ssyncadd.s32 @!p0 s1  }
0x270: {  	[bflag:$0x3] =	sbarrier.arrive $0xFFFF  }
0x271: {  	_ =	shalt  }

// kernel: kernel.15.cloned.1.call-start
scs
__scs_entry_jumppad:
0x0: {  	(pc) =	sbr.rel $0x88, $3  }
0x1: {  	(tag) =	ssettag $0x0;
	lr =	simm.s32 $0x1  }
0x2: {  	[smem:$0x3F92] =	sst lr;
	_ =	strace $0xD0000000  }
0x3: {  	_ = 	snop  }
0x4: {  	_ = 	snop  }
0x5: {  	_ = 	snop  }
0x6: {  	_ = 	snop  }
0x7: {  	_ = 	snop  }
__scs_overlays_trampoline_lowered:
0x8: {  	[smem:$0x3FA1] =	sst s0  }
0x9: {  	[smem:$0x3FA2] =	sst s1  }
0xa: {  	[smem:$0x3FA3] =	sst s2  }
0xb: {  	[smem:$0x3FA4] =	sst s3  }
0xc: {  	[smem:$0x3FA5] =	sst s4  }
0xd: {  	[smem:$0x3FA6] =	sst s5  }
0xe: {  	[smem:$0x3FA7] =	sst s6  }
0xf: {  	[smem:$0x3FA8] =	sst s7  }
0x10: {  	[smem:$0x3FA9] =	sst s8  }
0x11: {  	[smem:$0x3FAA] =	sst s9;
	s0 =	simm.s32 @!p0 $0x0  }
0x12: {  	s1 =	sld [smem:$0x3F90];
	s0 =	simm.s32 @p0 $0x1  }
0x13: {  	[smem:$0x3FAB] =	sst s0;
	s0 =	simm.s32 @!p1 $0x0  }
0x14: {  	s2 =	sld [smem:$0x3F8F];
	s0 =	simm.s32 @p1 $0x1  }
0x15: {  	[smem:$0x3FAC] =	sst s0;
	s0 =	simm.s32 @!p2 $0x0  }
0x16: {  	s3 =	sld [smem:$0x3FDB];
	s0 =	simm.s32 @p2 $0x1  }
0x17: {  	s4 =	simm.s32 $0x1BF5;
	[smem:$0x3FAE] =	sst s0  }
0x18: {  	s0 =	sld [smem:$0x3F91];
	_ =	swait.ge [sflag:s4], $0x0  }
0x19: {  	s7 =	sld [smem:$0x3F92]  }
0x1a: {  	s8 =	sadd.s32 $0xFFFFE003, lr  }
0x1b: {  	s9 =	sadd.s32 $0xFFFFFEF7, lr;
	s5 =	simm.s32 $0xFFFFFFFF;
	p2 =	slt.u32 s8, $0xFFFFF086  }
0x1c: {  	p1 =	slt.u32 s9, $0xF7A;
	s5 =	simm.s32 @!p2 $0x0  }
0x1d: {  	s5 =	simm.s32 @p1 $0x1;
	p0 =	seq.s32 s7, s2  }
0x1e: {  	s7 =	smul.u32 @!p0 $0xF7A, s2;
	p2 =	seq.s32 @!p0 s5, $0x0  }
0x1f: {  	s9 =	smul.u32 $0xF7A, s1;
	s8 =	simm.s32 @!p0 $0x1BF5;
	p2 =	por !p2, p0  }
0x20: {  	[sflag:s8] =	ssyncset.s32 @!p0 $0xFFFFF086;
	s6 =	sadd.s32 @!p0 s3, s7;
	s7 =	simm.s32 @!p0 $0x108  }
0x21: {  	s3 =	sadd.s32 s3, s9;
	s6 =	sadd.s32 @!p0 $0x88, s6;
	s7 =	simm.s32 @p2 $0x1082  }
0x22: {  	[simem:s7], [sflag:s8] =	dma.local @!p0 [hbm:s6], $0xF7A  }
0x23: {  	s9 =	sor.u32 $0xD0000000, s2;
	s6 =	simm.s32 $0x108;
	_ =	swait.ge @!p0 [sflag:s8], $0x0  }
0x24: {  	s3 =	sadd.s32 $0x88, s3;
	s6 =	simm.s32 @!p1 $0x1082;
	[sflag:s4] =	ssyncset.s32 $0xFFFFF086  }
0x25: {  	[simem:s6], [sflag:s4] =	dma.local [hbm:s3], $0xF7A  }
0x26: {  	[smem:$0x3F92] =	sst s1;
	(tag) =	ssettag s2;
	_ =	strace s9  }
0x27: {  	s1 =	sld [smem:$0x3FA2]  }
0x28: {  	s2 =	sld [smem:$0x3FA3]  }
0x29: {  	s4 =	sld [smem:$0x3FA5]  }
0x2a: {  	p0 =	seq.s32 s5, $0x0;
	s5 =	sld [smem:$0x3FA6]  }
0x2b: {  	s6 =	sld [smem:$0x3FA7]  }
0x2c: {  	s7 =	sld [smem:$0x3FA8]  }
0x2d: {  	s3 =	simm.s32 $0x108;
	s8 =	sld [smem:$0x3FA9]  }
0x2e: {  	s3 =	simm.s32 @!p0 $0x1082;
	s9 =	sld [smem:$0x3FAA]  }
0x2f: {  	lr =	sadd.s32 s0, s3;
	s0 =	sld [smem:$0x3FA1]  }
0x30: {  	s3 =	sld [smem:$0x3FA4]  }
0x31: {  	[smem:$0x3FAD] =	sst s10  }
0x32: {  	s10 =	sld [smem:$0x3FAB];
	_ =	sdelay $0x3  }
0x33: {  	p0 =	seq.s32 s10, $0x1;
	s10 =	sld [smem:$0x3FAD];
	_ =	sdelay $0x3  }
0x34: {  	[smem:$0x3FAD] =	sst s10  }
0x35: {  	s10 =	sld [smem:$0x3FAC];
	_ =	sdelay $0x3  }
0x36: {  	p1 =	seq.s32 s10, $0x1;
	s10 =	sld [smem:$0x3FAD];
	_ =	sdelay $0x3  }
0x37: {  	[smem:$0x3FAD] =	sst s10  }
0x38: {  	s10 =	sld [smem:$0x3FAE]  }
0x39: {  	_ = 	snop;
	(pc) =	sbr.ind lr, $3  }
0x3a: {  	_ = 	snop  }
0x3b: {  	_ = 	snop  }
0x3c: {  	p2 =	seq.s32 s10, $0x1;
	s10 =	sld [smem:$0x3FAD]  }
0x3d: {  	_ =	shalt  }
0x3e: {  	_ =	shalt  }
0x3f: {  	_ =	shalt  }
0x40: {  	_ =	shalt  }
0x41: {  	_ =	shalt  }
0x42: {  	_ =	shalt  }
0x43: {  	_ =	shalt  }
0x44: {  	_ =	shalt  }
0x45: {  	_ =	shalt  }
0x46: {  	_ =	shalt  }
0x47: {  	_ =	shalt  }
0x48: {  	_ =	shalt  }
0x49: {  	_ =	shalt  }
0x4a: {  	_ =	shalt  }
0x4b: {  	_ =	shalt  }
0x4c: {  	_ =	shalt  }
0x4d: {  	_ =	shalt  }
0x4e: {  	_ =	shalt  }
0x4f: {  	_ =	shalt  }
0x50: {  	_ =	shalt  }
0x51: {  	_ =	shalt  }
0x52: {  	_ =	shalt  }
0x53: {  	_ =	shalt  }
0x54: {  	_ =	shalt  }
0x55: {  	_ =	shalt  }
0x56: {  	_ =	shalt  }
0x57: {  	_ =	shalt  }
0x58: {  	_ =	shalt  }
0x59: {  	_ =	shalt  }
0x5a: {  	_ =	shalt  }
0x5b: {  	_ =	shalt  }
0x5c: {  	_ =	shalt  }
0x5d: {  	_ =	shalt  }
0x5e: {  	_ =	shalt  }
0x5f: {  	_ =	shalt  }
0x60: {  	_ =	shalt  }
0x61: {  	_ =	shalt  }
0x62: {  	_ =	shalt  }
0x63: {  	_ =	shalt  }
0x64: {  	_ =	shalt  }
0x65: {  	_ =	shalt  }
0x66: {  	_ =	shalt  }
0x67: {  	_ =	shalt  }
0x68: {  	_ =	shalt  }
0x69: {  	_ =	shalt  }
0x6a: {  	_ =	shalt  }
0x6b: {  	_ =	shalt  }
0x6c: {  	_ =	shalt  }
0x6d: {  	_ =	shalt  }
0x6e: {  	_ =	shalt  }
0x6f: {  	_ =	shalt  }
0x70: {  	_ =	shalt  }
0x71: {  	_ =	shalt  }
0x72: {  	_ =	shalt  }
0x73: {  	_ =	shalt  }
0x74: {  	_ =	shalt  }
0x75: {  	_ =	shalt  }
0x76: {  	_ =	shalt  }
0x77: {  	_ =	shalt  }
0x78: {  	_ =	shalt  }
0x79: {  	_ =	shalt  }
0x7a: {  	_ =	shalt  }
0x7b: {  	_ =	shalt  }
0x7c: {  	_ =	shalt  }
0x7d: {  	_ =	shalt  }
0x7e: {  	_ =	shalt  }
0x7f: {  	_ =	shalt  }
0x80: {  	_ =	shalt  }
0x81: {  	_ =	shalt  }
0x82: {  	_ =	shalt  }
0x83: {  	_ =	shalt  }
0x84: {  	_ =	shalt  }
0x85: {  	_ =	shalt  }
0x86: {  	_ =	shalt  }
0x87: {  	_ =	shalt  }
.Lfunc_end0:
.L_simem_size_0:
called_computation.2_lowered:
.L_overlay_start_0:
0x88: {  	s2 =	sld [smem:$0x3FD9]  }
0x89: {  	s3 =	sld [smem:$0x3FFE];
	_ =	sdelay $0x1  }
0x8a: {  	s1 =	srdreg.scid  }
0x8b: {  	s0 =	sand.u32 $0x1, s1  }
0x8c: {  	s17 =	sshll.u32 s0, $0xA;
	s2 =	sadd.s32 s3, s2  }
0x8d: {  	s2 =	sadd.s32 s2, s17  }
0x8e: {  	[smem:$0x3FB9] =	sst s2  }
0x8f: {  	_ = 	snop  }
0x90: {  	s2 =	sld [smem:$0x3FD0];
	(tm) =	ssettm $0x1  }
0x91: {  	s18 =	sld [smem:$0x3FFB];
	_ =	sdelay $0x3  }
0x92: {  	_ =	strace s18  }
0x93: {  	s3 =	sld [smem:$0x3FFC];
	_ =	sdelay $0x3  }
0x94: {  	_ =	strace s3  }
0x95: {  	s3 =	sld [smem:$0x3FFD];
	_ =	sdelay $0x3  }
0x96: {  	_ =	strace s3  }
0x97: {  	_ =	strace $0x8FFFFFFF  }
0x98: {  	s19 =	sld [smem:$0x3FDB];
	_ =	sdelay $0x1  }
0x99: {  	s4 =	simm.s32 $_scs_section_size  }
0x9a: {  	s5 =	simm.s32 $_size__tile_overlayer_lowered;
	s6 =	simm.s32 $_tile_overlayer_lowered  }
0x9b: {  	s22 =	simm.s32 $0x1BFF;
	s21 =	sshll.u32 s6, $0x1;
	s3 =	sadd.s32 s4, s19  }
0x9c: {  	s7 =	simm.s32 $0x0;
	s20 =	sshll.u32 s5, $0x1;
	s5 =	sadd.s32 s21, s3  }
0x9d: {  	[timem:s7], [sflag:s22] =	dma.local [hbm:s5], s20  }
0x9e: {  	_ =	swait.ge [sflag:s22], s20  }
0x9f: {  	s4 =	ssub.s32 $0x0, s20;
	[sflag:s22] =	ssyncset.done $0x0  }
0xa0: {  	[sflag:s22] =	ssyncadd.s32 s4;
	_ =	sdelay $0x1  }
0xa1: {  	s23 =	simm.s32 $0x1B8B  }
0xa2: {  	_ =	swait.ge [sflag:s23], $0x1  }
0xa3: {  	[sflag:s23] =	ssyncset.done $0x0  }
0xa4: {  	s25 =	simm.s32 $0x1B8E;
	s24 =	sld [smem:$0x3FFE];
	[sflag:s23] =	ssyncadd.s32 $0xFFFFFFFF  }
0xa5: {  	s26 =	simm.s32 $execute0_lowered;
	[smem:$0x3FD2] =	sst s25  }
0xa6: {  	s5 =	sshll.u32 s26, $0x1;
	_ =	strace $0x8000004C;
	[dreg:$0x1] =	wrdreg $0xFFFFFFFF  }
0xa7: {  	s28 =	simm.s32 $_size_execute0_lowered;
	s3 =	sadd.s32 s3, s5;
	[dreg:$0x0] =	wrdreg $0x0  }
0xa8: {  	s5 =	sshll.u32 s28, $0x1;
	[dreg:$0x2] =	wrdreg s3  }
0xa9: {  	[dreg:$0x3] =	wrdreg s5  }
0xaa: {  	[dreg:$0x4] =	wrdreg $0xC0  }
0xab: {  	_ =	task [dreg:s7], $0x5FFFF  }
0xac: {  	[dreg:$0x1] =	wrdreg $0xFFFFFFFF  }
0xad: {  	[dreg:$0x0] =	wrdreg $0x60  }
0xae: {  	[dreg:$0x2] =	wrdreg s2  }
0xaf: {  	[dreg:$0x3] =	wrdreg s24  }
0xb0: {  	[dreg:$0x4] =	wrdreg $0xA8000  }
0xb1: {  	[dreg:$0x5] =	wrdreg $0x9  }
0xb2: {  	_ =	task.clear_ibuf [dreg:s7], $0x6FFFF;
	_ =	strace $0x9000004C  }
0xb3: {  	s29 =	simm.s32 $0x9;
	_ =	strace $0x8000004E  }
0xb4: {  	_ =	swait.ge [sflag:s29], $0x1  }
0xb5: {  	[sflag:s29] =	ssyncadd.s32 $0xFFFFFFFF  }
0xb6: {  	_ =	strace $0x9000004E  }
0xb7: {  	_ =	sfence  }
0xb8: {  	s30 =	sld [smem:$0x0];
	_ =	sdelay $0x2  }
0xb9: {  	s31 =	sshll.u32 s1, $0xD;
	s1 =	sshrl.u32 s1, $0x2  }
0xba: {  	s3 =	sand.u32 $0x4000, s31;
	s1 =	sadd.s32 s1, s30  }
0xbb: {  	s0 =	sor.u32 s3, s0;
	s1 =	sshll.u32 s1, $0x11  }
0xbc: {  	s0 =	sor.u32 s1, s0  }
0xbd: {  	s0 =	sadd.s32 $0x8F2B, s0  }
0xbe: {  	[sflag:s0] =	ssyncadd.remote.s32 $0x1  }
0xbf: {  	_ =	sfence.sel $0xFFFF  }
0xc0: {  	[dreg:$0x0] =	wrdreg $0xFFFFFFFF;
	(pc) =	sbr.abs _section_cstart, $3  }
0xc1: {  	[dreg:$0x1] =	wrdreg $0xFFFFFFFF  }
0xc2: {  	_ =	task.clear_ibuf [dreg:s7], $0x2FFFF;
	_ =	strace $0x9FFFFFFF  }
0xc3: {  	(tm) =	ssettm $0x7FFFFFFF  }
tec
execute0_lowered:
.L_overlay_start_1:
0x0: {  	(tag) =	ssettag $0x1  }
0x1: {  	s1 =	rddreg [dreg:$0x0]  }
0x2: {  	s0 =	rddreg [dreg:$0x1]  }
0x3: {  	s3 =	rddreg [dreg:$0x2]  }
0x4: {  	s2 =	srdreg.scid;
	s9 =	stileid.u32;
	s4 =	simm.s32 $0x0  }
0x5: {  	s5 =	sand.u32 $0x1, s2;
	s28 =	smul.u32 $0x2800, s9;
	[smem:$0x7FF] =	sst s4  }
0x6: {  	s10 =	sadd.s32 $0xD400, s0;
	s11 =	sadd.s32 $0x3600, s0;
	s8 =	smul.u32 $0x50000, s9  }
0x7: {  	s7 =	sadd.s32 $0x17200, s0;
	s13 =	sshll.u32 s9, $0x6;
	s6 =	smul.u32 $0x28000, s5  }
0x8: {  	_ =	strace $0x8000004D;
	[dreg:$0x14] =	wrdreg s7;
	s29 =	sshll.u32 s5, $0x4  }
0x9: {  	s30 =	ssub.s32 $0x2, s5;
	s13 =	sor.u32 $0x1C19, s13;
	[dreg:$0x13] =	wrdreg s11  }
0xa: {  	s5 =	smul.u32 $0x27100, s5;
	[dreg:$0x12] =	wrdreg s10;
	s31 =	sshrl.u32 s30, $0x1  }
0xb: {  	s12 =	sshrl.u32 s8, $0x2;
	[dreg:$0x16] =	wrdreg s13;
	s2 =	sadd.s32 s28, s6  }
0xc: {  	s6 =	sor.u32 s9, s29;
	s7 =	sadd.s32 s12, s3;
	s9 =	smul.u32 $0x2710, s9  }
0xd: {  	s0 =	sadd.s32 s2, s0;
	s6 =	smul.u32 $0x2710, s6;
	s2 =	ssub.s32 s30, s31  }
0xe: {  	[dreg:$0x15] =	wrdreg s7;
	s5 =	sadd.s32 s9, s5;
	s0 =	sadd.s32 $0x19A00, s0  }
0xf: {  	s2 =	smax.u32 s2, $0x1;
	s6 =	sshrl.u32 s6, $0x3;
	[smem:$0x7FB] =	sst s0  }
0x10: {  	s31 =	sadd.s32 $0x230, s5;
	[smem:$0x7FC] =	sst s2;
	s14 =	sadd.s32 s10, s6  }
0x11: {  	s15 =	sadd.s32 s11, s6;
	s16 =	sadd.s32 $0xA, s6;
	[dreg:$0x17] =	wrdreg s14  }
0x12: {  	s8 =	sshrl.u32 s31, $0x3;
	s31 =	sadd.s32 $0x280, s5;
	[dreg:$0x18] =	wrdreg s15  }
0x13: {  	s12 =	sadd.s32 s10, s16;
	[smem:$0x7FD] =	sst s31  }
0x14: {  	s17 =	sadd.s32 $0x14, s6;
	s7 =	sadd.s32 s11, s16;
	[dreg:$0x19] =	wrdreg s12  }
0x15: {  	s22 =	sadd.s32 $0x2D0, s5;
	s18 =	sadd.s32 s10, s17;
	[dreg:$0x1a] =	wrdreg s7  }
0x16: {  	s20 =	sadd.s32 $0x4CE, s6;
	s19 =	sadd.s32 s11, s17;
	[dreg:$0x1b] =	wrdreg s18  }
0x17: {  	s6 =	sadd.s32 $0x4D8, s6;
	s21 =	sadd.s32 s10, s20;
	[dreg:$0x1c] =	wrdreg s19  }
0x18: {  	s26 =	sadd.s32 $0x320, s5;
	s23 =	sadd.s32 s10, s6;
	[dreg:$0x1d] =	wrdreg s21  }
0x19: {  	s24 =	sshrl.u32 s22, $0x3;
	s6 =	sadd.s32 s11, s6;
	[dreg:$0x1f] =	wrdreg s23  }
0x1a: {  	s0 =	simm.s32 $0x50;
	s25 =	sadd.s32 s24, s11;
	[smem:$0x7FA] =	sst s6  }
0x1b: {  	s29 =	sshrl.u32 s26, $0x3;
	s28 =	sadd.s32 s24, s10;
	[dreg:$0x4] =	wrdreg s25  }
0x1c: {  	s2 =	simm.s32 $0x800;
	s30 =	sadd.s32 s29, s11;
	[dreg:$0x5] =	wrdreg s28  }
0x1d: {  	s9 =	sadd.s32 s8, s11;
	s14 =	sadd.s32 s8, s10;
	[dreg:$0x6] =	wrdreg s30  }
0x1e: {  	s17 =	sadd.s32 $0x190, s5;
	s8 =	simm.s32 $0x19;
	[dreg:$0x8] =	wrdreg s9  }
0x1f: {  	s7 =	sadd.s32 s11, s20;
	s12 =	sadd.s32 $0x1E0, s5;
	[dreg:$0x9] =	wrdreg s14  }
0x20: {  	s19 =	sshrl.u32 s17, $0x3;
	s21 =	sadd.s32 $0x140, s5;
	s25 =	sadd.s32 $0xF0, s5  }
0x21: {  	s9 =	simm.s32 $0x12;
	[dreg:$0x1e] =	wrdreg s7;
	s7 =	sadd.s32 s29, s10  }
0x22: {  	s17 =	simm.s32 $0x14;
	s20 =	sadd.s32 s19, s11;
	[dreg:$0x7] =	wrdreg s7  }
0x23: {  	s15 =	sshrl.u32 s12, $0x3;
	s22 =	sadd.s32 s19, s10;
	[dreg:$0xc] =	wrdreg s20  }
0x24: {  	s5 =	simm.s32 $0x0;
	s16 =	sadd.s32 s15, s11;
	[dreg:$0xd] =	wrdreg s22  }
0x25: {  	s23 =	sshrl.u32 s21, $0x3;
	s18 =	sadd.s32 s15, s10;
	[dreg:$0xa] =	wrdreg s16  }
0x26: {  	s28 =	sshrl.u32 s25, $0x3;
	s24 =	sadd.s32 s23, s11;
	[dreg:$0xb] =	wrdreg s18  }
0x27: {  	s21 =	simm.s32 $0x8000;
	s26 =	sadd.s32 s23, s10;
	[dreg:$0xe] =	wrdreg s24  }
0x28: {  	s25 =	simm.s32 $0x13;
	s29 =	sadd.s32 s28, s11;
	[dreg:$0xf] =	wrdreg s26  }
0x29: {  	s12 =	simm.s32 $0x16;
	s30 =	sadd.s32 s28, s10;
	[dreg:$0x10] =	wrdreg s29  }
0x2a: {  	s10 =	simm.s32 $0x3000;
	s15 =	simm.s32 $0x5800;
	[dreg:$0x11] =	wrdreg s30  }
0x2b: {  	s16 =	simm.s32 $0x11;
	s24 =	simm.s32 $0x15;
	s26 =	simm.s32 $0x780  }
.LBB2_1:
0x2c: {  	[smem:$0x7F8] =	sst s5  }
0x2d: {  	s7 =	rddreg [dreg:$0x15]  }
0x2e: {  	s28 =	rddreg [dreg:$0x14];
	s23 =	sshrl.u32 s7, $0x3  }
0x2f: {  	[smem:$0x7F9] =	sst s23  }
0x30: {  	[spmem:s23], [sflag:s13] =	dma.local [hbm:s28], $0x2800  }
0x31: {  	_ =	swait.ge [sflag:s8], $0x2800  }
0x32: {  	[sflag:s8] =	ssyncset.done $0x0  }
0x33: {  	s29 =	rddreg [dreg:$0x17];
	[sflag:s8] =	ssyncadd.s32 $0xFFFFD800  }
0x34: {  	[tilespmem:s4], [sflag:$0x1] =	stream.linear.gather [hbm4b:s29+s4], $0x50, $0x38;
	[tilespmem:$0x1E800] =	vst v63  }
0x35: {  	s14 =	simm.s32 $0x400;
	s30 =	rddreg [dreg:$0x18]  }
0x36: {  	[tilespmem:s14], [sflag:$0x9] =	stream.linear.gather [hbm4b:s30+s4], $0x50, $0x38;
	[tilespmem:$0x1E800] =	vst v63  }
0x37: {  	s20 =	simm.s32 $0x80;
	s5 =	rddreg [dreg:$0x19]  }
0x38: {  	[tilespmem:s20], [sflag:$0x2] =	stream.linear.gather [hbm4b:s5+s4], $0x50, $0x38;
	[tilespmem:$0x1E800] =	vst v63  }
0x39: {  	s6 =	rddreg [dreg:$0x1a];
	s8 =	simm.s32 $0x480  }
0x3a: {  	[tilespmem:s8], [sflag:$0xA] =	stream.linear.gather [hbm4b:s6+s4], $0x50, $0x38;
	[tilespmem:$0x1E800] =	vst v63  }
0x3b: {  	s11 =	rddreg [dreg:$0x1b];
	s30 =	simm.s32 $0x100  }
0x3c: {  	[tilespmem:s30], [sflag:$0x3] =	stream.linear.gather [hbm4b:s11+s4], $0x50, $0x38;
	[tilespmem:$0x1E800] =	vst v63  }
0x3d: {  	s28 =	simm.s32 $0x500;
	s13 =	rddreg [dreg:$0x1c];
	s29 =	simm.s32 $0x1  }
0x3e: {  	[tilespmem:s28], [sflag:$0xB] =	stream.linear.gather [hbm4b:s13+s4], $0x50, $0x38;
	[tilespmem:$0x1E800] =	vst v63  }
0x3f: {  	_ =	swait.ge [sflag:s29], $0x50  }
0x40: {  	[sflag:s29] =	ssyncset.done $0x0  }
0x41: {  	s31 =	simm.s32 $0x9;
	[sflag:s29] =	ssyncadd.s32 $0xFFFFFFB0  }
0x42: {  	_ =	swait.ge [sflag:s31], $0x50  }
0x43: {  	[sflag:s31] =	ssyncset.done $0x0  }
0x44: {  	s11 =	simm.s32 $0x2;
	[sflag:s31] =	ssyncadd.s32 $0xFFFFFFB0  }
0x45: {  	[tilespmem:s2], [sflag:$0x11] =	stream.indirect.gather [hbm4b:s1+s0], $0x80, s4, s0, $0xb8;
	[tilespmem:$0x1E800] =	vst v63  }
0x46: {  	_ =	swait.ge [sflag:s11], $0x50  }
0x47: {  	[sflag:s11] =	ssyncset.done $0x0  }
0x48: {  	s6 =	simm.s32 $0xA;
	[sflag:s11] =	ssyncadd.s32 $0xFFFFFFB0  }
0x49: {  	_ =	swait.ge [sflag:s6], $0x50  }
0x4a: {  	[sflag:s6] =	ssyncset.done $0x0  }
0x4b: {  	[sflag:s6] =	ssyncadd.s32 $0xFFFFFFB0  }
0x4c: {  	[tilespmem:s10], [sflag:$0x12] =	stream.indirect.gather [hbm4b:s1+s0], $0x80, s20, s0, $0xb8;
	[tilespmem:$0x1E800] =	vst v63  }
0x4d: {  	[bflag:$0x0] =	sbarrier.arrive $0xFFFF  }
0x4e: {  	s19 =	rddreg [dreg:$0x11]  }
0x4f: {  	s22 =	rddreg [dreg:$0x10];
	s7 =	sadd.s32 $0x0, s19;
	s19 =	simm.s32 $0x180  }
0x50: {  	[tilespmem:s19], [sflag:$0x4] =	stream.linear.gather [hbm4b:s7+s4], $0x50, $0x38;
	[tilespmem:$0x1E800] =	vst v63  }
0x51: {  	s5 =	simm.s32 $0x3;
	s13 =	simm.s32 $0x580;
	s23 =	sadd.s32 $0x0, s22  }
0x52: {  	[tilespmem:s13], [sflag:$0xC] =	stream.linear.gather [hbm4b:s23+s4], $0x50, $0x38;
	[tilespmem:$0x1E800] =	vst v63  }
0x53: {  	_ =	swait.ge [sflag:s5], $0x50  }
0x54: {  	[sflag:s5] =	ssyncset.done $0x0  }
0x55: {  	s8 =	simm.s32 $0xB;
	[sflag:s5] =	ssyncadd.s32 $0xFFFFFFB0  }
0x56: {  	_ =	swait.ge [sflag:s8], $0x50  }
0x57: {  	p0 =	por $0x1, $0x1;
	[sflag:s8] =	ssyncset.done $0x0  }
0x58: {  	s7 =	simm.s32 @!p0 $0x17;
	[sflag:s8] =	ssyncadd.s32 $0xFFFFFFB0  }
0x59: {  	_ =	swait.ge @!p0 [sflag:s7], $0x2800  }
0x5a: {  	[sflag:s7] =	ssyncset.done @!p0 $0x0  }
0x5b: {  	[sflag:s7] =	ssyncadd.s32 @!p0 $0xFFFFD800  }
0x5c: {  	[tilespmem:s15], [sflag:$0x13] =	stream.indirect.gather [hbm4b:s1+s0], $0x80, s30, s0, $0xb8;
	[tilespmem:$0x1E800] =	vst v63  }
0x5d: {  	_ =	swait.ge [sflag:s16], $0x2800  }
0x5e: {  	[sflag:s16] =	ssyncset.done $0x0  }
0x5f: {  	s22 =	rddreg [dreg:$0xf];
	[sflag:s16] =	ssyncadd.s32 $0xFFFFD800  }
0x60: {  	[spmem:s3] =	stream.indirect.scatter.add.f32 [tilespmem:s2], [sflag:$0x15], $0x80, s14, s0, $0xb8;
	[tilespmem:$0x1E800] =	vst v63  }
0x61: {  	s5 =	simm.s32 $0x200;
	s23 =	rddreg [dreg:$0xe];
	s7 =	sadd.s32 $0x0, s22  }
0x62: {  	[tilespmem:s5], [sflag:$0x5] =	stream.linear.gather [hbm4b:s7+s4], $0x50, $0x38;
	[tilespmem:$0x1E800] =	vst v63  }
0x63: {  	s8 =	sadd.s32 $0x0, s23;
	s23 =	simm.s32 $0x600;
	s22 =	simm.s32 $0x4  }
0x64: {  	[tilespmem:s23], [sflag:$0xD] =	stream.linear.gather [hbm4b:s8+s4], $0x50, $0x38;
	[tilespmem:$0x1E800] =	vst v63  }
0x65: {  	_ =	swait.ge [sflag:s22], $0x50  }
0x66: {  	[sflag:s22] =	ssyncset.done $0x0  }
0x67: {  	s8 =	simm.s32 $0xC;
	[sflag:s22] =	ssyncadd.s32 $0xFFFFFFB0  }
0x68: {  	_ =	swait.ge [sflag:s8], $0x50  }
0x69: {  	[sflag:s8] =	ssyncset.done $0x0  }
0x6a: {  	s7 =	simm.s32 @!p0 $0x18;
	[sflag:s8] =	ssyncadd.s32 $0xFFFFFFB0  }
0x6b: {  	_ =	swait.ge @!p0 [sflag:s7], $0x2800  }
0x6c: {  	[sflag:s7] =	ssyncset.done @!p0 $0x0  }
0x6d: {  	[sflag:s7] =	ssyncadd.s32 @!p0 $0xFFFFD800  }
0x6e: {  	[tilespmem:s21], [sflag:$0x14] =	stream.indirect.gather [hbm4b:s1+s0], $0x80, s19, s0, $0xb8;
	[tilespmem:$0x1E800] =	vst v63  }
0x6f: {  	_ =	swait.ge [sflag:s9], $0x2800  }
0x70: {  	[sflag:s9] =	ssyncset.done $0x0  }
0x71: {  	s18 =	simm.s32 $0x480;
	s19 =	rddreg [dreg:$0xd];
	[sflag:s9] =	ssyncadd.s32 $0xFFFFD800  }
0x72: {  	[spmem:s3] =	stream.indirect.scatter.add.f32 [tilespmem:s10], [sflag:$0x16], $0x80, s18, s0, $0xb8;
	[tilespmem:$0x1E800] =	vst v63  }
0x73: {  	s22 =	rddreg [dreg:$0xc];
	s7 =	sadd.s32 $0x0, s19;
	s19 =	simm.s32 $0x280  }
0x74: {  	[tilespmem:s19], [sflag:$0x6] =	stream.linear.gather [hbm4b:s7+s4], $0x50, $0x38;
	[tilespmem:$0x1E800] =	vst v63  }
0x75: {  	s8 =	simm.s32 $0x5;
	s22 =	sadd.s32 $0x0, s22;
	s18 =	simm.s32 $0x680  }
0x76: {  	[tilespmem:s18], [sflag:$0xE] =	stream.linear.gather [hbm4b:s22+s4], $0x50, $0x38;
	[tilespmem:$0x1E800] =	vst v63  }
0x77: {  	_ =	swait.ge [sflag:s8], $0x50  }
0x78: {  	[sflag:s8] =	ssyncset.done $0x0  }
0x79: {  	s22 =	simm.s32 $0xD;
	[sflag:s8] =	ssyncadd.s32 $0xFFFFFFB0  }
0x7a: {  	_ =	swait.ge [sflag:s22], $0x50  }
0x7b: {  	[sflag:s22] =	ssyncset.done $0x0  }
0x7c: {  	[sflag:s22] =	ssyncadd.s32 $0xFFFFFFB0  }
0x7d: {  	_ =	swait.ge [sflag:s24], $0x2800  }
0x7e: {  	[sflag:s24] =	ssyncset.done $0x0  }
0x7f: {  	[sflag:s24] =	ssyncadd.s32 $0xFFFFD800  }
0x80: {  	[tilespmem:s2], [sflag:$0x11] =	stream.indirect.gather [hbm4b:s1+s0], $0x80, s5, s0, $0xb8;
	[tilespmem:$0x1E800] =	vst v63  }
0x81: {  	_ =	swait.ge [sflag:s25], $0x2800  }
0x82: {  	[sflag:s25] =	ssyncset.done $0x0  }
0x83: {  	s8 =	rddreg [dreg:$0xb];
	[sflag:s25] =	ssyncadd.s32 $0xFFFFD800  }
0x84: {  	[spmem:s3] =	stream.indirect.scatter.add.f32 [tilespmem:s15], [sflag:$0x17], $0x80, s28, s0, $0xb8;
	[tilespmem:$0x1E800] =	vst v63  }
0x85: {  	s5 =	simm.s32 $0x300;
	s22 =	rddreg [dreg:$0xa];
	s7 =	sadd.s32 $0x0, s8  }
0x86: {  	[tilespmem:s5], [sflag:$0x7] =	stream.linear.gather [hbm4b:s7+s4], $0x50, $0x38;
	[tilespmem:$0x1E800] =	vst v63  }
0x87: {  	s8 =	sadd.s32 $0x0, s22;
	s22 =	simm.s32 $0x700  }
0x88: {  	[tilespmem:s22], [sflag:$0xF] =	stream.linear.gather [hbm4b:s8+s4], $0x50, $0x38;
	[tilespmem:$0x1E800] =	vst v63  }
0x89: {  	s8 =	simm.s32 $0x6  }
0x8a: {  	_ =	swait.ge [sflag:s8], $0x50  }
0x8b: {  	[sflag:s8] =	ssyncset.done $0x0  }
0x8c: {  	[sflag:s8] =	ssyncadd.s32 $0xFFFFFFB0;
	s8 =	simm.s32 $0xE  }
0x8d: {  	_ =	swait.ge [sflag:s8], $0x50  }
0x8e: {  	[sflag:s8] =	ssyncset.done $0x0  }
0x8f: {  	[sflag:s8] =	ssyncadd.s32 $0xFFFFFFB0  }
0x90: {  	_ =	swait.ge [sflag:s12], $0x2800  }
0x91: {  	[sflag:s12] =	ssyncset.done $0x0  }
0x92: {  	[sflag:s12] =	ssyncadd.s32 $0xFFFFD800  }
0x93: {  	[tilespmem:s10], [sflag:$0x12] =	stream.indirect.gather [hbm4b:s1+s0], $0x80, s19, s0, $0xb8;
	[tilespmem:$0x1E800] =	vst v63  }
0x94: {  	_ =	swait.ge [sflag:s17], $0x2800  }
0x95: {  	[sflag:s17] =	ssyncset.done $0x0  }
0x96: {  	s8 =	rddreg [dreg:$0x9];
	[sflag:s17] =	ssyncadd.s32 $0xFFFFD800  }
0x97: {  	[spmem:s3] =	stream.indirect.scatter.add.f32 [tilespmem:s21], [sflag:$0x18], $0x80, s13, s0, $0xb8;
	[tilespmem:$0x1E800] =	vst v63  }
0x98: {  	s19 =	rddreg [dreg:$0x8];
	s7 =	sadd.s32 $0x0, s8;
	s13 =	simm.s32 $0x380  }
0x99: {  	[tilespmem:s13], [sflag:$0x8] =	stream.linear.gather [hbm4b:s7+s4], $0x50, $0x38;
	[tilespmem:$0x1E800] =	vst v63  }
0x9a: {  	s19 =	sadd.s32 $0x0, s19  }
0x9b: {  	[tilespmem:s26], [sflag:$0x10] =	stream.linear.gather [hbm4b:s19+s4], $0x50, $0x38;
	[tilespmem:$0x1E800] =	vst v63  }
0x9c: {  	s26 =	simm.s32 $0x7  }
0x9d: {  	_ =	swait.ge [sflag:s26], $0x50  }
0x9e: {  	[sflag:s26] =	ssyncset.done $0x0  }
0x9f: {  	s8 =	simm.s32 $0xF;
	[sflag:s26] =	ssyncadd.s32 $0xFFFFFFB0  }
0xa0: {  	_ =	swait.ge [sflag:s8], $0x50  }
0xa1: {  	[sflag:s8] =	ssyncset.done $0x0  }
0xa2: {  	s19 =	simm.s32 $0x17;
	[sflag:s8] =	ssyncadd.s32 $0xFFFFFFB0  }
0xa3: {  	_ =	swait.ge [sflag:s19], $0x2800  }
0xa4: {  	[sflag:s19] =	ssyncset.done $0x0  }
0xa5: {  	[sflag:s19] =	ssyncadd.s32 $0xFFFFD800  }
0xa6: {  	[tilespmem:s15], [sflag:$0x13] =	stream.indirect.gather [hbm4b:s1+s0], $0x80, s5, s0, $0xb8;
	[tilespmem:$0x1E800] =	vst v63  }
0xa7: {  	_ =	swait.ge [sflag:s16], $0x2800  }
0xa8: {  	[sflag:s16] =	ssyncset.done $0x0;
	s19 =	sld [smem:$0x7FD]  }
0xa9: {  	[sflag:s16] =	ssyncadd.s32 $0xFFFFD800  }
0xaa: {  	[spmem:s3] =	stream.indirect.scatter.add.f32 [tilespmem:s2], [sflag:$0x15], $0x80, s23, s0, $0xb8;
	[tilespmem:$0x1E800] =	vst v63  }
0xab: {  	s5 =	rddreg [dreg:$0x12];
	s26 =	sshrl.u32 s19, $0x3  }
0xac: {  	s23 =	rddreg [dreg:$0x13];
	s8 =	sadd.s32 s5, s26  }
0xad: {  	[tilespmem:s4], [sflag:$0x1] =	stream.linear.gather [hbm4b:s8+s4], $0x50, $0x38;
	[tilespmem:$0x1E800] =	vst v63  }
0xae: {  	s7 =	sadd.s32 s23, s26;
	s26 =	simm.s32 $0x8  }
0xaf: {  	[tilespmem:s14], [sflag:$0x9] =	stream.linear.gather [hbm4b:s7+s4], $0x50, $0x38;
	[tilespmem:$0x1E800] =	vst v63  }
0xb0: {  	_ =	swait.ge [sflag:s26], $0x50  }
0xb1: {  	[sflag:s26] =	ssyncset.done $0x0  }
0xb2: {  	s7 =	simm.s32 $0x10;
	[sflag:s26] =	ssyncadd.s32 $0xFFFFFFB0  }
0xb3: {  	_ =	swait.ge [sflag:s7], $0x50  }
0xb4: {  	[sflag:s7] =	ssyncset.done $0x0  }
0xb5: {  	s8 =	simm.s32 $0x18;
	[sflag:s7] =	ssyncadd.s32 $0xFFFFFFB0  }
0xb6: {  	_ =	swait.ge [sflag:s8], $0x2800  }
0xb7: {  	[sflag:s8] =	ssyncset.done $0x0  }
0xb8: {  	[sflag:s8] =	ssyncadd.s32 $0xFFFFD800  }
0xb9: {  	[tilespmem:s21], [sflag:$0x14] =	stream.indirect.gather [hbm4b:s1+s0], $0x80, s13, s0, $0xb8;
	[tilespmem:$0x1E800] =	vst v63  }
0xba: {  	_ =	swait.ge [sflag:s9], $0x2800  }
0xbb: {  	[sflag:s9] =	ssyncset.done $0x0  }
0xbc: {  	s13 =	rddreg [dreg:$0x5];
	[sflag:s9] =	ssyncadd.s32 $0xFFFFD800  }
0xbd: {  	[spmem:s3] =	stream.indirect.scatter.add.f32 [tilespmem:s10], [sflag:$0x16], $0x80, s18, s0, $0xb8;
	[tilespmem:$0x1E800] =	vst v63  }
0xbe: {  	s14 =	rddreg [dreg:$0x4];
	s7 =	sadd.s32 $0x0, s13  }
0xbf: {  	[tilespmem:s20], [sflag:$0x2] =	stream.linear.gather [hbm4b:s7+s4], $0x50, $0x38;
	[tilespmem:$0x1E800] =	vst v63  }
0xc0: {  	s23 =	simm.s32 $0x480;
	s18 =	sadd.s32 $0x0, s14  }
0xc1: {  	[tilespmem:s23], [sflag:$0xA] =	stream.linear.gather [hbm4b:s18+s4], $0x50, $0x38;
	[tilespmem:$0x1E800] =	vst v63  }
0xc2: {  	_ =	swait.ge [sflag:s29], $0x50  }
0xc3: {  	[sflag:s29] =	ssyncset.done $0x0  }
0xc4: {  	[sflag:s29] =	ssyncadd.s32 $0xFFFFFFB0  }
0xc5: {  	_ =	swait.ge [sflag:s31], $0x50  }
0xc6: {  	[sflag:s31] =	ssyncset.done $0x0  }
0xc7: {  	[sflag:s31] =	ssyncadd.s32 $0xFFFFFFB0  }
0xc8: {  	_ =	swait.ge [sflag:s24], $0x2800  }
0xc9: {  	[sflag:s24] =	ssyncset.done $0x0  }
0xca: {  	[sflag:s24] =	ssyncadd.s32 $0xFFFFD800  }
0xcb: {  	[tilespmem:s2], [sflag:$0x11] =	stream.indirect.gather [hbm4b:s1+s0], $0x80, s4, s0, $0xb8;
	[tilespmem:$0x1E800] =	vst v63  }
0xcc: {  	_ =	swait.ge [sflag:s25], $0x2800  }
0xcd: {  	[sflag:s25] =	ssyncset.done $0x0  }
0xce: {  	s26 =	rddreg [dreg:$0x7];
	[sflag:s25] =	ssyncadd.s32 $0xFFFFD800  }
0xcf: {  	[spmem:s3] =	stream.indirect.scatter.add.f32 [tilespmem:s15], [sflag:$0x17], $0x80, s22, s0, $0xb8;
	[tilespmem:$0x1E800] =	vst v63  }
0xd0: {  	s29 =	rddreg [dreg:$0x6];
	s7 =	sadd.s32 $0x0, s26  }
0xd1: {  	[tilespmem:s30], [sflag:$0x3] =	stream.linear.gather [hbm4b:s7+s4], $0x50, $0x38;
	[tilespmem:$0x1E800] =	vst v63  }
0xd2: {  	s30 =	sadd.s32 $0x0, s29  }
0xd3: {  	[tilespmem:s28], [sflag:$0xB] =	stream.linear.gather [hbm4b:s30+s4], $0x50, $0x38;
	[tilespmem:$0x1E800] =	vst v63  }
0xd4: {  	_ =	swait.ge [sflag:s11], $0x50  }
0xd5: {  	[sflag:s11] =	ssyncset.done $0x0  }
0xd6: {  	[sflag:s11] =	ssyncadd.s32 $0xFFFFFFB0  }
0xd7: {  	_ =	swait.ge [sflag:s6], $0x50  }
0xd8: {  	[sflag:s6] =	ssyncset.done $0x0  }
0xd9: {  	[sflag:s6] =	ssyncadd.s32 $0xFFFFFFB0  }
0xda: {  	_ =	swait.ge [sflag:s12], $0x2800  }
0xdb: {  	[sflag:s12] =	ssyncset.done $0x0  }
0xdc: {  	[sflag:s12] =	ssyncadd.s32 $0xFFFFD800  }
0xdd: {  	[tilespmem:s10], [sflag:$0x12] =	stream.indirect.gather [hbm4b:s1+s0], $0x80, s20, s0, $0xb8;
	[tilespmem:$0x1E800] =	vst v63  }
0xde: {  	s8 =	simm.s32 $0xA0;
	_ =	swait.ge [sflag:s17], $0x2800  }
0xdf: {  	s31 =	simm.s32 $0x50;
	s13 =	rddreg [dreg:$0x11];
	[sflag:s17] =	ssyncset.done $0x0  }
0xe0: {  	s7 =	sadd.s32 $0x280, s19;
	s14 =	rddreg [dreg:$0x10];
	[sflag:s17] =	ssyncadd.s32 $0xFFFFD800  }
.LBB2_2:
0xe1: {  	s30 =	simm.s32 $0x780  }
0xe2: {  	[spmem:s3] =	stream.indirect.scatter.add.f32 [tilespmem:s21], [sflag:$0x18], $0x80, s30, s0, $0xb8;
	[tilespmem:$0x1E800] =	vst v63  }
0xe3: {  	s19 =	sadd.s32 s31, s13;
	s5 =	simm.s32 $0x180  }
0xe4: {  	[tilespmem:s5], [sflag:$0x4] =	stream.linear.gather [hbm4b:s19+s4], $0x50, $0x38;
	[tilespmem:$0x1E800] =	vst v63  }
0xe5: {  	s14 =	sadd.s32 s31, s14;
	s11 =	simm.s32 $0x580;
	s6 =	simm.s32 $0x3  }
0xe6: {  	[tilespmem:s11], [sflag:$0xC] =	stream.linear.gather [hbm4b:s14+s4], $0x50, $0x38;
	[tilespmem:$0x1E800] =	vst v63  }
0xe7: {  	_ =	swait.ge [sflag:s6], $0x50  }
0xe8: {  	[sflag:s6] =	ssyncset.done $0x0  }
0xe9: {  	s28 =	simm.s32 $0xB;
	[sflag:s6] =	ssyncadd.s32 $0xFFFFFFB0  }
0xea: {  	_ =	swait.ge [sflag:s28], $0x50  }
0xeb: {  	p1 =	seq.s32 s31, $0x0;
	[sflag:s28] =	ssyncset.done $0x0  }
0xec: {  	s14 =	simm.s32 @!p1 $0x17;
	[sflag:s28] =	ssyncadd.s32 $0xFFFFFFB0  }
0xed: {  	_ =	swait.ge @!p1 [sflag:s14], $0x2800  }
0xee: {  	[sflag:s14] =	ssyncset.done @!p1 $0x0  }
0xef: {  	s6 =	simm.s32 $0x100;
	[sflag:s14] =	ssyncadd.s32 @!p1 $0xFFFFD800  }
0xf0: {  	[tilespmem:s15], [sflag:$0x13] =	stream.indirect.gather [hbm4b:s1+s0], $0x80, s6, s0, $0xb8;
	[tilespmem:$0x1E800] =	vst v63  }
0xf1: {  	_ =	swait.ge [sflag:s16], $0x2800  }
0xf2: {  	[sflag:s16] =	ssyncset.done $0x0  }
0xf3: {  	s20 =	simm.s32 $0x400;
	s29 =	rddreg [dreg:$0xf];
	[sflag:s16] =	ssyncadd.s32 $0xFFFFD800  }
0xf4: {  	[spmem:s3] =	stream.indirect.scatter.add.f32 [tilespmem:s2], [sflag:$0x15], $0x80, s20, s0, $0xb8;
	[tilespmem:$0x1E800] =	vst v63  }
0xf5: {  	s18 =	rddreg [dreg:$0xe];
	s14 =	sadd.s32 s31, s29;
	s29 =	simm.s32 $0x200  }
0xf6: {  	[tilespmem:s29], [sflag:$0x5] =	stream.linear.gather [hbm4b:s14+s4], $0x50, $0x38;
	[tilespmem:$0x1E800] =	vst v63  }
0xf7: {  	s23 =	simm.s32 $0x600;
	s22 =	simm.s32 $0x4;
	s19 =	sadd.s32 s31, s18  }
0xf8: {  	[tilespmem:s23], [sflag:$0xD] =	stream.linear.gather [hbm4b:s19+s4], $0x50, $0x38;
	[tilespmem:$0x1E800] =	vst v63  }
0xf9: {  	_ =	swait.ge [sflag:s22], $0x50  }
0xfa: {  	[sflag:s22] =	ssyncset.done $0x0  }
0xfb: {  	s26 =	simm.s32 $0xC;
	[sflag:s22] =	ssyncadd.s32 $0xFFFFFFB0  }
0xfc: {  	_ =	swait.ge [sflag:s26], $0x50  }
0xfd: {  	[sflag:s26] =	ssyncset.done $0x0  }
0xfe: {  	s14 =	simm.s32 @!p1 $0x18;
	[sflag:s26] =	ssyncadd.s32 $0xFFFFFFB0  }
0xff: {  	_ =	swait.ge @!p1 [sflag:s14], $0x2800  }
0x100: {  	[sflag:s14] =	ssyncset.done @!p1 $0x0  }
0x101: {  	[sflag:s14] =	ssyncadd.s32 @!p1 $0xFFFFD800  }
0x102: {  	[tilespmem:s21], [sflag:$0x14] =	stream.indirect.gather [hbm4b:s1+s0], $0x80, s5, s0, $0xb8;
	[tilespmem:$0x1E800] =	vst v63  }
0x103: {  	_ =	swait.ge [sflag:s9], $0x2800  }
0x104: {  	[sflag:s9] =	ssyncset.done $0x0  }
0x105: {  	s5 =	simm.s32 $0x480;
	s28 =	rddreg [dreg:$0xd];
	[sflag:s9] =	ssyncadd.s32 $0xFFFFD800  }
0x106: {  	[spmem:s3] =	stream.indirect.scatter.add.f32 [tilespmem:s10], [sflag:$0x16], $0x80, s5, s0, $0xb8;
	[tilespmem:$0x1E800] =	vst v63  }
0x107: {  	s26 =	simm.s32 $0x280;
	s18 =	rddreg [dreg:$0xc];
	s14 =	sadd.s32 s31, s28  }
0x108: {  	[tilespmem:s26], [sflag:$0x6] =	stream.linear.gather [hbm4b:s14+s4], $0x50, $0x38;
	[tilespmem:$0x1E800] =	vst v63  }
0x109: {  	s22 =	simm.s32 $0x5;
	s19 =	sadd.s32 s31, s18;
	s18 =	simm.s32 $0x680  }
0x10a: {  	[tilespmem:s18], [sflag:$0xE] =	stream.linear.gather [hbm4b:s19+s4], $0x50, $0x38;
	[tilespmem:$0x1E800] =	vst v63  }
0x10b: {  	_ =	swait.ge [sflag:s22], $0x50  }
0x10c: {  	[sflag:s22] =	ssyncset.done $0x0  }
0x10d: {  	s28 =	simm.s32 $0xD;
	[sflag:s22] =	ssyncadd.s32 $0xFFFFFFB0  }
0x10e: {  	_ =	swait.ge [sflag:s28], $0x50  }
0x10f: {  	[sflag:s28] =	ssyncset.done $0x0  }
0x110: {  	[sflag:s28] =	ssyncadd.s32 $0xFFFFFFB0  }
0x111: {  	_ =	swait.ge [sflag:s24], $0x2800  }
0x112: {  	[sflag:s24] =	ssyncset.done $0x0  }
0x113: {  	[sflag:s24] =	ssyncadd.s32 $0xFFFFD800  }
0x114: {  	[tilespmem:s2], [sflag:$0x11] =	stream.indirect.gather [hbm4b:s1+s0], $0x80, s29, s0, $0xb8;
	[tilespmem:$0x1E800] =	vst v63  }
0x115: {  	_ =	swait.ge [sflag:s25], $0x2800  }
0x116: {  	[sflag:s25] =	ssyncset.done $0x0  }
0x117: {  	s29 =	simm.s32 $0x500;
	s19 =	rddreg [dreg:$0xb];
	[sflag:s25] =	ssyncadd.s32 $0xFFFFD800  }
0x118: {  	[spmem:s3] =	stream.indirect.scatter.add.f32 [tilespmem:s15], [sflag:$0x17], $0x80, s29, s0, $0xb8;
	[tilespmem:$0x1E800] =	vst v63  }
0x119: {  	s28 =	simm.s32 $0x300;
	s22 =	rddreg [dreg:$0xa];
	s14 =	sadd.s32 s31, s19  }
0x11a: {  	[tilespmem:s28], [sflag:$0x7] =	stream.linear.gather [hbm4b:s14+s4], $0x50, $0x38;
	[tilespmem:$0x1E800] =	vst v63  }
0x11b: {  	s19 =	sadd.s32 s31, s22;
	s22 =	simm.s32 $0x700  }
0x11c: {  	[tilespmem:s22], [sflag:$0xF] =	stream.linear.gather [hbm4b:s19+s4], $0x50, $0x38;
	[tilespmem:$0x1E800] =	vst v63  }
0x11d: {  	s19 =	simm.s32 $0x6  }
0x11e: {  	_ =	swait.ge [sflag:s19], $0x50  }
0x11f: {  	[sflag:s19] =	ssyncset.done $0x0  }
0x120: {  	[sflag:s19] =	ssyncadd.s32 $0xFFFFFFB0;
	s19 =	simm.s32 $0xE  }
0x121: {  	_ =	swait.ge [sflag:s19], $0x50  }
0x122: {  	[sflag:s19] =	ssyncset.done $0x0  }
0x123: {  	[sflag:s19] =	ssyncadd.s32 $0xFFFFFFB0  }
0x124: {  	_ =	swait.ge [sflag:s12], $0x2800  }
0x125: {  	[sflag:s12] =	ssyncset.done $0x0  }
0x126: {  	[sflag:s12] =	ssyncadd.s32 $0xFFFFD800  }
0x127: {  	[tilespmem:s10], [sflag:$0x12] =	stream.indirect.gather [hbm4b:s1+s0], $0x80, s26, s0, $0xb8;
	[tilespmem:$0x1E800] =	vst v63  }
0x128: {  	_ =	swait.ge [sflag:s17], $0x2800  }
0x129: {  	[sflag:s17] =	ssyncset.done $0x0  }
0x12a: {  	s19 =	rddreg [dreg:$0x9];
	[sflag:s17] =	ssyncadd.s32 $0xFFFFD800  }
0x12b: {  	[spmem:s3] =	stream.indirect.scatter.add.f32 [tilespmem:s21], [sflag:$0x18], $0x80, s11, s0, $0xb8;
	[tilespmem:$0x1E800] =	vst v63  }
0x12c: {  	s26 =	rddreg [dreg:$0x8];
	s14 =	sadd.s32 s31, s19;
	s11 =	simm.s32 $0x380  }
0x12d: {  	[tilespmem:s11], [sflag:$0x8] =	stream.linear.gather [hbm4b:s14+s4], $0x50, $0x38;
	[tilespmem:$0x1E800] =	vst v63  }
0x12e: {  	s19 =	sadd.s32 s31, s26;
	s26 =	simm.s32 $0x7  }
0x12f: {  	[tilespmem:s30], [sflag:$0x10] =	stream.linear.gather [hbm4b:s19+s4], $0x50, $0x38;
	[tilespmem:$0x1E800] =	vst v63  }
0x130: {  	_ =	swait.ge [sflag:s26], $0x50  }
0x131: {  	[sflag:s26] =	ssyncset.done $0x0  }
0x132: {  	s30 =	simm.s32 $0xF;
	[sflag:s26] =	ssyncadd.s32 $0xFFFFFFB0  }
0x133: {  	_ =	swait.ge [sflag:s30], $0x50  }
0x134: {  	[sflag:s30] =	ssyncset.done $0x0  }
0x135: {  	s19 =	simm.s32 $0x17;
	[sflag:s30] =	ssyncadd.s32 $0xFFFFFFB0  }
0x136: {  	_ =	swait.ge [sflag:s19], $0x2800  }
0x137: {  	[sflag:s19] =	ssyncset.done $0x0  }
0x138: {  	[sflag:s19] =	ssyncadd.s32 $0xFFFFD800  }
0x139: {  	[tilespmem:s15], [sflag:$0x13] =	stream.indirect.gather [hbm4b:s1+s0], $0x80, s28, s0, $0xb8;
	[tilespmem:$0x1E800] =	vst v63  }
0x13a: {  	_ =	swait.ge [sflag:s16], $0x2800  }
0x13b: {  	[sflag:s16] =	ssyncset.done $0x0  }
0x13c: {  	s26 =	sshrl.u32 s7, $0x3;
	s28 =	rddreg [dreg:$0x12];
	[sflag:s16] =	ssyncadd.s32 $0xFFFFD800  }
0x13d: {  	[spmem:s3] =	stream.indirect.scatter.add.f32 [tilespmem:s2], [sflag:$0x15], $0x80, s23, s0, $0xb8;
	[tilespmem:$0x1E800] =	vst v63  }
0x13e: {  	s30 =	rddreg [dreg:$0x13];
	s19 =	sadd.s32 s28, s26  }
0x13f: {  	[tilespmem:s4], [sflag:$0x1] =	stream.linear.gather [hbm4b:s19+s4], $0x50, $0x38;
	[tilespmem:$0x1E800] =	vst v63  }
0x140: {  	s14 =	sadd.s32 s30, s26  }
0x141: {  	[tilespmem:s20], [sflag:$0x9] =	stream.linear.gather [hbm4b:s14+s4], $0x50, $0x38;
	[tilespmem:$0x1E800] =	vst v63  }
0x142: {  	s20 =	simm.s32 $0x8  }
0x143: {  	_ =	swait.ge [sflag:s20], $0x50  }
0x144: {  	[sflag:s20] =	ssyncset.done $0x0  }
0x145: {  	s23 =	simm.s32 $0x10;
	[sflag:s20] =	ssyncadd.s32 $0xFFFFFFB0  }
0x146: {  	_ =	swait.ge [sflag:s23], $0x50  }
0x147: {  	[sflag:s23] =	ssyncset.done $0x0  }
0x148: {  	s26 =	simm.s32 $0x18;
	[sflag:s23] =	ssyncadd.s32 $0xFFFFFFB0  }
0x149: {  	_ =	swait.ge [sflag:s26], $0x2800  }
0x14a: {  	[sflag:s26] =	ssyncset.done $0x0  }
0x14b: {  	[sflag:s26] =	ssyncadd.s32 $0xFFFFD800  }
0x14c: {  	[tilespmem:s21], [sflag:$0x14] =	stream.indirect.gather [hbm4b:s1+s0], $0x80, s11, s0, $0xb8;
	[tilespmem:$0x1E800] =	vst v63  }
0x14d: {  	_ =	swait.ge [sflag:s9], $0x2800  }
0x14e: {  	[sflag:s9] =	ssyncset.done $0x0  }
0x14f: {  	s28 =	rddreg [dreg:$0x5];
	[sflag:s9] =	ssyncadd.s32 $0xFFFFD800  }
0x150: {  	[spmem:s3] =	stream.indirect.scatter.add.f32 [tilespmem:s10], [sflag:$0x16], $0x80, s18, s0, $0xb8;
	[tilespmem:$0x1E800] =	vst v63  }
0x151: {  	s20 =	simm.s32 $0x80;
	s30 =	rddreg [dreg:$0x4];
	s14 =	sadd.s32 s31, s28  }
0x152: {  	[tilespmem:s20], [sflag:$0x2] =	stream.linear.gather [hbm4b:s14+s4], $0x50, $0x38;
	[tilespmem:$0x1E800] =	vst v63  }
0x153: {  	s11 =	sadd.s32 s31, s30;
	s18 =	simm.s32 $0x1  }
0x154: {  	[tilespmem:s5], [sflag:$0xA] =	stream.linear.gather [hbm4b:s11+s4], $0x50, $0x38;
	[tilespmem:$0x1E800] =	vst v63  }
0x155: {  	_ =	swait.ge [sflag:s18], $0x50  }
0x156: {  	[sflag:s18] =	ssyncset.done $0x0  }
0x157: {  	s19 =	simm.s32 $0x9;
	[sflag:s18] =	ssyncadd.s32 $0xFFFFFFB0  }
0x158: {  	_ =	swait.ge [sflag:s19], $0x50  }
0x159: {  	[sflag:s19] =	ssyncset.done $0x0  }
0x15a: {  	[sflag:s19] =	ssyncadd.s32 $0xFFFFFFB0  }
0x15b: {  	_ =	swait.ge [sflag:s24], $0x2800  }
0x15c: {  	[sflag:s24] =	ssyncset.done $0x0  }
0x15d: {  	[sflag:s24] =	ssyncadd.s32 $0xFFFFD800  }
0x15e: {  	[tilespmem:s2], [sflag:$0x11] =	stream.indirect.gather [hbm4b:s1+s0], $0x80, s4, s0, $0xb8;
	[tilespmem:$0x1E800] =	vst v63  }
0x15f: {  	_ =	swait.ge [sflag:s25], $0x2800  }
0x160: {  	[sflag:s25] =	ssyncset.done $0x0  }
0x161: {  	s23 =	rddreg [dreg:$0x7];
	[sflag:s25] =	ssyncadd.s32 $0xFFFFD800  }
0x162: {  	[spmem:s3] =	stream.indirect.scatter.add.f32 [tilespmem:s15], [sflag:$0x17], $0x80, s22, s0, $0xb8;
	[tilespmem:$0x1E800] =	vst v63  }
0x163: {  	s26 =	rddreg [dreg:$0x6];
	s14 =	sadd.s32 s31, s23  }
0x164: {  	[tilespmem:s6], [sflag:$0x3] =	stream.linear.gather [hbm4b:s14+s4], $0x50, $0x38;
	[tilespmem:$0x1E800] =	vst v63  }
0x165: {  	s28 =	sadd.s32 s31, s26  }
0x166: {  	[tilespmem:s29], [sflag:$0xB] =	stream.linear.gather [hbm4b:s28+s4], $0x50, $0x38;
	[tilespmem:$0x1E800] =	vst v63  }
0x167: {  	s29 =	simm.s32 $0x2  }
0x168: {  	_ =	swait.ge [sflag:s29], $0x50  }
0x169: {  	[sflag:s29] =	ssyncset.done $0x0  }
0x16a: {  	s30 =	simm.s32 $0xA;
	[sflag:s29] =	ssyncadd.s32 $0xFFFFFFB0  }
0x16b: {  	_ =	swait.ge [sflag:s30], $0x50  }
0x16c: {  	[sflag:s30] =	ssyncset.done $0x0  }
0x16d: {  	[sflag:s30] =	ssyncadd.s32 $0xFFFFFFB0  }
0x16e: {  	s13 =	smov.u32 s8;
	s8 =	sadd.s32 $0x50, s8;
	_ =	swait.ge [sflag:s12], $0x2800  }
0x16f: {  	p0 =	sne.s32 s8, $0x4B0;
	[sflag:s12] =	ssyncset.done $0x0  }
.Ltmp0:
0x170: {  	[sflag:s12] =	ssyncadd.s32 $0xFFFFD800;
	(pc) =	sbr.rel @p0 .LBB2_2-.Ltmp0, $4  }
0x171: {  	[tilespmem:s10], [sflag:$0x12] =	stream.indirect.gather [hbm4b:s1+s0], $0x80, s20, s0, $0xb8;
	[tilespmem:$0x1E800] =	vst v63  }
0x172: {  	_ =	swait.ge [sflag:s17], $0x2800  }
0x173: {  	s31 =	smov.u32 s13;
	s13 =	rddreg [dreg:$0x11];
	[sflag:s17] =	ssyncset.done $0x0  }
0x174: {  	s7 =	sadd.s32 $0x280, s7;
	s14 =	rddreg [dreg:$0x10];
	[sflag:s17] =	ssyncadd.s32 $0xFFFFD800  }
0x175: {  	s5 =	simm.s32 $0x780  }
0x176: {  	[spmem:s3] =	stream.indirect.scatter.add.f32 [tilespmem:s21], [sflag:$0x18], $0x80, s5, s0, $0xb8;
	[tilespmem:$0x1E800] =	vst v63  }
0x177: {  	s8 =	sadd.s32 s31, s13;
	s30 =	simm.s32 $0x180  }
0x178: {  	[tilespmem:s30], [sflag:$0x4] =	stream.linear.gather [hbm4b:s8+s4], $0x50, $0x38;
	[tilespmem:$0x1E800] =	vst v63  }
0x179: {  	s6 =	simm.s32 $0x580;
	s18 =	simm.s32 $0x3;
	s5 =	sadd.s32 s31, s14  }
0x17a: {  	[tilespmem:s6], [sflag:$0xC] =	stream.linear.gather [hbm4b:s5+s4], $0x50, $0x38;
	[tilespmem:$0x1E800] =	vst v63  }
0x17b: {  	_ =	swait.ge [sflag:s18], $0x50  }
0x17c: {  	[sflag:s18] =	ssyncset.done $0x0  }
0x17d: {  	s19 =	simm.s32 $0xB;
	[sflag:s18] =	ssyncadd.s32 $0xFFFFFFB0  }
0x17e: {  	_ =	swait.ge [sflag:s19], $0x50  }
0x17f: {  	p0 =	seq.s32 s31, $0x0;
	[sflag:s19] =	ssyncset.done $0x0  }
0x180: {  	s8 =	simm.s32 @!p0 $0x17;
	[sflag:s19] =	ssyncadd.s32 $0xFFFFFFB0  }
0x181: {  	_ =	swait.ge @!p0 [sflag:s8], $0x2800  }
0x182: {  	[sflag:s8] =	ssyncset.done @!p0 $0x0  }
0x183: {  	s6 =	simm.s32 $0x100;
	[sflag:s8] =	ssyncadd.s32 @!p0 $0xFFFFD800  }
0x184: {  	[tilespmem:s15], [sflag:$0x13] =	stream.indirect.gather [hbm4b:s1+s0], $0x80, s6, s0, $0xb8;
	[tilespmem:$0x1E800] =	vst v63  }
0x185: {  	_ =	swait.ge [sflag:s16], $0x2800  }
0x186: {  	[sflag:s16] =	ssyncset.done $0x0  }
0x187: {  	s20 =	simm.s32 $0x400;
	s13 =	rddreg [dreg:$0xf];
	[sflag:s16] =	ssyncadd.s32 $0xFFFFD800  }
0x188: {  	[spmem:s3] =	stream.indirect.scatter.add.f32 [tilespmem:s2], [sflag:$0x15], $0x80, s20, s0, $0xb8;
	[tilespmem:$0x1E800] =	vst v63  }
0x189: {  	s29 =	simm.s32 $0x200;
	s14 =	rddreg [dreg:$0xe];
	s8 =	sadd.s32 s31, s13  }
0x18a: {  	[tilespmem:s29], [sflag:$0x5] =	stream.linear.gather [hbm4b:s8+s4], $0x50, $0x38;
	[tilespmem:$0x1E800] =	vst v63  }
0x18b: {  	s23 =	simm.s32 $0x600;
	s22 =	sadd.s32 s31, s14  }
0x18c: {  	[tilespmem:s23], [sflag:$0xD] =	stream.linear.gather [hbm4b:s22+s4], $0x50, $0x38;
	[tilespmem:$0x1E800] =	vst v63  }
0x18d: {  	s23 =	simm.s32 $0x4  }
0x18e: {  	_ =	swait.ge [sflag:s23], $0x50  }
0x18f: {  	[sflag:s23] =	ssyncset.done $0x0  }
0x190: {  	s14 =	simm.s32 $0xC;
	[sflag:s23] =	ssyncadd.s32 $0xFFFFFFB0  }
0x191: {  	_ =	swait.ge [sflag:s14], $0x50  }
0x192: {  	[sflag:s14] =	ssyncset.done $0x0  }
0x193: {  	s8 =	simm.s32 @!p0 $0x18;
	[sflag:s14] =	ssyncadd.s32 $0xFFFFFFB0  }
0x194: {  	_ =	swait.ge @!p0 [sflag:s8], $0x2800  }
0x195: {  	[sflag:s8] =	ssyncset.done @!p0 $0x0  }
0x196: {  	s11 =	simm.s32 $0x180;
	[sflag:s8] =	ssyncadd.s32 @!p0 $0xFFFFD800  }
0x197: {  	[tilespmem:s21], [sflag:$0x14] =	stream.indirect.gather [hbm4b:s1+s0], $0x80, s11, s0, $0xb8;
	[tilespmem:$0x1E800] =	vst v63  }
0x198: {  	_ =	swait.ge [sflag:s9], $0x2800  }
0x199: {  	[sflag:s9] =	ssyncset.done $0x0  }
0x19a: {  	s30 =	simm.s32 $0x480;
	s26 =	rddreg [dreg:$0xd];
	[sflag:s9] =	ssyncadd.s32 $0xFFFFD800  }
0x19b: {  	[spmem:s3] =	stream.indirect.scatter.add.f32 [tilespmem:s10], [sflag:$0x16], $0x80, s30, s0, $0xb8;
	[tilespmem:$0x1E800] =	vst v63  }
0x19c: {  	s28 =	rddreg [dreg:$0xc];
	s8 =	sadd.s32 s31, s26;
	s26 =	simm.s32 $0x280  }
0x19d: {  	[tilespmem:s26], [sflag:$0x6] =	stream.linear.gather [hbm4b:s8+s4], $0x50, $0x38;
	[tilespmem:$0x1E800] =	vst v63  }
0x19e: {  	s20 =	simm.s32 $0x680;
	s11 =	sadd.s32 s31, s28  }
0x19f: {  	[tilespmem:s20], [sflag:$0xE] =	stream.linear.gather [hbm4b:s11+s4], $0x50, $0x38;
	[tilespmem:$0x1E800] =	vst v63  }
0x1a0: {  	s11 =	simm.s32 $0x5  }
0x1a1: {  	_ =	swait.ge [sflag:s11], $0x50  }
0x1a2: {  	[sflag:s11] =	ssyncset.done $0x0  }
0x1a3: {  	s6 =	simm.s32 $0xD;
	[sflag:s11] =	ssyncadd.s32 $0xFFFFFFB0  }
0x1a4: {  	_ =	swait.ge [sflag:s6], $0x50  }
0x1a5: {  	[sflag:s6] =	ssyncset.done $0x0  }
0x1a6: {  	[sflag:s6] =	ssyncadd.s32 $0xFFFFFFB0  }
0x1a7: {  	_ =	swait.ge [sflag:s24], $0x2800  }
0x1a8: {  	[sflag:s24] =	ssyncset.done $0x0  }
0x1a9: {  	[sflag:s24] =	ssyncadd.s32 $0xFFFFD800  }
0x1aa: {  	[tilespmem:s2], [sflag:$0x11] =	stream.indirect.gather [hbm4b:s1+s0], $0x80, s29, s0, $0xb8;
	[tilespmem:$0x1E800] =	vst v63  }
0x1ab: {  	_ =	swait.ge [sflag:s25], $0x2800  }
0x1ac: {  	[sflag:s25] =	ssyncset.done $0x0  }
0x1ad: {  	s30 =	simm.s32 $0x500;
	s13 =	rddreg [dreg:$0xb];
	[sflag:s25] =	ssyncadd.s32 $0xFFFFD800  }
0x1ae: {  	[spmem:s3] =	stream.indirect.scatter.add.f32 [tilespmem:s15], [sflag:$0x17], $0x80, s30, s0, $0xb8;
	[tilespmem:$0x1E800] =	vst v63  }
0x1af: {  	s28 =	simm.s32 $0x300;
	s22 =	rddreg [dreg:$0xa];
	s8 =	sadd.s32 s31, s13  }
0x1b0: {  	[tilespmem:s28], [sflag:$0x7] =	stream.linear.gather [hbm4b:s8+s4], $0x50, $0x38;
	[tilespmem:$0x1E800] =	vst v63  }
0x1b1: {  	s13 =	sadd.s32 s31, s22;
	s22 =	simm.s32 $0x700  }
0x1b2: {  	[tilespmem:s22], [sflag:$0xF] =	stream.linear.gather [hbm4b:s13+s4], $0x50, $0x38;
	[tilespmem:$0x1E800] =	vst v63  }
0x1b3: {  	s13 =	simm.s32 $0x6  }
0x1b4: {  	_ =	swait.ge [sflag:s13], $0x50  }
0x1b5: {  	[sflag:s13] =	ssyncset.done $0x0  }
0x1b6: {  	[sflag:s13] =	ssyncadd.s32 $0xFFFFFFB0;
	s13 =	simm.s32 $0xE  }
0x1b7: {  	_ =	swait.ge [sflag:s13], $0x50  }
0x1b8: {  	[sflag:s13] =	ssyncset.done $0x0  }
0x1b9: {  	[sflag:s13] =	ssyncadd.s32 $0xFFFFFFB0  }
0x1ba: {  	_ =	swait.ge [sflag:s12], $0x2800  }
0x1bb: {  	[sflag:s12] =	ssyncset.done $0x0  }
0x1bc: {  	[sflag:s12] =	ssyncadd.s32 $0xFFFFD800  }
0x1bd: {  	[tilespmem:s10], [sflag:$0x12] =	stream.indirect.gather [hbm4b:s1+s0], $0x80, s26, s0, $0xb8;
	[tilespmem:$0x1E800] =	vst v63  }
0x1be: {  	_ =	swait.ge [sflag:s17], $0x2800  }
0x1bf: {  	[sflag:s17] =	ssyncset.done $0x0  }
0x1c0: {  	s5 =	simm.s32 $0x580;
	s26 =	rddreg [dreg:$0x9];
	[sflag:s17] =	ssyncadd.s32 $0xFFFFD800  }
0x1c1: {  	[spmem:s3] =	stream.indirect.scatter.add.f32 [tilespmem:s21], [sflag:$0x18], $0x80, s5, s0, $0xb8;
	[tilespmem:$0x1E800] =	vst v63  }
0x1c2: {  	s13 =	rddreg [dreg:$0x8];
	s8 =	sadd.s32 s31, s26;
	s26 =	simm.s32 $0x380  }
0x1c3: {  	[tilespmem:s26], [sflag:$0x8] =	stream.linear.gather [hbm4b:s8+s4], $0x50, $0x38;
	[tilespmem:$0x1E800] =	vst v63  }
0x1c4: {  	s5 =	sadd.s32 s31, s13;
	s13 =	simm.s32 $0x780  }
0x1c5: {  	[tilespmem:s13], [sflag:$0x10] =	stream.linear.gather [hbm4b:s5+s4], $0x50, $0x38;
	[tilespmem:$0x1E800] =	vst v63  }
0x1c6: {  	s5 =	simm.s32 $0x7  }
0x1c7: {  	_ =	swait.ge [sflag:s5], $0x50  }
0x1c8: {  	[sflag:s5] =	ssyncset.done $0x0  }
0x1c9: {  	s13 =	simm.s32 $0xF;
	[sflag:s5] =	ssyncadd.s32 $0xFFFFFFB0  }
0x1ca: {  	_ =	swait.ge [sflag:s13], $0x50  }
0x1cb: {  	[sflag:s13] =	ssyncset.done $0x0  }
0x1cc: {  	s5 =	simm.s32 $0x17;
	[sflag:s13] =	ssyncadd.s32 $0xFFFFFFB0  }
0x1cd: {  	_ =	swait.ge [sflag:s5], $0x2800  }
0x1ce: {  	[sflag:s5] =	ssyncset.done $0x0  }
0x1cf: {  	[sflag:s5] =	ssyncadd.s32 $0xFFFFD800  }
0x1d0: {  	[tilespmem:s15], [sflag:$0x13] =	stream.indirect.gather [hbm4b:s1+s0], $0x80, s28, s0, $0xb8;
	[tilespmem:$0x1E800] =	vst v63  }
0x1d1: {  	_ =	swait.ge [sflag:s16], $0x2800  }
0x1d2: {  	s7 =	sshrl.u32 s7, $0x3;
	[sflag:s16] =	ssyncset.done $0x0  }
0x1d3: {  	s28 =	simm.s32 $0x600;
	s13 =	rddreg [dreg:$0x12];
	[sflag:s16] =	ssyncadd.s32 $0xFFFFD800  }
0x1d4: {  	[spmem:s3] =	stream.indirect.scatter.add.f32 [tilespmem:s2], [sflag:$0x15], $0x80, s28, s0, $0xb8;
	[tilespmem:$0x1E800] =	vst v63  }
0x1d5: {  	s8 =	sadd.s32 s13, s7;
	s28 =	rddreg [dreg:$0x13]  }
0x1d6: {  	[tilespmem:s4], [sflag:$0x1] =	stream.linear.gather [hbm4b:s8+s4], $0x50, $0x38;
	[tilespmem:$0x1E800] =	vst v63  }
0x1d7: {  	s13 =	simm.s32 $0x400;
	s7 =	sadd.s32 s28, s7;
	s28 =	simm.s32 $0x8  }
0x1d8: {  	[tilespmem:s13], [sflag:$0x9] =	stream.linear.gather [hbm4b:s7+s4], $0x50, $0x38;
	[tilespmem:$0x1E800] =	vst v63  }
0x1d9: {  	_ =	swait.ge [sflag:s28], $0x50  }
0x1da: {  	[sflag:s28] =	ssyncset.done $0x0  }
0x1db: {  	s8 =	simm.s32 $0x10;
	[sflag:s28] =	ssyncadd.s32 $0xFFFFFFB0  }
0x1dc: {  	_ =	swait.ge [sflag:s8], $0x50  }
0x1dd: {  	[sflag:s8] =	ssyncset.done $0x0  }
0x1de: {  	s28 =	simm.s32 $0x18;
	[sflag:s8] =	ssyncadd.s32 $0xFFFFFFB0  }
0x1df: {  	_ =	swait.ge [sflag:s28], $0x2800  }
0x1e0: {  	[sflag:s28] =	ssyncset.done $0x0  }
0x1e1: {  	[sflag:s28] =	ssyncadd.s32 $0xFFFFD800  }
0x1e2: {  	[tilespmem:s21], [sflag:$0x14] =	stream.indirect.gather [hbm4b:s1+s0], $0x80, s26, s0, $0xb8;
	[tilespmem:$0x1E800] =	vst v63  }
0x1e3: {  	_ =	swait.ge [sflag:s9], $0x2800  }
0x1e4: {  	[sflag:s9] =	ssyncset.done $0x0  }
0x1e5: {  	s13 =	rddreg [dreg:$0x5];
	[sflag:s9] =	ssyncadd.s32 $0xFFFFD800  }
0x1e6: {  	[spmem:s3] =	stream.indirect.scatter.add.f32 [tilespmem:s10], [sflag:$0x16], $0x80, s20, s0, $0xb8;
	[tilespmem:$0x1E800] =	vst v63  }
0x1e7: {  	s26 =	rddreg [dreg:$0x4];
	s7 =	sadd.s32 s31, s13;
	s13 =	simm.s32 $0x80  }
0x1e8: {  	[tilespmem:s13], [sflag:$0x2] =	stream.linear.gather [hbm4b:s7+s4], $0x50, $0x38;
	[tilespmem:$0x1E800] =	vst v63  }
0x1e9: {  	s20 =	sadd.s32 s31, s26;
	s26 =	simm.s32 $0x480  }
0x1ea: {  	[tilespmem:s26], [sflag:$0xA] =	stream.linear.gather [hbm4b:s20+s4], $0x50, $0x38;
	[tilespmem:$0x1E800] =	vst v63  }
0x1eb: {  	s20 =	simm.s32 $0x1  }
0x1ec: {  	_ =	swait.ge [sflag:s20], $0x50  }
0x1ed: {  	[sflag:s20] =	ssyncset.done $0x0  }
0x1ee: {  	s26 =	simm.s32 $0x9;
	[sflag:s20] =	ssyncadd.s32 $0xFFFFFFB0  }
0x1ef: {  	_ =	swait.ge [sflag:s26], $0x50  }
0x1f0: {  	[sflag:s26] =	ssyncset.done $0x0  }
0x1f1: {  	[sflag:s26] =	ssyncadd.s32 $0xFFFFFFB0  }
0x1f2: {  	_ =	swait.ge [sflag:s24], $0x2800  }
0x1f3: {  	[sflag:s24] =	ssyncset.done $0x0  }
0x1f4: {  	[sflag:s24] =	ssyncadd.s32 $0xFFFFD800  }
0x1f5: {  	[tilespmem:s2], [sflag:$0x11] =	stream.indirect.gather [hbm4b:s1+s0], $0x80, s4, s0, $0xb8;
	[tilespmem:$0x1E800] =	vst v63  }
0x1f6: {  	_ =	swait.ge [sflag:s25], $0x2800  }
0x1f7: {  	[sflag:s25] =	ssyncset.done $0x0  }
0x1f8: {  	s8 =	rddreg [dreg:$0x7];
	[sflag:s25] =	ssyncadd.s32 $0xFFFFD800  }
0x1f9: {  	[spmem:s3] =	stream.indirect.scatter.add.f32 [tilespmem:s15], [sflag:$0x17], $0x80, s22, s0, $0xb8;
	[tilespmem:$0x1E800] =	vst v63  }
0x1fa: {  	s20 =	rddreg [dreg:$0x6];
	s7 =	sadd.s32 s31, s8;
	s22 =	simm.s32 $0x100  }
0x1fb: {  	[tilespmem:s22], [sflag:$0x3] =	stream.linear.gather [hbm4b:s7+s4], $0x50, $0x38;
	[tilespmem:$0x1E800] =	vst v63  }
0x1fc: {  	s26 =	sadd.s32 s31, s20;
	s31 =	simm.s32 $0x2  }
0x1fd: {  	[tilespmem:s30], [sflag:$0xB] =	stream.linear.gather [hbm4b:s26+s4], $0x50, $0x38;
	[tilespmem:$0x1E800] =	vst v63  }
0x1fe: {  	_ =	swait.ge [sflag:s31], $0x50  }
0x1ff: {  	[sflag:s31] =	ssyncset.done $0x0  }
0x200: {  	s8 =	simm.s32 $0xA;
	[sflag:s31] =	ssyncadd.s32 $0xFFFFFFB0  }
0x201: {  	_ =	swait.ge [sflag:s8], $0x50  }
0x202: {  	[sflag:s8] =	ssyncset.done $0x0  }
0x203: {  	[sflag:s8] =	ssyncadd.s32 $0xFFFFFFB0  }
0x204: {  	_ =	swait.ge [sflag:s12], $0x2800  }
0x205: {  	[sflag:s12] =	ssyncset.done $0x0  }
0x206: {  	[sflag:s12] =	ssyncadd.s32 $0xFFFFD800  }
0x207: {  	[tilespmem:s10], [sflag:$0x12] =	stream.indirect.gather [hbm4b:s1+s0], $0x80, s13, s0, $0xb8;
	[tilespmem:$0x1E800] =	vst v63  }
0x208: {  	_ =	swait.ge [sflag:s17], $0x2800  }
0x209: {  	[sflag:s17] =	ssyncset.done $0x0  }
0x20a: {  	s20 =	simm.s32 $0x780;
	[sflag:s17] =	ssyncadd.s32 $0xFFFFD800  }
0x20b: {  	[spmem:s3] =	stream.indirect.scatter.add.f32 [tilespmem:s21], [sflag:$0x18], $0x80, s20, s0, $0xb8;
	[tilespmem:$0x1E800] =	vst v63  }
0x20c: {  	s8 =	simm.s32 $0x180;
	s31 =	rddreg [dreg:$0x1d]  }
0x20d: {  	[tilespmem:s8], [sflag:$0x4] =	stream.linear.gather [hbm4b:s31+s4], $0x50, $0x38;
	[tilespmem:$0x1E800] =	vst v63  }
0x20e: {  	s13 =	rddreg [dreg:$0x1e];
	s31 =	simm.s32 $0x580  }
0x20f: {  	[tilespmem:s31], [sflag:$0xC] =	stream.linear.gather [hbm4b:s13+s4], $0x50, $0x38;
	[tilespmem:$0x1E800] =	vst v63  }
0x210: {  	_ =	swait.ge [sflag:s18], $0x50  }
0x211: {  	[sflag:s18] =	ssyncset.done $0x0  }
0x212: {  	[sflag:s18] =	ssyncadd.s32 $0xFFFFFFB0  }
0x213: {  	_ =	swait.ge [sflag:s19], $0x50  }
0x214: {  	[sflag:s19] =	ssyncset.done $0x0  }
0x215: {  	[sflag:s19] =	ssyncadd.s32 $0xFFFFFFB0  }
0x216: {  	_ =	swait.ge [sflag:s5], $0x2800  }
0x217: {  	[sflag:s5] =	ssyncset.done $0x0  }
0x218: {  	[sflag:s5] =	ssyncadd.s32 $0xFFFFD800  }
0x219: {  	[tilespmem:s15], [sflag:$0x13] =	stream.indirect.gather [hbm4b:s1+s0], $0x80, s22, s0, $0xb8;
	[tilespmem:$0x1E800] =	vst v63  }
0x21a: {  	_ =	swait.ge [sflag:s16], $0x2800  }
0x21b: {  	[sflag:s16] =	ssyncset.done $0x0  }
0x21c: {  	s13 =	simm.s32 $0x400;
	s18 =	rddreg [dreg:$0x1f];
	[sflag:s16] =	ssyncadd.s32 $0xFFFFD800  }
0x21d: {  	[spmem:s3] =	stream.indirect.scatter.add.f32 [tilespmem:s2], [sflag:$0x15], $0x80, s13, s0, $0xb8;
	[tilespmem:$0x1E800] =	vst v63  }
0x21e: {  	s19 =	sld [smem:$0x7FA]  }
0x21f: {  	[tilespmem:s29], [sflag:$0x5] =	stream.linear.gather [hbm4b:s18+s4], $0x50, $0x38;
	[tilespmem:$0x1E800] =	vst v63  }
0x220: {  	s22 =	simm.s32 $0x600  }
0x221: {  	[tilespmem:s22], [sflag:$0xD] =	stream.linear.gather [hbm4b:s19+s4], $0x50, $0x38;
	[tilespmem:$0x1E800] =	vst v63  }
0x222: {  	_ =	swait.ge [sflag:s23], $0x50  }
0x223: {  	[sflag:s23] =	ssyncset.done $0x0  }
0x224: {  	[sflag:s23] =	ssyncadd.s32 $0xFFFFFFB0  }
0x225: {  	_ =	swait.ge [sflag:s14], $0x50  }
0x226: {  	[sflag:s14] =	ssyncset.done $0x0  }
0x227: {  	[sflag:s14] =	ssyncadd.s32 $0xFFFFFFB0  }
0x228: {  	_ =	swait.ge [sflag:s28], $0x2800  }
0x229: {  	[sflag:s28] =	ssyncset.done $0x0  }
0x22a: {  	[sflag:s28] =	ssyncadd.s32 $0xFFFFD800  }
0x22b: {  	[tilespmem:s21], [sflag:$0x14] =	stream.indirect.gather [hbm4b:s1+s0], $0x80, s8, s0, $0xb8;
	[tilespmem:$0x1E800] =	vst v63  }
0x22c: {  	_ =	swait.ge [sflag:s9], $0x2800  }
0x22d: {  	[sflag:s9] =	ssyncset.done $0x0  }
0x22e: {  	s23 =	simm.s32 $0x480;
	[sflag:s9] =	ssyncadd.s32 $0xFFFFD800  }
0x22f: {  	[spmem:s3] =	stream.indirect.scatter.add.f32 [tilespmem:s10], [sflag:$0x16], $0x80, s23, s0, $0xb8;
	[tilespmem:$0x1E800] =	vst v63  }
0x230: {  	_ =	swait.ge [sflag:s11], $0x50  }
0x231: {  	[sflag:s11] =	ssyncset.done $0x0  }
0x232: {  	[sflag:s11] =	ssyncadd.s32 $0xFFFFFFB0  }
0x233: {  	_ =	swait.ge [sflag:s6], $0x50  }
0x234: {  	[sflag:s6] =	ssyncset.done $0x0  }
0x235: {  	[sflag:s6] =	ssyncadd.s32 $0xFFFFFFB0  }
0x236: {  	_ =	swait.ge [sflag:s24], $0x2800  }
0x237: {  	[sflag:s24] =	ssyncset.done $0x0  }
0x238: {  	[sflag:s24] =	ssyncadd.s32 $0xFFFFD800  }
0x239: {  	[tilespmem:s2], [sflag:$0x11] =	stream.indirect.gather [hbm4b:s1+s0], $0x80, s29, s0, $0xb8;
	[tilespmem:$0x1E800] =	vst v63  }
0x23a: {  	_ =	swait.ge [sflag:s25], $0x2800  }
0x23b: {  	[sflag:s25] =	ssyncset.done $0x0  }
0x23c: {  	[sflag:s25] =	ssyncadd.s32 $0xFFFFD800  }
0x23d: {  	[spmem:s3] =	stream.indirect.scatter.add.f32 [tilespmem:s15], [sflag:$0x17], $0x80, s30, s0, $0xb8;
	[tilespmem:$0x1E800] =	vst v63  }
0x23e: {  	_ =	swait.ge [sflag:s17], $0x2800  }
0x23f: {  	[sflag:s17] =	ssyncset.done $0x0  }
0x240: {  	[sflag:s17] =	ssyncadd.s32 $0xFFFFD800  }
0x241: {  	[spmem:s3] =	stream.indirect.scatter.add.f32 [tilespmem:s21], [sflag:$0x18], $0x80, s31, s0, $0xb8;
	[tilespmem:$0x1E800] =	vst v63  }
0x242: {  	_ =	swait.ge [sflag:s16], $0x2800  }
0x243: {  	[sflag:s16] =	ssyncset.done $0x0  }
0x244: {  	[sflag:s16] =	ssyncadd.s32 $0xFFFFD800  }
0x245: {  	[spmem:s3] =	stream.indirect.scatter.add.f32 [tilespmem:s2], [sflag:$0x15], $0x80, s22, s0, $0xb8;
	[tilespmem:$0x1E800] =	vst v63  }
0x246: {  	_ =	swait.ge [sflag:s24], $0x2800  }
0x247: {  	[sflag:s24] =	ssyncset.done $0x0  }
0x248: {  	[sflag:s24] =	ssyncadd.s32 $0xFFFFD800  }
0x249: {  	_ =	swait.ge [sflag:s12], $0x2800  }
0x24a: {  	[sflag:s12] =	ssyncset.done $0x0  }
0x24b: {  	[sflag:s12] =	ssyncadd.s32 $0xFFFFD800  }
0x24c: {  	_ =	swait.ge [sflag:s5], $0x2800  }
0x24d: {  	[sflag:s5] =	ssyncset.done $0x0  }
0x24e: {  	[sflag:s5] =	ssyncadd.s32 $0xFFFFD800  }
0x24f: {  	_ =	swait.ge [sflag:s28], $0x2800  }
0x250: {  	[sflag:s28] =	ssyncset.done $0x0  }
0x251: {  	[sflag:s28] =	ssyncadd.s32 $0xFFFFD800  }
0x252: {  	[bflag:$0x0] =	sbarrier.arrive $0xFFFF  }
0x253: {  	s28 =	sld [smem:$0x7FB]  }
0x254: {  	s29 =	sld [smem:$0x7F9];
	_ =	sdelay $0x1  }
0x255: {  	s8 =	simm.s32 $0x19;
	s13 =	rddreg [dreg:$0x16]  }
0x256: {  	[hbm:s28], [sflag:s13] =	dma.local [spmem:s29], $0x2800  }
0x257: {  	_ =	swait.ge [sflag:s8], $0x2800  }
0x258: {  	s30 =	sld [smem:$0x7F8]  }
0x259: {  	s31 =	sld [smem:$0x7FC];
	_ =	sdelay $0x1  }
0x25a: {  	s5 =	sadd.s32 $0x1, s30  }
0x25b: {  	p0 =	sne.s32 s5, s31  }
.Ltmp1:
0x25c: {  	_ = 	snop;
	(pc) =	sbr.rel @p0 .LBB2_1-.Ltmp1, $3  }
0x25d: {  	_ =	sdelay $0x1  }
0x25e: {  	[sflag:s8] =	ssyncset.done $0x0  }
0x25f: {  	s26 =	simm.s32 $0x780;
	[sflag:s8] =	ssyncadd.s32 $0xFFFFD800  }
0x260: {  	_ =	sfence.sel $0x180000  }
0x261: {  	[bflag:$0x0] =	sbarrier.arrive $0xFFFF  }
0x262: {  	_ =	strace $0x9000004D  }
0x263: {  	s0 =	stileid.u32;
	[bflag:$0x2] =	sbarrier.arrive $0xFFFF  }
0x264: {  	p0 =	sne.s32 s0, $0x0;
	s0 =	rddreg [dreg:$0x3]  }
0x265: {  	s0 =	sadd.s32 @!p0 $0x100000, s0  }
0x266: {  	[sflag:s0] =	ssyncadd.tile.s32 @!p0 $0x1;
	_ =	shalt  }
.Lfunc_end2:
_tile_overlayer_lowered:
.L_overlay_start_2:
0x267: {  	(tag) =	ssettag $0x2  }
0x268: {  	s0 =	rddreg [dreg:$0x0];
	s2 =	stileid.u32  }
0x269: {  	s1 =	rddreg [dreg:$0x1];
	p0 =	sne.s32 s2, $0x0  }
0x26a: {  	s3 =	rddreg [dreg:$0x2];
	[bflag:$0x3] =	sbarrier.arrive $0xFFFF;
	s2 =	simm.s32 @!p0 $0x1C19  }
0x26b: {  	[timem:s3], [sflag:s2] =	dma.local @!p0 [hbm:s0], s1  }
0x26c: {  	s0 =	simm.s32 @!p0 $0x19  }
0x26d: {  	_ =	swait.ge @!p0 [sflag:s0], s1  }
0x26e: {  	s1 =	ssub.s32 @!p0 $0x0, s1;
	[sflag:s0] =	ssyncset.done @!p0 $0x0  }
0x26f: {  	[sflag:s0] =	ssyncadd.s32 @!p0 s1  }
0x270: {  	[bflag:$0x3] =	sbarrier.arrive $0xFFFF  }
0x271: {  	_ =	shalt  }

// kernel: kernel.18.cloned.1.call-start
scs
__scs_entry_jumppad:
0x0: {  	(pc) =	sbr.rel $0x88, $3  }
0x1: {  	(tag) =	ssettag $0x0;
	lr =	simm.s32 $0x1  }
0x2: {  	[smem:$0x3F92] =	sst lr;
	_ =	strace $0xD0000000  }
0x3: {  	_ = 	snop  }
0x4: {  	_ = 	snop  }
0x5: {  	_ = 	snop  }
0x6: {  	_ = 	snop  }
0x7: {  	_ = 	snop  }
__scs_overlays_trampoline_lowered:
0x8: {  	[smem:$0x3FA1] =	sst s0  }
0x9: {  	[smem:$0x3FA2] =	sst s1  }
0xa: {  	[smem:$0x3FA3] =	sst s2  }
0xb: {  	[smem:$0x3FA4] =	sst s3  }
0xc: {  	[smem:$0x3FA5] =	sst s4  }
0xd: {  	[smem:$0x3FA6] =	sst s5  }
0xe: {  	[smem:$0x3FA7] =	sst s6  }
0xf: {  	[smem:$0x3FA8] =	sst s7  }
0x10: {  	[smem:$0x3FA9] =	sst s8  }
0x11: {  	[smem:$0x3FAA] =	sst s9;
	s0 =	simm.s32 @!p0 $0x0  }
0x12: {  	s1 =	sld [smem:$0x3F90];
	s0 =	simm.s32 @p0 $0x1  }
0x13: {  	[smem:$0x3FAB] =	sst s0;
	s0 =	simm.s32 @!p1 $0x0  }
0x14: {  	s2 =	sld [smem:$0x3F8F];
	s0 =	simm.s32 @p1 $0x1  }
0x15: {  	[smem:$0x3FAC] =	sst s0;
	s0 =	simm.s32 @!p2 $0x0  }
0x16: {  	s3 =	sld [smem:$0x3FDB];
	s0 =	simm.s32 @p2 $0x1  }
0x17: {  	s4 =	simm.s32 $0x1BF5;
	[smem:$0x3FAE] =	sst s0  }
0x18: {  	s0 =	sld [smem:$0x3F91];
	_ =	swait.ge [sflag:s4], $0x0  }
0x19: {  	s7 =	sld [smem:$0x3F92]  }
0x1a: {  	s8 =	sadd.s32 $0xFFFFE003, lr  }
0x1b: {  	s9 =	sadd.s32 $0xFFFFFEF7, lr;
	s5 =	simm.s32 $0xFFFFFFFF;
	p2 =	slt.u32 s8, $0xFFFFF086  }
0x1c: {  	p1 =	slt.u32 s9, $0xF7A;
	s5 =	simm.s32 @!p2 $0x0  }
0x1d: {  	s5 =	simm.s32 @p1 $0x1;
	p0 =	seq.s32 s7, s2  }
0x1e: {  	s7 =	smul.u32 @!p0 $0xF7A, s2;
	p2 =	seq.s32 @!p0 s5, $0x0  }
0x1f: {  	s9 =	smul.u32 $0xF7A, s1;
	s8 =	simm.s32 @!p0 $0x1BF5;
	p2 =	por !p2, p0  }
0x20: {  	[sflag:s8] =	ssyncset.s32 @!p0 $0xFFFFF086;
	s6 =	sadd.s32 @!p0 s3, s7;
	s7 =	simm.s32 @!p0 $0x108  }
0x21: {  	s3 =	sadd.s32 s3, s9;
	s6 =	sadd.s32 @!p0 $0x88, s6;
	s7 =	simm.s32 @p2 $0x1082  }
0x22: {  	[simem:s7], [sflag:s8] =	dma.local @!p0 [hbm:s6], $0xF7A  }
0x23: {  	s9 =	sor.u32 $0xD0000000, s2;
	s6 =	simm.s32 $0x108;
	_ =	swait.ge @!p0 [sflag:s8], $0x0  }
0x24: {  	s3 =	sadd.s32 $0x88, s3;
	s6 =	simm.s32 @!p1 $0x1082;
	[sflag:s4] =	ssyncset.s32 $0xFFFFF086  }
0x25: {  	[simem:s6], [sflag:s4] =	dma.local [hbm:s3], $0xF7A  }
0x26: {  	[smem:$0x3F92] =	sst s1;
	(tag) =	ssettag s2;
	_ =	strace s9  }
0x27: {  	s1 =	sld [smem:$0x3FA2]  }
0x28: {  	s2 =	sld [smem:$0x3FA3]  }
0x29: {  	s4 =	sld [smem:$0x3FA5]  }
0x2a: {  	p0 =	seq.s32 s5, $0x0;
	s5 =	sld [smem:$0x3FA6]  }
0x2b: {  	s6 =	sld [smem:$0x3FA7]  }
0x2c: {  	s7 =	sld [smem:$0x3FA8]  }
0x2d: {  	s3 =	simm.s32 $0x108;
	s8 =	sld [smem:$0x3FA9]  }
0x2e: {  	s3 =	simm.s32 @!p0 $0x1082;
	s9 =	sld [smem:$0x3FAA]  }
0x2f: {  	lr =	sadd.s32 s0, s3;
	s0 =	sld [smem:$0x3FA1]  }
0x30: {  	s3 =	sld [smem:$0x3FA4]  }
0x31: {  	[smem:$0x3FAD] =	sst s10  }
0x32: {  	s10 =	sld [smem:$0x3FAB];
	_ =	sdelay $0x3  }
0x33: {  	p0 =	seq.s32 s10, $0x1;
	s10 =	sld [smem:$0x3FAD];
	_ =	sdelay $0x3  }
0x34: {  	[smem:$0x3FAD] =	sst s10  }
0x35: {  	s10 =	sld [smem:$0x3FAC];
	_ =	sdelay $0x3  }
0x36: {  	p1 =	seq.s32 s10, $0x1;
	s10 =	sld [smem:$0x3FAD];
	_ =	sdelay $0x3  }
0x37: {  	[smem:$0x3FAD] =	sst s10  }
0x38: {  	s10 =	sld [smem:$0x3FAE]  }
0x39: {  	_ = 	snop;
	(pc) =	sbr.ind lr, $3  }
0x3a: {  	_ = 	snop  }
0x3b: {  	_ = 	snop  }
0x3c: {  	p2 =	seq.s32 s10, $0x1;
	s10 =	sld [smem:$0x3FAD]  }
0x3d: {  	_ =	shalt  }
0x3e: {  	_ =	shalt  }
0x3f: {  	_ =	shalt  }
0x40: {  	_ =	shalt  }
0x41: {  	_ =	shalt  }
0x42: {  	_ =	shalt  }
0x43: {  	_ =	shalt  }
0x44: {  	_ =	shalt  }
0x45: {  	_ =	shalt  }
0x46: {  	_ =	shalt  }
0x47: {  	_ =	shalt  }
0x48: {  	_ =	shalt  }
0x49: {  	_ =	shalt  }
0x4a: {  	_ =	shalt  }
0x4b: {  	_ =	shalt  }
0x4c: {  	_ =	shalt  }
0x4d: {  	_ =	shalt  }
0x4e: {  	_ =	shalt  }
0x4f: {  	_ =	shalt  }
0x50: {  	_ =	shalt  }
0x51: {  	_ =	shalt  }
0x52: {  	_ =	shalt  }
0x53: {  	_ =	shalt  }
0x54: {  	_ =	shalt  }
0x55: {  	_ =	shalt  }
0x56: {  	_ =	shalt  }
0x57: {  	_ =	shalt  }
0x58: {  	_ =	shalt  }
0x59: {  	_ =	shalt  }
0x5a: {  	_ =	shalt  }
0x5b: {  	_ =	shalt  }
0x5c: {  	_ =	shalt  }
0x5d: {  	_ =	shalt  }
0x5e: {  	_ =	shalt  }
0x5f: {  	_ =	shalt  }
0x60: {  	_ =	shalt  }
0x61: {  	_ =	shalt  }
0x62: {  	_ =	shalt  }
0x63: {  	_ =	shalt  }
0x64: {  	_ =	shalt  }
0x65: {  	_ =	shalt  }
0x66: {  	_ =	shalt  }
0x67: {  	_ =	shalt  }
0x68: {  	_ =	shalt  }
0x69: {  	_ =	shalt  }
0x6a: {  	_ =	shalt  }
0x6b: {  	_ =	shalt  }
0x6c: {  	_ =	shalt  }
0x6d: {  	_ =	shalt  }
0x6e: {  	_ =	shalt  }
0x6f: {  	_ =	shalt  }
0x70: {  	_ =	shalt  }
0x71: {  	_ =	shalt  }
0x72: {  	_ =	shalt  }
0x73: {  	_ =	shalt  }
0x74: {  	_ =	shalt  }
0x75: {  	_ =	shalt  }
0x76: {  	_ =	shalt  }
0x77: {  	_ =	shalt  }
0x78: {  	_ =	shalt  }
0x79: {  	_ =	shalt  }
0x7a: {  	_ =	shalt  }
0x7b: {  	_ =	shalt  }
0x7c: {  	_ =	shalt  }
0x7d: {  	_ =	shalt  }
0x7e: {  	_ =	shalt  }
0x7f: {  	_ =	shalt  }
0x80: {  	_ =	shalt  }
0x81: {  	_ =	shalt  }
0x82: {  	_ =	shalt  }
0x83: {  	_ =	shalt  }
0x84: {  	_ =	shalt  }
0x85: {  	_ =	shalt  }
0x86: {  	_ =	shalt  }
0x87: {  	_ =	shalt  }
.Lfunc_end0:
.L_simem_size_0:
called_computation.3_lowered:
.L_overlay_start_0:
0x88: {  	s2 =	sld [smem:$0x3FD9]  }
0x89: {  	s3 =	sld [smem:$0x3FFE];
	_ =	sdelay $0x1  }
0x8a: {  	s1 =	srdreg.scid  }
0x8b: {  	s0 =	sand.u32 $0x1, s1  }
0x8c: {  	s17 =	sshll.u32 s0, $0xA;
	s2 =	sadd.s32 s3, s2  }
0x8d: {  	s2 =	sadd.s32 s2, s17  }
0x8e: {  	[smem:$0x3FB9] =	sst s2  }
0x8f: {  	_ = 	snop  }
0x90: {  	s2 =	sld [smem:$0x3FD0];
	(tm) =	ssettm $0x1  }
0x91: {  	s18 =	sld [smem:$0x3FFB];
	_ =	sdelay $0x3  }
0x92: {  	_ =	strace s18  }
0x93: {  	s3 =	sld [smem:$0x3FFC];
	_ =	sdelay $0x3  }
0x94: {  	_ =	strace s3  }
0x95: {  	s3 =	sld [smem:$0x3FFD];
	_ =	sdelay $0x3  }
0x96: {  	_ =	strace s3  }
0x97: {  	_ =	strace $0x8FFFFFFF  }
0x98: {  	s19 =	sld [smem:$0x3FDB];
	_ =	sdelay $0x1  }
0x99: {  	s4 =	simm.s32 $_scs_section_size  }
0x9a: {  	s5 =	simm.s32 $_size__tile_overlayer_lowered;
	s6 =	simm.s32 $_tile_overlayer_lowered  }
0x9b: {  	s22 =	simm.s32 $0x1BFF;
	s21 =	sshll.u32 s6, $0x1;
	s3 =	sadd.s32 s4, s19  }
0x9c: {  	s7 =	simm.s32 $0x0;
	s20 =	sshll.u32 s5, $0x1;
	s5 =	sadd.s32 s21, s3  }
0x9d: {  	[timem:s7], [sflag:s22] =	dma.local [hbm:s5], s20  }
0x9e: {  	_ =	swait.ge [sflag:s22], s20  }
0x9f: {  	s4 =	ssub.s32 $0x0, s20;
	[sflag:s22] =	ssyncset.done $0x0  }
0xa0: {  	[sflag:s22] =	ssyncadd.s32 s4;
	_ =	sdelay $0x1  }
0xa1: {  	s23 =	simm.s32 $0x1B8B  }
0xa2: {  	_ =	swait.ge [sflag:s23], $0x1  }
0xa3: {  	[sflag:s23] =	ssyncset.done $0x0  }
0xa4: {  	s25 =	simm.s32 $0x1B8E;
	s24 =	sld [smem:$0x3FFE];
	[sflag:s23] =	ssyncadd.s32 $0xFFFFFFFF  }
0xa5: {  	s26 =	simm.s32 $execute0_lowered;
	[smem:$0x3FD2] =	sst s25  }
0xa6: {  	s5 =	sshll.u32 s26, $0x1;
	_ =	strace $0x8000004F;
	[dreg:$0x1] =	wrdreg $0xFFFFFFFF  }
0xa7: {  	s28 =	simm.s32 $_size_execute0_lowered;
	s3 =	sadd.s32 s3, s5;
	[dreg:$0x0] =	wrdreg $0x0  }
0xa8: {  	s5 =	sshll.u32 s28, $0x1;
	[dreg:$0x2] =	wrdreg s3  }
0xa9: {  	[dreg:$0x3] =	wrdreg s5  }
0xaa: {  	[dreg:$0x4] =	wrdreg $0xC0  }
0xab: {  	_ =	task [dreg:s7], $0x5FFFF  }
0xac: {  	[dreg:$0x1] =	wrdreg $0xFFFFFFFF  }
0xad: {  	[dreg:$0x0] =	wrdreg $0x60  }
0xae: {  	[dreg:$0x2] =	wrdreg s2  }
0xaf: {  	[dreg:$0x3] =	wrdreg s24  }
0xb0: {  	[dreg:$0x4] =	wrdreg $0xA8000  }
0xb1: {  	[dreg:$0x5] =	wrdreg $0x9  }
0xb2: {  	_ =	task.clear_ibuf [dreg:s7], $0x6FFFF;
	_ =	strace $0x9000004F  }
0xb3: {  	s29 =	simm.s32 $0x9;
	_ =	strace $0x80000051  }
0xb4: {  	_ =	swait.ge [sflag:s29], $0x1  }
0xb5: {  	[sflag:s29] =	ssyncadd.s32 $0xFFFFFFFF  }
0xb6: {  	_ =	strace $0x90000051  }
0xb7: {  	_ =	sfence  }
0xb8: {  	s30 =	sld [smem:$0x0];
	_ =	sdelay $0x2  }
0xb9: {  	s31 =	sshll.u32 s1, $0xD;
	s1 =	sshrl.u32 s1, $0x2  }
0xba: {  	s3 =	sand.u32 $0x4000, s31;
	s1 =	sadd.s32 s1, s30  }
0xbb: {  	s0 =	sor.u32 s3, s0;
	s1 =	sshll.u32 s1, $0x11  }
0xbc: {  	s0 =	sor.u32 s1, s0  }
0xbd: {  	s0 =	sadd.s32 $0x8F2B, s0  }
0xbe: {  	[sflag:s0] =	ssyncadd.remote.s32 $0x1  }
0xbf: {  	_ =	sfence.sel $0xFFFF  }
0xc0: {  	[dreg:$0x0] =	wrdreg $0xFFFFFFFF;
	(pc) =	sbr.abs _section_cstart, $3  }
0xc1: {  	[dreg:$0x1] =	wrdreg $0xFFFFFFFF  }
0xc2: {  	_ =	task.clear_ibuf [dreg:s7], $0x2FFFF;
	_ =	strace $0x9FFFFFFF  }
0xc3: {  	(tm) =	ssettm $0x7FFFFFFF  }
tec
execute0_lowered:
.L_overlay_start_1:
0x0: {  	(tag) =	ssettag $0x1  }
0x1: {  	s1 =	rddreg [dreg:$0x0]  }
0x2: {  	s0 =	rddreg [dreg:$0x1]  }
0x3: {  	s3 =	rddreg [dreg:$0x2]  }
0x4: {  	s2 =	srdreg.scid;
	s9 =	stileid.u32;
	s4 =	simm.s32 $0x0  }
0x5: {  	s5 =	sand.u32 $0x1, s2;
	s28 =	smul.u32 $0x2800, s9;
	[smem:$0x7FF] =	sst s4  }
0x6: {  	s10 =	sadd.s32 $0xD400, s0;
	s11 =	sadd.s32 $0x3600, s0;
	s8 =	smul.u32 $0x50000, s9  }
0x7: {  	s7 =	sadd.s32 $0x17200, s0;
	s13 =	sshll.u32 s9, $0x6;
	s6 =	smul.u32 $0x28000, s5  }
0x8: {  	_ =	strace $0x80000050;
	[dreg:$0x14] =	wrdreg s7;
	s29 =	sshll.u32 s5, $0x4  }
0x9: {  	s30 =	ssub.s32 $0x2, s5;
	s13 =	sor.u32 $0x1C19, s13;
	[dreg:$0x13] =	wrdreg s11  }
0xa: {  	s5 =	smul.u32 $0x27100, s5;
	[dreg:$0x12] =	wrdreg s10;
	s31 =	sshrl.u32 s30, $0x1  }
0xb: {  	s12 =	sshrl.u32 s8, $0x2;
	[dreg:$0x16] =	wrdreg s13;
	s2 =	sadd.s32 s28, s6  }
0xc: {  	s6 =	sor.u32 s9, s29;
	s7 =	sadd.s32 s12, s3;
	s9 =	smul.u32 $0x2710, s9  }
0xd: {  	s0 =	sadd.s32 s2, s0;
	s6 =	smul.u32 $0x2710, s6;
	s2 =	ssub.s32 s30, s31  }
0xe: {  	[dreg:$0x15] =	wrdreg s7;
	s5 =	sadd.s32 s9, s5;
	s0 =	sadd.s32 $0x19A00, s0  }
0xf: {  	s2 =	smax.u32 s2, $0x1;
	s6 =	sshrl.u32 s6, $0x3;
	[smem:$0x7FB] =	sst s0  }
0x10: {  	s31 =	sadd.s32 $0x230, s5;
	[smem:$0x7FC] =	sst s2;
	s14 =	sadd.s32 s10, s6  }
0x11: {  	s15 =	sadd.s32 s11, s6;
	s16 =	sadd.s32 $0xA, s6;
	[dreg:$0x17] =	wrdreg s14  }
0x12: {  	s8 =	sshrl.u32 s31, $0x3;
	s31 =	sadd.s32 $0x280, s5;
	[dreg:$0x18] =	wrdreg s15  }
0x13: {  	s12 =	sadd.s32 s10, s16;
	[smem:$0x7FD] =	sst s31  }
0x14: {  	s17 =	sadd.s32 $0x14, s6;
	s7 =	sadd.s32 s11, s16;
	[dreg:$0x19] =	wrdreg s12  }
0x15: {  	s22 =	sadd.s32 $0x2D0, s5;
	s18 =	sadd.s32 s10, s17;
	[dreg:$0x1a] =	wrdreg s7  }
0x16: {  	s20 =	sadd.s32 $0x4CE, s6;
	s19 =	sadd.s32 s11, s17;
	[dreg:$0x1b] =	wrdreg s18  }
0x17: {  	s6 =	sadd.s32 $0x4D8, s6;
	s21 =	sadd.s32 s10, s20;
	[dreg:$0x1c] =	wrdreg s19  }
0x18: {  	s26 =	sadd.s32 $0x320, s5;
	s23 =	sadd.s32 s10, s6;
	[dreg:$0x1d] =	wrdreg s21  }
0x19: {  	s24 =	sshrl.u32 s22, $0x3;
	s6 =	sadd.s32 s11, s6;
	[dreg:$0x1f] =	wrdreg s23  }
0x1a: {  	s0 =	simm.s32 $0x50;
	s25 =	sadd.s32 s24, s11;
	[smem:$0x7FA] =	sst s6  }
0x1b: {  	s29 =	sshrl.u32 s26, $0x3;
	s28 =	sadd.s32 s24, s10;
	[dreg:$0x4] =	wrdreg s25  }
0x1c: {  	s2 =	simm.s32 $0x800;
	s30 =	sadd.s32 s29, s11;
	[dreg:$0x5] =	wrdreg s28  }
0x1d: {  	s9 =	sadd.s32 s8, s11;
	s14 =	sadd.s32 s8, s10;
	[dreg:$0x6] =	wrdreg s30  }
0x1e: {  	s17 =	sadd.s32 $0x190, s5;
	s8 =	simm.s32 $0x19;
	[dreg:$0x8] =	wrdreg s9  }
0x1f: {  	s7 =	sadd.s32 s11, s20;
	s12 =	sadd.s32 $0x1E0, s5;
	[dreg:$0x9] =	wrdreg s14  }
0x20: {  	s19 =	sshrl.u32 s17, $0x3;
	s21 =	sadd.s32 $0x140, s5;
	s25 =	sadd.s32 $0xF0, s5  }
0x21: {  	s9 =	simm.s32 $0x12;
	[dreg:$0x1e] =	wrdreg s7;
	s7 =	sadd.s32 s29, s10  }
0x22: {  	s17 =	simm.s32 $0x14;
	s20 =	sadd.s32 s19, s11;
	[dreg:$0x7] =	wrdreg s7  }
0x23: {  	s15 =	sshrl.u32 s12, $0x3;
	s22 =	sadd.s32 s19, s10;
	[dreg:$0xc] =	wrdreg s20  }
0x24: {  	s5 =	simm.s32 $0x0;
	s16 =	sadd.s32 s15, s11;
	[dreg:$0xd] =	wrdreg s22  }
0x25: {  	s23 =	sshrl.u32 s21, $0x3;
	s18 =	sadd.s32 s15, s10;
	[dreg:$0xa] =	wrdreg s16  }
0x26: {  	s28 =	sshrl.u32 s25, $0x3;
	s24 =	sadd.s32 s23, s11;
	[dreg:$0xb] =	wrdreg s18  }
0x27: {  	s21 =	simm.s32 $0x8000;
	s26 =	sadd.s32 s23, s10;
	[dreg:$0xe] =	wrdreg s24  }
0x28: {  	s25 =	simm.s32 $0x13;
	s29 =	sadd.s32 s28, s11;
	[dreg:$0xf] =	wrdreg s26  }
0x29: {  	s12 =	simm.s32 $0x16;
	s30 =	sadd.s32 s28, s10;
	[dreg:$0x10] =	wrdreg s29  }
0x2a: {  	s10 =	simm.s32 $0x3000;
	s15 =	simm.s32 $0x5800;
	[dreg:$0x11] =	wrdreg s30  }
0x2b: {  	s16 =	simm.s32 $0x11;
	s24 =	simm.s32 $0x15;
	s26 =	simm.s32 $0x780  }
.LBB2_1:
0x2c: {  	[smem:$0x7F8] =	sst s5  }
0x2d: {  	s7 =	rddreg [dreg:$0x15]  }
0x2e: {  	s28 =	rddreg [dreg:$0x14];
	s23 =	sshrl.u32 s7, $0x3  }
0x2f: {  	[smem:$0x7F9] =	sst s23  }
0x30: {  	[spmem:s23], [sflag:s13] =	dma.local [hbm:s28], $0x2800  }
0x31: {  	_ =	swait.ge [sflag:s8], $0x2800  }
0x32: {  	[sflag:s8] =	ssyncset.done $0x0  }
0x33: {  	s29 =	rddreg [dreg:$0x17];
	[sflag:s8] =	ssyncadd.s32 $0xFFFFD800  }
0x34: {  	[tilespmem:s4], [sflag:$0x1] =	stream.linear.gather [hbm4b:s29+s4], $0x50, $0x38;
	[tilespmem:$0x1E800] =	vst v63  }
0x35: {  	s14 =	simm.s32 $0x400;
	s30 =	rddreg [dreg:$0x18]  }
0x36: {  	[tilespmem:s14], [sflag:$0x9] =	stream.linear.gather [hbm4b:s30+s4], $0x50, $0x38;
	[tilespmem:$0x1E800] =	vst v63  }
0x37: {  	s20 =	simm.s32 $0x80;
	s5 =	rddreg [dreg:$0x19]  }
0x38: {  	[tilespmem:s20], [sflag:$0x2] =	stream.linear.gather [hbm4b:s5+s4], $0x50, $0x38;
	[tilespmem:$0x1E800] =	vst v63  }
0x39: {  	s6 =	rddreg [dreg:$0x1a];
	s8 =	simm.s32 $0x480  }
0x3a: {  	[tilespmem:s8], [sflag:$0xA] =	stream.linear.gather [hbm4b:s6+s4], $0x50, $0x38;
	[tilespmem:$0x1E800] =	vst v63  }
0x3b: {  	s11 =	rddreg [dreg:$0x1b];
	s30 =	simm.s32 $0x100  }
0x3c: {  	[tilespmem:s30], [sflag:$0x3] =	stream.linear.gather [hbm4b:s11+s4], $0x50, $0x38;
	[tilespmem:$0x1E800] =	vst v63  }
0x3d: {  	s28 =	simm.s32 $0x500;
	s13 =	rddreg [dreg:$0x1c];
	s29 =	simm.s32 $0x1  }
0x3e: {  	[tilespmem:s28], [sflag:$0xB] =	stream.linear.gather [hbm4b:s13+s4], $0x50, $0x38;
	[tilespmem:$0x1E800] =	vst v63  }
0x3f: {  	_ =	swait.ge [sflag:s29], $0x50  }
0x40: {  	[sflag:s29] =	ssyncset.done $0x0  }
0x41: {  	s31 =	simm.s32 $0x9;
	[sflag:s29] =	ssyncadd.s32 $0xFFFFFFB0  }
0x42: {  	_ =	swait.ge [sflag:s31], $0x50  }
0x43: {  	[sflag:s31] =	ssyncset.done $0x0  }
0x44: {  	s11 =	simm.s32 $0x2;
	[sflag:s31] =	ssyncadd.s32 $0xFFFFFFB0  }
0x45: {  	[tilespmem:s2], [sflag:$0x11] =	stream.indirect.gather [hbm4b:s1+s0], $0x80, s4, s0, $0xb8;
	[tilespmem:$0x1E800] =	vst v63  }
0x46: {  	_ =	swait.ge [sflag:s11], $0x50  }
0x47: {  	[sflag:s11] =	ssyncset.done $0x0  }
0x48: {  	s6 =	simm.s32 $0xA;
	[sflag:s11] =	ssyncadd.s32 $0xFFFFFFB0  }
0x49: {  	_ =	swait.ge [sflag:s6], $0x50  }
0x4a: {  	[sflag:s6] =	ssyncset.done $0x0  }
0x4b: {  	[sflag:s6] =	ssyncadd.s32 $0xFFFFFFB0  }
0x4c: {  	[tilespmem:s10], [sflag:$0x12] =	stream.indirect.gather [hbm4b:s1+s0], $0x80, s20, s0, $0xb8;
	[tilespmem:$0x1E800] =	vst v63  }
0x4d: {  	[bflag:$0x0] =	sbarrier.arrive $0xFFFF  }
0x4e: {  	s19 =	rddreg [dreg:$0x11]  }
0x4f: {  	s22 =	rddreg [dreg:$0x10];
	s7 =	sadd.s32 $0x0, s19;
	s19 =	simm.s32 $0x180  }
0x50: {  	[tilespmem:s19], [sflag:$0x4] =	stream.linear.gather [hbm4b:s7+s4], $0x50, $0x38;
	[tilespmem:$0x1E800] =	vst v63  }
0x51: {  	s5 =	simm.s32 $0x3;
	s13 =	simm.s32 $0x580;
	s23 =	sadd.s32 $0x0, s22  }
0x52: {  	[tilespmem:s13], [sflag:$0xC] =	stream.linear.gather [hbm4b:s23+s4], $0x50, $0x38;
	[tilespmem:$0x1E800] =	vst v63  }
0x53: {  	_ =	swait.ge [sflag:s5], $0x50  }
0x54: {  	[sflag:s5] =	ssyncset.done $0x0  }
0x55: {  	s8 =	simm.s32 $0xB;
	[sflag:s5] =	ssyncadd.s32 $0xFFFFFFB0  }
0x56: {  	_ =	swait.ge [sflag:s8], $0x50  }
0x57: {  	p0 =	por $0x1, $0x1;
	[sflag:s8] =	ssyncset.done $0x0  }
0x58: {  	s7 =	simm.s32 @!p0 $0x17;
	[sflag:s8] =	ssyncadd.s32 $0xFFFFFFB0  }
0x59: {  	_ =	swait.ge @!p0 [sflag:s7], $0x2800  }
0x5a: {  	[sflag:s7] =	ssyncset.done @!p0 $0x0  }
0x5b: {  	[sflag:s7] =	ssyncadd.s32 @!p0 $0xFFFFD800  }
0x5c: {  	[tilespmem:s15], [sflag:$0x13] =	stream.indirect.gather [hbm4b:s1+s0], $0x80, s30, s0, $0xb8;
	[tilespmem:$0x1E800] =	vst v63  }
0x5d: {  	_ =	swait.ge [sflag:s16], $0x2800  }
0x5e: {  	[sflag:s16] =	ssyncset.done $0x0  }
0x5f: {  	s22 =	rddreg [dreg:$0xf];
	[sflag:s16] =	ssyncadd.s32 $0xFFFFD800  }
0x60: {  	[spmem:s3] =	stream.indirect.scatter.add.f32 [tilespmem:s2], [sflag:$0x15], $0x80, s14, s0, $0xb8;
	[tilespmem:$0x1E800] =	vst v63  }
0x61: {  	s5 =	simm.s32 $0x200;
	s23 =	rddreg [dreg:$0xe];
	s7 =	sadd.s32 $0x0, s22  }
0x62: {  	[tilespmem:s5], [sflag:$0x5] =	stream.linear.gather [hbm4b:s7+s4], $0x50, $0x38;
	[tilespmem:$0x1E800] =	vst v63  }
0x63: {  	s8 =	sadd.s32 $0x0, s23;
	s23 =	simm.s32 $0x600;
	s22 =	simm.s32 $0x4  }
0x64: {  	[tilespmem:s23], [sflag:$0xD] =	stream.linear.gather [hbm4b:s8+s4], $0x50, $0x38;
	[tilespmem:$0x1E800] =	vst v63  }
0x65: {  	_ =	swait.ge [sflag:s22], $0x50  }
0x66: {  	[sflag:s22] =	ssyncset.done $0x0  }
0x67: {  	s8 =	simm.s32 $0xC;
	[sflag:s22] =	ssyncadd.s32 $0xFFFFFFB0  }
0x68: {  	_ =	swait.ge [sflag:s8], $0x50  }
0x69: {  	[sflag:s8] =	ssyncset.done $0x0  }
0x6a: {  	s7 =	simm.s32 @!p0 $0x18;
	[sflag:s8] =	ssyncadd.s32 $0xFFFFFFB0  }
0x6b: {  	_ =	swait.ge @!p0 [sflag:s7], $0x2800  }
0x6c: {  	[sflag:s7] =	ssyncset.done @!p0 $0x0  }
0x6d: {  	[sflag:s7] =	ssyncadd.s32 @!p0 $0xFFFFD800  }
0x6e: {  	[tilespmem:s21], [sflag:$0x14] =	stream.indirect.gather [hbm4b:s1+s0], $0x80, s19, s0, $0xb8;
	[tilespmem:$0x1E800] =	vst v63  }
0x6f: {  	_ =	swait.ge [sflag:s9], $0x2800  }
0x70: {  	[sflag:s9] =	ssyncset.done $0x0  }
0x71: {  	s18 =	simm.s32 $0x480;
	s19 =	rddreg [dreg:$0xd];
	[sflag:s9] =	ssyncadd.s32 $0xFFFFD800  }
0x72: {  	[spmem:s3] =	stream.indirect.scatter.add.f32 [tilespmem:s10], [sflag:$0x16], $0x80, s18, s0, $0xb8;
	[tilespmem:$0x1E800] =	vst v63  }
0x73: {  	s22 =	rddreg [dreg:$0xc];
	s7 =	sadd.s32 $0x0, s19;
	s19 =	simm.s32 $0x280  }
0x74: {  	[tilespmem:s19], [sflag:$0x6] =	stream.linear.gather [hbm4b:s7+s4], $0x50, $0x38;
	[tilespmem:$0x1E800] =	vst v63  }
0x75: {  	s8 =	simm.s32 $0x5;
	s22 =	sadd.s32 $0x0, s22;
	s18 =	simm.s32 $0x680  }
0x76: {  	[tilespmem:s18], [sflag:$0xE] =	stream.linear.gather [hbm4b:s22+s4], $0x50, $0x38;
	[tilespmem:$0x1E800] =	vst v63  }
0x77: {  	_ =	swait.ge [sflag:s8], $0x50  }
0x78: {  	[sflag:s8] =	ssyncset.done $0x0  }
0x79: {  	s22 =	simm.s32 $0xD;
	[sflag:s8] =	ssyncadd.s32 $0xFFFFFFB0  }
0x7a: {  	_ =	swait.ge [sflag:s22], $0x50  }
0x7b: {  	[sflag:s22] =	ssyncset.done $0x0  }
0x7c: {  	[sflag:s22] =	ssyncadd.s32 $0xFFFFFFB0  }
0x7d: {  	_ =	swait.ge [sflag:s24], $0x2800  }
0x7e: {  	[sflag:s24] =	ssyncset.done $0x0  }
0x7f: {  	[sflag:s24] =	ssyncadd.s32 $0xFFFFD800  }
0x80: {  	[tilespmem:s2], [sflag:$0x11] =	stream.indirect.gather [hbm4b:s1+s0], $0x80, s5, s0, $0xb8;
	[tilespmem:$0x1E800] =	vst v63  }
0x81: {  	_ =	swait.ge [sflag:s25], $0x2800  }
0x82: {  	[sflag:s25] =	ssyncset.done $0x0  }
0x83: {  	s8 =	rddreg [dreg:$0xb];
	[sflag:s25] =	ssyncadd.s32 $0xFFFFD800  }
0x84: {  	[spmem:s3] =	stream.indirect.scatter.add.f32 [tilespmem:s15], [sflag:$0x17], $0x80, s28, s0, $0xb8;
	[tilespmem:$0x1E800] =	vst v63  }
0x85: {  	s5 =	simm.s32 $0x300;
	s22 =	rddreg [dreg:$0xa];
	s7 =	sadd.s32 $0x0, s8  }
0x86: {  	[tilespmem:s5], [sflag:$0x7] =	stream.linear.gather [hbm4b:s7+s4], $0x50, $0x38;
	[tilespmem:$0x1E800] =	vst v63  }
0x87: {  	s8 =	sadd.s32 $0x0, s22;
	s22 =	simm.s32 $0x700  }
0x88: {  	[tilespmem:s22], [sflag:$0xF] =	stream.linear.gather [hbm4b:s8+s4], $0x50, $0x38;
	[tilespmem:$0x1E800] =	vst v63  }
0x89: {  	s8 =	simm.s32 $0x6  }
0x8a: {  	_ =	swait.ge [sflag:s8], $0x50  }
0x8b: {  	[sflag:s8] =	ssyncset.done $0x0  }
0x8c: {  	[sflag:s8] =	ssyncadd.s32 $0xFFFFFFB0;
	s8 =	simm.s32 $0xE  }
0x8d: {  	_ =	swait.ge [sflag:s8], $0x50  }
0x8e: {  	[sflag:s8] =	ssyncset.done $0x0  }
0x8f: {  	[sflag:s8] =	ssyncadd.s32 $0xFFFFFFB0  }
0x90: {  	_ =	swait.ge [sflag:s12], $0x2800  }
0x91: {  	[sflag:s12] =	ssyncset.done $0x0  }
0x92: {  	[sflag:s12] =	ssyncadd.s32 $0xFFFFD800  }
0x93: {  	[tilespmem:s10], [sflag:$0x12] =	stream.indirect.gather [hbm4b:s1+s0], $0x80, s19, s0, $0xb8;
	[tilespmem:$0x1E800] =	vst v63  }
0x94: {  	_ =	swait.ge [sflag:s17], $0x2800  }
0x95: {  	[sflag:s17] =	ssyncset.done $0x0  }
0x96: {  	s8 =	rddreg [dreg:$0x9];
	[sflag:s17] =	ssyncadd.s32 $0xFFFFD800  }
0x97: {  	[spmem:s3] =	stream.indirect.scatter.add.f32 [tilespmem:s21], [sflag:$0x18], $0x80, s13, s0, $0xb8;
	[tilespmem:$0x1E800] =	vst v63  }
0x98: {  	s19 =	rddreg [dreg:$0x8];
	s7 =	sadd.s32 $0x0, s8;
	s13 =	simm.s32 $0x380  }
0x99: {  	[tilespmem:s13], [sflag:$0x8] =	stream.linear.gather [hbm4b:s7+s4], $0x50, $0x38;
	[tilespmem:$0x1E800] =	vst v63  }
0x9a: {  	s19 =	sadd.s32 $0x0, s19  }
0x9b: {  	[tilespmem:s26], [sflag:$0x10] =	stream.linear.gather [hbm4b:s19+s4], $0x50, $0x38;
	[tilespmem:$0x1E800] =	vst v63  }
0x9c: {  	s26 =	simm.s32 $0x7  }
0x9d: {  	_ =	swait.ge [sflag:s26], $0x50  }
0x9e: {  	[sflag:s26] =	ssyncset.done $0x0  }
0x9f: {  	s8 =	simm.s32 $0xF;
	[sflag:s26] =	ssyncadd.s32 $0xFFFFFFB0  }
0xa0: {  	_ =	swait.ge [sflag:s8], $0x50  }
0xa1: {  	[sflag:s8] =	ssyncset.done $0x0  }
0xa2: {  	s19 =	simm.s32 $0x17;
	[sflag:s8] =	ssyncadd.s32 $0xFFFFFFB0  }
0xa3: {  	_ =	swait.ge [sflag:s19], $0x2800  }
0xa4: {  	[sflag:s19] =	ssyncset.done $0x0  }
0xa5: {  	[sflag:s19] =	ssyncadd.s32 $0xFFFFD800  }
0xa6: {  	[tilespmem:s15], [sflag:$0x13] =	stream.indirect.gather [hbm4b:s1+s0], $0x80, s5, s0, $0xb8;
	[tilespmem:$0x1E800] =	vst v63  }
0xa7: {  	_ =	swait.ge [sflag:s16], $0x2800  }
0xa8: {  	[sflag:s16] =	ssyncset.done $0x0;
	s19 =	sld [smem:$0x7FD]  }
0xa9: {  	[sflag:s16] =	ssyncadd.s32 $0xFFFFD800  }
0xaa: {  	[spmem:s3] =	stream.indirect.scatter.add.f32 [tilespmem:s2], [sflag:$0x15], $0x80, s23, s0, $0xb8;
	[tilespmem:$0x1E800] =	vst v63  }
0xab: {  	s5 =	rddreg [dreg:$0x12];
	s26 =	sshrl.u32 s19, $0x3  }
0xac: {  	s23 =	rddreg [dreg:$0x13];
	s8 =	sadd.s32 s5, s26  }
0xad: {  	[tilespmem:s4], [sflag:$0x1] =	stream.linear.gather [hbm4b:s8+s4], $0x50, $0x38;
	[tilespmem:$0x1E800] =	vst v63  }
0xae: {  	s7 =	sadd.s32 s23, s26;
	s26 =	simm.s32 $0x8  }
0xaf: {  	[tilespmem:s14], [sflag:$0x9] =	stream.linear.gather [hbm4b:s7+s4], $0x50, $0x38;
	[tilespmem:$0x1E800] =	vst v63  }
0xb0: {  	_ =	swait.ge [sflag:s26], $0x50  }
0xb1: {  	[sflag:s26] =	ssyncset.done $0x0  }
0xb2: {  	s7 =	simm.s32 $0x10;
	[sflag:s26] =	ssyncadd.s32 $0xFFFFFFB0  }
0xb3: {  	_ =	swait.ge [sflag:s7], $0x50  }
0xb4: {  	[sflag:s7] =	ssyncset.done $0x0  }
0xb5: {  	s8 =	simm.s32 $0x18;
	[sflag:s7] =	ssyncadd.s32 $0xFFFFFFB0  }
0xb6: {  	_ =	swait.ge [sflag:s8], $0x2800  }
0xb7: {  	[sflag:s8] =	ssyncset.done $0x0  }
0xb8: {  	[sflag:s8] =	ssyncadd.s32 $0xFFFFD800  }
0xb9: {  	[tilespmem:s21], [sflag:$0x14] =	stream.indirect.gather [hbm4b:s1+s0], $0x80, s13, s0, $0xb8;
	[tilespmem:$0x1E800] =	vst v63  }
0xba: {  	_ =	swait.ge [sflag:s9], $0x2800  }
0xbb: {  	[sflag:s9] =	ssyncset.done $0x0  }
0xbc: {  	s13 =	rddreg [dreg:$0x5];
	[sflag:s9] =	ssyncadd.s32 $0xFFFFD800  }
0xbd: {  	[spmem:s3] =	stream.indirect.scatter.add.f32 [tilespmem:s10], [sflag:$0x16], $0x80, s18, s0, $0xb8;
	[tilespmem:$0x1E800] =	vst v63  }
0xbe: {  	s14 =	rddreg [dreg:$0x4];
	s7 =	sadd.s32 $0x0, s13  }
0xbf: {  	[tilespmem:s20], [sflag:$0x2] =	stream.linear.gather [hbm4b:s7+s4], $0x50, $0x38;
	[tilespmem:$0x1E800] =	vst v63  }
0xc0: {  	s23 =	simm.s32 $0x480;
	s18 =	sadd.s32 $0x0, s14  }
0xc1: {  	[tilespmem:s23], [sflag:$0xA] =	stream.linear.gather [hbm4b:s18+s4], $0x50, $0x38;
	[tilespmem:$0x1E800] =	vst v63  }
0xc2: {  	_ =	swait.ge [sflag:s29], $0x50  }
0xc3: {  	[sflag:s29] =	ssyncset.done $0x0  }
0xc4: {  	[sflag:s29] =	ssyncadd.s32 $0xFFFFFFB0  }
0xc5: {  	_ =	swait.ge [sflag:s31], $0x50  }
0xc6: {  	[sflag:s31] =	ssyncset.done $0x0  }
0xc7: {  	[sflag:s31] =	ssyncadd.s32 $0xFFFFFFB0  }
0xc8: {  	_ =	swait.ge [sflag:s24], $0x2800  }
0xc9: {  	[sflag:s24] =	ssyncset.done $0x0  }
0xca: {  	[sflag:s24] =	ssyncadd.s32 $0xFFFFD800  }
0xcb: {  	[tilespmem:s2], [sflag:$0x11] =	stream.indirect.gather [hbm4b:s1+s0], $0x80, s4, s0, $0xb8;
	[tilespmem:$0x1E800] =	vst v63  }
0xcc: {  	_ =	swait.ge [sflag:s25], $0x2800  }
0xcd: {  	[sflag:s25] =	ssyncset.done $0x0  }
0xce: {  	s26 =	rddreg [dreg:$0x7];
	[sflag:s25] =	ssyncadd.s32 $0xFFFFD800  }
0xcf: {  	[spmem:s3] =	stream.indirect.scatter.add.f32 [tilespmem:s15], [sflag:$0x17], $0x80, s22, s0, $0xb8;
	[tilespmem:$0x1E800] =	vst v63  }
0xd0: {  	s29 =	rddreg [dreg:$0x6];
	s7 =	sadd.s32 $0x0, s26  }
0xd1: {  	[tilespmem:s30], [sflag:$0x3] =	stream.linear.gather [hbm4b:s7+s4], $0x50, $0x38;
	[tilespmem:$0x1E800] =	vst v63  }
0xd2: {  	s30 =	sadd.s32 $0x0, s29  }
0xd3: {  	[tilespmem:s28], [sflag:$0xB] =	stream.linear.gather [hbm4b:s30+s4], $0x50, $0x38;
	[tilespmem:$0x1E800] =	vst v63  }
0xd4: {  	_ =	swait.ge [sflag:s11], $0x50  }
0xd5: {  	[sflag:s11] =	ssyncset.done $0x0  }
0xd6: {  	[sflag:s11] =	ssyncadd.s32 $0xFFFFFFB0  }
0xd7: {  	_ =	swait.ge [sflag:s6], $0x50  }
0xd8: {  	[sflag:s6] =	ssyncset.done $0x0  }
0xd9: {  	[sflag:s6] =	ssyncadd.s32 $0xFFFFFFB0  }
0xda: {  	_ =	swait.ge [sflag:s12], $0x2800  }
0xdb: {  	[sflag:s12] =	ssyncset.done $0x0  }
0xdc: {  	[sflag:s12] =	ssyncadd.s32 $0xFFFFD800  }
0xdd: {  	[tilespmem:s10], [sflag:$0x12] =	stream.indirect.gather [hbm4b:s1+s0], $0x80, s20, s0, $0xb8;
	[tilespmem:$0x1E800] =	vst v63  }
0xde: {  	s8 =	simm.s32 $0xA0;
	_ =	swait.ge [sflag:s17], $0x2800  }
0xdf: {  	s31 =	simm.s32 $0x50;
	s13 =	rddreg [dreg:$0x11];
	[sflag:s17] =	ssyncset.done $0x0  }
0xe0: {  	s7 =	sadd.s32 $0x280, s19;
	s14 =	rddreg [dreg:$0x10];
	[sflag:s17] =	ssyncadd.s32 $0xFFFFD800  }
.LBB2_2:
0xe1: {  	s30 =	simm.s32 $0x780  }
0xe2: {  	[spmem:s3] =	stream.indirect.scatter.add.f32 [tilespmem:s21], [sflag:$0x18], $0x80, s30, s0, $0xb8;
	[tilespmem:$0x1E800] =	vst v63  }
0xe3: {  	s19 =	sadd.s32 s31, s13;
	s5 =	simm.s32 $0x180  }
0xe4: {  	[tilespmem:s5], [sflag:$0x4] =	stream.linear.gather [hbm4b:s19+s4], $0x50, $0x38;
	[tilespmem:$0x1E800] =	vst v63  }
0xe5: {  	s14 =	sadd.s32 s31, s14;
	s11 =	simm.s32 $0x580;
	s6 =	simm.s32 $0x3  }
0xe6: {  	[tilespmem:s11], [sflag:$0xC] =	stream.linear.gather [hbm4b:s14+s4], $0x50, $0x38;
	[tilespmem:$0x1E800] =	vst v63  }
0xe7: {  	_ =	swait.ge [sflag:s6], $0x50  }
0xe8: {  	[sflag:s6] =	ssyncset.done $0x0  }
0xe9: {  	s28 =	simm.s32 $0xB;
	[sflag:s6] =	ssyncadd.s32 $0xFFFFFFB0  }
0xea: {  	_ =	swait.ge [sflag:s28], $0x50  }
0xeb: {  	p1 =	seq.s32 s31, $0x0;
	[sflag:s28] =	ssyncset.done $0x0  }
0xec: {  	s14 =	simm.s32 @!p1 $0x17;
	[sflag:s28] =	ssyncadd.s32 $0xFFFFFFB0  }
0xed: {  	_ =	swait.ge @!p1 [sflag:s14], $0x2800  }
0xee: {  	[sflag:s14] =	ssyncset.done @!p1 $0x0  }
0xef: {  	s6 =	simm.s32 $0x100;
	[sflag:s14] =	ssyncadd.s32 @!p1 $0xFFFFD800  }
0xf0: {  	[tilespmem:s15], [sflag:$0x13] =	stream.indirect.gather [hbm4b:s1+s0], $0x80, s6, s0, $0xb8;
	[tilespmem:$0x1E800] =	vst v63  }
0xf1: {  	_ =	swait.ge [sflag:s16], $0x2800  }
0xf2: {  	[sflag:s16] =	ssyncset.done $0x0  }
0xf3: {  	s20 =	simm.s32 $0x400;
	s29 =	rddreg [dreg:$0xf];
	[sflag:s16] =	ssyncadd.s32 $0xFFFFD800  }
0xf4: {  	[spmem:s3] =	stream.indirect.scatter.add.f32 [tilespmem:s2], [sflag:$0x15], $0x80, s20, s0, $0xb8;
	[tilespmem:$0x1E800] =	vst v63  }
0xf5: {  	s18 =	rddreg [dreg:$0xe];
	s14 =	sadd.s32 s31, s29;
	s29 =	simm.s32 $0x200  }
0xf6: {  	[tilespmem:s29], [sflag:$0x5] =	stream.linear.gather [hbm4b:s14+s4], $0x50, $0x38;
	[tilespmem:$0x1E800] =	vst v63  }
0xf7: {  	s23 =	simm.s32 $0x600;
	s22 =	simm.s32 $0x4;
	s19 =	sadd.s32 s31, s18  }
0xf8: {  	[tilespmem:s23], [sflag:$0xD] =	stream.linear.gather [hbm4b:s19+s4], $0x50, $0x38;
	[tilespmem:$0x1E800] =	vst v63  }
0xf9: {  	_ =	swait.ge [sflag:s22], $0x50  }
0xfa: {  	[sflag:s22] =	ssyncset.done $0x0  }
0xfb: {  	s26 =	simm.s32 $0xC;
	[sflag:s22] =	ssyncadd.s32 $0xFFFFFFB0  }
0xfc: {  	_ =	swait.ge [sflag:s26], $0x50  }
0xfd: {  	[sflag:s26] =	ssyncset.done $0x0  }
0xfe: {  	s14 =	simm.s32 @!p1 $0x18;
	[sflag:s26] =	ssyncadd.s32 $0xFFFFFFB0  }
0xff: {  	_ =	swait.ge @!p1 [sflag:s14], $0x2800  }
0x100: {  	[sflag:s14] =	ssyncset.done @!p1 $0x0  }
0x101: {  	[sflag:s14] =	ssyncadd.s32 @!p1 $0xFFFFD800  }
0x102: {  	[tilespmem:s21], [sflag:$0x14] =	stream.indirect.gather [hbm4b:s1+s0], $0x80, s5, s0, $0xb8;
	[tilespmem:$0x1E800] =	vst v63  }
0x103: {  	_ =	swait.ge [sflag:s9], $0x2800  }
0x104: {  	[sflag:s9] =	ssyncset.done $0x0  }
0x105: {  	s5 =	simm.s32 $0x480;
	s28 =	rddreg [dreg:$0xd];
	[sflag:s9] =	ssyncadd.s32 $0xFFFFD800  }
0x106: {  	[spmem:s3] =	stream.indirect.scatter.add.f32 [tilespmem:s10], [sflag:$0x16], $0x80, s5, s0, $0xb8;
	[tilespmem:$0x1E800] =	vst v63  }
0x107: {  	s26 =	simm.s32 $0x280;
	s18 =	rddreg [dreg:$0xc];
	s14 =	sadd.s32 s31, s28  }
0x108: {  	[tilespmem:s26], [sflag:$0x6] =	stream.linear.gather [hbm4b:s14+s4], $0x50, $0x38;
	[tilespmem:$0x1E800] =	vst v63  }
0x109: {  	s22 =	simm.s32 $0x5;
	s19 =	sadd.s32 s31, s18;
	s18 =	simm.s32 $0x680  }
0x10a: {  	[tilespmem:s18], [sflag:$0xE] =	stream.linear.gather [hbm4b:s19+s4], $0x50, $0x38;
	[tilespmem:$0x1E800] =	vst v63  }
0x10b: {  	_ =	swait.ge [sflag:s22], $0x50  }
0x10c: {  	[sflag:s22] =	ssyncset.done $0x0  }
0x10d: {  	s28 =	simm.s32 $0xD;
	[sflag:s22] =	ssyncadd.s32 $0xFFFFFFB0  }
0x10e: {  	_ =	swait.ge [sflag:s28], $0x50  }
0x10f: {  	[sflag:s28] =	ssyncset.done $0x0  }
0x110: {  	[sflag:s28] =	ssyncadd.s32 $0xFFFFFFB0  }
0x111: {  	_ =	swait.ge [sflag:s24], $0x2800  }
0x112: {  	[sflag:s24] =	ssyncset.done $0x0  }
0x113: {  	[sflag:s24] =	ssyncadd.s32 $0xFFFFD800  }
0x114: {  	[tilespmem:s2], [sflag:$0x11] =	stream.indirect.gather [hbm4b:s1+s0], $0x80, s29, s0, $0xb8;
	[tilespmem:$0x1E800] =	vst v63  }
0x115: {  	_ =	swait.ge [sflag:s25], $0x2800  }
0x116: {  	[sflag:s25] =	ssyncset.done $0x0  }
0x117: {  	s29 =	simm.s32 $0x500;
	s19 =	rddreg [dreg:$0xb];
	[sflag:s25] =	ssyncadd.s32 $0xFFFFD800  }
0x118: {  	[spmem:s3] =	stream.indirect.scatter.add.f32 [tilespmem:s15], [sflag:$0x17], $0x80, s29, s0, $0xb8;
	[tilespmem:$0x1E800] =	vst v63  }
0x119: {  	s28 =	simm.s32 $0x300;
	s22 =	rddreg [dreg:$0xa];
	s14 =	sadd.s32 s31, s19  }
0x11a: {  	[tilespmem:s28], [sflag:$0x7] =	stream.linear.gather [hbm4b:s14+s4], $0x50, $0x38;
	[tilespmem:$0x1E800] =	vst v63  }
0x11b: {  	s19 =	sadd.s32 s31, s22;
	s22 =	simm.s32 $0x700  }
0x11c: {  	[tilespmem:s22], [sflag:$0xF] =	stream.linear.gather [hbm4b:s19+s4], $0x50, $0x38;
	[tilespmem:$0x1E800] =	vst v63  }
0x11d: {  	s19 =	simm.s32 $0x6  }
0x11e: {  	_ =	swait.ge [sflag:s19], $0x50  }
0x11f: {  	[sflag:s19] =	ssyncset.done $0x0  }
0x120: {  	[sflag:s19] =	ssyncadd.s32 $0xFFFFFFB0;
	s19 =	simm.s32 $0xE  }
0x121: {  	_ =	swait.ge [sflag:s19], $0x50  }
0x122: {  	[sflag:s19] =	ssyncset.done $0x0  }
0x123: {  	[sflag:s19] =	ssyncadd.s32 $0xFFFFFFB0  }
0x124: {  	_ =	swait.ge [sflag:s12], $0x2800  }
0x125: {  	[sflag:s12] =	ssyncset.done $0x0  }
0x126: {  	[sflag:s12] =	ssyncadd.s32 $0xFFFFD800  }
0x127: {  	[tilespmem:s10], [sflag:$0x12] =	stream.indirect.gather [hbm4b:s1+s0], $0x80, s26, s0, $0xb8;
	[tilespmem:$0x1E800] =	vst v63  }
0x128: {  	_ =	swait.ge [sflag:s17], $0x2800  }
0x129: {  	[sflag:s17] =	ssyncset.done $0x0  }
0x12a: {  	s19 =	rddreg [dreg:$0x9];
	[sflag:s17] =	ssyncadd.s32 $0xFFFFD800  }
0x12b: {  	[spmem:s3] =	stream.indirect.scatter.add.f32 [tilespmem:s21], [sflag:$0x18], $0x80, s11, s0, $0xb8;
	[tilespmem:$0x1E800] =	vst v63  }
0x12c: {  	s26 =	rddreg [dreg:$0x8];
	s14 =	sadd.s32 s31, s19;
	s11 =	simm.s32 $0x380  }
0x12d: {  	[tilespmem:s11], [sflag:$0x8] =	stream.linear.gather [hbm4b:s14+s4], $0x50, $0x38;
	[tilespmem:$0x1E800] =	vst v63  }
0x12e: {  	s19 =	sadd.s32 s31, s26;
	s26 =	simm.s32 $0x7  }
0x12f: {  	[tilespmem:s30], [sflag:$0x10] =	stream.linear.gather [hbm4b:s19+s4], $0x50, $0x38;
	[tilespmem:$0x1E800] =	vst v63  }
0x130: {  	_ =	swait.ge [sflag:s26], $0x50  }
0x131: {  	[sflag:s26] =	ssyncset.done $0x0  }
0x132: {  	s30 =	simm.s32 $0xF;
	[sflag:s26] =	ssyncadd.s32 $0xFFFFFFB0  }
0x133: {  	_ =	swait.ge [sflag:s30], $0x50  }
0x134: {  	[sflag:s30] =	ssyncset.done $0x0  }
0x135: {  	s19 =	simm.s32 $0x17;
	[sflag:s30] =	ssyncadd.s32 $0xFFFFFFB0  }
0x136: {  	_ =	swait.ge [sflag:s19], $0x2800  }
0x137: {  	[sflag:s19] =	ssyncset.done $0x0  }
0x138: {  	[sflag:s19] =	ssyncadd.s32 $0xFFFFD800  }
0x139: {  	[tilespmem:s15], [sflag:$0x13] =	stream.indirect.gather [hbm4b:s1+s0], $0x80, s28, s0, $0xb8;
	[tilespmem:$0x1E800] =	vst v63  }
0x13a: {  	_ =	swait.ge [sflag:s16], $0x2800  }
0x13b: {  	[sflag:s16] =	ssyncset.done $0x0  }
0x13c: {  	s26 =	sshrl.u32 s7, $0x3;
	s28 =	rddreg [dreg:$0x12];
	[sflag:s16] =	ssyncadd.s32 $0xFFFFD800  }
0x13d: {  	[spmem:s3] =	stream.indirect.scatter.add.f32 [tilespmem:s2], [sflag:$0x15], $0x80, s23, s0, $0xb8;
	[tilespmem:$0x1E800] =	vst v63  }
0x13e: {  	s30 =	rddreg [dreg:$0x13];
	s19 =	sadd.s32 s28, s26  }
0x13f: {  	[tilespmem:s4], [sflag:$0x1] =	stream.linear.gather [hbm4b:s19+s4], $0x50, $0x38;
	[tilespmem:$0x1E800] =	vst v63  }
0x140: {  	s14 =	sadd.s32 s30, s26  }
0x141: {  	[tilespmem:s20], [sflag:$0x9] =	stream.linear.gather [hbm4b:s14+s4], $0x50, $0x38;
	[tilespmem:$0x1E800] =	vst v63  }
0x142: {  	s20 =	simm.s32 $0x8  }
0x143: {  	_ =	swait.ge [sflag:s20], $0x50  }
0x144: {  	[sflag:s20] =	ssyncset.done $0x0  }
0x145: {  	s23 =	simm.s32 $0x10;
	[sflag:s20] =	ssyncadd.s32 $0xFFFFFFB0  }
0x146: {  	_ =	swait.ge [sflag:s23], $0x50  }
0x147: {  	[sflag:s23] =	ssyncset.done $0x0  }
0x148: {  	s26 =	simm.s32 $0x18;
	[sflag:s23] =	ssyncadd.s32 $0xFFFFFFB0  }
0x149: {  	_ =	swait.ge [sflag:s26], $0x2800  }
0x14a: {  	[sflag:s26] =	ssyncset.done $0x0  }
0x14b: {  	[sflag:s26] =	ssyncadd.s32 $0xFFFFD800  }
0x14c: {  	[tilespmem:s21], [sflag:$0x14] =	stream.indirect.gather [hbm4b:s1+s0], $0x80, s11, s0, $0xb8;
	[tilespmem:$0x1E800] =	vst v63  }
0x14d: {  	_ =	swait.ge [sflag:s9], $0x2800  }
0x14e: {  	[sflag:s9] =	ssyncset.done $0x0  }
0x14f: {  	s28 =	rddreg [dreg:$0x5];
	[sflag:s9] =	ssyncadd.s32 $0xFFFFD800  }
0x150: {  	[spmem:s3] =	stream.indirect.scatter.add.f32 [tilespmem:s10], [sflag:$0x16], $0x80, s18, s0, $0xb8;
	[tilespmem:$0x1E800] =	vst v63  }
0x151: {  	s20 =	simm.s32 $0x80;
	s30 =	rddreg [dreg:$0x4];
	s14 =	sadd.s32 s31, s28  }
0x152: {  	[tilespmem:s20], [sflag:$0x2] =	stream.linear.gather [hbm4b:s14+s4], $0x50, $0x38;
	[tilespmem:$0x1E800] =	vst v63  }
0x153: {  	s11 =	sadd.s32 s31, s30;
	s18 =	simm.s32 $0x1  }
0x154: {  	[tilespmem:s5], [sflag:$0xA] =	stream.linear.gather [hbm4b:s11+s4], $0x50, $0x38;
	[tilespmem:$0x1E800] =	vst v63  }
0x155: {  	_ =	swait.ge [sflag:s18], $0x50  }
0x156: {  	[sflag:s18] =	ssyncset.done $0x0  }
0x157: {  	s19 =	simm.s32 $0x9;
	[sflag:s18] =	ssyncadd.s32 $0xFFFFFFB0  }
0x158: {  	_ =	swait.ge [sflag:s19], $0x50  }
0x159: {  	[sflag:s19] =	ssyncset.done $0x0  }
0x15a: {  	[sflag:s19] =	ssyncadd.s32 $0xFFFFFFB0  }
0x15b: {  	_ =	swait.ge [sflag:s24], $0x2800  }
0x15c: {  	[sflag:s24] =	ssyncset.done $0x0  }
0x15d: {  	[sflag:s24] =	ssyncadd.s32 $0xFFFFD800  }
0x15e: {  	[tilespmem:s2], [sflag:$0x11] =	stream.indirect.gather [hbm4b:s1+s0], $0x80, s4, s0, $0xb8;
	[tilespmem:$0x1E800] =	vst v63  }
0x15f: {  	_ =	swait.ge [sflag:s25], $0x2800  }
0x160: {  	[sflag:s25] =	ssyncset.done $0x0  }
0x161: {  	s23 =	rddreg [dreg:$0x7];
	[sflag:s25] =	ssyncadd.s32 $0xFFFFD800  }
0x162: {  	[spmem:s3] =	stream.indirect.scatter.add.f32 [tilespmem:s15], [sflag:$0x17], $0x80, s22, s0, $0xb8;
	[tilespmem:$0x1E800] =	vst v63  }
0x163: {  	s26 =	rddreg [dreg:$0x6];
	s14 =	sadd.s32 s31, s23  }
0x164: {  	[tilespmem:s6], [sflag:$0x3] =	stream.linear.gather [hbm4b:s14+s4], $0x50, $0x38;
	[tilespmem:$0x1E800] =	vst v63  }
0x165: {  	s28 =	sadd.s32 s31, s26  }
0x166: {  	[tilespmem:s29], [sflag:$0xB] =	stream.linear.gather [hbm4b:s28+s4], $0x50, $0x38;
	[tilespmem:$0x1E800] =	vst v63  }
0x167: {  	s29 =	simm.s32 $0x2  }
0x168: {  	_ =	swait.ge [sflag:s29], $0x50  }
0x169: {  	[sflag:s29] =	ssyncset.done $0x0  }
0x16a: {  	s30 =	simm.s32 $0xA;
	[sflag:s29] =	ssyncadd.s32 $0xFFFFFFB0  }
0x16b: {  	_ =	swait.ge [sflag:s30], $0x50  }
0x16c: {  	[sflag:s30] =	ssyncset.done $0x0  }
0x16d: {  	[sflag:s30] =	ssyncadd.s32 $0xFFFFFFB0  }
0x16e: {  	s13 =	smov.u32 s8;
	s8 =	sadd.s32 $0x50, s8;
	_ =	swait.ge [sflag:s12], $0x2800  }
0x16f: {  	p0 =	sne.s32 s8, $0x4B0;
	[sflag:s12] =	ssyncset.done $0x0  }
.Ltmp0:
0x170: {  	[sflag:s12] =	ssyncadd.s32 $0xFFFFD800;
	(pc) =	sbr.rel @p0 .LBB2_2-.Ltmp0, $4  }
0x171: {  	[tilespmem:s10], [sflag:$0x12] =	stream.indirect.gather [hbm4b:s1+s0], $0x80, s20, s0, $0xb8;
	[tilespmem:$0x1E800] =	vst v63  }
0x172: {  	_ =	swait.ge [sflag:s17], $0x2800  }
0x173: {  	s31 =	smov.u32 s13;
	s13 =	rddreg [dreg:$0x11];
	[sflag:s17] =	ssyncset.done $0x0  }
0x174: {  	s7 =	sadd.s32 $0x280, s7;
	s14 =	rddreg [dreg:$0x10];
	[sflag:s17] =	ssyncadd.s32 $0xFFFFD800  }
0x175: {  	s5 =	simm.s32 $0x780  }
0x176: {  	[spmem:s3] =	stream.indirect.scatter.add.f32 [tilespmem:s21], [sflag:$0x18], $0x80, s5, s0, $0xb8;
	[tilespmem:$0x1E800] =	vst v63  }
0x177: {  	s8 =	sadd.s32 s31, s13;
	s30 =	simm.s32 $0x180  }
0x178: {  	[tilespmem:s30], [sflag:$0x4] =	stream.linear.gather [hbm4b:s8+s4], $0x50, $0x38;
	[tilespmem:$0x1E800] =	vst v63  }
0x179: {  	s6 =	simm.s32 $0x580;
	s18 =	simm.s32 $0x3;
	s5 =	sadd.s32 s31, s14  }
0x17a: {  	[tilespmem:s6], [sflag:$0xC] =	stream.linear.gather [hbm4b:s5+s4], $0x50, $0x38;
	[tilespmem:$0x1E800] =	vst v63  }
0x17b: {  	_ =	swait.ge [sflag:s18], $0x50  }
0x17c: {  	[sflag:s18] =	ssyncset.done $0x0  }
0x17d: {  	s19 =	simm.s32 $0xB;
	[sflag:s18] =	ssyncadd.s32 $0xFFFFFFB0  }
0x17e: {  	_ =	swait.ge [sflag:s19], $0x50  }
0x17f: {  	p0 =	seq.s32 s31, $0x0;
	[sflag:s19] =	ssyncset.done $0x0  }
0x180: {  	s8 =	simm.s32 @!p0 $0x17;
	[sflag:s19] =	ssyncadd.s32 $0xFFFFFFB0  }
0x181: {  	_ =	swait.ge @!p0 [sflag:s8], $0x2800  }
0x182: {  	[sflag:s8] =	ssyncset.done @!p0 $0x0  }
0x183: {  	s6 =	simm.s32 $0x100;
	[sflag:s8] =	ssyncadd.s32 @!p0 $0xFFFFD800  }
0x184: {  	[tilespmem:s15], [sflag:$0x13] =	stream.indirect.gather [hbm4b:s1+s0], $0x80, s6, s0, $0xb8;
	[tilespmem:$0x1E800] =	vst v63  }
0x185: {  	_ =	swait.ge [sflag:s16], $0x2800  }
0x186: {  	[sflag:s16] =	ssyncset.done $0x0  }
0x187: {  	s20 =	simm.s32 $0x400;
	s13 =	rddreg [dreg:$0xf];
	[sflag:s16] =	ssyncadd.s32 $0xFFFFD800  }
0x188: {  	[spmem:s3] =	stream.indirect.scatter.add.f32 [tilespmem:s2], [sflag:$0x15], $0x80, s20, s0, $0xb8;
	[tilespmem:$0x1E800] =	vst v63  }
0x189: {  	s29 =	simm.s32 $0x200;
	s14 =	rddreg [dreg:$0xe];
	s8 =	sadd.s32 s31, s13  }
0x18a: {  	[tilespmem:s29], [sflag:$0x5] =	stream.linear.gather [hbm4b:s8+s4], $0x50, $0x38;
	[tilespmem:$0x1E800] =	vst v63  }
0x18b: {  	s23 =	simm.s32 $0x600;
	s22 =	sadd.s32 s31, s14  }
0x18c: {  	[tilespmem:s23], [sflag:$0xD] =	stream.linear.gather [hbm4b:s22+s4], $0x50, $0x38;
	[tilespmem:$0x1E800] =	vst v63  }
0x18d: {  	s23 =	simm.s32 $0x4  }
0x18e: {  	_ =	swait.ge [sflag:s23], $0x50  }
0x18f: {  	[sflag:s23] =	ssyncset.done $0x0  }
0x190: {  	s14 =	simm.s32 $0xC;
	[sflag:s23] =	ssyncadd.s32 $0xFFFFFFB0  }
0x191: {  	_ =	swait.ge [sflag:s14], $0x50  }
0x192: {  	[sflag:s14] =	ssyncset.done $0x0  }
0x193: {  	s8 =	simm.s32 @!p0 $0x18;
	[sflag:s14] =	ssyncadd.s32 $0xFFFFFFB0  }
0x194: {  	_ =	swait.ge @!p0 [sflag:s8], $0x2800  }
0x195: {  	[sflag:s8] =	ssyncset.done @!p0 $0x0  }
0x196: {  	s11 =	simm.s32 $0x180;
	[sflag:s8] =	ssyncadd.s32 @!p0 $0xFFFFD800  }
0x197: {  	[tilespmem:s21], [sflag:$0x14] =	stream.indirect.gather [hbm4b:s1+s0], $0x80, s11, s0, $0xb8;
	[tilespmem:$0x1E800] =	vst v63  }
0x198: {  	_ =	swait.ge [sflag:s9], $0x2800  }
0x199: {  	[sflag:s9] =	ssyncset.done $0x0  }
0x19a: {  	s30 =	simm.s32 $0x480;
	s26 =	rddreg [dreg:$0xd];
	[sflag:s9] =	ssyncadd.s32 $0xFFFFD800  }
0x19b: {  	[spmem:s3] =	stream.indirect.scatter.add.f32 [tilespmem:s10], [sflag:$0x16], $0x80, s30, s0, $0xb8;
	[tilespmem:$0x1E800] =	vst v63  }
0x19c: {  	s28 =	rddreg [dreg:$0xc];
	s8 =	sadd.s32 s31, s26;
	s26 =	simm.s32 $0x280  }
0x19d: {  	[tilespmem:s26], [sflag:$0x6] =	stream.linear.gather [hbm4b:s8+s4], $0x50, $0x38;
	[tilespmem:$0x1E800] =	vst v63  }
0x19e: {  	s20 =	simm.s32 $0x680;
	s11 =	sadd.s32 s31, s28  }
0x19f: {  	[tilespmem:s20], [sflag:$0xE] =	stream.linear.gather [hbm4b:s11+s4], $0x50, $0x38;
	[tilespmem:$0x1E800] =	vst v63  }
0x1a0: {  	s11 =	simm.s32 $0x5  }
0x1a1: {  	_ =	swait.ge [sflag:s11], $0x50  }
0x1a2: {  	[sflag:s11] =	ssyncset.done $0x0  }
0x1a3: {  	s6 =	simm.s32 $0xD;
	[sflag:s11] =	ssyncadd.s32 $0xFFFFFFB0  }
0x1a4: {  	_ =	swait.ge [sflag:s6], $0x50  }
0x1a5: {  	[sflag:s6] =	ssyncset.done $0x0  }
0x1a6: {  	[sflag:s6] =	ssyncadd.s32 $0xFFFFFFB0  }
0x1a7: {  	_ =	swait.ge [sflag:s24], $0x2800  }
0x1a8: {  	[sflag:s24] =	ssyncset.done $0x0  }
0x1a9: {  	[sflag:s24] =	ssyncadd.s32 $0xFFFFD800  }
0x1aa: {  	[tilespmem:s2], [sflag:$0x11] =	stream.indirect.gather [hbm4b:s1+s0], $0x80, s29, s0, $0xb8;
	[tilespmem:$0x1E800] =	vst v63  }
0x1ab: {  	_ =	swait.ge [sflag:s25], $0x2800  }
0x1ac: {  	[sflag:s25] =	ssyncset.done $0x0  }
0x1ad: {  	s30 =	simm.s32 $0x500;
	s13 =	rddreg [dreg:$0xb];
	[sflag:s25] =	ssyncadd.s32 $0xFFFFD800  }
0x1ae: {  	[spmem:s3] =	stream.indirect.scatter.add.f32 [tilespmem:s15], [sflag:$0x17], $0x80, s30, s0, $0xb8;
	[tilespmem:$0x1E800] =	vst v63  }
0x1af: {  	s28 =	simm.s32 $0x300;
	s22 =	rddreg [dreg:$0xa];
	s8 =	sadd.s32 s31, s13  }
0x1b0: {  	[tilespmem:s28], [sflag:$0x7] =	stream.linear.gather [hbm4b:s8+s4], $0x50, $0x38;
	[tilespmem:$0x1E800] =	vst v63  }
0x1b1: {  	s13 =	sadd.s32 s31, s22;
	s22 =	simm.s32 $0x700  }
0x1b2: {  	[tilespmem:s22], [sflag:$0xF] =	stream.linear.gather [hbm4b:s13+s4], $0x50, $0x38;
	[tilespmem:$0x1E800] =	vst v63  }
0x1b3: {  	s13 =	simm.s32 $0x6  }
0x1b4: {  	_ =	swait.ge [sflag:s13], $0x50  }
0x1b5: {  	[sflag:s13] =	ssyncset.done $0x0  }
0x1b6: {  	[sflag:s13] =	ssyncadd.s32 $0xFFFFFFB0;
	s13 =	simm.s32 $0xE  }
0x1b7: {  	_ =	swait.ge [sflag:s13], $0x50  }
0x1b8: {  	[sflag:s13] =	ssyncset.done $0x0  }
0x1b9: {  	[sflag:s13] =	ssyncadd.s32 $0xFFFFFFB0  }
0x1ba: {  	_ =	swait.ge [sflag:s12], $0x2800  }
0x1bb: {  	[sflag:s12] =	ssyncset.done $0x0  }
0x1bc: {  	[sflag:s12] =	ssyncadd.s32 $0xFFFFD800  }
0x1bd: {  	[tilespmem:s10], [sflag:$0x12] =	stream.indirect.gather [hbm4b:s1+s0], $0x80, s26, s0, $0xb8;
	[tilespmem:$0x1E800] =	vst v63  }
0x1be: {  	_ =	swait.ge [sflag:s17], $0x2800  }
0x1bf: {  	[sflag:s17] =	ssyncset.done $0x0  }
0x1c0: {  	s5 =	simm.s32 $0x580;
	s26 =	rddreg [dreg:$0x9];
	[sflag:s17] =	ssyncadd.s32 $0xFFFFD800  }
0x1c1: {  	[spmem:s3] =	stream.indirect.scatter.add.f32 [tilespmem:s21], [sflag:$0x18], $0x80, s5, s0, $0xb8;
	[tilespmem:$0x1E800] =	vst v63  }
0x1c2: {  	s13 =	rddreg [dreg:$0x8];
	s8 =	sadd.s32 s31, s26;
	s26 =	simm.s32 $0x380  }
0x1c3: {  	[tilespmem:s26], [sflag:$0x8] =	stream.linear.gather [hbm4b:s8+s4], $0x50, $0x38;
	[tilespmem:$0x1E800] =	vst v63  }
0x1c4: {  	s5 =	sadd.s32 s31, s13;
	s13 =	simm.s32 $0x780  }
0x1c5: {  	[tilespmem:s13], [sflag:$0x10] =	stream.linear.gather [hbm4b:s5+s4], $0x50, $0x38;
	[tilespmem:$0x1E800] =	vst v63  }
0x1c6: {  	s5 =	simm.s32 $0x7  }
0x1c7: {  	_ =	swait.ge [sflag:s5], $0x50  }
0x1c8: {  	[sflag:s5] =	ssyncset.done $0x0  }
0x1c9: {  	s13 =	simm.s32 $0xF;
	[sflag:s5] =	ssyncadd.s32 $0xFFFFFFB0  }
0x1ca: {  	_ =	swait.ge [sflag:s13], $0x50  }
0x1cb: {  	[sflag:s13] =	ssyncset.done $0x0  }
0x1cc: {  	s5 =	simm.s32 $0x17;
	[sflag:s13] =	ssyncadd.s32 $0xFFFFFFB0  }
0x1cd: {  	_ =	swait.ge [sflag:s5], $0x2800  }
0x1ce: {  	[sflag:s5] =	ssyncset.done $0x0  }
0x1cf: {  	[sflag:s5] =	ssyncadd.s32 $0xFFFFD800  }
0x1d0: {  	[tilespmem:s15], [sflag:$0x13] =	stream.indirect.gather [hbm4b:s1+s0], $0x80, s28, s0, $0xb8;
	[tilespmem:$0x1E800] =	vst v63  }
0x1d1: {  	_ =	swait.ge [sflag:s16], $0x2800  }
0x1d2: {  	s7 =	sshrl.u32 s7, $0x3;
	[sflag:s16] =	ssyncset.done $0x0  }
0x1d3: {  	s28 =	simm.s32 $0x600;
	s13 =	rddreg [dreg:$0x12];
	[sflag:s16] =	ssyncadd.s32 $0xFFFFD800  }
0x1d4: {  	[spmem:s3] =	stream.indirect.scatter.add.f32 [tilespmem:s2], [sflag:$0x15], $0x80, s28, s0, $0xb8;
	[tilespmem:$0x1E800] =	vst v63  }
0x1d5: {  	s8 =	sadd.s32 s13, s7;
	s28 =	rddreg [dreg:$0x13]  }
0x1d6: {  	[tilespmem:s4], [sflag:$0x1] =	stream.linear.gather [hbm4b:s8+s4], $0x50, $0x38;
	[tilespmem:$0x1E800] =	vst v63  }
0x1d7: {  	s13 =	simm.s32 $0x400;
	s7 =	sadd.s32 s28, s7;
	s28 =	simm.s32 $0x8  }
0x1d8: {  	[tilespmem:s13], [sflag:$0x9] =	stream.linear.gather [hbm4b:s7+s4], $0x50, $0x38;
	[tilespmem:$0x1E800] =	vst v63  }
0x1d9: {  	_ =	swait.ge [sflag:s28], $0x50  }
0x1da: {  	[sflag:s28] =	ssyncset.done $0x0  }
0x1db: {  	s8 =	simm.s32 $0x10;
	[sflag:s28] =	ssyncadd.s32 $0xFFFFFFB0  }
0x1dc: {  	_ =	swait.ge [sflag:s8], $0x50  }
0x1dd: {  	[sflag:s8] =	ssyncset.done $0x0  }
0x1de: {  	s28 =	simm.s32 $0x18;
	[sflag:s8] =	ssyncadd.s32 $0xFFFFFFB0  }
0x1df: {  	_ =	swait.ge [sflag:s28], $0x2800  }
0x1e0: {  	[sflag:s28] =	ssyncset.done $0x0  }
0x1e1: {  	[sflag:s28] =	ssyncadd.s32 $0xFFFFD800  }
0x1e2: {  	[tilespmem:s21], [sflag:$0x14] =	stream.indirect.gather [hbm4b:s1+s0], $0x80, s26, s0, $0xb8;
	[tilespmem:$0x1E800] =	vst v63  }
0x1e3: {  	_ =	swait.ge [sflag:s9], $0x2800  }
0x1e4: {  	[sflag:s9] =	ssyncset.done $0x0  }
0x1e5: {  	s13 =	rddreg [dreg:$0x5];
	[sflag:s9] =	ssyncadd.s32 $0xFFFFD800  }
0x1e6: {  	[spmem:s3] =	stream.indirect.scatter.add.f32 [tilespmem:s10], [sflag:$0x16], $0x80, s20, s0, $0xb8;
	[tilespmem:$0x1E800] =	vst v63  }
0x1e7: {  	s26 =	rddreg [dreg:$0x4];
	s7 =	sadd.s32 s31, s13;
	s13 =	simm.s32 $0x80  }
0x1e8: {  	[tilespmem:s13], [sflag:$0x2] =	stream.linear.gather [hbm4b:s7+s4], $0x50, $0x38;
	[tilespmem:$0x1E800] =	vst v63  }
0x1e9: {  	s20 =	sadd.s32 s31, s26;
	s26 =	simm.s32 $0x480  }
0x1ea: {  	[tilespmem:s26], [sflag:$0xA] =	stream.linear.gather [hbm4b:s20+s4], $0x50, $0x38;
	[tilespmem:$0x1E800] =	vst v63  }
0x1eb: {  	s20 =	simm.s32 $0x1  }
0x1ec: {  	_ =	swait.ge [sflag:s20], $0x50  }
0x1ed: {  	[sflag:s20] =	ssyncset.done $0x0  }
0x1ee: {  	s26 =	simm.s32 $0x9;
	[sflag:s20] =	ssyncadd.s32 $0xFFFFFFB0  }
0x1ef: {  	_ =	swait.ge [sflag:s26], $0x50  }
0x1f0: {  	[sflag:s26] =	ssyncset.done $0x0  }
0x1f1: {  	[sflag:s26] =	ssyncadd.s32 $0xFFFFFFB0  }
0x1f2: {  	_ =	swait.ge [sflag:s24], $0x2800  }
0x1f3: {  	[sflag:s24] =	ssyncset.done $0x0  }
0x1f4: {  	[sflag:s24] =	ssyncadd.s32 $0xFFFFD800  }
0x1f5: {  	[tilespmem:s2], [sflag:$0x11] =	stream.indirect.gather [hbm4b:s1+s0], $0x80, s4, s0, $0xb8;
	[tilespmem:$0x1E800] =	vst v63  }
0x1f6: {  	_ =	swait.ge [sflag:s25], $0x2800  }
0x1f7: {  	[sflag:s25] =	ssyncset.done $0x0  }
0x1f8: {  	s8 =	rddreg [dreg:$0x7];
	[sflag:s25] =	ssyncadd.s32 $0xFFFFD800  }
0x1f9: {  	[spmem:s3] =	stream.indirect.scatter.add.f32 [tilespmem:s15], [sflag:$0x17], $0x80, s22, s0, $0xb8;
	[tilespmem:$0x1E800] =	vst v63  }
0x1fa: {  	s20 =	rddreg [dreg:$0x6];
	s7 =	sadd.s32 s31, s8;
	s22 =	simm.s32 $0x100  }
0x1fb: {  	[tilespmem:s22], [sflag:$0x3] =	stream.linear.gather [hbm4b:s7+s4], $0x50, $0x38;
	[tilespmem:$0x1E800] =	vst v63  }
0x1fc: {  	s26 =	sadd.s32 s31, s20;
	s31 =	simm.s32 $0x2  }
0x1fd: {  	[tilespmem:s30], [sflag:$0xB] =	stream.linear.gather [hbm4b:s26+s4], $0x50, $0x38;
	[tilespmem:$0x1E800] =	vst v63  }
0x1fe: {  	_ =	swait.ge [sflag:s31], $0x50  }
0x1ff: {  	[sflag:s31] =	ssyncset.done $0x0  }
0x200: {  	s8 =	simm.s32 $0xA;
	[sflag:s31] =	ssyncadd.s32 $0xFFFFFFB0  }
0x201: {  	_ =	swait.ge [sflag:s8], $0x50  }
0x202: {  	[sflag:s8] =	ssyncset.done $0x0  }
0x203: {  	[sflag:s8] =	ssyncadd.s32 $0xFFFFFFB0  }
0x204: {  	_ =	swait.ge [sflag:s12], $0x2800  }
0x205: {  	[sflag:s12] =	ssyncset.done $0x0  }
0x206: {  	[sflag:s12] =	ssyncadd.s32 $0xFFFFD800  }
0x207: {  	[tilespmem:s10], [sflag:$0x12] =	stream.indirect.gather [hbm4b:s1+s0], $0x80, s13, s0, $0xb8;
	[tilespmem:$0x1E800] =	vst v63  }
0x208: {  	_ =	swait.ge [sflag:s17], $0x2800  }
0x209: {  	[sflag:s17] =	ssyncset.done $0x0  }
0x20a: {  	s20 =	simm.s32 $0x780;
	[sflag:s17] =	ssyncadd.s32 $0xFFFFD800  }
0x20b: {  	[spmem:s3] =	stream.indirect.scatter.add.f32 [tilespmem:s21], [sflag:$0x18], $0x80, s20, s0, $0xb8;
	[tilespmem:$0x1E800] =	vst v63  }
0x20c: {  	s8 =	simm.s32 $0x180;
	s31 =	rddreg [dreg:$0x1d]  }
0x20d: {  	[tilespmem:s8], [sflag:$0x4] =	stream.linear.gather [hbm4b:s31+s4], $0x50, $0x38;
	[tilespmem:$0x1E800] =	vst v63  }
0x20e: {  	s13 =	rddreg [dreg:$0x1e];
	s31 =	simm.s32 $0x580  }
0x20f: {  	[tilespmem:s31], [sflag:$0xC] =	stream.linear.gather [hbm4b:s13+s4], $0x50, $0x38;
	[tilespmem:$0x1E800] =	vst v63  }
0x210: {  	_ =	swait.ge [sflag:s18], $0x50  }
0x211: {  	[sflag:s18] =	ssyncset.done $0x0  }
0x212: {  	[sflag:s18] =	ssyncadd.s32 $0xFFFFFFB0  }
0x213: {  	_ =	swait.ge [sflag:s19], $0x50  }
0x214: {  	[sflag:s19] =	ssyncset.done $0x0  }
0x215: {  	[sflag:s19] =	ssyncadd.s32 $0xFFFFFFB0  }
0x216: {  	_ =	swait.ge [sflag:s5], $0x2800  }
0x217: {  	[sflag:s5] =	ssyncset.done $0x0  }
0x218: {  	[sflag:s5] =	ssyncadd.s32 $0xFFFFD800  }
0x219: {  	[tilespmem:s15], [sflag:$0x13] =	stream.indirect.gather [hbm4b:s1+s0], $0x80, s22, s0, $0xb8;
	[tilespmem:$0x1E800] =	vst v63  }
0x21a: {  	_ =	swait.ge [sflag:s16], $0x2800  }
0x21b: {  	[sflag:s16] =	ssyncset.done $0x0  }
0x21c: {  	s13 =	simm.s32 $0x400;
	s18 =	rddreg [dreg:$0x1f];
	[sflag:s16] =	ssyncadd.s32 $0xFFFFD800  }
0x21d: {  	[spmem:s3] =	stream.indirect.scatter.add.f32 [tilespmem:s2], [sflag:$0x15], $0x80, s13, s0, $0xb8;
	[tilespmem:$0x1E800] =	vst v63  }
0x21e: {  	s19 =	sld [smem:$0x7FA]  }
0x21f: {  	[tilespmem:s29], [sflag:$0x5] =	stream.linear.gather [hbm4b:s18+s4], $0x50, $0x38;
	[tilespmem:$0x1E800] =	vst v63  }
0x220: {  	s22 =	simm.s32 $0x600  }
0x221: {  	[tilespmem:s22], [sflag:$0xD] =	stream.linear.gather [hbm4b:s19+s4], $0x50, $0x38;
	[tilespmem:$0x1E800] =	vst v63  }
0x222: {  	_ =	swait.ge [sflag:s23], $0x50  }
0x223: {  	[sflag:s23] =	ssyncset.done $0x0  }
0x224: {  	[sflag:s23] =	ssyncadd.s32 $0xFFFFFFB0  }
0x225: {  	_ =	swait.ge [sflag:s14], $0x50  }
0x226: {  	[sflag:s14] =	ssyncset.done $0x0  }
0x227: {  	[sflag:s14] =	ssyncadd.s32 $0xFFFFFFB0  }
0x228: {  	_ =	swait.ge [sflag:s28], $0x2800  }
0x229: {  	[sflag:s28] =	ssyncset.done $0x0  }
0x22a: {  	[sflag:s28] =	ssyncadd.s32 $0xFFFFD800  }
0x22b: {  	[tilespmem:s21], [sflag:$0x14] =	stream.indirect.gather [hbm4b:s1+s0], $0x80, s8, s0, $0xb8;
	[tilespmem:$0x1E800] =	vst v63  }
0x22c: {  	_ =	swait.ge [sflag:s9], $0x2800  }
0x22d: {  	[sflag:s9] =	ssyncset.done $0x0  }
0x22e: {  	s23 =	simm.s32 $0x480;
	[sflag:s9] =	ssyncadd.s32 $0xFFFFD800  }
0x22f: {  	[spmem:s3] =	stream.indirect.scatter.add.f32 [tilespmem:s10], [sflag:$0x16], $0x80, s23, s0, $0xb8;
	[tilespmem:$0x1E800] =	vst v63  }
0x230: {  	_ =	swait.ge [sflag:s11], $0x50  }
0x231: {  	[sflag:s11] =	ssyncset.done $0x0  }
0x232: {  	[sflag:s11] =	ssyncadd.s32 $0xFFFFFFB0  }
0x233: {  	_ =	swait.ge [sflag:s6], $0x50  }
0x234: {  	[sflag:s6] =	ssyncset.done $0x0  }
0x235: {  	[sflag:s6] =	ssyncadd.s32 $0xFFFFFFB0  }
0x236: {  	_ =	swait.ge [sflag:s24], $0x2800  }
0x237: {  	[sflag:s24] =	ssyncset.done $0x0  }
0x238: {  	[sflag:s24] =	ssyncadd.s32 $0xFFFFD800  }
0x239: {  	[tilespmem:s2], [sflag:$0x11] =	stream.indirect.gather [hbm4b:s1+s0], $0x80, s29, s0, $0xb8;
	[tilespmem:$0x1E800] =	vst v63  }
0x23a: {  	_ =	swait.ge [sflag:s25], $0x2800  }
0x23b: {  	[sflag:s25] =	ssyncset.done $0x0  }
0x23c: {  	[sflag:s25] =	ssyncadd.s32 $0xFFFFD800  }
0x23d: {  	[spmem:s3] =	stream.indirect.scatter.add.f32 [tilespmem:s15], [sflag:$0x17], $0x80, s30, s0, $0xb8;
	[tilespmem:$0x1E800] =	vst v63  }
0x23e: {  	_ =	swait.ge [sflag:s17], $0x2800  }
0x23f: {  	[sflag:s17] =	ssyncset.done $0x0  }
0x240: {  	[sflag:s17] =	ssyncadd.s32 $0xFFFFD800  }
0x241: {  	[spmem:s3] =	stream.indirect.scatter.add.f32 [tilespmem:s21], [sflag:$0x18], $0x80, s31, s0, $0xb8;
	[tilespmem:$0x1E800] =	vst v63  }
0x242: {  	_ =	swait.ge [sflag:s16], $0x2800  }
0x243: {  	[sflag:s16] =	ssyncset.done $0x0  }
0x244: {  	[sflag:s16] =	ssyncadd.s32 $0xFFFFD800  }
0x245: {  	[spmem:s3] =	stream.indirect.scatter.add.f32 [tilespmem:s2], [sflag:$0x15], $0x80, s22, s0, $0xb8;
	[tilespmem:$0x1E800] =	vst v63  }
0x246: {  	_ =	swait.ge [sflag:s24], $0x2800  }
0x247: {  	[sflag:s24] =	ssyncset.done $0x0  }
0x248: {  	[sflag:s24] =	ssyncadd.s32 $0xFFFFD800  }
0x249: {  	_ =	swait.ge [sflag:s12], $0x2800  }
0x24a: {  	[sflag:s12] =	ssyncset.done $0x0  }
0x24b: {  	[sflag:s12] =	ssyncadd.s32 $0xFFFFD800  }
0x24c: {  	_ =	swait.ge [sflag:s5], $0x2800  }
0x24d: {  	[sflag:s5] =	ssyncset.done $0x0  }
0x24e: {  	[sflag:s5] =	ssyncadd.s32 $0xFFFFD800  }
0x24f: {  	_ =	swait.ge [sflag:s28], $0x2800  }
0x250: {  	[sflag:s28] =	ssyncset.done $0x0  }
0x251: {  	[sflag:s28] =	ssyncadd.s32 $0xFFFFD800  }
0x252: {  	[bflag:$0x0] =	sbarrier.arrive $0xFFFF  }
0x253: {  	s28 =	sld [smem:$0x7FB]  }
0x254: {  	s29 =	sld [smem:$0x7F9];
	_ =	sdelay $0x1  }
0x255: {  	s8 =	simm.s32 $0x19;
	s13 =	rddreg [dreg:$0x16]  }
0x256: {  	[hbm:s28], [sflag:s13] =	dma.local [spmem:s29], $0x2800  }
0x257: {  	_ =	swait.ge [sflag:s8], $0x2800  }
0x258: {  	s30 =	sld [smem:$0x7F8]  }
0x259: {  	s31 =	sld [smem:$0x7FC];
	_ =	sdelay $0x1  }
0x25a: {  	s5 =	sadd.s32 $0x1, s30  }
0x25b: {  	p0 =	sne.s32 s5, s31  }
.Ltmp1:
0x25c: {  	_ = 	snop;
	(pc) =	sbr.rel @p0 .LBB2_1-.Ltmp1, $3  }
0x25d: {  	_ =	sdelay $0x1  }
0x25e: {  	[sflag:s8] =	ssyncset.done $0x0  }
0x25f: {  	s26 =	simm.s32 $0x780;
	[sflag:s8] =	ssyncadd.s32 $0xFFFFD800  }
0x260: {  	_ =	sfence.sel $0x180000  }
0x261: {  	[bflag:$0x0] =	sbarrier.arrive $0xFFFF  }
0x262: {  	_ =	strace $0x90000050  }
0x263: {  	s0 =	stileid.u32;
	[bflag:$0x2] =	sbarrier.arrive $0xFFFF  }
0x264: {  	p0 =	sne.s32 s0, $0x0;
	s0 =	rddreg [dreg:$0x3]  }
0x265: {  	s0 =	sadd.s32 @!p0 $0x100000, s0  }
0x266: {  	[sflag:s0] =	ssyncadd.tile.s32 @!p0 $0x1;
	_ =	shalt  }
.Lfunc_end2:
_tile_overlayer_lowered:
.L_overlay_start_2:
0x267: {  	(tag) =	ssettag $0x2  }
0x268: {  	s0 =	rddreg [dreg:$0x0];
	s2 =	stileid.u32  }
0x269: {  	s1 =	rddreg [dreg:$0x1];
	p0 =	sne.s32 s2, $0x0  }
0x26a: {  	s3 =	rddreg [dreg:$0x2];
	[bflag:$0x3] =	sbarrier.arrive $0xFFFF;
	s2 =	simm.s32 @!p0 $0x1C19  }
0x26b: {  	[timem:s3], [sflag:s2] =	dma.local @!p0 [hbm:s0], s1  }
0x26c: {  	s0 =	simm.s32 @!p0 $0x19  }
0x26d: {  	_ =	swait.ge @!p0 [sflag:s0], s1  }
0x26e: {  	s1 =	ssub.s32 @!p0 $0x0, s1;
	[sflag:s0] =	ssyncset.done @!p0 $0x0  }
0x26f: {  	[sflag:s0] =	ssyncadd.s32 @!p0 s1  }
0x270: {  	[bflag:$0x3] =	sbarrier.arrive $0xFFFF  }
0x271: {  	_ =	shalt  }

// kernel: kernel.9.cloned.1.call-start
scs
__scs_entry_jumppad:
0x0: {  	(pc) =	sbr.rel $0x88, $3  }
0x1: {  	(tag) =	ssettag $0x0;
	lr =	simm.s32 $0x1  }
0x2: {  	[smem:$0x3F92] =	sst lr;
	_ =	strace $0xD0000000  }
0x3: {  	_ = 	snop  }
0x4: {  	_ = 	snop  }
0x5: {  	_ = 	snop  }
0x6: {  	_ = 	snop  }
0x7: {  	_ = 	snop  }
__scs_overlays_trampoline_lowered:
0x8: {  	[smem:$0x3FA1] =	sst s0  }
0x9: {  	[smem:$0x3FA2] =	sst s1  }
0xa: {  	[smem:$0x3FA3] =	sst s2  }
0xb: {  	[smem:$0x3FA4] =	sst s3  }
0xc: {  	[smem:$0x3FA5] =	sst s4  }
0xd: {  	[smem:$0x3FA6] =	sst s5  }
0xe: {  	[smem:$0x3FA7] =	sst s6  }
0xf: {  	[smem:$0x3FA8] =	sst s7  }
0x10: {  	[smem:$0x3FA9] =	sst s8  }
0x11: {  	[smem:$0x3FAA] =	sst s9;
	s0 =	simm.s32 @!p0 $0x0  }
0x12: {  	s1 =	sld [smem:$0x3F90];
	s0 =	simm.s32 @p0 $0x1  }
0x13: {  	[smem:$0x3FAB] =	sst s0;
	s0 =	simm.s32 @!p1 $0x0  }
0x14: {  	s2 =	sld [smem:$0x3F8F];
	s0 =	simm.s32 @p1 $0x1  }
0x15: {  	[smem:$0x3FAC] =	sst s0;
	s0 =	simm.s32 @!p2 $0x0  }
0x16: {  	s3 =	sld [smem:$0x3FDB];
	s0 =	simm.s32 @p2 $0x1  }
0x17: {  	s4 =	simm.s32 $0x1BF5;
	[smem:$0x3FAE] =	sst s0  }
0x18: {  	s0 =	sld [smem:$0x3F91];
	_ =	swait.ge [sflag:s4], $0x0  }
0x19: {  	s7 =	sld [smem:$0x3F92]  }
0x1a: {  	s8 =	sadd.s32 $0xFFFFE003, lr  }
0x1b: {  	s9 =	sadd.s32 $0xFFFFFEF7, lr;
	s5 =	simm.s32 $0xFFFFFFFF;
	p2 =	slt.u32 s8, $0xFFFFF086  }
0x1c: {  	p1 =	slt.u32 s9, $0xF7A;
	s5 =	simm.s32 @!p2 $0x0  }
0x1d: {  	s5 =	simm.s32 @p1 $0x1;
	p0 =	seq.s32 s7, s2  }
0x1e: {  	s7 =	smul.u32 @!p0 $0xF7A, s2;
	p2 =	seq.s32 @!p0 s5, $0x0  }
0x1f: {  	s9 =	smul.u32 $0xF7A, s1;
	s8 =	simm.s32 @!p0 $0x1BF5;
	p2 =	por !p2, p0  }
0x20: {  	[sflag:s8] =	ssyncset.s32 @!p0 $0xFFFFF086;
	s6 =	sadd.s32 @!p0 s3, s7;
	s7 =	simm.s32 @!p0 $0x108  }
0x21: {  	s3 =	sadd.s32 s3, s9;
	s6 =	sadd.s32 @!p0 $0x88, s6;
	s7 =	simm.s32 @p2 $0x1082  }
0x22: {  	[simem:s7], [sflag:s8] =	dma.local @!p0 [hbm:s6], $0xF7A  }
0x23: {  	s9 =	sor.u32 $0xD0000000, s2;
	s6 =	simm.s32 $0x108;
	_ =	swait.ge @!p0 [sflag:s8], $0x0  }
0x24: {  	s3 =	sadd.s32 $0x88, s3;
	s6 =	simm.s32 @!p1 $0x1082;
	[sflag:s4] =	ssyncset.s32 $0xFFFFF086  }
0x25: {  	[simem:s6], [sflag:s4] =	dma.local [hbm:s3], $0xF7A  }
0x26: {  	[smem:$0x3F92] =	sst s1;
	(tag) =	ssettag s2;
	_ =	strace s9  }
0x27: {  	s1 =	sld [smem:$0x3FA2]  }
0x28: {  	s2 =	sld [smem:$0x3FA3]  }
0x29: {  	s4 =	sld [smem:$0x3FA5]  }
0x2a: {  	p0 =	seq.s32 s5, $0x0;
	s5 =	sld [smem:$0x3FA6]  }
0x2b: {  	s6 =	sld [smem:$0x3FA7]  }
0x2c: {  	s7 =	sld [smem:$0x3FA8]  }
0x2d: {  	s3 =	simm.s32 $0x108;
	s8 =	sld [smem:$0x3FA9]  }
0x2e: {  	s3 =	simm.s32 @!p0 $0x1082;
	s9 =	sld [smem:$0x3FAA]  }
0x2f: {  	lr =	sadd.s32 s0, s3;
	s0 =	sld [smem:$0x3FA1]  }
0x30: {  	s3 =	sld [smem:$0x3FA4]  }
0x31: {  	[smem:$0x3FAD] =	sst s10  }
0x32: {  	s10 =	sld [smem:$0x3FAB];
	_ =	sdelay $0x3  }
0x33: {  	p0 =	seq.s32 s10, $0x1;
	s10 =	sld [smem:$0x3FAD];
	_ =	sdelay $0x3  }
0x34: {  	[smem:$0x3FAD] =	sst s10  }
0x35: {  	s10 =	sld [smem:$0x3FAC];
	_ =	sdelay $0x3  }
0x36: {  	p1 =	seq.s32 s10, $0x1;
	s10 =	sld [smem:$0x3FAD];
	_ =	sdelay $0x3  }
0x37: {  	[smem:$0x3FAD] =	sst s10  }
0x38: {  	s10 =	sld [smem:$0x3FAE]  }
0x39: {  	_ = 	snop;
	(pc) =	sbr.ind lr, $3  }
0x3a: {  	_ = 	snop  }
0x3b: {  	_ = 	snop  }
0x3c: {  	p2 =	seq.s32 s10, $0x1;
	s10 =	sld [smem:$0x3FAD]  }
0x3d: {  	_ =	shalt  }
0x3e: {  	_ =	shalt  }
0x3f: {  	_ =	shalt  }
0x40: {  	_ =	shalt  }
0x41: {  	_ =	shalt  }
0x42: {  	_ =	shalt  }
0x43: {  	_ =	shalt  }
0x44: {  	_ =	shalt  }
0x45: {  	_ =	shalt  }
0x46: {  	_ =	shalt  }
0x47: {  	_ =	shalt  }
0x48: {  	_ =	shalt  }
0x49: {  	_ =	shalt  }
0x4a: {  	_ =	shalt  }
0x4b: {  	_ =	shalt  }
0x4c: {  	_ =	shalt  }
0x4d: {  	_ =	shalt  }
0x4e: {  	_ =	shalt  }
0x4f: {  	_ =	shalt  }
0x50: {  	_ =	shalt  }
0x51: {  	_ =	shalt  }
0x52: {  	_ =	shalt  }
0x53: {  	_ =	shalt  }
0x54: {  	_ =	shalt  }
0x55: {  	_ =	shalt  }
0x56: {  	_ =	shalt  }
0x57: {  	_ =	shalt  }
0x58: {  	_ =	shalt  }
0x59: {  	_ =	shalt  }
0x5a: {  	_ =	shalt  }
0x5b: {  	_ =	shalt  }
0x5c: {  	_ =	shalt  }
0x5d: {  	_ =	shalt  }
0x5e: {  	_ =	shalt  }
0x5f: {  	_ =	shalt  }
0x60: {  	_ =	shalt  }
0x61: {  	_ =	shalt  }
0x62: {  	_ =	shalt  }
0x63: {  	_ =	shalt  }
0x64: {  	_ =	shalt  }
0x65: {  	_ =	shalt  }
0x66: {  	_ =	shalt  }
0x67: {  	_ =	shalt  }
0x68: {  	_ =	shalt  }
0x69: {  	_ =	shalt  }
0x6a: {  	_ =	shalt  }
0x6b: {  	_ =	shalt  }
0x6c: {  	_ =	shalt  }
0x6d: {  	_ =	shalt  }
0x6e: {  	_ =	shalt  }
0x6f: {  	_ =	shalt  }
0x70: {  	_ =	shalt  }
0x71: {  	_ =	shalt  }
0x72: {  	_ =	shalt  }
0x73: {  	_ =	shalt  }
0x74: {  	_ =	shalt  }
0x75: {  	_ =	shalt  }
0x76: {  	_ =	shalt  }
0x77: {  	_ =	shalt  }
0x78: {  	_ =	shalt  }
0x79: {  	_ =	shalt  }
0x7a: {  	_ =	shalt  }
0x7b: {  	_ =	shalt  }
0x7c: {  	_ =	shalt  }
0x7d: {  	_ =	shalt  }
0x7e: {  	_ =	shalt  }
0x7f: {  	_ =	shalt  }
0x80: {  	_ =	shalt  }
0x81: {  	_ =	shalt  }
0x82: {  	_ =	shalt  }
0x83: {  	_ =	shalt  }
0x84: {  	_ =	shalt  }
0x85: {  	_ =	shalt  }
0x86: {  	_ =	shalt  }
0x87: {  	_ =	shalt  }
.Lfunc_end0:
.L_simem_size_0:
called_computation_lowered:
.L_overlay_start_0:
0x88: {  	s2 =	sld [smem:$0x3FD9]  }
0x89: {  	s3 =	sld [smem:$0x3FFE];
	_ =	sdelay $0x1  }
0x8a: {  	s1 =	srdreg.scid  }
0x8b: {  	s0 =	sand.u32 $0x1, s1  }
0x8c: {  	s17 =	sshll.u32 s0, $0xA;
	s2 =	sadd.s32 s3, s2  }
0x8d: {  	s2 =	sadd.s32 s2, s17  }
0x8e: {  	[smem:$0x3FB9] =	sst s2  }
0x8f: {  	_ = 	snop  }
0x90: {  	s18 =	sld [smem:$0x3FD0];
	(tm) =	ssettm $0x1  }
0x91: {  	s19 =	sld [smem:$0x3FFB];
	_ =	sdelay $0x3  }
0x92: {  	_ =	strace s19  }
0x93: {  	s2 =	sld [smem:$0x3FFC];
	_ =	sdelay $0x3  }
0x94: {  	_ =	strace s2  }
0x95: {  	s2 =	sld [smem:$0x3FFD];
	_ =	sdelay $0x3  }
0x96: {  	_ =	strace s2  }
0x97: {  	_ =	strace $0x8FFFFFFF  }
0x98: {  	s20 =	sld [smem:$0x3FDB];
	_ =	sdelay $0x1  }
0x99: {  	s4 =	simm.s32 $_scs_section_size  }
0x9a: {  	s5 =	simm.s32 $_size__tile_overlayer_lowered;
	s6 =	simm.s32 $_tile_overlayer_lowered  }
0x9b: {  	s7 =	simm.s32 $0x1BFF;
	s21 =	sshll.u32 s6, $0x1;
	s4 =	sadd.s32 s4, s20  }
0x9c: {  	s22 =	simm.s32 $0x0;
	s5 =	sshll.u32 s5, $0x1;
	s6 =	sadd.s32 s21, s4  }
0x9d: {  	[timem:s22], [sflag:s7] =	dma.local [hbm:s6], s5  }
0x9e: {  	_ =	swait.ge [sflag:s7], s5  }
0x9f: {  	s5 =	ssub.s32 $0x0, s5;
	[sflag:s7] =	ssyncset.done $0x0  }
0xa0: {  	[sflag:s7] =	ssyncadd.s32 s5;
	_ =	sdelay $0x1  }
0xa1: {  	s23 =	simm.s32 $0x1B8B  }
0xa2: {  	_ =	swait.ge [sflag:s23], $0x1  }
0xa3: {  	[sflag:s23] =	ssyncset.done $0x0  }
0xa4: {  	[sflag:s23] =	ssyncadd.s32 $0xFFFFFFFF  }
0xa5: {  	s5 =	sld [smem:$0x0]  }
0xa6: {  	s6 =	sand.u32 $0xFFFFFFFE, s1  }
0xa7: {  	p0 =	sne.s32 s1, s6  }
0xa8: {  	s6 =	sshll.u32 @p0 s6, $0xE  }
0xa9: {  	s6 =	sadd.s32 @p0 $0x11B8D, s6;
	s7 =	sshll.u32 @p0 s5, $0x11  }
0xaa: {  	s6 =	sor.u32 @p0 s7, s6  }
0xab: {  	[sflag:s6] =	ssyncadd.remote.s32 @p0 $0x1;
	_ =	sdelay $0x1  }
0xac: {  	s6 =	simm.s32 @p0 $0x1B8D  }
0xad: {  	_ =	swait.eq @p0 [sflag:s6], $0x1  }
0xae: {  	[sflag:s6] =	ssyncadd.s32 @p0 $0xFFFFFFFF  }
0xaf: {  	s7 =	sshll.u32 @!p0 s1, $0xE  }
0xb0: {  	s7 =	sor.u32 @!p0 $0x4000, s7;
	s6 =	simm.s32 @!p0 $0x1B8D  }
0xb1: {  	s5 =	sshll.u32 @!p0 s5, $0x11;
	s7 =	sadd.s32 @!p0 $0x11B8D, s7;
	_ =	swait.eq @!p0 [sflag:s6], $0x1  }
0xb2: {  	s5 =	sor.u32 @!p0 s5, s7;
	[sflag:s6] =	ssyncadd.s32 @!p0 $0xFFFFFFFF  }
0xb3: {  	s25 =	simm.s32 $0x1B8E;
	s24 =	sld [smem:$0x3FFE];
	[sflag:s5] =	ssyncadd.remote.s32 @!p0 $0x1  }
0xb4: {  	s26 =	simm.s32 $execute0_lowered;
	[smem:$0x3FD2] =	sst s25  }
0xb5: {  	s6 =	sshll.u32 s26, $0x1;
	_ =	strace $0x80000049;
	[dreg:$0x1] =	wrdreg $0xFFFFFFFF  }
0xb6: {  	s28 =	simm.s32 $_size_execute0_lowered;
	s4 =	sadd.s32 s4, s6;
	[dreg:$0x0] =	wrdreg $0x0  }
0xb7: {  	s6 =	sshll.u32 s28, $0x1;
	[dreg:$0x2] =	wrdreg s4  }
0xb8: {  	[dreg:$0x3] =	wrdreg s6  }
0xb9: {  	[dreg:$0x4] =	wrdreg $0xC0  }
0xba: {  	_ =	task [dreg:s22], $0x5FFFF  }
0xbb: {  	[dreg:$0x1] =	wrdreg $0xFFFFFFFF  }
0xbc: {  	[dreg:$0x0] =	wrdreg $0x60  }
0xbd: {  	[dreg:$0x2] =	wrdreg s24  }
0xbe: {  	[dreg:$0x3] =	wrdreg s18  }
0xbf: {  	[dreg:$0x4] =	wrdreg $0x29000  }
0xc0: {  	[dreg:$0x5] =	wrdreg $0x9  }
0xc1: {  	_ =	task.clear_ibuf [dreg:s22], $0x6FFFF;
	_ =	strace $0x90000049  }
0xc2: {  	s29 =	simm.s32 $0x9;
	_ =	strace $0x8000004B  }
0xc3: {  	_ =	swait.ge [sflag:s29], $0x1  }
0xc4: {  	[sflag:s29] =	ssyncadd.s32 $0xFFFFFFFF  }
0xc5: {  	_ =	strace $0x9000004B  }
0xc6: {  	_ =	sfence  }
0xc7: {  	s30 =	sld [smem:$0x0];
	_ =	sdelay $0x2  }
0xc8: {  	s31 =	sshll.u32 s1, $0xD;
	s1 =	sshrl.u32 s1, $0x2  }
0xc9: {  	s4 =	sand.u32 $0x4000, s31;
	s1 =	sadd.s32 s1, s30  }
0xca: {  	s0 =	sor.u32 s4, s0;
	s1 =	sshll.u32 s1, $0x11  }
0xcb: {  	s0 =	sor.u32 s1, s0  }
0xcc: {  	s0 =	sadd.s32 $0x8F2B, s0  }
0xcd: {  	[sflag:s0] =	ssyncadd.remote.s32 $0x1  }
0xce: {  	_ =	sfence.sel $0xFFFF  }
0xcf: {  	[dreg:$0x0] =	wrdreg $0xFFFFFFFF;
	(pc) =	sbr.abs _section_cstart, $3  }
0xd0: {  	[dreg:$0x1] =	wrdreg $0xFFFFFFFF  }
0xd1: {  	_ =	task.clear_ibuf [dreg:s22], $0x2FFFF;
	_ =	strace $0x9FFFFFFF  }
0xd2: {  	(tm) =	ssettm $0x7FFFFFFF  }
0xd3: {  	_ =	shalt  }
tec
execute0_lowered:
.L_overlay_start_1:
0x0: {  	(tag) =	ssettag $0x1  }
0x1: {  	s7 =	rddreg [dreg:$0x0]  }
0x2: {  	s2 =	rddreg [dreg:$0x1]  }
0x3: {  	s3 =	rddreg [dreg:$0x2];
	s4 =	srdreg.scid  }
0x4: {  	s0 =	rddreg [dreg:$0x3];
	s1 =	stileid.u32;
	s15 =	simm.s32 $0x100  }
0x5: {  	s16 =	simm.s32 $0x80;
	s17 =	simm.s32 $0x1;
	s18 =	simm.s32 $0x50  }
0x6: {  	s19 =	simm.s32 $0x2;
	s20 =	simm.s32 $0x0;
	s9 =	smul.u32 $0x2800, s1  }
0x7: {  	s8 =	sand.u32 $0x1, s4;
	s4 =	simm.s32 $0x0;
	s25 =	smul.u32 $0x50000, s1  }
0x8: {  	s13 =	smul.u32 $0x2710, s1;
	s28 =	sshll.u32 s1, $0x6;
	s5 =	sshll.u32 s8, $0x4  }
0x9: {  	[smem:$0x7FF] =	sst s4;
	s10 =	smul.u32 $0x28000, s8;
	s26 =	ssub.s32 $0x2, s8  }
0xa: {  	s8 =	smul.u32 $0x27100, s8;
	s6 =	sor.u32 s1, s5;
	_ =	strace $0x8000004A  }
0xb: {  	s5 =	sadd.s32 $0x3600, s7;
	s12 =	sshrl.u32 s26, $0x1;
	s11 =	smul.u32 $0x2710, s6  }
0xc: {  	s6 =	sadd.s32 $0x17200, s7;
	s9 =	sadd.s32 s9, s10;
	s10 =	sshrl.u32 s25, $0x2  }
0xd: {  	s12 =	ssub.s32 s26, s12;
	s30 =	sadd.s32 s13, s8;
	s9 =	sadd.s32 s9, s7  }
0xe: {  	s14 =	sadd.s32 s10, s3;
	s7 =	sor.u32 $0x1C03, s28;
	s13 =	sadd.s32 $0x50, s30  }
0xf: {  	s10 =	smax.u32 s12, $0x1;
	s29 =	sshrl.u32 s11, $0x3;
	s9 =	sadd.s32 $0x69A00, s9  }
0x10: {  	s11 =	sadd.s32 $0xA0, s30;
	s31 =	sshrl.u32 s13, $0x3;
	s13 =	sshrl.u32 s14, $0x3  }
0x11: {  	s14 =	simm.s32 $0x3;
	s8 =	sadd.s32 s5, s29;
	s12 =	sadd.s32 s31, s5  }
.LBB2_1:
0x12: {  	[spmem:s13], [sflag:s7] =	dma.local [hbm:s6], $0x2800  }
0x13: {  	_ =	swait.ge [sflag:s14], $0x2800  }
0x14: {  	[sflag:s14] =	ssyncset.done $0x0  }
0x15: {  	[sflag:s14] =	ssyncadd.s32 $0xFFFFD800  }
0x16: {  	[tilespmem:s15], [sflag:$0x3] =	stream.linear.gather [hbm4b:s2+s4], $0x2800, $0x38;
	[tilespmem:$0x16900] =	vst v63  }
0x17: {  	_ =	swait.ge [sflag:s14], $0x2800  }
0x18: {  	[sflag:s14] =	ssyncset.done $0x0  }
0x19: {  	[sflag:s14] =	ssyncadd.s32 $0xFFFFD800  }
0x1a: {  	[tilespmem:s4], [sflag:$0x1] =	stream.linear.gather [hbm4b:s8+s4], $0x50, $0x38;
	[tilespmem:$0x16900] =	vst v63  }
0x1b: {  	s21 =	sadd.s32 $0x0, s12;
	[bflag:$0x0] =	sbarrier.arrive $0xFFFF  }
0x1c: {  	[tilespmem:s16], [sflag:$0x2] =	stream.linear.gather [hbm4b:s21+s4], $0x50, $0x38;
	[tilespmem:$0x16900] =	vst v63  }
0x1d: {  	_ =	swait.ge [sflag:s17], $0x50  }
0x1e: {  	[sflag:s17] =	ssyncset.done $0x0  }
0x1f: {  	[sflag:s17] =	ssyncadd.s32 $0xFFFFFFB0  }
0x20: {  	[spmem:s3] =	stream.indirect.scatter.add.f32 [tilespmem:s15], [sflag:$0x3], $0x80, s4, s18, $0xb8;
	[tilespmem:$0x16900] =	vst v63  }
0x21: {  	_ =	swait.ge [sflag:s14], $0x2800  }
0x22: {  	s31 =	sshrl.u32 s11, $0x3;
	[sflag:s14] =	ssyncset.done $0x0  }
0x23: {  	s21 =	sadd.s32 s5, s31;
	[sflag:s14] =	ssyncadd.s32 $0xFFFFD800  }
0x24: {  	[tilespmem:s4], [sflag:$0x1] =	stream.linear.gather [hbm4b:s21+s4], $0x50, $0x38;
	[tilespmem:$0x16900] =	vst v63  }
0x25: {  	_ =	swait.ge [sflag:s19], $0x50  }
0x26: {  	[sflag:s19] =	ssyncset.done $0x0  }
0x27: {  	[sflag:s19] =	ssyncadd.s32 $0xFFFFFFB0  }
0x28: {  	[spmem:s3] =	stream.indirect.scatter.add.f32 [tilespmem:s15], [sflag:$0x3], $0x80, s16, s18, $0xb8;
	[tilespmem:$0x16900] =	vst v63  }
0x29: {  	s22 =	simm.s32 $0x14;
	_ =	swait.ge [sflag:s14], $0x2800  }
0x2a: {  	s23 =	simm.s32 $0x28;
	s21 =	sadd.s32 $0xA0, s11;
	[sflag:s14] =	ssyncset.done $0x0  }
.LBB2_2:
0x2b: {  	s24 =	sadd.s32 s22, s12  }
0x2c: {  	[sflag:s14] =	ssyncadd.s32 $0xFFFFD800;
	s22 =	smov.u32 s23;
	s25 =	sadd.s32 $0x14, s23  }
0x2d: {  	[tilespmem:s16], [sflag:$0x2] =	stream.linear.gather [hbm4b:s24+s4], $0x50, $0x38;
	[tilespmem:$0x16900] =	vst v63  }
0x2e: {  	p0 =	sne.s32 s23, $0x4C4;
	_ =	swait.ge [sflag:s17], $0x50  }
0x2f: {  	[sflag:s17] =	ssyncset.done $0x0  }
0x30: {  	[sflag:s17] =	ssyncadd.s32 $0xFFFFFFB0  }
0x31: {  	[spmem:s3] =	stream.indirect.scatter.add.f32 [tilespmem:s15], [sflag:$0x3], $0x80, s4, s18, $0xb8;
	[tilespmem:$0x16900] =	vst v63  }
0x32: {  	_ =	swait.ge [sflag:s14], $0x2800  }
0x33: {  	s23 =	sshrl.u32 s21, $0x3;
	[sflag:s14] =	ssyncset.done $0x0  }
0x34: {  	s23 =	sadd.s32 s5, s23;
	[sflag:s14] =	ssyncadd.s32 $0xFFFFD800  }
0x35: {  	[tilespmem:s4], [sflag:$0x1] =	stream.linear.gather [hbm4b:s23+s4], $0x50, $0x38;
	[tilespmem:$0x16900] =	vst v63  }
0x36: {  	_ =	swait.ge [sflag:s19], $0x50  }
.Ltmp0:
0x37: {  	[sflag:s19] =	ssyncset.done $0x0;
	(pc) =	sbr.rel @p0 .LBB2_2-.Ltmp0, $4  }
0x38: {  	[sflag:s19] =	ssyncadd.s32 $0xFFFFFFB0  }
0x39: {  	[spmem:s3] =	stream.indirect.scatter.add.f32 [tilespmem:s15], [sflag:$0x3], $0x80, s16, s18, $0xb8;
	[tilespmem:$0x16900] =	vst v63  }
0x3a: {  	_ =	swait.ge [sflag:s14], $0x2800  }
0x3b: {  	s21 =	sadd.s32 $0xA0, s21;
	s23 =	smov.u32 s25;
	[sflag:s14] =	ssyncset.done $0x0  }
0x3c: {  	s22 =	sadd.s32 s22, s12;
	[sflag:s14] =	ssyncadd.s32 $0xFFFFD800  }
0x3d: {  	[tilespmem:s16], [sflag:$0x2] =	stream.linear.gather [hbm4b:s22+s4], $0x50, $0x38;
	[tilespmem:$0x16900] =	vst v63  }
0x3e: {  	_ =	swait.ge [sflag:s17], $0x50  }
0x3f: {  	[sflag:s17] =	ssyncset.done $0x0  }
0x40: {  	[sflag:s17] =	ssyncadd.s32 $0xFFFFFFB0  }
0x41: {  	[spmem:s3] =	stream.indirect.scatter.add.f32 [tilespmem:s15], [sflag:$0x3], $0x80, s4, s18, $0xb8;
	[tilespmem:$0x16900] =	vst v63  }
0x42: {  	_ =	swait.ge [sflag:s14], $0x2800  }
0x43: {  	s21 =	sshrl.u32 s21, $0x3;
	[sflag:s14] =	ssyncset.done $0x0  }
0x44: {  	s21 =	sadd.s32 s5, s21;
	[sflag:s14] =	ssyncadd.s32 $0xFFFFD800  }
0x45: {  	[tilespmem:s4], [sflag:$0x1] =	stream.linear.gather [hbm4b:s21+s4], $0x50, $0x38;
	[tilespmem:$0x16900] =	vst v63  }
0x46: {  	_ =	swait.ge [sflag:s19], $0x50  }
0x47: {  	[sflag:s19] =	ssyncset.done $0x0  }
0x48: {  	[sflag:s19] =	ssyncadd.s32 $0xFFFFFFB0  }
0x49: {  	[spmem:s3] =	stream.indirect.scatter.add.f32 [tilespmem:s15], [sflag:$0x3], $0x80, s16, s18, $0xb8;
	[tilespmem:$0x16900] =	vst v63  }
0x4a: {  	_ =	swait.ge [sflag:s14], $0x2800  }
0x4b: {  	[sflag:s14] =	ssyncset.done $0x0  }
0x4c: {  	[sflag:s14] =	ssyncadd.s32 $0xFFFFD800  }
0x4d: {  	_ =	swait.ge [sflag:s17], $0x50  }
0x4e: {  	[sflag:s17] =	ssyncset.done $0x0  }
0x4f: {  	[sflag:s17] =	ssyncadd.s32 $0xFFFFFFB0  }
0x50: {  	[spmem:s3] =	stream.indirect.scatter.add.f32 [tilespmem:s15], [sflag:$0x3], $0x80, s4, s18, $0xb8;
	[tilespmem:$0x16900] =	vst v63  }
0x51: {  	_ =	swait.ge [sflag:s14], $0x2800  }
0x52: {  	s20 =	sadd.s32 $0x1, s20;
	[sflag:s14] =	ssyncset.done $0x0  }
0x53: {  	p0 =	sne.s32 s20, s10;
	[sflag:s14] =	ssyncadd.s32 $0xFFFFD800  }
.Ltmp1:
0x54: {  	[bflag:$0x0] =	sbarrier.arrive $0xFFFF;
	(pc) =	sbr.rel @p0 .LBB2_1-.Ltmp1, $4  }
0x55: {  	[hbm:s9], [sflag:s7] =	dma.local [spmem:s13], $0x2800  }
0x56: {  	_ =	swait.ge [sflag:s14], $0x2800  }
0x57: {  	[sflag:s14] =	ssyncset.done $0x0  }
0x58: {  	[sflag:s14] =	ssyncadd.s32 $0xFFFFD800  }
0x59: {  	_ =	sfence.sel $0x180000  }
0x5a: {  	[bflag:$0x0] =	sbarrier.arrive $0xFFFF  }
0x5b: {  	p0 =	sne.s32 s1, $0x0;
	_ =	strace $0x9000004A  }
0x5c: {  	s0 =	sadd.s32 @!p0 $0x100000, s0;
	[bflag:$0x2] =	sbarrier.arrive $0xFFFF  }
0x5d: {  	[sflag:s0] =	ssyncadd.tile.s32 @!p0 $0x1;
	_ =	shalt  }
.Lfunc_end2:
_tile_overlayer_lowered:
.L_overlay_start_2:
0x5e: {  	(tag) =	ssettag $0x2  }
0x5f: {  	s0 =	rddreg [dreg:$0x0];
	s2 =	stileid.u32  }
0x60: {  	s1 =	rddreg [dreg:$0x1];
	p0 =	sne.s32 s2, $0x0  }
0x61: {  	s3 =	rddreg [dreg:$0x2];
	[bflag:$0x3] =	sbarrier.arrive $0xFFFF;
	s2 =	simm.s32 @!p0 $0x1C03  }
0x62: {  	[timem:s3], [sflag:s2] =	dma.local @!p0 [hbm:s0], s1  }
0x63: {  	s0 =	simm.s32 @!p0 $0x3  }
0x64: {  	_ =	swait.ge @!p0 [sflag:s0], s1  }
0x65: {  	s1 =	ssub.s32 @!p0 $0x0, s1;
	[sflag:s0] =	ssyncset.done @!p0 $0x0  }
0x66: {  	[sflag:s0] =	ssyncadd.s32 @!p0 s1  }
0x67: {  	[bflag:$0x3] =	sbarrier.arrive $0xFFFF  }
0x68: {  	_ =	shalt  }

</sc_bundles>
